<compile_context>
chip_gen: v7x
topology: tpu7x:2x2x1
jax: 0.10.2.dev20260603
libtpu: 0.0.44.dev20260713+nightly
codegen_flags: <defaults>
</compile_context>

<pallas_src>
import jax
import jax.numpy as jnp
from jax import lax
from jax.experimental import pallas as pl
from jax.experimental.pallas import tpu as pltpu
from jax.experimental.pallas import tpu_sc as plsc

M = 10000
B = 4096
ROW = 3072

NW = 32
UNITS_A = 20
UNITS_B = 19
SPLIT = 17
BASE_B = SPLIT * UNITS_A * 16
CAP = UNITS_A * 16 + 16


def _sc_body(out_h, olab_h, x_h, keys_h, vals_h, y_h,
             src_v, wj_v, keys_v, vals_v, lrows, lsrcs, kbuf, sbuf,
             kbuf2, sbuf2, rowbuf, rowbuf2, y_v, lab_v, olab_v,
             sem_g, sem_s, sem_g2, sem_s2):
    wid = lax.axis_index("s") * 2 + lax.axis_index("c")
    lanes = lax.iota(jnp.int32, 16)

    def work(units, base):
        n = units * 16
        pltpu.sync_copy(keys_h, keys_v)
        pltpu.sync_copy(vals_h, vals_v)
        pltpu.sync_copy(y_h, y_v)
        pltpu.sync_copy(olab_h.at[pl.ds(base, n)], lab_v.at[pl.ds(0, n)])

        neg1 = jnp.zeros((16,), jnp.int32) - 1
        sentB = jnp.zeros((16,), jnp.int32) + B
        for i in range(units):
            wj_v[pl.ds(i * 16, 16)] = neg1
            src_v[pl.ds(i * 16, 16)] = sentB

        def scan(t, carry):
            k16 = keys_v[pl.ds(t * 16, 16)]
            v16 = vals_v[pl.ds(t * 16, 16)]
            j16 = lanes + t * 16
            loc = k16 - base
            inr = (loc >= 0) & (loc < n)
            locc = jnp.minimum(jnp.maximum(loc, 0), n - 1)
            curj = plsc.load_gather(wj_v, [locc])
            upd = inr & (j16 > curj)
            plsc.store_scatter(wj_v, [locc], j16, mask=upd)
            plsc.store_scatter(src_v, [locc], v16, mask=upd)
            return carry

        lax.fori_loop(0, B // 16, scan, jnp.int32(0))

        cur = jnp.int32(0)
        for i in range(units):
            s16 = src_v[pl.ds(i * 16, 16)]
            ovw = s16 < B
            rows16 = lanes + (base + i * 16)
            csum = plsc.cumsum(ovw.astype(jnp.int32))
            pos16 = cur + csum - 1
            plsc.store_scatter(lrows, [pos16], rows16, mask=ovw)
            plsc.store_scatter(lsrcs, [pos16], s16, mask=ovw)
            cur = cur + csum[15]
            g = plsc.load_gather(y_v, [jnp.minimum(s16, B - 1)])
            olab_v[pl.ds(i * 16, 16)] = jnp.where(ovw, g, lab_v[pl.ds(i * 16, 16)])
        pltpu.sync_copy(olab_v.at[pl.ds(0, n)], olab_h.at[pl.ds(base, n)])

        @pl.when(cur > 0)
        def _pad():
            zero16 = jnp.zeros((16,), jnp.int32)
            r0 = plsc.load_gather(lrows, [zero16])
            s0 = plsc.load_gather(lsrcs, [zero16])
            lrows[pl.ds(cur, 16)] = r0
            lsrcs[pl.ds(cur, 16)] = s0

        nc = (cur + 15) // 16

        def start_gather(c, kb, sb, gsem):
            kb[...] = lrows[pl.ds(c * 16, 16)]
            sb[...] = lsrcs[pl.ds(c * 16, 16)]
            cp = pltpu.make_async_copy(
                x_h.at[sb], rowbuf if kb is kbuf else rowbuf2, gsem)
            cp.start()
            return cp

        @pl.when(nc > 0)
        def _scatter():
            g0 = start_gather(jnp.int32(0), kbuf, sbuf, sem_g)
            g0.wait()

            def chunk(c, carry):
                even = c % 2 == 0
                @pl.when(c + 1 < nc)
                def _next():
                    @pl.when(even)
                    def _():
                        start_gather(c + 1, kbuf2, sbuf2, sem_g2)
                    @pl.when(jnp.logical_not(even))
                    def _():
                        start_gather(c + 1, kbuf, sbuf, sem_g)
                @pl.when(even)
                def _():
                    pltpu.async_copy(rowbuf, out_h.at[kbuf], sem_s).wait()
                @pl.when(jnp.logical_not(even))
                def _():
                    pltpu.async_copy(rowbuf2, out_h.at[kbuf2], sem_s2).wait()
                @pl.when(c + 1 < nc)
                def _drain():
                    @pl.when(even)
                    def _():
                        pltpu.make_async_copy(x_h.at[sbuf2], rowbuf2, sem_g2).wait()
                    @pl.when(jnp.logical_not(even))
                    def _():
                        pltpu.make_async_copy(x_h.at[sbuf], rowbuf, sem_g).wait()
                return carry

            lax.fori_loop(0, nc, chunk, jnp.int32(0))

    @pl.when(wid < SPLIT)
    def _a():
        work(UNITS_A, wid * (UNITS_A * 16))

    @pl.when(wid >= SPLIT)
    def _b():
        work(UNITS_B, BASE_B + (wid - SPLIT) * (UNITS_B * 16))


def kernel(mem, buffer_label, idx_keys, idx_vals, x, y):
    mem2 = mem.reshape(M, ROW)
    x2 = x.reshape(B, ROW)

    out_ref = jax.new_ref(mem2)
    olab_ref = jax.new_ref(buffer_label)

    mesh = plsc.VectorSubcoreMesh(core_axis_name="c", subcore_axis_name="s")
    pl.kernel(
        _sc_body,
        mesh=mesh,
        compiler_params=pltpu.CompilerParams(needs_layout_passes=False),
        out_type=(),
        scratch_types=[
            pltpu.VMEM((UNITS_A * 16,), jnp.int32),
            pltpu.VMEM((UNITS_A * 16,), jnp.int32),
            pltpu.VMEM((B,), jnp.int32),
            pltpu.VMEM((B,), jnp.int32),
            pltpu.VMEM((CAP,), jnp.int32),
            pltpu.VMEM((CAP,), jnp.int32),
            pltpu.VMEM((16,), jnp.int32),
            pltpu.VMEM((16,), jnp.int32),
            pltpu.VMEM((16,), jnp.int32),
            pltpu.VMEM((16,), jnp.int32),
            pltpu.VMEM((16, ROW), jnp.float32),
            pltpu.VMEM((16, ROW), jnp.float32),
            pltpu.VMEM((B,), jnp.int32),
            pltpu.VMEM((UNITS_A * 16,), jnp.int32),
            pltpu.VMEM((UNITS_A * 16,), jnp.int32),
            pltpu.SemaphoreType.DMA,
            pltpu.SemaphoreType.DMA,
            pltpu.SemaphoreType.DMA,
            pltpu.SemaphoreType.DMA,
        ],
    )(out_ref, olab_ref, x2, idx_keys, idx_vals, y)

    return out_ref[...].reshape(mem.shape), olab_ref[...]

# --- scband reference (transcript-rebuilt; emitter-appended) ---
"""Pipeline reference for scband-test-buffer-23708219474572 (READ-ONLY COPY).

The authoritative reference and input builder live on the scoring server;
editing this copy changes nothing except your own understanding.
"""

import jax, jax.numpy as jnp
import numpy as np

M = 10000
B = 4096
IMG = (3, 32, 32)
NUM_CLASSES = 100


def setup_inputs(seed: int = 0) -> dict:
    key = jax.random.key(seed)
    k1, k2, k3, k4 = jax.random.split(key, 4)
    mem = jnp.zeros((M,) + IMG, dtype=jnp.float32)
    buffer_label = jnp.zeros((M,), dtype=jnp.int64) if jax.config.jax_enable_x64 else jnp.zeros((M,), dtype=jnp.int32)
    idx_keys = jax.random.randint(k1, (B,), 0, M, dtype=jnp.int32)
    idx_vals = jax.random.randint(k2, (B,), 0, B, dtype=jnp.int32)
    x = jax.random.normal(k3, (B,) + IMG, dtype=jnp.float32)
    y = jax.random.randint(k4, (B,), 0, NUM_CLASSES, dtype=jnp.int32)
    return {
        "mem": mem,
        "buffer_label": buffer_label,
        "idx_keys": idx_keys,
        "idx_vals": idx_vals,
        "x": x,
        "y": y,
    }


def reference(mem, buffer_label, idx_keys, idx_vals, x, y):
    # Faithful translation of Test_Buffer.overwrite(idx_map, x, y):
    #   self.buffer_img[list(idx_map.keys())]   = x[list(idx_map.values())]
    #   self.buffer_label[list(idx_map.keys())] = y[list(idx_map.values())]
    # idx_map is represented as parallel arrays (idx_keys -> buffer slots,
    # idx_vals -> rows of the incoming batch).
    gathered_x = jnp.take(x, idx_vals, axis=0)          # gather source rows
    gathered_y = jnp.take(y, idx_vals, axis=0)
    new_mem = mem.at[idx_keys].set(gathered_x)           # scatter-overwrite images
    new_label = buffer_label.at[idx_keys].set(gathered_y)  # scatter-overwrite labels
    return new_mem, new_label

if __name__ == "__main__":
    import jax
    _d = setup_inputs()
    print(jax.jit(kernel)(*tuple(_d.values())))

</pallas_src>

<mosaic_0001>
#map = affine_map<(d0, d1) -> (0, 0)>
#map1 = affine_map<(d0, d1) -> (0)>
module attributes {stable_mosaic.version = 14 : i64} {
  func.func @new_body(%arg0: i32, %arg1: i32, %arg2: memref<10000x3072xf32, #tpu.memory_space<hbm>>, %arg3: memref<10000xi32, #tpu.memory_space<hbm>>, %arg4: memref<4096x3072xf32, #tpu.memory_space<hbm>>, %arg5: memref<4096xi32, #tpu.memory_space<hbm>>, %arg6: memref<4096xi32, #tpu.memory_space<hbm>>, %arg7: memref<4096xi32, #tpu.memory_space<hbm>>, %arg8: memref<10000x3072xf32, #tpu.memory_space<hbm>>, %arg9: memref<10000xi32, #tpu.memory_space<hbm>>, %arg10: memref<320xi32, #tpu.memory_space<vmem>>, %arg11: memref<320xi32, #tpu.memory_space<vmem>>, %arg12: memref<4096xi32, #tpu.memory_space<vmem>>, %arg13: memref<4096xi32, #tpu.memory_space<vmem>>, %arg14: memref<336xi32, #tpu.memory_space<vmem>>, %arg15: memref<336xi32, #tpu.memory_space<vmem>>, %arg16: memref<16xi32, #tpu.memory_space<vmem>>, %arg17: memref<16xi32, #tpu.memory_space<vmem>>, %arg18: memref<16xi32, #tpu.memory_space<vmem>>, %arg19: memref<16xi32, #tpu.memory_space<vmem>>, %arg20: memref<16x3072xf32, #tpu.memory_space<vmem>>, %arg21: memref<16x3072xf32, #tpu.memory_space<vmem>>, %arg22: memref<4096xi32, #tpu.memory_space<vmem>>, %arg23: memref<320xi32, #tpu.memory_space<vmem>>, %arg24: memref<320xi32, #tpu.memory_space<vmem>>, %arg25: memref<!tpu.dma_semaphore, #tpu.memory_space<semaphore_mem>>, %arg26: memref<!tpu.dma_semaphore, #tpu.memory_space<semaphore_mem>>, %arg27: memref<!tpu.dma_semaphore, #tpu.memory_space<semaphore_mem>>, %arg28: memref<!tpu.dma_semaphore, #tpu.memory_space<semaphore_mem>>) attributes {dimension_semantics = [#tpu.dimension_semantics<core_parallel>, #tpu.dimension_semantics<subcore_parallel>], iteration_bounds = array<i64: 2, 16>, scalar_prefetch = 0 : i64, scratch_operands = 19 : i64, tpu.core_type = #tpu.core_type<sc_vector_subcore>, window_params = [{transform_indices = #map}, {transform_indices = #map1}, {transform_indices = #map}, {transform_indices = #map1}, {transform_indices = #map1}, {transform_indices = #map1}, {transform_indices = #map}, {transform_indices = #map1}]} {
    %mul3A = arith.constant 2 : i32
    %mul3A_0 = arith.muli %arg1, %mul3A : i32
    %add3A = arith.addi %mul3A_0, %arg0 : i32
    %iota3A = tpu.iota {dimensions = array<i32: 0>} : vector<16xi32>
    %lt3A = arith.constant 17 : i32
    %lt3A_1 = arith.cmpi slt, %add3A, %lt3A : i32
    %convert_element_type3A = arith.extui %lt3A_1 : i1 to i32
    %cond3A = arith.constant 0 : i32
    %cond3A_2 = arith.cmpi ne, %convert_element_type3A, %cond3A : i32
    scf.if %cond3A_2 {
      %mul3A_7 = arith.constant 320 : i32
      %mul3A_8 = arith.muli %add3A, %mul3A_7 : i32
      "tpu.region"() ({
        %run_scoped3A = tpu.sem_alloc : memref<!tpu.dma_semaphore, #tpu.memory_space<semaphore_mem>>
        tpu.enqueue_dma source(%arg5 : memref<4096xi32, #tpu.memory_space<hbm>>) target(%arg12 : memref<4096xi32, #tpu.memory_space<vmem>>) target_semaphore(%run_scoped3A : memref<!tpu.dma_semaphore, #tpu.memory_space<semaphore_mem>>)
        tpu.wait_dma2 semaphore(%run_scoped3A : memref<!tpu.dma_semaphore, #tpu.memory_space<semaphore_mem>>) src(%arg5 : memref<4096xi32, #tpu.memory_space<hbm>>) dst(%arg12 : memref<4096xi32, #tpu.memory_space<vmem>>)
        tpu.yield
      }) : () -> ()
      "tpu.region"() ({
        %run_scoped3A = tpu.sem_alloc : memref<!tpu.dma_semaphore, #tpu.memory_space<semaphore_mem>>
        tpu.enqueue_dma source(%arg6 : memref<4096xi32, #tpu.memory_space<hbm>>) target(%arg13 : memref<4096xi32, #tpu.memory_space<vmem>>) target_semaphore(%run_scoped3A : memref<!tpu.dma_semaphore, #tpu.memory_space<semaphore_mem>>)
        tpu.wait_dma2 semaphore(%run_scoped3A : memref<!tpu.dma_semaphore, #tpu.memory_space<semaphore_mem>>) src(%arg6 : memref<4096xi32, #tpu.memory_space<hbm>>) dst(%arg13 : memref<4096xi32, #tpu.memory_space<vmem>>)
        tpu.yield
      }) : () -> ()
      "tpu.region"() ({
        %run_scoped3A = tpu.sem_alloc : memref<!tpu.dma_semaphore, #tpu.memory_space<semaphore_mem>>
        tpu.enqueue_dma source(%arg7 : memref<4096xi32, #tpu.memory_space<hbm>>) target(%arg22 : memref<4096xi32, #tpu.memory_space<vmem>>) target_semaphore(%run_scoped3A : memref<!tpu.dma_semaphore, #tpu.memory_space<semaphore_mem>>)
        tpu.wait_dma2 semaphore(%run_scoped3A : memref<!tpu.dma_semaphore, #tpu.memory_space<semaphore_mem>>) src(%arg7 : memref<4096xi32, #tpu.memory_space<hbm>>) dst(%arg22 : memref<4096xi32, #tpu.memory_space<vmem>>)
        tpu.yield
      }) : () -> ()
      "tpu.region"() ({
        %run_scoped3A = tpu.sem_alloc : memref<!tpu.dma_semaphore, #tpu.memory_space<semaphore_mem>>
        %dma_start3A = arith.constant 0 : i32
        %dma_start3A_725 = tpu.memref_slice %arg23[%dma_start3A] : memref<320xi32, #tpu.memory_space<vmem>> -> memref<320xi32, #tpu.memory_space<vmem>>
        %dma_start3A_726 = tpu.memref_slice %arg3[%mul3A_8] : memref<10000xi32, #tpu.memory_space<hbm>> -> memref<320xi32, #tpu.memory_space<hbm>>
        %dma_start3A_727 = arith.constant 0 : i32
        %dma_start3A_728 = tpu.memref_slice %arg23[%dma_start3A_727] : memref<320xi32, #tpu.memory_space<vmem>> -> memref<320xi32, #tpu.memory_space<vmem>>
        %dma_start3A_729 = tpu.memref_slice %arg3[%mul3A_8] : memref<10000xi32, #tpu.memory_space<hbm>> -> memref<320xi32, #tpu.memory_space<hbm>>
        tpu.enqueue_dma source(%dma_start3A_729 : memref<320xi32, #tpu.memory_space<hbm>>) target(%dma_start3A_728 : memref<320xi32, #tpu.memory_space<vmem>>) target_semaphore(%run_scoped3A : memref<!tpu.dma_semaphore, #tpu.memory_space<semaphore_mem>>)
        %dma_wait3A = arith.constant 0 : i32
        %dma_wait3A_730 = tpu.memref_slice %arg23[%dma_wait3A] : memref<320xi32, #tpu.memory_space<vmem>> -> memref<320xi32, #tpu.memory_space<vmem>>
        %dma_wait3A_731 = tpu.memref_slice %arg3[%mul3A_8] : memref<10000xi32, #tpu.memory_space<hbm>> -> memref<320xi32, #tpu.memory_space<hbm>>
        %dma_wait3A_732 = arith.constant 0 : i32
        %dma_wait3A_733 = tpu.memref_slice %arg23[%dma_wait3A_732] : memref<320xi32, #tpu.memory_space<vmem>> -> memref<320xi32, #tpu.memory_space<vmem>>
        %dma_wait3A_734 = tpu.memref_slice %arg3[%mul3A_8] : memref<10000xi32, #tpu.memory_space<hbm>> -> memref<320xi32, #tpu.memory_space<hbm>>
        tpu.wait_dma2 semaphore(%run_scoped3A : memref<!tpu.dma_semaphore, #tpu.memory_space<semaphore_mem>>) src(%dma_wait3A_734 : memref<320xi32, #tpu.memory_space<hbm>>) dst(%dma_wait3A_733 : memref<320xi32, #tpu.memory_space<vmem>>)
        tpu.yield
      }) : () -> ()
      %broadcast_in_dim3A = arith.constant 0 : i32
      %broadcast_in_dim3A_9 = vector.broadcast %broadcast_in_dim3A : i32 to vector<16xi32>
      %sub3A = arith.constant 1 : i32
      %sub3A_10 = vector.broadcast %sub3A : i32 to vector<16xi32>
      %sub3A_11 = arith.subi %broadcast_in_dim3A_9, %sub3A_10 : vector<16xi32>
      %broadcast_in_dim3A_12 = arith.constant 0 : i32
      %broadcast_in_dim3A_13 = vector.broadcast %broadcast_in_dim3A_12 : i32 to vector<16xi32>
      %add3A_14 = arith.constant 4096 : i32
      %add3A_15 = vector.broadcast %add3A_14 : i32 to vector<16xi32>
      %add3A_16 = arith.addi %broadcast_in_dim3A_13, %add3A_15 : vector<16xi32>
      %swap3A = arith.constant 0 : index
      %swap3A_17 = tpu.vector_load %arg11[%swap3A] {strides = array<i32>} : memref<320xi32, #tpu.memory_space<vmem>>, vector<16xi32>,
      tpu.vector_store %arg11[%swap3A], %sub3A_11 {strides = array<i32>} : memref<320xi32, #tpu.memory_space<vmem>>, vector<16xi32>,
      %swap3A_18 = arith.constant 0 : index
      %swap3A_19 = tpu.vector_load %arg10[%swap3A_18] {strides = array<i32>} : memref<320xi32, #tpu.memory_space<vmem>>, vector<16xi32>,
      tpu.vector_store %arg10[%swap3A_18], %add3A_16 {strides = array<i32>} : memref<320xi32, #tpu.memory_space<vmem>>, vector<16xi32>,
      %swap3A_20 = arith.constant 16 : index
      %swap3A_21 = tpu.vector_load %arg11[%swap3A_20] {strides = array<i32>} : memref<320xi32, #tpu.memory_space<vmem>>, vector<16xi32>,
      tpu.vector_store %arg11[%swap3A_20], %sub3A_11 {strides = array<i32>} : memref<320xi32, #tpu.memory_space<vmem>>, vector<16xi32>,
      %swap3A_22 = arith.constant 16 : index
      %swap3A_23 = tpu.vector_load %arg10[%swap3A_22] {strides = array<i32>} : memref<320xi32, #tpu.memory_space<vmem>>, vector<16xi32>,
      tpu.vector_store %arg10[%swap3A_22], %add3A_16 {strides = array<i32>} : memref<320xi32, #tpu.memory_space<vmem>>, vector<16xi32>,
      %swap3A_24 = arith.constant 32 : index
      %swap3A_25 = tpu.vector_load %arg11[%swap3A_24] {strides = array<i32>} : memref<320xi32, #tpu.memory_space<vmem>>, vector<16xi32>,
      tpu.vector_store %arg11[%swap3A_24], %sub3A_11 {strides = array<i32>} : memref<320xi32, #tpu.memory_space<vmem>>, vector<16xi32>,
      %swap3A_26 = arith.constant 32 : index
      %swap3A_27 = tpu.vector_load %arg10[%swap3A_26] {strides = array<i32>} : memref<320xi32, #tpu.memory_space<vmem>>, vector<16xi32>,
      tpu.vector_store %arg10[%swap3A_26], %add3A_16 {strides = array<i32>} : memref<320xi32, #tpu.memory_space<vmem>>, vector<16xi32>,
      %swap3A_28 = arith.constant 48 : index
      %swap3A_29 = tpu.vector_load %arg11[%swap3A_28] {strides = array<i32>} : memref<320xi32, #tpu.memory_space<vmem>>, vector<16xi32>,
      tpu.vector_store %arg11[%swap3A_28], %sub3A_11 {strides = array<i32>} : memref<320xi32, #tpu.memory_space<vmem>>, vector<16xi32>,
      %swap3A_30 = arith.constant 48 : index
      %swap3A_31 = tpu.vector_load %arg10[%swap3A_30] {strides = array<i32>} : memref<320xi32, #tpu.memory_space<vmem>>, vector<16xi32>,
      tpu.vector_store %arg10[%swap3A_30], %add3A_16 {strides = array<i32>} : memref<320xi32, #tpu.memory_space<vmem>>, vector<16xi32>,
      %swap3A_32 = arith.constant 64 : index
      %swap3A_33 = tpu.vector_load %arg11[%swap3A_32] {strides = array<i32>} : memref<320xi32, #tpu.memory_space<vmem>>, vector<16xi32>,
      tpu.vector_store %arg11[%swap3A_32], %sub3A_11 {strides = array<i32>} : memref<320xi32, #tpu.memory_space<vmem>>, vector<16xi32>,
      %swap3A_34 = arith.constant 64 : index
      %swap3A_35 = tpu.vector_load %arg10[%swap3A_34] {strides = array<i32>} : memref<320xi32, #tpu.memory_space<vmem>>, vector<16xi32>,
      tpu.vector_store %arg10[%swap3A_34], %add3A_16 {strides = array<i32>} : memref<320xi32, #tpu.memory_space<vmem>>, vector<16xi32>,
      %swap3A_36 = arith.constant 80 : index
      %swap3A_37 = tpu.vector_load %arg11[%swap3A_36] {strides = array<i32>} : memref<320xi32, #tpu.memory_space<vmem>>, vector<16xi32>,
      tpu.vector_store %arg11[%swap3A_36], %sub3A_11 {strides = array<i32>} : memref<320xi32, #tpu.memory_space<vmem>>, vector<16xi32>,
      %swap3A_38 = arith.constant 80 : index
      %swap3A_39 = tpu.vector_load %arg10[%swap3A_38] {strides = array<i32>} : memref<320xi32, #tpu.memory_space<vmem>>, vector<16xi32>,
      tpu.vector_store %arg10[%swap3A_38], %add3A_16 {strides = array<i32>} : memref<320xi32, #tpu.memory_space<vmem>>, vector<16xi32>,
      %swap3A_40 = arith.constant 96 : index
      %swap3A_41 = tpu.vector_load %arg11[%swap3A_40] {strides = array<i32>} : memref<320xi32, #tpu.memory_space<vmem>>, vector<16xi32>,
      tpu.vector_store %arg11[%swap3A_40], %sub3A_11 {strides = array<i32>} : memref<320xi32, #tpu.memory_space<vmem>>, vector<16xi32>,
      %swap3A_42 = arith.constant 96 : index
      %swap3A_43 = tpu.vector_load %arg10[%swap3A_42] {strides = array<i32>} : memref<320xi32, #tpu.memory_space<vmem>>, vector<16xi32>,
      tpu.vector_store %arg10[%swap3A_42], %add3A_16 {strides = array<i32>} : memref<320xi32, #tpu.memory_space<vmem>>, vector<16xi32>,
      %swap3A_44 = arith.constant 112 : index
      %swap3A_45 = tpu.vector_load %arg11[%swap3A_44] {strides = array<i32>} : memref<320xi32, #tpu.memory_space<vmem>>, vector<16xi32>,
      tpu.vector_store %arg11[%swap3A_44], %sub3A_11 {strides = array<i32>} : memref<320xi32, #tpu.memory_space<vmem>>, vector<16xi32>,
      %swap3A_46 = arith.constant 112 : index
      %swap3A_47 = tpu.vector_load %arg10[%swap3A_46] {strides = array<i32>} : memref<320xi32, #tpu.memory_space<vmem>>, vector<16xi32>,
      tpu.vector_store %arg10[%swap3A_46], %add3A_16 {strides = array<i32>} : memref<320xi32, #tpu.memory_space<vmem>>, vector<16xi32>,
      %swap3A_48 = arith.constant 128 : index
      %swap3A_49 = tpu.vector_load %arg11[%swap3A_48] {strides = array<i32>} : memref<320xi32, #tpu.memory_space<vmem>>, vector<16xi32>,
      tpu.vector_store %arg11[%swap3A_48], %sub3A_11 {strides = array<i32>} : memref<320xi32, #tpu.memory_space<vmem>>, vector<16xi32>,
      %swap3A_50 = arith.constant 128 : index
      %swap3A_51 = tpu.vector_load %arg10[%swap3A_50] {strides = array<i32>} : memref<320xi32, #tpu.memory_space<vmem>>, vector<16xi32>,
      tpu.vector_store %arg10[%swap3A_50], %add3A_16 {strides = array<i32>} : memref<320xi32, #tpu.memory_space<vmem>>, vector<16xi32>,
      %swap3A_52 = arith.constant 144 : index
      %swap3A_53 = tpu.vector_load %arg11[%swap3A_52] {strides = array<i32>} : memref<320xi32, #tpu.memory_space<vmem>>, vector<16xi32>,
      tpu.vector_store %arg11[%swap3A_52], %sub3A_11 {strides = array<i32>} : memref<320xi32, #tpu.memory_space<vmem>>, vector<16xi32>,
      %swap3A_54 = arith.constant 144 : index
      %swap3A_55 = tpu.vector_load %arg10[%swap3A_54] {strides = array<i32>} : memref<320xi32, #tpu.memory_space<vmem>>, vector<16xi32>,
      tpu.vector_store %arg10[%swap3A_54], %add3A_16 {strides = array<i32>} : memref<320xi32, #tpu.memory_space<vmem>>, vector<16xi32>,
      %swap3A_56 = arith.constant 160 : index
      %swap3A_57 = tpu.vector_load %arg11[%swap3A_56] {strides = array<i32>} : memref<320xi32, #tpu.memory_space<vmem>>, vector<16xi32>,
      tpu.vector_store %arg11[%swap3A_56], %sub3A_11 {strides = array<i32>} : memref<320xi32, #tpu.memory_space<vmem>>, vector<16xi32>,
      %swap3A_58 = arith.constant 160 : index
      %swap3A_59 = tpu.vector_load %arg10[%swap3A_58] {strides = array<i32>} : memref<320xi32, #tpu.memory_space<vmem>>, vector<16xi32>,
      tpu.vector_store %arg10[%swap3A_58], %add3A_16 {strides = array<i32>} : memref<320xi32, #tpu.memory_space<vmem>>, vector<16xi32>,
      %swap3A_60 = arith.constant 176 : index
      %swap3A_61 = tpu.vector_load %arg11[%swap3A_60] {strides = array<i32>} : memref<320xi32, #tpu.memory_space<vmem>>, vector<16xi32>,
      tpu.vector_store %arg11[%swap3A_60], %sub3A_11 {strides = array<i32>} : memref<320xi32, #tpu.memory_space<vmem>>, vector<16xi32>,
      %swap3A_62 = arith.constant 176 : index
      %swap3A_63 = tpu.vector_load %arg10[%swap3A_62] {strides = array<i32>} : memref<320xi32, #tpu.memory_space<vmem>>, vector<16xi32>,
      tpu.vector_store %arg10[%swap3A_62], %add3A_16 {strides = array<i32>} : memref<320xi32, #tpu.memory_space<vmem>>, vector<16xi32>,
      %swap3A_64 = arith.constant 192 : index
      %swap3A_65 = tpu.vector_load %arg11[%swap3A_64] {strides = array<i32>} : memref<320xi32, #tpu.memory_space<vmem>>, vector<16xi32>,
      tpu.vector_store %arg11[%swap3A_64], %sub3A_11 {strides = array<i32>} : memref<320xi32, #tpu.memory_space<vmem>>, vector<16xi32>,
      %swap3A_66 = arith.constant 192 : index
      %swap3A_67 = tpu.vector_load %arg10[%swap3A_66] {strides = array<i32>} : memref<320xi32, #tpu.memory_space<vmem>>, vector<16xi32>,
      tpu.vector_store %arg10[%swap3A_66], %add3A_16 {strides = array<i32>} : memref<320xi32, #tpu.memory_space<vmem>>, vector<16xi32>,
      %swap3A_68 = arith.constant 208 : index
      %swap3A_69 = tpu.vector_load %arg11[%swap3A_68] {strides = array<i32>} : memref<320xi32, #tpu.memory_space<vmem>>, vector<16xi32>,
      tpu.vector_store %arg11[%swap3A_68], %sub3A_11 {strides = array<i32>} : memref<320xi32, #tpu.memory_space<vmem>>, vector<16xi32>,
      %swap3A_70 = arith.constant 208 : index
      %swap3A_71 = tpu.vector_load %arg10[%swap3A_70] {strides = array<i32>} : memref<320xi32, #tpu.memory_space<vmem>>, vector<16xi32>,
      tpu.vector_store %arg10[%swap3A_70], %add3A_16 {strides = array<i32>} : memref<320xi32, #tpu.memory_space<vmem>>, vector<16xi32>,
      %swap3A_72 = arith.constant 224 : index
      %swap3A_73 = tpu.vector_load %arg11[%swap3A_72] {strides = array<i32>} : memref<320xi32, #tpu.memory_space<vmem>>, vector<16xi32>,
      tpu.vector_store %arg11[%swap3A_72], %sub3A_11 {strides = array<i32>} : memref<320xi32, #tpu.memory_space<vmem>>, vector<16xi32>,
      %swap3A_74 = arith.constant 224 : index
      %swap3A_75 = tpu.vector_load %arg10[%swap3A_74] {strides = array<i32>} : memref<320xi32, #tpu.memory_space<vmem>>, vector<16xi32>,
      tpu.vector_store %arg10[%swap3A_74], %add3A_16 {strides = array<i32>} : memref<320xi32, #tpu.memory_space<vmem>>, vector<16xi32>,
      %swap3A_76 = arith.constant 240 : index
      %swap3A_77 = tpu.vector_load %arg11[%swap3A_76] {strides = array<i32>} : memref<320xi32, #tpu.memory_space<vmem>>, vector<16xi32>,
      tpu.vector_store %arg11[%swap3A_76], %sub3A_11 {strides = array<i32>} : memref<320xi32, #tpu.memory_space<vmem>>, vector<16xi32>,
      %swap3A_78 = arith.constant 240 : index
      %swap3A_79 = tpu.vector_load %arg10[%swap3A_78] {strides = array<i32>} : memref<320xi32, #tpu.memory_space<vmem>>, vector<16xi32>,
      tpu.vector_store %arg10[%swap3A_78], %add3A_16 {strides = array<i32>} : memref<320xi32, #tpu.memory_space<vmem>>, vector<16xi32>,
      %swap3A_80 = arith.constant 256 : index
      %swap3A_81 = tpu.vector_load %arg11[%swap3A_80] {strides = array<i32>} : memref<320xi32, #tpu.memory_space<vmem>>, vector<16xi32>,
      tpu.vector_store %arg11[%swap3A_80], %sub3A_11 {strides = array<i32>} : memref<320xi32, #tpu.memory_space<vmem>>, vector<16xi32>,
      %swap3A_82 = arith.constant 256 : index
      %swap3A_83 = tpu.vector_load %arg10[%swap3A_82] {strides = array<i32>} : memref<320xi32, #tpu.memory_space<vmem>>, vector<16xi32>,
      tpu.vector_store %arg10[%swap3A_82], %add3A_16 {strides = array<i32>} : memref<320xi32, #tpu.memory_space<vmem>>, vector<16xi32>,
      %swap3A_84 = arith.constant 272 : index
      %swap3A_85 = tpu.vector_load %arg11[%swap3A_84] {strides = array<i32>} : memref<320xi32, #tpu.memory_space<vmem>>, vector<16xi32>,
      tpu.vector_store %arg11[%swap3A_84], %sub3A_11 {strides = array<i32>} : memref<320xi32, #tpu.memory_space<vmem>>, vector<16xi32>,
      %swap3A_86 = arith.constant 272 : index
      %swap3A_87 = tpu.vector_load %arg10[%swap3A_86] {strides = array<i32>} : memref<320xi32, #tpu.memory_space<vmem>>, vector<16xi32>,
      tpu.vector_store %arg10[%swap3A_86], %add3A_16 {strides = array<i32>} : memref<320xi32, #tpu.memory_space<vmem>>, vector<16xi32>,
      %swap3A_88 = arith.constant 288 : index
      %swap3A_89 = tpu.vector_load %arg11[%swap3A_88] {strides = array<i32>} : memref<320xi32, #tpu.memory_space<vmem>>, vector<16xi32>,
      tpu.vector_store %arg11[%swap3A_88], %sub3A_11 {strides = array<i32>} : memref<320xi32, #tpu.memory_space<vmem>>, vector<16xi32>,
      %swap3A_90 = arith.constant 288 : index
      %swap3A_91 = tpu.vector_load %arg10[%swap3A_90] {strides = array<i32>} : memref<320xi32, #tpu.memory_space<vmem>>, vector<16xi32>,
      tpu.vector_store %arg10[%swap3A_90], %add3A_16 {strides = array<i32>} : memref<320xi32, #tpu.memory_space<vmem>>, vector<16xi32>,
      %swap3A_92 = arith.constant 304 : index
      %swap3A_93 = tpu.vector_load %arg11[%swap3A_92] {strides = array<i32>} : memref<320xi32, #tpu.memory_space<vmem>>, vector<16xi32>,
      tpu.vector_store %arg11[%swap3A_92], %sub3A_11 {strides = array<i32>} : memref<320xi32, #tpu.memory_space<vmem>>, vector<16xi32>,
      %swap3A_94 = arith.constant 304 : index
      %swap3A_95 = tpu.vector_load %arg10[%swap3A_94] {strides = array<i32>} : memref<320xi32, #tpu.memory_space<vmem>>, vector<16xi32>,
      tpu.vector_store %arg10[%swap3A_94], %add3A_16 {strides = array<i32>} : memref<320xi32, #tpu.memory_space<vmem>>, vector<16xi32>,
      %scan3A = arith.constant 0 : i32
      %scan3A_96 = arith.constant 0 : i32
      %scan3A_97 = arith.constant 256 : i32
      %scan3A_98 = arith.addi %scan3A_96, %scan3A_97 : i32
      %scan3A_99 = arith.constant 1 : i32
      scf.for %scan3A_725 = %scan3A_96 to %scan3A_98 step %scan3A_99  : i32 {
        %mul3A_726 = arith.constant 16 : i32
        %mul3A_727 = arith.muli %scan3A_725, %mul3A_726 : i32
        %get3A_728 = arith.index_cast %mul3A_727 : i32 to index
        %get3A_729 = tpu.vector_load %arg12[%get3A_728] {strides = array<i32>} : memref<4096xi32, #tpu.memory_space<vmem>>, vector<16xi32>,
        %mul3A_730 = arith.constant 16 : i32
        %mul3A_731 = arith.muli %scan3A_725, %mul3A_730 : i32
        %get3A_732 = arith.index_cast %mul3A_731 : i32 to index
        %get3A_733 = tpu.vector_load %arg13[%get3A_732] {strides = array<i32>} : memref<4096xi32, #tpu.memory_space<vmem>>, vector<16xi32>,
        %mul3A_734 = arith.constant 16 : i32
        %mul3A_735 = arith.muli %scan3A_725, %mul3A_734 : i32
        %add3A_736 = vector.broadcast %mul3A_735 : i32 to vector<16xi32>
        %add3A_737 = arith.addi %iota3A, %add3A_736 : vector<16xi32>
        %sub3A_738 = vector.broadcast %mul3A_8 : i32 to vector<16xi32>
        %sub3A_739 = arith.subi %get3A_729, %sub3A_738 : vector<16xi32>
        %ge3A_740 = arith.constant 0 : i32
        %ge3A_741 = vector.broadcast %ge3A_740 : i32 to vector<16xi32>
        %ge3A_742 = arith.cmpi sge, %sub3A_739, %ge3A_741 : vector<16xi32>
        %lt3A_743 = arith.constant 320 : i32
        %lt3A_744 = vector.broadcast %lt3A_743 : i32 to vector<16xi32>
        %lt3A_745 = arith.cmpi slt, %sub3A_739, %lt3A_744 : vector<16xi32>
        %and3A_746 = arith.andi %ge3A_742, %lt3A_745 : vector<16xi1>
        %max3A = arith.constant 0 : i32
        %max3A_747 = vector.broadcast %max3A : i32 to vector<16xi32>
        %max3A_748 = arith.maxsi %sub3A_739, %max3A_747 : vector<16xi32>
        %min3A_749 = arith.constant 319 : i32
        %min3A_750 = vector.broadcast %min3A_749 : i32 to vector<16xi32>
        %min3A_751 = arith.minsi %max3A_748, %min3A_750 : vector<16xi32>
        %gather3A_752 = tpu.vector_load_idx %arg11[%min3A_751] : memref<320xi32, #tpu.memory_space<vmem>>[vector<16xi32>], vector<16xi32>,
        %gt3A_753 = arith.cmpi sgt, %add3A_737, %gather3A_752 : vector<16xi32>
        %and3A_754 = arith.andi %and3A_746, %gt3A_753 : vector<16xi1>
        tpu.vector_store_idx %arg11[%min3A_751], %add3A_737 masked %and3A_754 : memref<320xi32, #tpu.memory_space<vmem>>[vector<16xi32>], vector<16xi32>, vector<16xi1>
        tpu.vector_store_idx %arg10[%min3A_751], %get3A_733 masked %and3A_754 : memref<320xi32, #tpu.memory_space<vmem>>[vector<16xi32>], vector<16xi32>, vector<16xi1>
      }
      %scan3A_100 = arith.constant 256 : i32
      %get3A = arith.constant 0 : index
      %get3A_101 = tpu.vector_load %arg10[%get3A] {strides = array<i32>} : memref<320xi32, #tpu.memory_space<vmem>>, vector<16xi32>,
      %lt3A_102 = arith.constant 4096 : i32
      %lt3A_103 = vector.broadcast %lt3A_102 : i32 to vector<16xi32>
      %lt3A_104 = arith.cmpi slt, %get3A_101, %lt3A_103 : vector<16xi32>
      %add3A_105 = arith.constant 0 : i32
      %add3A_106 = arith.addi %mul3A_8, %add3A_105 : i32
      %add3A_107 = vector.broadcast %add3A_106 : i32 to vector<16xi32>
      %add3A_108 = arith.addi %iota3A, %add3A_107 : vector<16xi32>
      %convert_element_type3A_109 = arith.extui %lt3A_104 : vector<16xi1> to vector<16xi32>
      %broadcast_in_dim3A_110 = arith.constant true
      %broadcast_in_dim3A_111 = vector.broadcast %broadcast_in_dim3A_110 : i1 to vector<16xi1>
      %masked_cumsum3A = tpu.scan <sum>, %convert_element_type3A_109 masked %broadcast_in_dim3A_111 : vector<16xi32>, vector<16xi1> -> vector<16xi32>
      %add3A_112 = arith.constant 0 : i32
      %add3A_113 = vector.broadcast %add3A_112 : i32 to vector<16xi32>
      %add3A_114 = arith.addi %add3A_113, %masked_cumsum3A : vector<16xi32>
      %sub3A_115 = arith.constant 1 : i32
      %sub3A_116 = vector.broadcast %sub3A_115 : i32 to vector<16xi32>
      %sub3A_117 = arith.subi %add3A_114, %sub3A_116 : vector<16xi32>
      tpu.vector_store_idx %arg14[%sub3A_117], %add3A_108 masked %lt3A_104 : memref<336xi32, #tpu.memory_space<vmem>>[vector<16xi32>], vector<16xi32>, vector<16xi1>
      tpu.vector_store_idx %arg15[%sub3A_117], %get3A_101 masked %lt3A_104 : memref<336xi32, #tpu.memory_space<vmem>>[vector<16xi32>], vector<16xi32>, vector<16xi1>
      %slice3A = vector.extract_strided_slice %masked_cumsum3A {offsets = [15], sizes = [1], strides = [1]} : vector<16xi32> to vector<1xi32>
      %squeeze3A = vector.extract %slice3A[0] : i32 from vector<1xi32>
      %add3A_118 = arith.constant 0 : i32
      %add3A_119 = arith.addi %add3A_118, %squeeze3A : i32
      %min3A = arith.constant 4095 : i32
      %min3A_120 = vector.broadcast %min3A : i32 to vector<16xi32>
      %min3A_121 = arith.minsi %get3A_101, %min3A_120 : vector<16xi32>
      %gather3A = tpu.vector_load_idx %arg22[%min3A_121] : memref<4096xi32, #tpu.memory_space<vmem>>[vector<16xi32>], vector<16xi32>,
      %get3A_122 = arith.constant 0 : index
      %get3A_123 = tpu.vector_load %arg23[%get3A_122] {strides = array<i32>} : memref<320xi32, #tpu.memory_space<vmem>>, vector<16xi32>,
      %select_n3A = arith.select %lt3A_104, %gather3A, %get3A_123 : vector<16xi1>, vector<16xi32>
      %swap3A_124 = arith.constant 0 : index
      %swap3A_125 = tpu.vector_load %arg24[%swap3A_124] {strides = array<i32>} : memref<320xi32, #tpu.memory_space<vmem>>, vector<16xi32>,
      tpu.vector_store %arg24[%swap3A_124], %select_n3A {strides = array<i32>} : memref<320xi32, #tpu.memory_space<vmem>>, vector<16xi32>,
      %get3A_126 = arith.constant 16 : index
      %get3A_127 = tpu.vector_load %arg10[%get3A_126] {strides = array<i32>} : memref<320xi32, #tpu.memory_space<vmem>>, vector<16xi32>,
      %lt3A_128 = arith.constant 4096 : i32
      %lt3A_129 = vector.broadcast %lt3A_128 : i32 to vector<16xi32>
      %lt3A_130 = arith.cmpi slt, %get3A_127, %lt3A_129 : vector<16xi32>
      %add3A_131 = arith.constant 16 : i32
      %add3A_132 = arith.addi %mul3A_8, %add3A_131 : i32
      %add3A_133 = vector.broadcast %add3A_132 : i32 to vector<16xi32>
      %add3A_134 = arith.addi %iota3A, %add3A_133 : vector<16xi32>
      %convert_element_type3A_135 = arith.extui %lt3A_130 : vector<16xi1> to vector<16xi32>
      %broadcast_in_dim3A_136 = arith.constant true
      %broadcast_in_dim3A_137 = vector.broadcast %broadcast_in_dim3A_136 : i1 to vector<16xi1>
      %masked_cumsum3A_138 = tpu.scan <sum>, %convert_element_type3A_135 masked %broadcast_in_dim3A_137 : vector<16xi32>, vector<16xi1> -> vector<16xi32>
      %add3A_139 = vector.broadcast %add3A_119 : i32 to vector<16xi32>
      %add3A_140 = arith.addi %add3A_139, %masked_cumsum3A_138 : vector<16xi32>
      %sub3A_141 = arith.constant 1 : i32
      %sub3A_142 = vector.broadcast %sub3A_141 : i32 to vector<16xi32>
      %sub3A_143 = arith.subi %add3A_140, %sub3A_142 : vector<16xi32>
      tpu.vector_store_idx %arg14[%sub3A_143], %add3A_134 masked %lt3A_130 : memref<336xi32, #tpu.memory_space<vmem>>[vector<16xi32>], vector<16xi32>, vector<16xi1>
      tpu.vector_store_idx %arg15[%sub3A_143], %get3A_127 masked %lt3A_130 : memref<336xi32, #tpu.memory_space<vmem>>[vector<16xi32>], vector<16xi32>, vector<16xi1>
      %slice3A_144 = vector.extract_strided_slice %masked_cumsum3A_138 {offsets = [15], sizes = [1], strides = [1]} : vector<16xi32> to vector<1xi32>
      %squeeze3A_145 = vector.extract %slice3A_144[0] : i32 from vector<1xi32>
      %add3A_146 = arith.addi %add3A_119, %squeeze3A_145 : i32
      %min3A_147 = arith.constant 4095 : i32
      %min3A_148 = vector.broadcast %min3A_147 : i32 to vector<16xi32>
      %min3A_149 = arith.minsi %get3A_127, %min3A_148 : vector<16xi32>
      %gather3A_150 = tpu.vector_load_idx %arg22[%min3A_149] : memref<4096xi32, #tpu.memory_space<vmem>>[vector<16xi32>], vector<16xi32>,
      %get3A_151 = arith.constant 16 : index
      %get3A_152 = tpu.vector_load %arg23[%get3A_151] {strides = array<i32>} : memref<320xi32, #tpu.memory_space<vmem>>, vector<16xi32>,
      %select_n3A_153 = arith.select %lt3A_130, %gather3A_150, %get3A_152 : vector<16xi1>, vector<16xi32>
      %swap3A_154 = arith.constant 16 : index
      %swap3A_155 = tpu.vector_load %arg24[%swap3A_154] {strides = array<i32>} : memref<320xi32, #tpu.memory_space<vmem>>, vector<16xi32>,
      tpu.vector_store %arg24[%swap3A_154], %select_n3A_153 {strides = array<i32>} : memref<320xi32, #tpu.memory_space<vmem>>, vector<16xi32>,
      %get3A_156 = arith.constant 32 : index
      %get3A_157 = tpu.vector_load %arg10[%get3A_156] {strides = array<i32>} : memref<320xi32, #tpu.memory_space<vmem>>, vector<16xi32>,
      %lt3A_158 = arith.constant 4096 : i32
      %lt3A_159 = vector.broadcast %lt3A_158 : i32 to vector<16xi32>
      %lt3A_160 = arith.cmpi slt, %get3A_157, %lt3A_159 : vector<16xi32>
      %add3A_161 = arith.constant 32 : i32
      %add3A_162 = arith.addi %mul3A_8, %add3A_161 : i32
      %add3A_163 = vector.broadcast %add3A_162 : i32 to vector<16xi32>
      %add3A_164 = arith.addi %iota3A, %add3A_163 : vector<16xi32>
      %convert_element_type3A_165 = arith.extui %lt3A_160 : vector<16xi1> to vector<16xi32>
      %broadcast_in_dim3A_166 = arith.constant true
      %broadcast_in_dim3A_167 = vector.broadcast %broadcast_in_dim3A_166 : i1 to vector<16xi1>
      %masked_cumsum3A_168 = tpu.scan <sum>, %convert_element_type3A_165 masked %broadcast_in_dim3A_167 : vector<16xi32>, vector<16xi1> -> vector<16xi32>
      %add3A_169 = vector.broadcast %add3A_146 : i32 to vector<16xi32>
      %add3A_170 = arith.addi %add3A_169, %masked_cumsum3A_168 : vector<16xi32>
      %sub3A_171 = arith.constant 1 : i32
      %sub3A_172 = vector.broadcast %sub3A_171 : i32 to vector<16xi32>
      %sub3A_173 = arith.subi %add3A_170, %sub3A_172 : vector<16xi32>
      tpu.vector_store_idx %arg14[%sub3A_173], %add3A_164 masked %lt3A_160 : memref<336xi32, #tpu.memory_space<vmem>>[vector<16xi32>], vector<16xi32>, vector<16xi1>
      tpu.vector_store_idx %arg15[%sub3A_173], %get3A_157 masked %lt3A_160 : memref<336xi32, #tpu.memory_space<vmem>>[vector<16xi32>], vector<16xi32>, vector<16xi1>
      %slice3A_174 = vector.extract_strided_slice %masked_cumsum3A_168 {offsets = [15], sizes = [1], strides = [1]} : vector<16xi32> to vector<1xi32>
      %squeeze3A_175 = vector.extract %slice3A_174[0] : i32 from vector<1xi32>
      %add3A_176 = arith.addi %add3A_146, %squeeze3A_175 : i32
      %min3A_177 = arith.constant 4095 : i32
      %min3A_178 = vector.broadcast %min3A_177 : i32 to vector<16xi32>
      %min3A_179 = arith.minsi %get3A_157, %min3A_178 : vector<16xi32>
      %gather3A_180 = tpu.vector_load_idx %arg22[%min3A_179] : memref<4096xi32, #tpu.memory_space<vmem>>[vector<16xi32>], vector<16xi32>,
      %get3A_181 = arith.constant 32 : index
      %get3A_182 = tpu.vector_load %arg23[%get3A_181] {strides = array<i32>} : memref<320xi32, #tpu.memory_space<vmem>>, vector<16xi32>,
      %select_n3A_183 = arith.select %lt3A_160, %gather3A_180, %get3A_182 : vector<16xi1>, vector<16xi32>
      %swap3A_184 = arith.constant 32 : index
      %swap3A_185 = tpu.vector_load %arg24[%swap3A_184] {strides = array<i32>} : memref<320xi32, #tpu.memory_space<vmem>>, vector<16xi32>,
      tpu.vector_store %arg24[%swap3A_184], %select_n3A_183 {strides = array<i32>} : memref<320xi32, #tpu.memory_space<vmem>>, vector<16xi32>,
      %get3A_186 = arith.constant 48 : index
      %get3A_187 = tpu.vector_load %arg10[%get3A_186] {strides = array<i32>} : memref<320xi32, #tpu.memory_space<vmem>>, vector<16xi32>,
      %lt3A_188 = arith.constant 4096 : i32
      %lt3A_189 = vector.broadcast %lt3A_188 : i32 to vector<16xi32>
      %lt3A_190 = arith.cmpi slt, %get3A_187, %lt3A_189 : vector<16xi32>
      %add3A_191 = arith.constant 48 : i32
      %add3A_192 = arith.addi %mul3A_8, %add3A_191 : i32
      %add3A_193 = vector.broadcast %add3A_192 : i32 to vector<16xi32>
      %add3A_194 = arith.addi %iota3A, %add3A_193 : vector<16xi32>
      %convert_element_type3A_195 = arith.extui %lt3A_190 : vector<16xi1> to vector<16xi32>
      %broadcast_in_dim3A_196 = arith.constant true
      %broadcast_in_dim3A_197 = vector.broadcast %broadcast_in_dim3A_196 : i1 to vector<16xi1>
      %masked_cumsum3A_198 = tpu.scan <sum>, %convert_element_type3A_195 masked %broadcast_in_dim3A_197 : vector<16xi32>, vector<16xi1> -> vector<16xi32>
      %add3A_199 = vector.broadcast %add3A_176 : i32 to vector<16xi32>
      %add3A_200 = arith.addi %add3A_199, %masked_cumsum3A_198 : vector<16xi32>
      %sub3A_201 = arith.constant 1 : i32
      %sub3A_202 = vector.broadcast %sub3A_201 : i32 to vector<16xi32>
      %sub3A_203 = arith.subi %add3A_200, %sub3A_202 : vector<16xi32>
      tpu.vector_store_idx %arg14[%sub3A_203], %add3A_194 masked %lt3A_190 : memref<336xi32, #tpu.memory_space<vmem>>[vector<16xi32>], vector<16xi32>, vector<16xi1>
      tpu.vector_store_idx %arg15[%sub3A_203], %get3A_187 masked %lt3A_190 : memref<336xi32, #tpu.memory_space<vmem>>[vector<16xi32>], vector<16xi32>, vector<16xi1>
      %slice3A_204 = vector.extract_strided_slice %masked_cumsum3A_198 {offsets = [15], sizes = [1], strides = [1]} : vector<16xi32> to vector<1xi32>
      %squeeze3A_205 = vector.extract %slice3A_204[0] : i32 from vector<1xi32>
      %add3A_206 = arith.addi %add3A_176, %squeeze3A_205 : i32
      %min3A_207 = arith.constant 4095 : i32
      %min3A_208 = vector.broadcast %min3A_207 : i32 to vector<16xi32>
      %min3A_209 = arith.minsi %get3A_187, %min3A_208 : vector<16xi32>
      %gather3A_210 = tpu.vector_load_idx %arg22[%min3A_209] : memref<4096xi32, #tpu.memory_space<vmem>>[vector<16xi32>], vector<16xi32>,
      %get3A_211 = arith.constant 48 : index
      %get3A_212 = tpu.vector_load %arg23[%get3A_211] {strides = array<i32>} : memref<320xi32, #tpu.memory_space<vmem>>, vector<16xi32>,
      %select_n3A_213 = arith.select %lt3A_190, %gather3A_210, %get3A_212 : vector<16xi1>, vector<16xi32>
      %swap3A_214 = arith.constant 48 : index
      %swap3A_215 = tpu.vector_load %arg24[%swap3A_214] {strides = array<i32>} : memref<320xi32, #tpu.memory_space<vmem>>, vector<16xi32>,
      tpu.vector_store %arg24[%swap3A_214], %select_n3A_213 {strides = array<i32>} : memref<320xi32, #tpu.memory_space<vmem>>, vector<16xi32>,
      %get3A_216 = arith.constant 64 : index
      %get3A_217 = tpu.vector_load %arg10[%get3A_216] {strides = array<i32>} : memref<320xi32, #tpu.memory_space<vmem>>, vector<16xi32>,
      %lt3A_218 = arith.constant 4096 : i32
      %lt3A_219 = vector.broadcast %lt3A_218 : i32 to vector<16xi32>
      %lt3A_220 = arith.cmpi slt, %get3A_217, %lt3A_219 : vector<16xi32>
      %add3A_221 = arith.constant 64 : i32
      %add3A_222 = arith.addi %mul3A_8, %add3A_221 : i32
      %add3A_223 = vector.broadcast %add3A_222 : i32 to vector<16xi32>
      %add3A_224 = arith.addi %iota3A, %add3A_223 : vector<16xi32>
      %convert_element_type3A_225 = arith.extui %lt3A_220 : vector<16xi1> to vector<16xi32>
      %broadcast_in_dim3A_226 = arith.constant true
      %broadcast_in_dim3A_227 = vector.broadcast %broadcast_in_dim3A_226 : i1 to vector<16xi1>
      %masked_cumsum3A_228 = tpu.scan <sum>, %convert_element_type3A_225 masked %broadcast_in_dim3A_227 : vector<16xi32>, vector<16xi1> -> vector<16xi32>
      %add3A_229 = vector.broadcast %add3A_206 : i32 to vector<16xi32>
      %add3A_230 = arith.addi %add3A_229, %masked_cumsum3A_228 : vector<16xi32>
      %sub3A_231 = arith.constant 1 : i32
      %sub3A_232 = vector.broadcast %sub3A_231 : i32 to vector<16xi32>
      %sub3A_233 = arith.subi %add3A_230, %sub3A_232 : vector<16xi32>
      tpu.vector_store_idx %arg14[%sub3A_233], %add3A_224 masked %lt3A_220 : memref<336xi32, #tpu.memory_space<vmem>>[vector<16xi32>], vector<16xi32>, vector<16xi1>
      tpu.vector_store_idx %arg15[%sub3A_233], %get3A_217 masked %lt3A_220 : memref<336xi32, #tpu.memory_space<vmem>>[vector<16xi32>], vector<16xi32>, vector<16xi1>
      %slice3A_234 = vector.extract_strided_slice %masked_cumsum3A_228 {offsets = [15], sizes = [1], strides = [1]} : vector<16xi32> to vector<1xi32>
      %squeeze3A_235 = vector.extract %slice3A_234[0] : i32 from vector<1xi32>
      %add3A_236 = arith.addi %add3A_206, %squeeze3A_235 : i32
      %min3A_237 = arith.constant 4095 : i32
      %min3A_238 = vector.broadcast %min3A_237 : i32 to vector<16xi32>
      %min3A_239 = arith.minsi %get3A_217, %min3A_238 : vector<16xi32>
      %gather3A_240 = tpu.vector_load_idx %arg22[%min3A_239] : memref<4096xi32, #tpu.memory_space<vmem>>[vector<16xi32>], vector<16xi32>,
      %get3A_241 = arith.constant 64 : index
      %get3A_242 = tpu.vector_load %arg23[%get3A_241] {strides = array<i32>} : memref<320xi32, #tpu.memory_space<vmem>>, vector<16xi32>,
      %select_n3A_243 = arith.select %lt3A_220, %gather3A_240, %get3A_242 : vector<16xi1>, vector<16xi32>
      %swap3A_244 = arith.constant 64 : index
      %swap3A_245 = tpu.vector_load %arg24[%swap3A_244] {strides = array<i32>} : memref<320xi32, #tpu.memory_space<vmem>>, vector<16xi32>,
      tpu.vector_store %arg24[%swap3A_244], %select_n3A_243 {strides = array<i32>} : memref<320xi32, #tpu.memory_space<vmem>>, vector<16xi32>,
      %get3A_246 = arith.constant 80 : index
      %get3A_247 = tpu.vector_load %arg10[%get3A_246] {strides = array<i32>} : memref<320xi32, #tpu.memory_space<vmem>>, vector<16xi32>,
      %lt3A_248 = arith.constant 4096 : i32
      %lt3A_249 = vector.broadcast %lt3A_248 : i32 to vector<16xi32>
      %lt3A_250 = arith.cmpi slt, %get3A_247, %lt3A_249 : vector<16xi32>
      %add3A_251 = arith.constant 80 : i32
      %add3A_252 = arith.addi %mul3A_8, %add3A_251 : i32
      %add3A_253 = vector.broadcast %add3A_252 : i32 to vector<16xi32>
      %add3A_254 = arith.addi %iota3A, %add3A_253 : vector<16xi32>
      %convert_element_type3A_255 = arith.extui %lt3A_250 : vector<16xi1> to vector<16xi32>
      %broadcast_in_dim3A_256 = arith.constant true
      %broadcast_in_dim3A_257 = vector.broadcast %broadcast_in_dim3A_256 : i1 to vector<16xi1>
      %masked_cumsum3A_258 = tpu.scan <sum>, %convert_element_type3A_255 masked %broadcast_in_dim3A_257 : vector<16xi32>, vector<16xi1> -> vector<16xi32>
      %add3A_259 = vector.broadcast %add3A_236 : i32 to vector<16xi32>
      %add3A_260 = arith.addi %add3A_259, %masked_cumsum3A_258 : vector<16xi32>
      %sub3A_261 = arith.constant 1 : i32
      %sub3A_262 = vector.broadcast %sub3A_261 : i32 to vector<16xi32>
      %sub3A_263 = arith.subi %add3A_260, %sub3A_262 : vector<16xi32>
      tpu.vector_store_idx %arg14[%sub3A_263], %add3A_254 masked %lt3A_250 : memref<336xi32, #tpu.memory_space<vmem>>[vector<16xi32>], vector<16xi32>, vector<16xi1>
      tpu.vector_store_idx %arg15[%sub3A_263], %get3A_247 masked %lt3A_250 : memref<336xi32, #tpu.memory_space<vmem>>[vector<16xi32>], vector<16xi32>, vector<16xi1>
      %slice3A_264 = vector.extract_strided_slice %masked_cumsum3A_258 {offsets = [15], sizes = [1], strides = [1]} : vector<16xi32> to vector<1xi32>
      %squeeze3A_265 = vector.extract %slice3A_264[0] : i32 from vector<1xi32>
      %add3A_266 = arith.addi %add3A_236, %squeeze3A_265 : i32
      %min3A_267 = arith.constant 4095 : i32
      %min3A_268 = vector.broadcast %min3A_267 : i32 to vector<16xi32>
      %min3A_269 = arith.minsi %get3A_247, %min3A_268 : vector<16xi32>
      %gather3A_270 = tpu.vector_load_idx %arg22[%min3A_269] : memref<4096xi32, #tpu.memory_space<vmem>>[vector<16xi32>], vector<16xi32>,
      %get3A_271 = arith.constant 80 : index
      %get3A_272 = tpu.vector_load %arg23[%get3A_271] {strides = array<i32>} : memref<320xi32, #tpu.memory_space<vmem>>, vector<16xi32>,
      %select_n3A_273 = arith.select %lt3A_250, %gather3A_270, %get3A_272 : vector<16xi1>, vector<16xi32>
      %swap3A_274 = arith.constant 80 : index
      %swap3A_275 = tpu.vector_load %arg24[%swap3A_274] {strides = array<i32>} : memref<320xi32, #tpu.memory_space<vmem>>, vector<16xi32>,
      tpu.vector_store %arg24[%swap3A_274], %select_n3A_273 {strides = array<i32>} : memref<320xi32, #tpu.memory_space<vmem>>, vector<16xi32>,
      %get3A_276 = arith.constant 96 : index
      %get3A_277 = tpu.vector_load %arg10[%get3A_276] {strides = array<i32>} : memref<320xi32, #tpu.memory_space<vmem>>, vector<16xi32>,
      %lt3A_278 = arith.constant 4096 : i32
      %lt3A_279 = vector.broadcast %lt3A_278 : i32 to vector<16xi32>
      %lt3A_280 = arith.cmpi slt, %get3A_277, %lt3A_279 : vector<16xi32>
      %add3A_281 = arith.constant 96 : i32
      %add3A_282 = arith.addi %mul3A_8, %add3A_281 : i32
      %add3A_283 = vector.broadcast %add3A_282 : i32 to vector<16xi32>
      %add3A_284 = arith.addi %iota3A, %add3A_283 : vector<16xi32>
      %convert_element_type3A_285 = arith.extui %lt3A_280 : vector<16xi1> to vector<16xi32>
      %broadcast_in_dim3A_286 = arith.constant true
      %broadcast_in_dim3A_287 = vector.broadcast %broadcast_in_dim3A_286 : i1 to vector<16xi1>
      %masked_cumsum3A_288 = tpu.scan <sum>, %convert_element_type3A_285 masked %broadcast_in_dim3A_287 : vector<16xi32>, vector<16xi1> -> vector<16xi32>
      %add3A_289 = vector.broadcast %add3A_266 : i32 to vector<16xi32>
      %add3A_290 = arith.addi %add3A_289, %masked_cumsum3A_288 : vector<16xi32>
      %sub3A_291 = arith.constant 1 : i32
      %sub3A_292 = vector.broadcast %sub3A_291 : i32 to vector<16xi32>
      %sub3A_293 = arith.subi %add3A_290, %sub3A_292 : vector<16xi32>
      tpu.vector_store_idx %arg14[%sub3A_293], %add3A_284 masked %lt3A_280 : memref<336xi32, #tpu.memory_space<vmem>>[vector<16xi32>], vector<16xi32>, vector<16xi1>
      tpu.vector_store_idx %arg15[%sub3A_293], %get3A_277 masked %lt3A_280 : memref<336xi32, #tpu.memory_space<vmem>>[vector<16xi32>], vector<16xi32>, vector<16xi1>
      %slice3A_294 = vector.extract_strided_slice %masked_cumsum3A_288 {offsets = [15], sizes = [1], strides = [1]} : vector<16xi32> to vector<1xi32>
      %squeeze3A_295 = vector.extract %slice3A_294[0] : i32 from vector<1xi32>
      %add3A_296 = arith.addi %add3A_266, %squeeze3A_295 : i32
      %min3A_297 = arith.constant 4095 : i32
      %min3A_298 = vector.broadcast %min3A_297 : i32 to vector<16xi32>
      %min3A_299 = arith.minsi %get3A_277, %min3A_298 : vector<16xi32>
      %gather3A_300 = tpu.vector_load_idx %arg22[%min3A_299] : memref<4096xi32, #tpu.memory_space<vmem>>[vector<16xi32>], vector<16xi32>,
      %get3A_301 = arith.constant 96 : index
      %get3A_302 = tpu.vector_load %arg23[%get3A_301] {strides = array<i32>} : memref<320xi32, #tpu.memory_space<vmem>>, vector<16xi32>,
      %select_n3A_303 = arith.select %lt3A_280, %gather3A_300, %get3A_302 : vector<16xi1>, vector<16xi32>
      %swap3A_304 = arith.constant 96 : index
      %swap3A_305 = tpu.vector_load %arg24[%swap3A_304] {strides = array<i32>} : memref<320xi32, #tpu.memory_space<vmem>>, vector<16xi32>,
      tpu.vector_store %arg24[%swap3A_304], %select_n3A_303 {strides = array<i32>} : memref<320xi32, #tpu.memory_space<vmem>>, vector<16xi32>,
      %get3A_306 = arith.constant 112 : index
      %get3A_307 = tpu.vector_load %arg10[%get3A_306] {strides = array<i32>} : memref<320xi32, #tpu.memory_space<vmem>>, vector<16xi32>,
      %lt3A_308 = arith.constant 4096 : i32
      %lt3A_309 = vector.broadcast %lt3A_308 : i32 to vector<16xi32>
      %lt3A_310 = arith.cmpi slt, %get3A_307, %lt3A_309 : vector<16xi32>
      %add3A_311 = arith.constant 112 : i32
      %add3A_312 = arith.addi %mul3A_8, %add3A_311 : i32
      %add3A_313 = vector.broadcast %add3A_312 : i32 to vector<16xi32>
      %add3A_314 = arith.addi %iota3A, %add3A_313 : vector<16xi32>
      %convert_element_type3A_315 = arith.extui %lt3A_310 : vector<16xi1> to vector<16xi32>
      %broadcast_in_dim3A_316 = arith.constant true
      %broadcast_in_dim3A_317 = vector.broadcast %broadcast_in_dim3A_316 : i1 to vector<16xi1>
      %masked_cumsum3A_318 = tpu.scan <sum>, %convert_element_type3A_315 masked %broadcast_in_dim3A_317 : vector<16xi32>, vector<16xi1> -> vector<16xi32>
      %add3A_319 = vector.broadcast %add3A_296 : i32 to vector<16xi32>
      %add3A_320 = arith.addi %add3A_319, %masked_cumsum3A_318 : vector<16xi32>
      %sub3A_321 = arith.constant 1 : i32
      %sub3A_322 = vector.broadcast %sub3A_321 : i32 to vector<16xi32>
      %sub3A_323 = arith.subi %add3A_320, %sub3A_322 : vector<16xi32>
      tpu.vector_store_idx %arg14[%sub3A_323], %add3A_314 masked %lt3A_310 : memref<336xi32, #tpu.memory_space<vmem>>[vector<16xi32>], vector<16xi32>, vector<16xi1>
      tpu.vector_store_idx %arg15[%sub3A_323], %get3A_307 masked %lt3A_310 : memref<336xi32, #tpu.memory_space<vmem>>[vector<16xi32>], vector<16xi32>, vector<16xi1>
      %slice3A_324 = vector.extract_strided_slice %masked_cumsum3A_318 {offsets = [15], sizes = [1], strides = [1]} : vector<16xi32> to vector<1xi32>
      %squeeze3A_325 = vector.extract %slice3A_324[0] : i32 from vector<1xi32>
      %add3A_326 = arith.addi %add3A_296, %squeeze3A_325 : i32
      %min3A_327 = arith.constant 4095 : i32
      %min3A_328 = vector.broadcast %min3A_327 : i32 to vector<16xi32>
      %min3A_329 = arith.minsi %get3A_307, %min3A_328 : vector<16xi32>
      %gather3A_330 = tpu.vector_load_idx %arg22[%min3A_329] : memref<4096xi32, #tpu.memory_space<vmem>>[vector<16xi32>], vector<16xi32>,
      %get3A_331 = arith.constant 112 : index
      %get3A_332 = tpu.vector_load %arg23[%get3A_331] {strides = array<i32>} : memref<320xi32, #tpu.memory_space<vmem>>, vector<16xi32>,
      %select_n3A_333 = arith.select %lt3A_310, %gather3A_330, %get3A_332 : vector<16xi1>, vector<16xi32>
      %swap3A_334 = arith.constant 112 : index
      %swap3A_335 = tpu.vector_load %arg24[%swap3A_334] {strides = array<i32>} : memref<320xi32, #tpu.memory_space<vmem>>, vector<16xi32>,
      tpu.vector_store %arg24[%swap3A_334], %select_n3A_333 {strides = array<i32>} : memref<320xi32, #tpu.memory_space<vmem>>, vector<16xi32>,
      %get3A_336 = arith.constant 128 : index
      %get3A_337 = tpu.vector_load %arg10[%get3A_336] {strides = array<i32>} : memref<320xi32, #tpu.memory_space<vmem>>, vector<16xi32>,
      %lt3A_338 = arith.constant 4096 : i32
      %lt3A_339 = vector.broadcast %lt3A_338 : i32 to vector<16xi32>
      %lt3A_340 = arith.cmpi slt, %get3A_337, %lt3A_339 : vector<16xi32>
      %add3A_341 = arith.constant 128 : i32
      %add3A_342 = arith.addi %mul3A_8, %add3A_341 : i32
      %add3A_343 = vector.broadcast %add3A_342 : i32 to vector<16xi32>
      %add3A_344 = arith.addi %iota3A, %add3A_343 : vector<16xi32>
      %convert_element_type3A_345 = arith.extui %lt3A_340 : vector<16xi1> to vector<16xi32>
      %broadcast_in_dim3A_346 = arith.constant true
      %broadcast_in_dim3A_347 = vector.broadcast %broadcast_in_dim3A_346 : i1 to vector<16xi1>
      %masked_cumsum3A_348 = tpu.scan <sum>, %convert_element_type3A_345 masked %broadcast_in_dim3A_347 : vector<16xi32>, vector<16xi1> -> vector<16xi32>
      %add3A_349 = vector.broadcast %add3A_326 : i32 to vector<16xi32>
      %add3A_350 = arith.addi %add3A_349, %masked_cumsum3A_348 : vector<16xi32>
      %sub3A_351 = arith.constant 1 : i32
      %sub3A_352 = vector.broadcast %sub3A_351 : i32 to vector<16xi32>
      %sub3A_353 = arith.subi %add3A_350, %sub3A_352 : vector<16xi32>
      tpu.vector_store_idx %arg14[%sub3A_353], %add3A_344 masked %lt3A_340 : memref<336xi32, #tpu.memory_space<vmem>>[vector<16xi32>], vector<16xi32>, vector<16xi1>
      tpu.vector_store_idx %arg15[%sub3A_353], %get3A_337 masked %lt3A_340 : memref<336xi32, #tpu.memory_space<vmem>>[vector<16xi32>], vector<16xi32>, vector<16xi1>
      %slice3A_354 = vector.extract_strided_slice %masked_cumsum3A_348 {offsets = [15], sizes = [1], strides = [1]} : vector<16xi32> to vector<1xi32>
      %squeeze3A_355 = vector.extract %slice3A_354[0] : i32 from vector<1xi32>
      %add3A_356 = arith.addi %add3A_326, %squeeze3A_355 : i32
      %min3A_357 = arith.constant 4095 : i32
      %min3A_358 = vector.broadcast %min3A_357 : i32 to vector<16xi32>
      %min3A_359 = arith.minsi %get3A_337, %min3A_358 : vector<16xi32>
      %gather3A_360 = tpu.vector_load_idx %arg22[%min3A_359] : memref<4096xi32, #tpu.memory_space<vmem>>[vector<16xi32>], vector<16xi32>,
      %get3A_361 = arith.constant 128 : index
      %get3A_362 = tpu.vector_load %arg23[%get3A_361] {strides = array<i32>} : memref<320xi32, #tpu.memory_space<vmem>>, vector<16xi32>,
      %select_n3A_363 = arith.select %lt3A_340, %gather3A_360, %get3A_362 : vector<16xi1>, vector<16xi32>
      %swap3A_364 = arith.constant 128 : index
      %swap3A_365 = tpu.vector_load %arg24[%swap3A_364] {strides = array<i32>} : memref<320xi32, #tpu.memory_space<vmem>>, vector<16xi32>,
      tpu.vector_store %arg24[%swap3A_364], %select_n3A_363 {strides = array<i32>} : memref<320xi32, #tpu.memory_space<vmem>>, vector<16xi32>,
      %get3A_366 = arith.constant 144 : index
      %get3A_367 = tpu.vector_load %arg10[%get3A_366] {strides = array<i32>} : memref<320xi32, #tpu.memory_space<vmem>>, vector<16xi32>,
      %lt3A_368 = arith.constant 4096 : i32
      %lt3A_369 = vector.broadcast %lt3A_368 : i32 to vector<16xi32>
      %lt3A_370 = arith.cmpi slt, %get3A_367, %lt3A_369 : vector<16xi32>
      %add3A_371 = arith.constant 144 : i32
      %add3A_372 = arith.addi %mul3A_8, %add3A_371 : i32
      %add3A_373 = vector.broadcast %add3A_372 : i32 to vector<16xi32>
      %add3A_374 = arith.addi %iota3A, %add3A_373 : vector<16xi32>
      %convert_element_type3A_375 = arith.extui %lt3A_370 : vector<16xi1> to vector<16xi32>
      %broadcast_in_dim3A_376 = arith.constant true
      %broadcast_in_dim3A_377 = vector.broadcast %broadcast_in_dim3A_376 : i1 to vector<16xi1>
      %masked_cumsum3A_378 = tpu.scan <sum>, %convert_element_type3A_375 masked %broadcast_in_dim3A_377 : vector<16xi32>, vector<16xi1> -> vector<16xi32>
      %add3A_379 = vector.broadcast %add3A_356 : i32 to vector<16xi32>
      %add3A_380 = arith.addi %add3A_379, %masked_cumsum3A_378 : vector<16xi32>
      %sub3A_381 = arith.constant 1 : i32
      %sub3A_382 = vector.broadcast %sub3A_381 : i32 to vector<16xi32>
      %sub3A_383 = arith.subi %add3A_380, %sub3A_382 : vector<16xi32>
      tpu.vector_store_idx %arg14[%sub3A_383], %add3A_374 masked %lt3A_370 : memref<336xi32, #tpu.memory_space<vmem>>[vector<16xi32>], vector<16xi32>, vector<16xi1>
      tpu.vector_store_idx %arg15[%sub3A_383], %get3A_367 masked %lt3A_370 : memref<336xi32, #tpu.memory_space<vmem>>[vector<16xi32>], vector<16xi32>, vector<16xi1>
      %slice3A_384 = vector.extract_strided_slice %masked_cumsum3A_378 {offsets = [15], sizes = [1], strides = [1]} : vector<16xi32> to vector<1xi32>
      %squeeze3A_385 = vector.extract %slice3A_384[0] : i32 from vector<1xi32>
      %add3A_386 = arith.addi %add3A_356, %squeeze3A_385 : i32
      %min3A_387 = arith.constant 4095 : i32
      %min3A_388 = vector.broadcast %min3A_387 : i32 to vector<16xi32>
      %min3A_389 = arith.minsi %get3A_367, %min3A_388 : vector<16xi32>
      %gather3A_390 = tpu.vector_load_idx %arg22[%min3A_389] : memref<4096xi32, #tpu.memory_space<vmem>>[vector<16xi32>], vector<16xi32>,
      %get3A_391 = arith.constant 144 : index
      %get3A_392 = tpu.vector_load %arg23[%get3A_391] {strides = array<i32>} : memref<320xi32, #tpu.memory_space<vmem>>, vector<16xi32>,
      %select_n3A_393 = arith.select %lt3A_370, %gather3A_390, %get3A_392 : vector<16xi1>, vector<16xi32>
      %swap3A_394 = arith.constant 144 : index
      %swap3A_395 = tpu.vector_load %arg24[%swap3A_394] {strides = array<i32>} : memref<320xi32, #tpu.memory_space<vmem>>, vector<16xi32>,
      tpu.vector_store %arg24[%swap3A_394], %select_n3A_393 {strides = array<i32>} : memref<320xi32, #tpu.memory_space<vmem>>, vector<16xi32>,
      %get3A_396 = arith.constant 160 : index
      %get3A_397 = tpu.vector_load %arg10[%get3A_396] {strides = array<i32>} : memref<320xi32, #tpu.memory_space<vmem>>, vector<16xi32>,
      %lt3A_398 = arith.constant 4096 : i32
      %lt3A_399 = vector.broadcast %lt3A_398 : i32 to vector<16xi32>
      %lt3A_400 = arith.cmpi slt, %get3A_397, %lt3A_399 : vector<16xi32>
      %add3A_401 = arith.constant 160 : i32
      %add3A_402 = arith.addi %mul3A_8, %add3A_401 : i32
      %add3A_403 = vector.broadcast %add3A_402 : i32 to vector<16xi32>
      %add3A_404 = arith.addi %iota3A, %add3A_403 : vector<16xi32>
      %convert_element_type3A_405 = arith.extui %lt3A_400 : vector<16xi1> to vector<16xi32>
      %broadcast_in_dim3A_406 = arith.constant true
      %broadcast_in_dim3A_407 = vector.broadcast %broadcast_in_dim3A_406 : i1 to vector<16xi1>
      %masked_cumsum3A_408 = tpu.scan <sum>, %convert_element_type3A_405 masked %broadcast_in_dim3A_407 : vector<16xi32>, vector<16xi1> -> vector<16xi32>
      %add3A_409 = vector.broadcast %add3A_386 : i32 to vector<16xi32>
      %add3A_410 = arith.addi %add3A_409, %masked_cumsum3A_408 : vector<16xi32>
      %sub3A_411 = arith.constant 1 : i32
      %sub3A_412 = vector.broadcast %sub3A_411 : i32 to vector<16xi32>
      %sub3A_413 = arith.subi %add3A_410, %sub3A_412 : vector<16xi32>
      tpu.vector_store_idx %arg14[%sub3A_413], %add3A_404 masked %lt3A_400 : memref<336xi32, #tpu.memory_space<vmem>>[vector<16xi32>], vector<16xi32>, vector<16xi1>
      tpu.vector_store_idx %arg15[%sub3A_413], %get3A_397 masked %lt3A_400 : memref<336xi32, #tpu.memory_space<vmem>>[vector<16xi32>], vector<16xi32>, vector<16xi1>
      %slice3A_414 = vector.extract_strided_slice %masked_cumsum3A_408 {offsets = [15], sizes = [1], strides = [1]} : vector<16xi32> to vector<1xi32>
      %squeeze3A_415 = vector.extract %slice3A_414[0] : i32 from vector<1xi32>
      %add3A_416 = arith.addi %add3A_386, %squeeze3A_415 : i32
      %min3A_417 = arith.constant 4095 : i32
      %min3A_418 = vector.broadcast %min3A_417 : i32 to vector<16xi32>
      %min3A_419 = arith.minsi %get3A_397, %min3A_418 : vector<16xi32>
      %gather3A_420 = tpu.vector_load_idx %arg22[%min3A_419] : memref<4096xi32, #tpu.memory_space<vmem>>[vector<16xi32>], vector<16xi32>,
      %get3A_421 = arith.constant 160 : index
      %get3A_422 = tpu.vector_load %arg23[%get3A_421] {strides = array<i32>} : memref<320xi32, #tpu.memory_space<vmem>>, vector<16xi32>,
      %select_n3A_423 = arith.select %lt3A_400, %gather3A_420, %get3A_422 : vector<16xi1>, vector<16xi32>
      %swap3A_424 = arith.constant 160 : index
      %swap3A_425 = tpu.vector_load %arg24[%swap3A_424] {strides = array<i32>} : memref<320xi32, #tpu.memory_space<vmem>>, vector<16xi32>,
      tpu.vector_store %arg24[%swap3A_424], %select_n3A_423 {strides = array<i32>} : memref<320xi32, #tpu.memory_space<vmem>>, vector<16xi32>,
      %get3A_426 = arith.constant 176 : index
      %get3A_427 = tpu.vector_load %arg10[%get3A_426] {strides = array<i32>} : memref<320xi32, #tpu.memory_space<vmem>>, vector<16xi32>,
      %lt3A_428 = arith.constant 4096 : i32
      %lt3A_429 = vector.broadcast %lt3A_428 : i32 to vector<16xi32>
      %lt3A_430 = arith.cmpi slt, %get3A_427, %lt3A_429 : vector<16xi32>
      %add3A_431 = arith.constant 176 : i32
      %add3A_432 = arith.addi %mul3A_8, %add3A_431 : i32
      %add3A_433 = vector.broadcast %add3A_432 : i32 to vector<16xi32>
      %add3A_434 = arith.addi %iota3A, %add3A_433 : vector<16xi32>
      %convert_element_type3A_435 = arith.extui %lt3A_430 : vector<16xi1> to vector<16xi32>
      %broadcast_in_dim3A_436 = arith.constant true
      %broadcast_in_dim3A_437 = vector.broadcast %broadcast_in_dim3A_436 : i1 to vector<16xi1>
      %masked_cumsum3A_438 = tpu.scan <sum>, %convert_element_type3A_435 masked %broadcast_in_dim3A_437 : vector<16xi32>, vector<16xi1> -> vector<16xi32>
      %add3A_439 = vector.broadcast %add3A_416 : i32 to vector<16xi32>
      %add3A_440 = arith.addi %add3A_439, %masked_cumsum3A_438 : vector<16xi32>
      %sub3A_441 = arith.constant 1 : i32
      %sub3A_442 = vector.broadcast %sub3A_441 : i32 to vector<16xi32>
      %sub3A_443 = arith.subi %add3A_440, %sub3A_442 : vector<16xi32>
      tpu.vector_store_idx %arg14[%sub3A_443], %add3A_434 masked %lt3A_430 : memref<336xi32, #tpu.memory_space<vmem>>[vector<16xi32>], vector<16xi32>, vector<16xi1>
      tpu.vector_store_idx %arg15[%sub3A_443], %get3A_427 masked %lt3A_430 : memref<336xi32, #tpu.memory_space<vmem>>[vector<16xi32>], vector<16xi32>, vector<16xi1>
      %slice3A_444 = vector.extract_strided_slice %masked_cumsum3A_438 {offsets = [15], sizes = [1], strides = [1]} : vector<16xi32> to vector<1xi32>
      %squeeze3A_445 = vector.extract %slice3A_444[0] : i32 from vector<1xi32>
      %add3A_446 = arith.addi %add3A_416, %squeeze3A_445 : i32
      %min3A_447 = arith.constant 4095 : i32
      %min3A_448 = vector.broadcast %min3A_447 : i32 to vector<16xi32>
      %min3A_449 = arith.minsi %get3A_427, %min3A_448 : vector<16xi32>
      %gather3A_450 = tpu.vector_load_idx %arg22[%min3A_449] : memref<4096xi32, #tpu.memory_space<vmem>>[vector<16xi32>], vector<16xi32>,
      %get3A_451 = arith.constant 176 : index
      %get3A_452 = tpu.vector_load %arg23[%get3A_451] {strides = array<i32>} : memref<320xi32, #tpu.memory_space<vmem>>, vector<16xi32>,
      %select_n3A_453 = arith.select %lt3A_430, %gather3A_450, %get3A_452 : vector<16xi1>, vector<16xi32>
      %swap3A_454 = arith.constant 176 : index
      %swap3A_455 = tpu.vector_load %arg24[%swap3A_454] {strides = array<i32>} : memref<320xi32, #tpu.memory_space<vmem>>, vector<16xi32>,
      tpu.vector_store %arg24[%swap3A_454], %select_n3A_453 {strides = array<i32>} : memref<320xi32, #tpu.memory_space<vmem>>, vector<16xi32>,
      %get3A_456 = arith.constant 192 : index
      %get3A_457 = tpu.vector_load %arg10[%get3A_456] {strides = array<i32>} : memref<320xi32, #tpu.memory_space<vmem>>, vector<16xi32>,
      %lt3A_458 = arith.constant 4096 : i32
      %lt3A_459 = vector.broadcast %lt3A_458 : i32 to vector<16xi32>
      %lt3A_460 = arith.cmpi slt, %get3A_457, %lt3A_459 : vector<16xi32>
      %add3A_461 = arith.constant 192 : i32
      %add3A_462 = arith.addi %mul3A_8, %add3A_461 : i32
      %add3A_463 = vector.broadcast %add3A_462 : i32 to vector<16xi32>
      %add3A_464 = arith.addi %iota3A, %add3A_463 : vector<16xi32>
      %convert_element_type3A_465 = arith.extui %lt3A_460 : vector<16xi1> to vector<16xi32>
      %broadcast_in_dim3A_466 = arith.constant true
      %broadcast_in_dim3A_467 = vector.broadcast %broadcast_in_dim3A_466 : i1 to vector<16xi1>
      %masked_cumsum3A_468 = tpu.scan <sum>, %convert_element_type3A_465 masked %broadcast_in_dim3A_467 : vector<16xi32>, vector<16xi1> -> vector<16xi32>
      %add3A_469 = vector.broadcast %add3A_446 : i32 to vector<16xi32>
      %add3A_470 = arith.addi %add3A_469, %masked_cumsum3A_468 : vector<16xi32>
      %sub3A_471 = arith.constant 1 : i32
      %sub3A_472 = vector.broadcast %sub3A_471 : i32 to vector<16xi32>
      %sub3A_473 = arith.subi %add3A_470, %sub3A_472 : vector<16xi32>
      tpu.vector_store_idx %arg14[%sub3A_473], %add3A_464 masked %lt3A_460 : memref<336xi32, #tpu.memory_space<vmem>>[vector<16xi32>], vector<16xi32>, vector<16xi1>
      tpu.vector_store_idx %arg15[%sub3A_473], %get3A_457 masked %lt3A_460 : memref<336xi32, #tpu.memory_space<vmem>>[vector<16xi32>], vector<16xi32>, vector<16xi1>
      %slice3A_474 = vector.extract_strided_slice %masked_cumsum3A_468 {offsets = [15], sizes = [1], strides = [1]} : vector<16xi32> to vector<1xi32>
      %squeeze3A_475 = vector.extract %slice3A_474[0] : i32 from vector<1xi32>
      %add3A_476 = arith.addi %add3A_446, %squeeze3A_475 : i32
      %min3A_477 = arith.constant 4095 : i32
      %min3A_478 = vector.broadcast %min3A_477 : i32 to vector<16xi32>
      %min3A_479 = arith.minsi %get3A_457, %min3A_478 : vector<16xi32>
      %gather3A_480 = tpu.vector_load_idx %arg22[%min3A_479] : memref<4096xi32, #tpu.memory_space<vmem>>[vector<16xi32>], vector<16xi32>,
      %get3A_481 = arith.constant 192 : index
      %get3A_482 = tpu.vector_load %arg23[%get3A_481] {strides = array<i32>} : memref<320xi32, #tpu.memory_space<vmem>>, vector<16xi32>,
      %select_n3A_483 = arith.select %lt3A_460, %gather3A_480, %get3A_482 : vector<16xi1>, vector<16xi32>
      %swap3A_484 = arith.constant 192 : index
      %swap3A_485 = tpu.vector_load %arg24[%swap3A_484] {strides = array<i32>} : memref<320xi32, #tpu.memory_space<vmem>>, vector<16xi32>,
      tpu.vector_store %arg24[%swap3A_484], %select_n3A_483 {strides = array<i32>} : memref<320xi32, #tpu.memory_space<vmem>>, vector<16xi32>,
      %get3A_486 = arith.constant 208 : index
      %get3A_487 = tpu.vector_load %arg10[%get3A_486] {strides = array<i32>} : memref<320xi32, #tpu.memory_space<vmem>>, vector<16xi32>,
      %lt3A_488 = arith.constant 4096 : i32
      %lt3A_489 = vector.broadcast %lt3A_488 : i32 to vector<16xi32>
      %lt3A_490 = arith.cmpi slt, %get3A_487, %lt3A_489 : vector<16xi32>
      %add3A_491 = arith.constant 208 : i32
      %add3A_492 = arith.addi %mul3A_8, %add3A_491 : i32
      %add3A_493 = vector.broadcast %add3A_492 : i32 to vector<16xi32>
      %add3A_494 = arith.addi %iota3A, %add3A_493 : vector<16xi32>
      %convert_element_type3A_495 = arith.extui %lt3A_490 : vector<16xi1> to vector<16xi32>
      %broadcast_in_dim3A_496 = arith.constant true
      %broadcast_in_dim3A_497 = vector.broadcast %broadcast_in_dim3A_496 : i1 to vector<16xi1>
      %masked_cumsum3A_498 = tpu.scan <sum>, %convert_element_type3A_495 masked %broadcast_in_dim3A_497 : vector<16xi32>, vector<16xi1> -> vector<16xi32>
      %add3A_499 = vector.broadcast %add3A_476 : i32 to vector<16xi32>
      %add3A_500 = arith.addi %add3A_499, %masked_cumsum3A_498 : vector<16xi32>
      %sub3A_501 = arith.constant 1 : i32
      %sub3A_502 = vector.broadcast %sub3A_501 : i32 to vector<16xi32>
      %sub3A_503 = arith.subi %add3A_500, %sub3A_502 : vector<16xi32>
      tpu.vector_store_idx %arg14[%sub3A_503], %add3A_494 masked %lt3A_490 : memref<336xi32, #tpu.memory_space<vmem>>[vector<16xi32>], vector<16xi32>, vector<16xi1>
      tpu.vector_store_idx %arg15[%sub3A_503], %get3A_487 masked %lt3A_490 : memref<336xi32, #tpu.memory_space<vmem>>[vector<16xi32>], vector<16xi32>, vector<16xi1>
      %slice3A_504 = vector.extract_strided_slice %masked_cumsum3A_498 {offsets = [15], sizes = [1], strides = [1]} : vector<16xi32> to vector<1xi32>
      %squeeze3A_505 = vector.extract %slice3A_504[0] : i32 from vector<1xi32>
      %add3A_506 = arith.addi %add3A_476, %squeeze3A_505 : i32
      %min3A_507 = arith.constant 4095 : i32
      %min3A_508 = vector.broadcast %min3A_507 : i32 to vector<16xi32>
      %min3A_509 = arith.minsi %get3A_487, %min3A_508 : vector<16xi32>
      %gather3A_510 = tpu.vector_load_idx %arg22[%min3A_509] : memref<4096xi32, #tpu.memory_space<vmem>>[vector<16xi32>], vector<16xi32>,
      %get3A_511 = arith.constant 208 : index
      %get3A_512 = tpu.vector_load %arg23[%get3A_511] {strides = array<i32>} : memref<320xi32, #tpu.memory_space<vmem>>, vector<16xi32>,
      %select_n3A_513 = arith.select %lt3A_490, %gather3A_510, %get3A_512 : vector<16xi1>, vector<16xi32>
      %swap3A_514 = arith.constant 208 : index
      %swap3A_515 = tpu.vector_load %arg24[%swap3A_514] {strides = array<i32>} : memref<320xi32, #tpu.memory_space<vmem>>, vector<16xi32>,
      tpu.vector_store %arg24[%swap3A_514], %select_n3A_513 {strides = array<i32>} : memref<320xi32, #tpu.memory_space<vmem>>, vector<16xi32>,
      %get3A_516 = arith.constant 224 : index
      %get3A_517 = tpu.vector_load %arg10[%get3A_516] {strides = array<i32>} : memref<320xi32, #tpu.memory_space<vmem>>, vector<16xi32>,
      %lt3A_518 = arith.constant 4096 : i32
      %lt3A_519 = vector.broadcast %lt3A_518 : i32 to vector<16xi32>
      %lt3A_520 = arith.cmpi slt, %get3A_517, %lt3A_519 : vector<16xi32>
      %add3A_521 = arith.constant 224 : i32
      %add3A_522 = arith.addi %mul3A_8, %add3A_521 : i32
      %add3A_523 = vector.broadcast %add3A_522 : i32 to vector<16xi32>
      %add3A_524 = arith.addi %iota3A, %add3A_523 : vector<16xi32>
      %convert_element_type3A_525 = arith.extui %lt3A_520 : vector<16xi1> to vector<16xi32>
      %broadcast_in_dim3A_526 = arith.constant true
      %broadcast_in_dim3A_527 = vector.broadcast %broadcast_in_dim3A_526 : i1 to vector<16xi1>
      %masked_cumsum3A_528 = tpu.scan <sum>, %convert_element_type3A_525 masked %broadcast_in_dim3A_527 : vector<16xi32>, vector<16xi1> -> vector<16xi32>
      %add3A_529 = vector.broadcast %add3A_506 : i32 to vector<16xi32>
      %add3A_530 = arith.addi %add3A_529, %masked_cumsum3A_528 : vector<16xi32>
      %sub3A_531 = arith.constant 1 : i32
      %sub3A_532 = vector.broadcast %sub3A_531 : i32 to vector<16xi32>
      %sub3A_533 = arith.subi %add3A_530, %sub3A_532 : vector<16xi32>
      tpu.vector_store_idx %arg14[%sub3A_533], %add3A_524 masked %lt3A_520 : memref<336xi32, #tpu.memory_space<vmem>>[vector<16xi32>], vector<16xi32>, vector<16xi1>
      tpu.vector_store_idx %arg15[%sub3A_533], %get3A_517 masked %lt3A_520 : memref<336xi32, #tpu.memory_space<vmem>>[vector<16xi32>], vector<16xi32>, vector<16xi1>
      %slice3A_534 = vector.extract_strided_slice %masked_cumsum3A_528 {offsets = [15], sizes = [1], strides = [1]} : vector<16xi32> to vector<1xi32>
      %squeeze3A_535 = vector.extract %slice3A_534[0] : i32 from vector<1xi32>
      %add3A_536 = arith.addi %add3A_506, %squeeze3A_535 : i32
      %min3A_537 = arith.constant 4095 : i32
      %min3A_538 = vector.broadcast %min3A_537 : i32 to vector<16xi32>
      %min3A_539 = arith.minsi %get3A_517, %min3A_538 : vector<16xi32>
      %gather3A_540 = tpu.vector_load_idx %arg22[%min3A_539] : memref<4096xi32, #tpu.memory_space<vmem>>[vector<16xi32>], vector<16xi32>,
      %get3A_541 = arith.constant 224 : index
      %get3A_542 = tpu.vector_load %arg23[%get3A_541] {strides = array<i32>} : memref<320xi32, #tpu.memory_space<vmem>>, vector<16xi32>,
      %select_n3A_543 = arith.select %lt3A_520, %gather3A_540, %get3A_542 : vector<16xi1>, vector<16xi32>
      %swap3A_544 = arith.constant 224 : index
      %swap3A_545 = tpu.vector_load %arg24[%swap3A_544] {strides = array<i32>} : memref<320xi32, #tpu.memory_space<vmem>>, vector<16xi32>,
      tpu.vector_store %arg24[%swap3A_544], %select_n3A_543 {strides = array<i32>} : memref<320xi32, #tpu.memory_space<vmem>>, vector<16xi32>,
      %get3A_546 = arith.constant 240 : index
      %get3A_547 = tpu.vector_load %arg10[%get3A_546] {strides = array<i32>} : memref<320xi32, #tpu.memory_space<vmem>>, vector<16xi32>,
      %lt3A_548 = arith.constant 4096 : i32
      %lt3A_549 = vector.broadcast %lt3A_548 : i32 to vector<16xi32>
      %lt3A_550 = arith.cmpi slt, %get3A_547, %lt3A_549 : vector<16xi32>
      %add3A_551 = arith.constant 240 : i32
      %add3A_552 = arith.addi %mul3A_8, %add3A_551 : i32
      %add3A_553 = vector.broadcast %add3A_552 : i32 to vector<16xi32>
      %add3A_554 = arith.addi %iota3A, %add3A_553 : vector<16xi32>
      %convert_element_type3A_555 = arith.extui %lt3A_550 : vector<16xi1> to vector<16xi32>
      %broadcast_in_dim3A_556 = arith.constant true
      %broadcast_in_dim3A_557 = vector.broadcast %broadcast_in_dim3A_556 : i1 to vector<16xi1>
      %masked_cumsum3A_558 = tpu.scan <sum>, %convert_element_type3A_555 masked %broadcast_in_dim3A_557 : vector<16xi32>, vector<16xi1> -> vector<16xi32>
      %add3A_559 = vector.broadcast %add3A_536 : i32 to vector<16xi32>
      %add3A_560 = arith.addi %add3A_559, %masked_cumsum3A_558 : vector<16xi32>
      %sub3A_561 = arith.constant 1 : i32
      %sub3A_562 = vector.broadcast %sub3A_561 : i32 to vector<16xi32>
      %sub3A_563 = arith.subi %add3A_560, %sub3A_562 : vector<16xi32>
      tpu.vector_store_idx %arg14[%sub3A_563], %add3A_554 masked %lt3A_550 : memref<336xi32, #tpu.memory_space<vmem>>[vector<16xi32>], vector<16xi32>, vector<16xi1>
      tpu.vector_store_idx %arg15[%sub3A_563], %get3A_547 masked %lt3A_550 : memref<336xi32, #tpu.memory_space<vmem>>[vector<16xi32>], vector<16xi32>, vector<16xi1>
      %slice3A_564 = vector.extract_strided_slice %masked_cumsum3A_558 {offsets = [15], sizes = [1], strides = [1]} : vector<16xi32> to vector<1xi32>
      %squeeze3A_565 = vector.extract %slice3A_564[0] : i32 from vector<1xi32>
      %add3A_566 = arith.addi %add3A_536, %squeeze3A_565 : i32
      %min3A_567 = arith.constant 4095 : i32
      %min3A_568 = vector.broadcast %min3A_567 : i32 to vector<16xi32>
      %min3A_569 = arith.minsi %get3A_547, %min3A_568 : vector<16xi32>
      %gather3A_570 = tpu.vector_load_idx %arg22[%min3A_569] : memref<4096xi32, #tpu.memory_space<vmem>>[vector<16xi32>], vector<16xi32>,
      %get3A_571 = arith.constant 240 : index
      %get3A_572 = tpu.vector_load %arg23[%get3A_571] {strides = array<i32>} : memref<320xi32, #tpu.memory_space<vmem>>, vector<16xi32>,
      %select_n3A_573 = arith.select %lt3A_550, %gather3A_570, %get3A_572 : vector<16xi1>, vector<16xi32>
      %swap3A_574 = arith.constant 240 : index
      %swap3A_575 = tpu.vector_load %arg24[%swap3A_574] {strides = array<i32>} : memref<320xi32, #tpu.memory_space<vmem>>, vector<16xi32>,
      tpu.vector_store %arg24[%swap3A_574], %select_n3A_573 {strides = array<i32>} : memref<320xi32, #tpu.memory_space<vmem>>, vector<16xi32>,
      %get3A_576 = arith.constant 256 : index
      %get3A_577 = tpu.vector_load %arg10[%get3A_576] {strides = array<i32>} : memref<320xi32, #tpu.memory_space<vmem>>, vector<16xi32>,
      %lt3A_578 = arith.constant 4096 : i32
      %lt3A_579 = vector.broadcast %lt3A_578 : i32 to vector<16xi32>
      %lt3A_580 = arith.cmpi slt, %get3A_577, %lt3A_579 : vector<16xi32>
      %add3A_581 = arith.constant 256 : i32
      %add3A_582 = arith.addi %mul3A_8, %add3A_581 : i32
      %add3A_583 = vector.broadcast %add3A_582 : i32 to vector<16xi32>
      %add3A_584 = arith.addi %iota3A, %add3A_583 : vector<16xi32>
      %convert_element_type3A_585 = arith.extui %lt3A_580 : vector<16xi1> to vector<16xi32>
      %broadcast_in_dim3A_586 = arith.constant true
      %broadcast_in_dim3A_587 = vector.broadcast %broadcast_in_dim3A_586 : i1 to vector<16xi1>
      %masked_cumsum3A_588 = tpu.scan <sum>, %convert_element_type3A_585 masked %broadcast_in_dim3A_587 : vector<16xi32>, vector<16xi1> -> vector<16xi32>
      %add3A_589 = vector.broadcast %add3A_566 : i32 to vector<16xi32>
      %add3A_590 = arith.addi %add3A_589, %masked_cumsum3A_588 : vector<16xi32>
      %sub3A_591 = arith.constant 1 : i32
      %sub3A_592 = vector.broadcast %sub3A_591 : i32 to vector<16xi32>
      %sub3A_593 = arith.subi %add3A_590, %sub3A_592 : vector<16xi32>
      tpu.vector_store_idx %arg14[%sub3A_593], %add3A_584 masked %lt3A_580 : memref<336xi32, #tpu.memory_space<vmem>>[vector<16xi32>], vector<16xi32>, vector<16xi1>
      tpu.vector_store_idx %arg15[%sub3A_593], %get3A_577 masked %lt3A_580 : memref<336xi32, #tpu.memory_space<vmem>>[vector<16xi32>], vector<16xi32>, vector<16xi1>
      %slice3A_594 = vector.extract_strided_slice %masked_cumsum3A_588 {offsets = [15], sizes = [1], strides = [1]} : vector<16xi32> to vector<1xi32>
      %squeeze3A_595 = vector.extract %slice3A_594[0] : i32 from vector<1xi32>
      %add3A_596 = arith.addi %add3A_566, %squeeze3A_595 : i32
      %min3A_597 = arith.constant 4095 : i32
      %min3A_598 = vector.broadcast %min3A_597 : i32 to vector<16xi32>
      %min3A_599 = arith.minsi %get3A_577, %min3A_598 : vector<16xi32>
      %gather3A_600 = tpu.vector_load_idx %arg22[%min3A_599] : memref<4096xi32, #tpu.memory_space<vmem>>[vector<16xi32>], vector<16xi32>,
      %get3A_601 = arith.constant 256 : index
      %get3A_602 = tpu.vector_load %arg23[%get3A_601] {strides = array<i32>} : memref<320xi32, #tpu.memory_space<vmem>>, vector<16xi32>,
      %select_n3A_603 = arith.select %lt3A_580, %gather3A_600, %get3A_602 : vector<16xi1>, vector<16xi32>
      %swap3A_604 = arith.constant 256 : index
      %swap3A_605 = tpu.vector_load %arg24[%swap3A_604] {strides = array<i32>} : memref<320xi32, #tpu.memory_space<vmem>>, vector<16xi32>,
      tpu.vector_store %arg24[%swap3A_604], %select_n3A_603 {strides = array<i32>} : memref<320xi32, #tpu.memory_space<vmem>>, vector<16xi32>,
      %get3A_606 = arith.constant 272 : index
      %get3A_607 = tpu.vector_load %arg10[%get3A_606] {strides = array<i32>} : memref<320xi32, #tpu.memory_space<vmem>>, vector<16xi32>,
      %lt3A_608 = arith.constant 4096 : i32
      %lt3A_609 = vector.broadcast %lt3A_608 : i32 to vector<16xi32>
      %lt3A_610 = arith.cmpi slt, %get3A_607, %lt3A_609 : vector<16xi32>
      %add3A_611 = arith.constant 272 : i32
      %add3A_612 = arith.addi %mul3A_8, %add3A_611 : i32
      %add3A_613 = vector.broadcast %add3A_612 : i32 to vector<16xi32>
      %add3A_614 = arith.addi %iota3A, %add3A_613 : vector<16xi32>
      %convert_element_type3A_615 = arith.extui %lt3A_610 : vector<16xi1> to vector<16xi32>
      %broadcast_in_dim3A_616 = arith.constant true
      %broadcast_in_dim3A_617 = vector.broadcast %broadcast_in_dim3A_616 : i1 to vector<16xi1>
      %masked_cumsum3A_618 = tpu.scan <sum>, %convert_element_type3A_615 masked %broadcast_in_dim3A_617 : vector<16xi32>, vector<16xi1> -> vector<16xi32>
      %add3A_619 = vector.broadcast %add3A_596 : i32 to vector<16xi32>
      %add3A_620 = arith.addi %add3A_619, %masked_cumsum3A_618 : vector<16xi32>
      %sub3A_621 = arith.constant 1 : i32
      %sub3A_622 = vector.broadcast %sub3A_621 : i32 to vector<16xi32>
      %sub3A_623 = arith.subi %add3A_620, %sub3A_622 : vector<16xi32>
      tpu.vector_store_idx %arg14[%sub3A_623], %add3A_614 masked %lt3A_610 : memref<336xi32, #tpu.memory_space<vmem>>[vector<16xi32>], vector<16xi32>, vector<16xi1>
      tpu.vector_store_idx %arg15[%sub3A_623], %get3A_607 masked %lt3A_610 : memref<336xi32, #tpu.memory_space<vmem>>[vector<16xi32>], vector<16xi32>, vector<16xi1>
      %slice3A_624 = vector.extract_strided_slice %masked_cumsum3A_618 {offsets = [15], sizes = [1], strides = [1]} : vector<16xi32> to vector<1xi32>
      %squeeze3A_625 = vector.extract %slice3A_624[0] : i32 from vector<1xi32>
      %add3A_626 = arith.addi %add3A_596, %squeeze3A_625 : i32
      %min3A_627 = arith.constant 4095 : i32
      %min3A_628 = vector.broadcast %min3A_627 : i32 to vector<16xi32>
      %min3A_629 = arith.minsi %get3A_607, %min3A_628 : vector<16xi32>
      %gather3A_630 = tpu.vector_load_idx %arg22[%min3A_629] : memref<4096xi32, #tpu.memory_space<vmem>>[vector<16xi32>], vector<16xi32>,
      %get3A_631 = arith.constant 272 : index
      %get3A_632 = tpu.vector_load %arg23[%get3A_631] {strides = array<i32>} : memref<320xi32, #tpu.memory_space<vmem>>, vector<16xi32>,
      %select_n3A_633 = arith.select %lt3A_610, %gather3A_630, %get3A_632 : vector<16xi1>, vector<16xi32>
      %swap3A_634 = arith.constant 272 : index
      %swap3A_635 = tpu.vector_load %arg24[%swap3A_634] {strides = array<i32>} : memref<320xi32, #tpu.memory_space<vmem>>, vector<16xi32>,
      tpu.vector_store %arg24[%swap3A_634], %select_n3A_633 {strides = array<i32>} : memref<320xi32, #tpu.memory_space<vmem>>, vector<16xi32>,
      %get3A_636 = arith.constant 288 : index
      %get3A_637 = tpu.vector_load %arg10[%get3A_636] {strides = array<i32>} : memref<320xi32, #tpu.memory_space<vmem>>, vector<16xi32>,
      %lt3A_638 = arith.constant 4096 : i32
      %lt3A_639 = vector.broadcast %lt3A_638 : i32 to vector<16xi32>
      %lt3A_640 = arith.cmpi slt, %get3A_637, %lt3A_639 : vector<16xi32>
      %add3A_641 = arith.constant 288 : i32
      %add3A_642 = arith.addi %mul3A_8, %add3A_641 : i32
      %add3A_643 = vector.broadcast %add3A_642 : i32 to vector<16xi32>
      %add3A_644 = arith.addi %iota3A, %add3A_643 : vector<16xi32>
      %convert_element_type3A_645 = arith.extui %lt3A_640 : vector<16xi1> to vector<16xi32>
      %broadcast_in_dim3A_646 = arith.constant true
      %broadcast_in_dim3A_647 = vector.broadcast %broadcast_in_dim3A_646 : i1 to vector<16xi1>
      %masked_cumsum3A_648 = tpu.scan <sum>, %convert_element_type3A_645 masked %broadcast_in_dim3A_647 : vector<16xi32>, vector<16xi1> -> vector<16xi32>
      %add3A_649 = vector.broadcast %add3A_626 : i32 to vector<16xi32>
      %add3A_650 = arith.addi %add3A_649, %masked_cumsum3A_648 : vector<16xi32>
      %sub3A_651 = arith.constant 1 : i32
      %sub3A_652 = vector.broadcast %sub3A_651 : i32 to vector<16xi32>
      %sub3A_653 = arith.subi %add3A_650, %sub3A_652 : vector<16xi32>
      tpu.vector_store_idx %arg14[%sub3A_653], %add3A_644 masked %lt3A_640 : memref<336xi32, #tpu.memory_space<vmem>>[vector<16xi32>], vector<16xi32>, vector<16xi1>
      tpu.vector_store_idx %arg15[%sub3A_653], %get3A_637 masked %lt3A_640 : memref<336xi32, #tpu.memory_space<vmem>>[vector<16xi32>], vector<16xi32>, vector<16xi1>
      %slice3A_654 = vector.extract_strided_slice %masked_cumsum3A_648 {offsets = [15], sizes = [1], strides = [1]} : vector<16xi32> to vector<1xi32>
      %squeeze3A_655 = vector.extract %slice3A_654[0] : i32 from vector<1xi32>
      %add3A_656 = arith.addi %add3A_626, %squeeze3A_655 : i32
      %min3A_657 = arith.constant 4095 : i32
      %min3A_658 = vector.broadcast %min3A_657 : i32 to vector<16xi32>
      %min3A_659 = arith.minsi %get3A_637, %min3A_658 : vector<16xi32>
      %gather3A_660 = tpu.vector_load_idx %arg22[%min3A_659] : memref<4096xi32, #tpu.memory_space<vmem>>[vector<16xi32>], vector<16xi32>,
      %get3A_661 = arith.constant 288 : index
      %get3A_662 = tpu.vector_load %arg23[%get3A_661] {strides = array<i32>} : memref<320xi32, #tpu.memory_space<vmem>>, vector<16xi32>,
      %select_n3A_663 = arith.select %lt3A_640, %gather3A_660, %get3A_662 : vector<16xi1>, vector<16xi32>
      %swap3A_664 = arith.constant 288 : index
      %swap3A_665 = tpu.vector_load %arg24[%swap3A_664] {strides = array<i32>} : memref<320xi32, #tpu.memory_space<vmem>>, vector<16xi32>,
      tpu.vector_store %arg24[%swap3A_664], %select_n3A_663 {strides = array<i32>} : memref<320xi32, #tpu.memory_space<vmem>>, vector<16xi32>,
      %get3A_666 = arith.constant 304 : index
      %get3A_667 = tpu.vector_load %arg10[%get3A_666] {strides = array<i32>} : memref<320xi32, #tpu.memory_space<vmem>>, vector<16xi32>,
      %lt3A_668 = arith.constant 4096 : i32
      %lt3A_669 = vector.broadcast %lt3A_668 : i32 to vector<16xi32>
      %lt3A_670 = arith.cmpi slt, %get3A_667, %lt3A_669 : vector<16xi32>
      %add3A_671 = arith.constant 304 : i32
      %add3A_672 = arith.addi %mul3A_8, %add3A_671 : i32
      %add3A_673 = vector.broadcast %add3A_672 : i32 to vector<16xi32>
      %add3A_674 = arith.addi %iota3A, %add3A_673 : vector<16xi32>
      %convert_element_type3A_675 = arith.extui %lt3A_670 : vector<16xi1> to vector<16xi32>
      %broadcast_in_dim3A_676 = arith.constant true
      %broadcast_in_dim3A_677 = vector.broadcast %broadcast_in_dim3A_676 : i1 to vector<16xi1>
      %masked_cumsum3A_678 = tpu.scan <sum>, %convert_element_type3A_675 masked %broadcast_in_dim3A_677 : vector<16xi32>, vector<16xi1> -> vector<16xi32>
      %add3A_679 = vector.broadcast %add3A_656 : i32 to vector<16xi32>
      %add3A_680 = arith.addi %add3A_679, %masked_cumsum3A_678 : vector<16xi32>
      %sub3A_681 = arith.constant 1 : i32
      %sub3A_682 = vector.broadcast %sub3A_681 : i32 to vector<16xi32>
      %sub3A_683 = arith.subi %add3A_680, %sub3A_682 : vector<16xi32>
      tpu.vector_store_idx %arg14[%sub3A_683], %add3A_674 masked %lt3A_670 : memref<336xi32, #tpu.memory_space<vmem>>[vector<16xi32>], vector<16xi32>, vector<16xi1>
      tpu.vector_store_idx %arg15[%sub3A_683], %get3A_667 masked %lt3A_670 : memref<336xi32, #tpu.memory_space<vmem>>[vector<16xi32>], vector<16xi32>, vector<16xi1>
      %slice3A_684 = vector.extract_strided_slice %masked_cumsum3A_678 {offsets = [15], sizes = [1], strides = [1]} : vector<16xi32> to vector<1xi32>
      %squeeze3A_685 = vector.extract %slice3A_684[0] : i32 from vector<1xi32>
      %add3A_686 = arith.addi %add3A_656, %squeeze3A_685 : i32
      %min3A_687 = arith.constant 4095 : i32
      %min3A_688 = vector.broadcast %min3A_687 : i32 to vector<16xi32>
      %min3A_689 = arith.minsi %get3A_667, %min3A_688 : vector<16xi32>
      %gather3A_690 = tpu.vector_load_idx %arg22[%min3A_689] : memref<4096xi32, #tpu.memory_space<vmem>>[vector<16xi32>], vector<16xi32>,
      %get3A_691 = arith.constant 304 : index
      %get3A_692 = tpu.vector_load %arg23[%get3A_691] {strides = array<i32>} : memref<320xi32, #tpu.memory_space<vmem>>, vector<16xi32>,
      %select_n3A_693 = arith.select %lt3A_670, %gather3A_690, %get3A_692 : vector<16xi1>, vector<16xi32>
      %swap3A_694 = arith.constant 304 : index
      %swap3A_695 = tpu.vector_load %arg24[%swap3A_694] {strides = array<i32>} : memref<320xi32, #tpu.memory_space<vmem>>, vector<16xi32>,
      tpu.vector_store %arg24[%swap3A_694], %select_n3A_693 {strides = array<i32>} : memref<320xi32, #tpu.memory_space<vmem>>, vector<16xi32>,
      "tpu.region"() ({
        %run_scoped3A = tpu.sem_alloc : memref<!tpu.dma_semaphore, #tpu.memory_space<semaphore_mem>>
        %dma_start3A = arith.constant 0 : i32
        %dma_start3A_725 = tpu.memref_slice %arg24[%dma_start3A] : memref<320xi32, #tpu.memory_space<vmem>> -> memref<320xi32, #tpu.memory_space<vmem>>
        %dma_start3A_726 = tpu.memref_slice %arg3[%mul3A_8] : memref<10000xi32, #tpu.memory_space<hbm>> -> memref<320xi32, #tpu.memory_space<hbm>>
        %dma_start3A_727 = tpu.memref_slice %arg3[%mul3A_8] : memref<10000xi32, #tpu.memory_space<hbm>> -> memref<320xi32, #tpu.memory_space<hbm>>
        %dma_start3A_728 = arith.constant 0 : i32
        %dma_start3A_729 = tpu.memref_slice %arg24[%dma_start3A_728] : memref<320xi32, #tpu.memory_space<vmem>> -> memref<320xi32, #tpu.memory_space<vmem>>
        tpu.enqueue_dma source(%dma_start3A_729 : memref<320xi32, #tpu.memory_space<vmem>>) target(%dma_start3A_727 : memref<320xi32, #tpu.memory_space<hbm>>) target_semaphore(%run_scoped3A : memref<!tpu.dma_semaphore, #tpu.memory_space<semaphore_mem>>)
        %dma_wait3A = arith.constant 0 : i32
        %dma_wait3A_730 = tpu.memref_slice %arg24[%dma_wait3A] : memref<320xi32, #tpu.memory_space<vmem>> -> memref<320xi32, #tpu.memory_space<vmem>>
        %dma_wait3A_731 = tpu.memref_slice %arg3[%mul3A_8] : memref<10000xi32, #tpu.memory_space<hbm>> -> memref<320xi32, #tpu.memory_space<hbm>>
        %dma_wait3A_732 = tpu.memref_slice %arg3[%mul3A_8] : memref<10000xi32, #tpu.memory_space<hbm>> -> memref<320xi32, #tpu.memory_space<hbm>>
        %dma_wait3A_733 = arith.constant 0 : i32
        %dma_wait3A_734 = tpu.memref_slice %arg24[%dma_wait3A_733] : memref<320xi32, #tpu.memory_space<vmem>> -> memref<320xi32, #tpu.memory_space<vmem>>
        tpu.wait_dma2 semaphore(%run_scoped3A : memref<!tpu.dma_semaphore, #tpu.memory_space<semaphore_mem>>) src(%dma_wait3A_734 : memref<320xi32, #tpu.memory_space<vmem>>) dst(%dma_wait3A_732 : memref<320xi32, #tpu.memory_space<hbm>>)
        tpu.yield
      }) : () -> ()
      %gt3A = arith.constant 0 : i32
      %gt3A_696 = arith.cmpi sgt, %add3A_686, %gt3A : i32
      %convert_element_type3A_697 = arith.extui %gt3A_696 : i1 to i32
      %cond3A_698 = arith.constant 0 : i32
      %cond3A_699 = arith.cmpi ne, %convert_element_type3A_697, %cond3A_698 : i32
      scf.if %cond3A_699 {
        %broadcast_in_dim3A_725 = arith.constant 0 : i32
        %broadcast_in_dim3A_726 = vector.broadcast %broadcast_in_dim3A_725 : i32 to vector<16xi32>
        %gather3A_727 = tpu.vector_load_idx %arg14[%broadcast_in_dim3A_726] : memref<336xi32, #tpu.memory_space<vmem>>[vector<16xi32>], vector<16xi32>,
        %gather3A_728 = tpu.vector_load_idx %arg15[%broadcast_in_dim3A_726] : memref<336xi32, #tpu.memory_space<vmem>>[vector<16xi32>], vector<16xi32>,
        %swap3A_729 = arith.index_cast %add3A_686 : i32 to index
        %swap3A_730 = tpu.vector_load %arg14[%swap3A_729] {strides = array<i32>} : memref<336xi32, #tpu.memory_space<vmem>>, vector<16xi32>,
        tpu.vector_store %arg14[%swap3A_729], %gather3A_727 {strides = array<i32>} : memref<336xi32, #tpu.memory_space<vmem>>, vector<16xi32>,
        %swap3A_731 = arith.index_cast %add3A_686 : i32 to index
        %swap3A_732 = tpu.vector_load %arg15[%swap3A_731] {strides = array<i32>} : memref<336xi32, #tpu.memory_space<vmem>>, vector<16xi32>,
        tpu.vector_store %arg15[%swap3A_731], %gather3A_728 {strides = array<i32>} : memref<336xi32, #tpu.memory_space<vmem>>, vector<16xi32>,
      } else {
      }
      %add3A_700 = arith.constant 15 : i32
      %add3A_701 = arith.addi %add3A_686, %add3A_700 : i32
      %jit3A = arith.constant 16 : i32
      %div3A = arith.divsi %add3A_701, %jit3A : i32
      %sign3A = arith.constant 0 : i32
      %sign3A_702 = arith.cmpi sgt, %add3A_701, %sign3A : i32
      %sign3A_703 = arith.extui %sign3A_702 : i1 to i32
      %sign3A_704 = arith.constant 0 : i32
      %sign3A_705 = arith.cmpi slt, %add3A_701, %sign3A_704 : i32
      %sign3A_706 = arith.extui %sign3A_705 : i1 to i32
      %sign3A_707 = arith.subi %sign3A_703, %sign3A_706 : i32
      %sign3A_708 = arith.constant 0 : i32
      %sign3A_709 = arith.cmpi sgt, %jit3A, %sign3A_708 : i32
      %sign3A_710 = arith.extui %sign3A_709 : i1 to i32
      %sign3A_711 = arith.constant 0 : i32
      %sign3A_712 = arith.cmpi slt, %jit3A, %sign3A_711 : i32
      %sign3A_713 = arith.extui %sign3A_712 : i1 to i32
      %sign3A_714 = arith.subi %sign3A_710, %sign3A_713 : i32
      %ne3A = arith.cmpi ne, %sign3A_707, %sign3A_714 : i32
      %rem3A = arith.remsi %add3A_701, %jit3A : i32
      %ne3A_715 = arith.constant 0 : i32
      %ne3A_716 = arith.cmpi ne, %rem3A, %ne3A_715 : i32
      %and3A = arith.andi %ne3A, %ne3A_716 : i1
      %sub3A_717 = arith.constant 1 : i32
      %sub3A_718 = arith.subi %div3A, %sub3A_717 : i32
      %select_n3A_719 = arith.select %and3A, %sub3A_718, %div3A : i32
      %gt3A_720 = arith.constant 0 : i32
      %gt3A_721 = arith.cmpi sgt, %select_n3A_719, %gt3A_720 : i32
      %convert_element_type3A_722 = arith.extui %gt3A_721 : i1 to i32
      %cond3A_723 = arith.constant 0 : i32
      %cond3A_724 = arith.cmpi ne, %convert_element_type3A_722, %cond3A_723 : i32
      scf.if %cond3A_724 {
        %mul3A_725 = arith.constant 0 : i32
        %mul3A_726 = arith.constant 16 : i32
        %mul3A_727 = arith.muli %mul3A_725, %mul3A_726 : i32
        %get3A_728 = arith.index_cast %mul3A_727 : i32 to index
        %get3A_729 = tpu.vector_load %arg14[%get3A_728] {strides = array<i32>} : memref<336xi32, #tpu.memory_space<vmem>>, vector<16xi32>,
        %swap3A_730 = arith.constant 0 : index
        %swap3A_731 = tpu.vector_load %arg16[%swap3A_730] {strides = array<i32>} : memref<16xi32, #tpu.memory_space<vmem>>, vector<16xi32>,
        tpu.vector_store %arg16[%swap3A_730], %get3A_729 {strides = array<i32>} : memref<16xi32, #tpu.memory_space<vmem>>, vector<16xi32>,
        %mul3A_732 = arith.constant 0 : i32
        %mul3A_733 = arith.constant 16 : i32
        %mul3A_734 = arith.muli %mul3A_732, %mul3A_733 : i32
        %get3A_735 = arith.index_cast %mul3A_734 : i32 to index
        %get3A_736 = tpu.vector_load %arg15[%get3A_735] {strides = array<i32>} : memref<336xi32, #tpu.memory_space<vmem>>, vector<16xi32>,
        %swap3A_737 = arith.constant 0 : index
        %swap3A_738 = tpu.vector_load %arg17[%swap3A_737] {strides = array<i32>} : memref<16xi32, #tpu.memory_space<vmem>>, vector<16xi32>,
        tpu.vector_store %arg17[%swap3A_737], %get3A_736 {strides = array<i32>} : memref<16xi32, #tpu.memory_space<vmem>>, vector<16xi32>,
        %dma_start3A = arith.constant 0 : i32
        %dma_start3A_739 = arith.constant 0 : i32
        %dma_start3A_740 = tpu.memref_slice %arg4[%dma_start3A, %dma_start3A_739] : memref<4096x3072xf32, #tpu.memory_space<hbm>> -> memref<4096x3072xf32, #tpu.memory_space<hbm>>
        tpu.enqueue_indirect_dma source(%dma_start3A_740 : memref<4096x3072xf32, #tpu.memory_space<hbm>>) target(%arg20 : memref<16x3072xf32, #tpu.memory_space<vmem>>) offsets(%arg17 : memref<16xi32, #tpu.memory_space<vmem>>) semaphore(%arg25 : memref<!tpu.dma_semaphore, #tpu.memory_space<semaphore_mem>>)
        %dma_wait3A = arith.constant 0 : i32
        %dma_wait3A_741 = arith.constant 0 : i32
        %dma_wait3A_742 = tpu.memref_slice %arg4[%dma_wait3A, %dma_wait3A_741] : memref<4096x3072xf32, #tpu.memory_space<hbm>> -> memref<4096x3072xf32, #tpu.memory_space<hbm>>
        tpu.wait_indirect_dma semaphore(%arg25 : memref<!tpu.dma_semaphore, #tpu.memory_space<semaphore_mem>>) src(%dma_wait3A_742 : memref<4096x3072xf32, #tpu.memory_space<hbm>>) dst(%arg20 : memref<16x3072xf32, #tpu.memory_space<vmem>>)
        %while3A = arith.constant 0 : i32
        %while3A_743 = arith.constant 0 : i32
        %while3A_744 = arith.subi %select_n3A_719, %while3A_743 : i32
        %while3A_745 = arith.addi %while3A_743, %while3A_744 : i32
        %while3A_746 = arith.constant 1 : i32
        %while3A_747 = arith.divsi %while3A_744, %while3A_746 : i32
        %while3A_748 = arith.muli %while3A_747, %while3A_746 : i32
        %while3A_749 = arith.addi %while3A_743, %while3A_748 : i32
        %while3A_750 = arith.constant 1 : i32
        scf.for %while3A_752 = %while3A_743 to %while3A_749 step %while3A_750  : i32 {
          %jit3A_753 = arith.constant 2 : i32
          %eq3A = arith.constant 0 : i32
          %eq3A_754 = arith.cmpi eq, %jit3A_753, %eq3A : i32
          %jit3A_755 = arith.constant 1 : i32
          %select_n3A_756 = arith.select %eq3A_754, %jit3A_755, %jit3A_753 : i32
          %rem3A_757 = arith.remsi %while3A_752, %select_n3A_756 : i32
          %ne3A_758 = arith.constant 0 : i32
          %ne3A_759 = arith.cmpi ne, %rem3A_757, %ne3A_758 : i32
          %lt3A_760 = arith.constant 0 : i32
          %lt3A_761 = arith.cmpi slt, %rem3A_757, %lt3A_760 : i32
          %lt3A_762 = arith.constant 0 : i32
          %lt3A_763 = arith.cmpi slt, %select_n3A_756, %lt3A_762 : i32
          %ne3A_764 = arith.xori %lt3A_761, %lt3A_763 : i1
          %and3A_765 = arith.andi %ne3A_764, %ne3A_759 : i1
          %add3A_766 = arith.addi %rem3A_757, %select_n3A_756 : i32
          %select_n3A_767 = arith.select %and3A_765, %add3A_766, %rem3A_757 : i32
          %eq3A_768 = arith.constant 0 : i32
          %eq3A_769 = arith.cmpi eq, %select_n3A_767, %eq3A_768 : i32
          %add3A_770 = arith.constant 1 : i32
          %add3A_771 = arith.addi %while3A_752, %add3A_770 : i32
          %lt3A_772 = arith.cmpi slt, %add3A_771, %select_n3A_719 : i32
          %convert_element_type3A_773 = arith.extui %lt3A_772 : i1 to i32
          %cond3A_774 = arith.constant 0 : i32
          %cond3A_775 = arith.cmpi ne, %convert_element_type3A_773, %cond3A_774 : i32
          scf.if %cond3A_775 {
            %convert_element_type3A_789 = arith.extui %eq3A_769 : i1 to i32
            %cond3A_790 = arith.constant 0 : i32
            %cond3A_791 = arith.cmpi ne, %convert_element_type3A_789, %cond3A_790 : i32
            scf.if %cond3A_791 {
              %add3A_797 = arith.constant 1 : i32
              %add3A_798 = arith.addi %while3A_752, %add3A_797 : i32
              %mul3A_799 = arith.constant 16 : i32
              %mul3A_800 = arith.muli %add3A_798, %mul3A_799 : i32
              %get3A_801 = arith.index_cast %mul3A_800 : i32 to index
              %get3A_802 = tpu.vector_load %arg14[%get3A_801] {strides = array<i32>} : memref<336xi32, #tpu.memory_space<vmem>>, vector<16xi32>,
              %swap3A_803 = arith.constant 0 : index
              %swap3A_804 = tpu.vector_load %arg18[%swap3A_803] {strides = array<i32>} : memref<16xi32, #tpu.memory_space<vmem>>, vector<16xi32>,
              tpu.vector_store %arg18[%swap3A_803], %get3A_802 {strides = array<i32>} : memref<16xi32, #tpu.memory_space<vmem>>, vector<16xi32>,
              %mul3A_805 = arith.constant 16 : i32
              %mul3A_806 = arith.muli %add3A_798, %mul3A_805 : i32
              %get3A_807 = arith.index_cast %mul3A_806 : i32 to index
              %get3A_808 = tpu.vector_load %arg15[%get3A_807] {strides = array<i32>} : memref<336xi32, #tpu.memory_space<vmem>>, vector<16xi32>,
              %swap3A_809 = arith.constant 0 : index
              %swap3A_810 = tpu.vector_load %arg19[%swap3A_809] {strides = array<i32>} : memref<16xi32, #tpu.memory_space<vmem>>, vector<16xi32>,
              tpu.vector_store %arg19[%swap3A_809], %get3A_808 {strides = array<i32>} : memref<16xi32, #tpu.memory_space<vmem>>, vector<16xi32>,
              %dma_start3A_811 = arith.constant 0 : i32
              %dma_start3A_812 = arith.constant 0 : i32
              %dma_start3A_813 = tpu.memref_slice %arg4[%dma_start3A_811, %dma_start3A_812] : memref<4096x3072xf32, #tpu.memory_space<hbm>> -> memref<4096x3072xf32, #tpu.memory_space<hbm>>
              tpu.enqueue_indirect_dma source(%dma_start3A_813 : memref<4096x3072xf32, #tpu.memory_space<hbm>>) target(%arg21 : memref<16x3072xf32, #tpu.memory_space<vmem>>) offsets(%arg19 : memref<16xi32, #tpu.memory_space<vmem>>) semaphore(%arg27 : memref<!tpu.dma_semaphore, #tpu.memory_space<semaphore_mem>>)
            } else {
            }
            %not3A_792 = arith.constant true
            %not3A_793 = arith.xori %eq3A_769, %not3A_792 : i1
            %convert_element_type3A_794 = arith.extui %not3A_793 : i1 to i32
            %cond3A_795 = arith.constant 0 : i32
            %cond3A_796 = arith.cmpi ne, %convert_element_type3A_794, %cond3A_795 : i32
            scf.if %cond3A_796 {
              %add3A_797 = arith.constant 1 : i32
              %add3A_798 = arith.addi %while3A_752, %add3A_797 : i32
              %mul3A_799 = arith.constant 16 : i32
              %mul3A_800 = arith.muli %add3A_798, %mul3A_799 : i32
              %get3A_801 = arith.index_cast %mul3A_800 : i32 to index
              %get3A_802 = tpu.vector_load %arg14[%get3A_801] {strides = array<i32>} : memref<336xi32, #tpu.memory_space<vmem>>, vector<16xi32>,
              %swap3A_803 = arith.constant 0 : index
              %swap3A_804 = tpu.vector_load %arg16[%swap3A_803] {strides = array<i32>} : memref<16xi32, #tpu.memory_space<vmem>>, vector<16xi32>,
              tpu.vector_store %arg16[%swap3A_803], %get3A_802 {strides = array<i32>} : memref<16xi32, #tpu.memory_space<vmem>>, vector<16xi32>,
              %mul3A_805 = arith.constant 16 : i32
              %mul3A_806 = arith.muli %add3A_798, %mul3A_805 : i32
              %get3A_807 = arith.index_cast %mul3A_806 : i32 to index
              %get3A_808 = tpu.vector_load %arg15[%get3A_807] {strides = array<i32>} : memref<336xi32, #tpu.memory_space<vmem>>, vector<16xi32>,
              %swap3A_809 = arith.constant 0 : index
              %swap3A_810 = tpu.vector_load %arg17[%swap3A_809] {strides = array<i32>} : memref<16xi32, #tpu.memory_space<vmem>>, vector<16xi32>,
              tpu.vector_store %arg17[%swap3A_809], %get3A_808 {strides = array<i32>} : memref<16xi32, #tpu.memory_space<vmem>>, vector<16xi32>,
              %dma_start3A_811 = arith.constant 0 : i32
              %dma_start3A_812 = arith.constant 0 : i32
              %dma_start3A_813 = tpu.memref_slice %arg4[%dma_start3A_811, %dma_start3A_812] : memref<4096x3072xf32, #tpu.memory_space<hbm>> -> memref<4096x3072xf32, #tpu.memory_space<hbm>>
              tpu.enqueue_indirect_dma source(%dma_start3A_813 : memref<4096x3072xf32, #tpu.memory_space<hbm>>) target(%arg20 : memref<16x3072xf32, #tpu.memory_space<vmem>>) offsets(%arg17 : memref<16xi32, #tpu.memory_space<vmem>>) semaphore(%arg25 : memref<!tpu.dma_semaphore, #tpu.memory_space<semaphore_mem>>)
            } else {
            }
          } else {
          }
          %convert_element_type3A_776 = arith.extui %eq3A_769 : i1 to i32
          %cond3A_777 = arith.constant 0 : i32
          %cond3A_778 = arith.cmpi ne, %convert_element_type3A_776, %cond3A_777 : i32
          scf.if %cond3A_778 {
            %dma_start3A_789 = arith.constant 0 : i32
            %dma_start3A_790 = arith.constant 0 : i32
            %dma_start3A_791 = tpu.memref_slice %arg2[%dma_start3A_789, %dma_start3A_790] : memref<10000x3072xf32, #tpu.memory_space<hbm>> -> memref<10000x3072xf32, #tpu.memory_space<hbm>>
            tpu.enqueue_indirect_dma source(%arg20 : memref<16x3072xf32, #tpu.memory_space<vmem>>) target(%dma_start3A_791 : memref<10000x3072xf32, #tpu.memory_space<hbm>>) offsets(%arg16 : memref<16xi32, #tpu.memory_space<vmem>>) semaphore(%arg26 : memref<!tpu.dma_semaphore, #tpu.memory_space<semaphore_mem>>)
            %dma_wait3A_792 = arith.constant 0 : i32
            %dma_wait3A_793 = arith.constant 0 : i32
            %dma_wait3A_794 = tpu.memref_slice %arg2[%dma_wait3A_792, %dma_wait3A_793] : memref<10000x3072xf32, #tpu.memory_space<hbm>> -> memref<10000x3072xf32, #tpu.memory_space<hbm>>
            tpu.wait_indirect_dma semaphore(%arg26 : memref<!tpu.dma_semaphore, #tpu.memory_space<semaphore_mem>>) src(%arg20 : memref<16x3072xf32, #tpu.memory_space<vmem>>) dst(%dma_wait3A_794 : memref<10000x3072xf32, #tpu.memory_space<hbm>>)
          } else {
          }
          %not3A = arith.constant true
          %not3A_779 = arith.xori %eq3A_769, %not3A : i1
          %convert_element_type3A_780 = arith.extui %not3A_779 : i1 to i32
          %cond3A_781 = arith.constant 0 : i32
          %cond3A_782 = arith.cmpi ne, %convert_element_type3A_780, %cond3A_781 : i32
          scf.if %cond3A_782 {
            %dma_start3A_789 = arith.constant 0 : i32
            %dma_start3A_790 = arith.constant 0 : i32
            %dma_start3A_791 = tpu.memref_slice %arg2[%dma_start3A_789, %dma_start3A_790] : memref<10000x3072xf32, #tpu.memory_space<hbm>> -> memref<10000x3072xf32, #tpu.memory_space<hbm>>
            tpu.enqueue_indirect_dma source(%arg21 : memref<16x3072xf32, #tpu.memory_space<vmem>>) target(%dma_start3A_791 : memref<10000x3072xf32, #tpu.memory_space<hbm>>) offsets(%arg18 : memref<16xi32, #tpu.memory_space<vmem>>) semaphore(%arg28 : memref<!tpu.dma_semaphore, #tpu.memory_space<semaphore_mem>>)
            %dma_wait3A_792 = arith.constant 0 : i32
            %dma_wait3A_793 = arith.constant 0 : i32
            %dma_wait3A_794 = tpu.memref_slice %arg2[%dma_wait3A_792, %dma_wait3A_793] : memref<10000x3072xf32, #tpu.memory_space<hbm>> -> memref<10000x3072xf32, #tpu.memory_space<hbm>>
            tpu.wait_indirect_dma semaphore(%arg28 : memref<!tpu.dma_semaphore, #tpu.memory_space<semaphore_mem>>) src(%arg21 : memref<16x3072xf32, #tpu.memory_space<vmem>>) dst(%dma_wait3A_794 : memref<10000x3072xf32, #tpu.memory_space<hbm>>)
          } else {
          }
          %add3A_783 = arith.constant 1 : i32
          %add3A_784 = arith.addi %while3A_752, %add3A_783 : i32
          %lt3A_785 = arith.cmpi slt, %add3A_784, %select_n3A_719 : i32
          %convert_element_type3A_786 = arith.extui %lt3A_785 : i1 to i32
          %cond3A_787 = arith.constant 0 : i32
          %cond3A_788 = arith.cmpi ne, %convert_element_type3A_786, %cond3A_787 : i32
          scf.if %cond3A_788 {
            %convert_element_type3A_789 = arith.extui %eq3A_769 : i1 to i32
            %cond3A_790 = arith.constant 0 : i32
            %cond3A_791 = arith.cmpi ne, %convert_element_type3A_789, %cond3A_790 : i32
            scf.if %cond3A_791 {
              %dma_wait3A_797 = arith.constant 0 : i32
              %dma_wait3A_798 = arith.constant 0 : i32
              %dma_wait3A_799 = tpu.memref_slice %arg4[%dma_wait3A_797, %dma_wait3A_798] : memref<4096x3072xf32, #tpu.memory_space<hbm>> -> memref<4096x3072xf32, #tpu.memory_space<hbm>>
              tpu.wait_indirect_dma semaphore(%arg27 : memref<!tpu.dma_semaphore, #tpu.memory_space<semaphore_mem>>) src(%dma_wait3A_799 : memref<4096x3072xf32, #tpu.memory_space<hbm>>) dst(%arg21 : memref<16x3072xf32, #tpu.memory_space<vmem>>)
            } else {
            }
            %not3A_792 = arith.constant true
            %not3A_793 = arith.xori %eq3A_769, %not3A_792 : i1
            %convert_element_type3A_794 = arith.extui %not3A_793 : i1 to i32
            %cond3A_795 = arith.constant 0 : i32
            %cond3A_796 = arith.cmpi ne, %convert_element_type3A_794, %cond3A_795 : i32
            scf.if %cond3A_796 {
              %dma_wait3A_797 = arith.constant 0 : i32
              %dma_wait3A_798 = arith.constant 0 : i32
              %dma_wait3A_799 = tpu.memref_slice %arg4[%dma_wait3A_797, %dma_wait3A_798] : memref<4096x3072xf32, #tpu.memory_space<hbm>> -> memref<4096x3072xf32, #tpu.memory_space<hbm>>
              tpu.wait_indirect_dma semaphore(%arg25 : memref<!tpu.dma_semaphore, #tpu.memory_space<semaphore_mem>>) src(%dma_wait3A_799 : memref<4096x3072xf32, #tpu.memory_space<hbm>>) dst(%arg20 : memref<16x3072xf32, #tpu.memory_space<vmem>>)
            } else {
            }
          } else {
          }
        }
        %while3A_751 = arith.constant 1 : i32
        scf.for %while3A_752 = %while3A_749 to %while3A_745 step %while3A_751  : i32 {
          %jit3A_753 = arith.constant 2 : i32
          %eq3A = arith.constant 0 : i32
          %eq3A_754 = arith.cmpi eq, %jit3A_753, %eq3A : i32
          %jit3A_755 = arith.constant 1 : i32
          %select_n3A_756 = arith.select %eq3A_754, %jit3A_755, %jit3A_753 : i32
          %rem3A_757 = arith.remsi %while3A_752, %select_n3A_756 : i32
          %ne3A_758 = arith.constant 0 : i32
          %ne3A_759 = arith.cmpi ne, %rem3A_757, %ne3A_758 : i32
          %lt3A_760 = arith.constant 0 : i32
          %lt3A_761 = arith.cmpi slt, %rem3A_757, %lt3A_760 : i32
          %lt3A_762 = arith.constant 0 : i32
          %lt3A_763 = arith.cmpi slt, %select_n3A_756, %lt3A_762 : i32
          %ne3A_764 = arith.xori %lt3A_761, %lt3A_763 : i1
          %and3A_765 = arith.andi %ne3A_764, %ne3A_759 : i1
          %add3A_766 = arith.addi %rem3A_757, %select_n3A_756 : i32
          %select_n3A_767 = arith.select %and3A_765, %add3A_766, %rem3A_757 : i32
          %eq3A_768 = arith.constant 0 : i32
          %eq3A_769 = arith.cmpi eq, %select_n3A_767, %eq3A_768 : i32
          %add3A_770 = arith.constant 1 : i32
          %add3A_771 = arith.addi %while3A_752, %add3A_770 : i32
          %lt3A_772 = arith.cmpi slt, %add3A_771, %select_n3A_719 : i32
          %convert_element_type3A_773 = arith.extui %lt3A_772 : i1 to i32
          %cond3A_774 = arith.constant 0 : i32
          %cond3A_775 = arith.cmpi ne, %convert_element_type3A_773, %cond3A_774 : i32
          scf.if %cond3A_775 {
            %convert_element_type3A_789 = arith.extui %eq3A_769 : i1 to i32
            %cond3A_790 = arith.constant 0 : i32
            %cond3A_791 = arith.cmpi ne, %convert_element_type3A_789, %cond3A_790 : i32
            scf.if %cond3A_791 {
              %add3A_797 = arith.constant 1 : i32
              %add3A_798 = arith.addi %while3A_752, %add3A_797 : i32
              %mul3A_799 = arith.constant 16 : i32
              %mul3A_800 = arith.muli %add3A_798, %mul3A_799 : i32
              %get3A_801 = arith.index_cast %mul3A_800 : i32 to index
              %get3A_802 = tpu.vector_load %arg14[%get3A_801] {strides = array<i32>} : memref<336xi32, #tpu.memory_space<vmem>>, vector<16xi32>,
              %swap3A_803 = arith.constant 0 : index
              %swap3A_804 = tpu.vector_load %arg18[%swap3A_803] {strides = array<i32>} : memref<16xi32, #tpu.memory_space<vmem>>, vector<16xi32>,
              tpu.vector_store %arg18[%swap3A_803], %get3A_802 {strides = array<i32>} : memref<16xi32, #tpu.memory_space<vmem>>, vector<16xi32>,
              %mul3A_805 = arith.constant 16 : i32
              %mul3A_806 = arith.muli %add3A_798, %mul3A_805 : i32
              %get3A_807 = arith.index_cast %mul3A_806 : i32 to index
              %get3A_808 = tpu.vector_load %arg15[%get3A_807] {strides = array<i32>} : memref<336xi32, #tpu.memory_space<vmem>>, vector<16xi32>,
              %swap3A_809 = arith.constant 0 : index
              %swap3A_810 = tpu.vector_load %arg19[%swap3A_809] {strides = array<i32>} : memref<16xi32, #tpu.memory_space<vmem>>, vector<16xi32>,
              tpu.vector_store %arg19[%swap3A_809], %get3A_808 {strides = array<i32>} : memref<16xi32, #tpu.memory_space<vmem>>, vector<16xi32>,
              %dma_start3A_811 = arith.constant 0 : i32
              %dma_start3A_812 = arith.constant 0 : i32
              %dma_start3A_813 = tpu.memref_slice %arg4[%dma_start3A_811, %dma_start3A_812] : memref<4096x3072xf32, #tpu.memory_space<hbm>> -> memref<4096x3072xf32, #tpu.memory_space<hbm>>
              tpu.enqueue_indirect_dma source(%dma_start3A_813 : memref<4096x3072xf32, #tpu.memory_space<hbm>>) target(%arg21 : memref<16x3072xf32, #tpu.memory_space<vmem>>) offsets(%arg19 : memref<16xi32, #tpu.memory_space<vmem>>) semaphore(%arg27 : memref<!tpu.dma_semaphore, #tpu.memory_space<semaphore_mem>>)
            } else {
            }
            %not3A_792 = arith.constant true
            %not3A_793 = arith.xori %eq3A_769, %not3A_792 : i1
            %convert_element_type3A_794 = arith.extui %not3A_793 : i1 to i32
            %cond3A_795 = arith.constant 0 : i32
            %cond3A_796 = arith.cmpi ne, %convert_element_type3A_794, %cond3A_795 : i32
            scf.if %cond3A_796 {
              %add3A_797 = arith.constant 1 : i32
              %add3A_798 = arith.addi %while3A_752, %add3A_797 : i32
              %mul3A_799 = arith.constant 16 : i32
              %mul3A_800 = arith.muli %add3A_798, %mul3A_799 : i32
              %get3A_801 = arith.index_cast %mul3A_800 : i32 to index
              %get3A_802 = tpu.vector_load %arg14[%get3A_801] {strides = array<i32>} : memref<336xi32, #tpu.memory_space<vmem>>, vector<16xi32>,
              %swap3A_803 = arith.constant 0 : index
              %swap3A_804 = tpu.vector_load %arg16[%swap3A_803] {strides = array<i32>} : memref<16xi32, #tpu.memory_space<vmem>>, vector<16xi32>,
              tpu.vector_store %arg16[%swap3A_803], %get3A_802 {strides = array<i32>} : memref<16xi32, #tpu.memory_space<vmem>>, vector<16xi32>,
              %mul3A_805 = arith.constant 16 : i32
              %mul3A_806 = arith.muli %add3A_798, %mul3A_805 : i32
              %get3A_807 = arith.index_cast %mul3A_806 : i32 to index
              %get3A_808 = tpu.vector_load %arg15[%get3A_807] {strides = array<i32>} : memref<336xi32, #tpu.memory_space<vmem>>, vector<16xi32>,
              %swap3A_809 = arith.constant 0 : index
              %swap3A_810 = tpu.vector_load %arg17[%swap3A_809] {strides = array<i32>} : memref<16xi32, #tpu.memory_space<vmem>>, vector<16xi32>,
              tpu.vector_store %arg17[%swap3A_809], %get3A_808 {strides = array<i32>} : memref<16xi32, #tpu.memory_space<vmem>>, vector<16xi32>,
              %dma_start3A_811 = arith.constant 0 : i32
              %dma_start3A_812 = arith.constant 0 : i32
              %dma_start3A_813 = tpu.memref_slice %arg4[%dma_start3A_811, %dma_start3A_812] : memref<4096x3072xf32, #tpu.memory_space<hbm>> -> memref<4096x3072xf32, #tpu.memory_space<hbm>>
              tpu.enqueue_indirect_dma source(%dma_start3A_813 : memref<4096x3072xf32, #tpu.memory_space<hbm>>) target(%arg20 : memref<16x3072xf32, #tpu.memory_space<vmem>>) offsets(%arg17 : memref<16xi32, #tpu.memory_space<vmem>>) semaphore(%arg25 : memref<!tpu.dma_semaphore, #tpu.memory_space<semaphore_mem>>)
            } else {
            }
          } else {
          }
          %convert_element_type3A_776 = arith.extui %eq3A_769 : i1 to i32
          %cond3A_777 = arith.constant 0 : i32
          %cond3A_778 = arith.cmpi ne, %convert_element_type3A_776, %cond3A_777 : i32
          scf.if %cond3A_778 {
            %dma_start3A_789 = arith.constant 0 : i32
            %dma_start3A_790 = arith.constant 0 : i32
            %dma_start3A_791 = tpu.memref_slice %arg2[%dma_start3A_789, %dma_start3A_790] : memref<10000x3072xf32, #tpu.memory_space<hbm>> -> memref<10000x3072xf32, #tpu.memory_space<hbm>>
            tpu.enqueue_indirect_dma source(%arg20 : memref<16x3072xf32, #tpu.memory_space<vmem>>) target(%dma_start3A_791 : memref<10000x3072xf32, #tpu.memory_space<hbm>>) offsets(%arg16 : memref<16xi32, #tpu.memory_space<vmem>>) semaphore(%arg26 : memref<!tpu.dma_semaphore, #tpu.memory_space<semaphore_mem>>)
            %dma_wait3A_792 = arith.constant 0 : i32
            %dma_wait3A_793 = arith.constant 0 : i32
            %dma_wait3A_794 = tpu.memref_slice %arg2[%dma_wait3A_792, %dma_wait3A_793] : memref<10000x3072xf32, #tpu.memory_space<hbm>> -> memref<10000x3072xf32, #tpu.memory_space<hbm>>
            tpu.wait_indirect_dma semaphore(%arg26 : memref<!tpu.dma_semaphore, #tpu.memory_space<semaphore_mem>>) src(%arg20 : memref<16x3072xf32, #tpu.memory_space<vmem>>) dst(%dma_wait3A_794 : memref<10000x3072xf32, #tpu.memory_space<hbm>>)
          } else {
          }
          %not3A = arith.constant true
          %not3A_779 = arith.xori %eq3A_769, %not3A : i1
          %convert_element_type3A_780 = arith.extui %not3A_779 : i1 to i32
          %cond3A_781 = arith.constant 0 : i32
          %cond3A_782 = arith.cmpi ne, %convert_element_type3A_780, %cond3A_781 : i32
          scf.if %cond3A_782 {
            %dma_start3A_789 = arith.constant 0 : i32
            %dma_start3A_790 = arith.constant 0 : i32
            %dma_start3A_791 = tpu.memref_slice %arg2[%dma_start3A_789, %dma_start3A_790] : memref<10000x3072xf32, #tpu.memory_space<hbm>> -> memref<10000x3072xf32, #tpu.memory_space<hbm>>
            tpu.enqueue_indirect_dma source(%arg21 : memref<16x3072xf32, #tpu.memory_space<vmem>>) target(%dma_start3A_791 : memref<10000x3072xf32, #tpu.memory_space<hbm>>) offsets(%arg18 : memref<16xi32, #tpu.memory_space<vmem>>) semaphore(%arg28 : memref<!tpu.dma_semaphore, #tpu.memory_space<semaphore_mem>>)
            %dma_wait3A_792 = arith.constant 0 : i32
            %dma_wait3A_793 = arith.constant 0 : i32
            %dma_wait3A_794 = tpu.memref_slice %arg2[%dma_wait3A_792, %dma_wait3A_793] : memref<10000x3072xf32, #tpu.memory_space<hbm>> -> memref<10000x3072xf32, #tpu.memory_space<hbm>>
            tpu.wait_indirect_dma semaphore(%arg28 : memref<!tpu.dma_semaphore, #tpu.memory_space<semaphore_mem>>) src(%arg21 : memref<16x3072xf32, #tpu.memory_space<vmem>>) dst(%dma_wait3A_794 : memref<10000x3072xf32, #tpu.memory_space<hbm>>)
          } else {
          }
          %add3A_783 = arith.constant 1 : i32
          %add3A_784 = arith.addi %while3A_752, %add3A_783 : i32
          %lt3A_785 = arith.cmpi slt, %add3A_784, %select_n3A_719 : i32
          %convert_element_type3A_786 = arith.extui %lt3A_785 : i1 to i32
          %cond3A_787 = arith.constant 0 : i32
          %cond3A_788 = arith.cmpi ne, %convert_element_type3A_786, %cond3A_787 : i32
          scf.if %cond3A_788 {
            %convert_element_type3A_789 = arith.extui %eq3A_769 : i1 to i32
            %cond3A_790 = arith.constant 0 : i32
            %cond3A_791 = arith.cmpi ne, %convert_element_type3A_789, %cond3A_790 : i32
            scf.if %cond3A_791 {
              %dma_wait3A_797 = arith.constant 0 : i32
              %dma_wait3A_798 = arith.constant 0 : i32
              %dma_wait3A_799 = tpu.memref_slice %arg4[%dma_wait3A_797, %dma_wait3A_798] : memref<4096x3072xf32, #tpu.memory_space<hbm>> -> memref<4096x3072xf32, #tpu.memory_space<hbm>>
              tpu.wait_indirect_dma semaphore(%arg27 : memref<!tpu.dma_semaphore, #tpu.memory_space<semaphore_mem>>) src(%dma_wait3A_799 : memref<4096x3072xf32, #tpu.memory_space<hbm>>) dst(%arg21 : memref<16x3072xf32, #tpu.memory_space<vmem>>)
            } else {
            }
            %not3A_792 = arith.constant true
            %not3A_793 = arith.xori %eq3A_769, %not3A_792 : i1
            %convert_element_type3A_794 = arith.extui %not3A_793 : i1 to i32
            %cond3A_795 = arith.constant 0 : i32
            %cond3A_796 = arith.cmpi ne, %convert_element_type3A_794, %cond3A_795 : i32
            scf.if %cond3A_796 {
              %dma_wait3A_797 = arith.constant 0 : i32
              %dma_wait3A_798 = arith.constant 0 : i32
              %dma_wait3A_799 = tpu.memref_slice %arg4[%dma_wait3A_797, %dma_wait3A_798] : memref<4096x3072xf32, #tpu.memory_space<hbm>> -> memref<4096x3072xf32, #tpu.memory_space<hbm>>
              tpu.wait_indirect_dma semaphore(%arg25 : memref<!tpu.dma_semaphore, #tpu.memory_space<semaphore_mem>>) src(%dma_wait3A_799 : memref<4096x3072xf32, #tpu.memory_space<hbm>>) dst(%arg20 : memref<16x3072xf32, #tpu.memory_space<vmem>>)
            } else {
            }
          } else {
          }
        }
      } else {
      }
    } else {
    }
    %ge3A = arith.constant 17 : i32
    %ge3A_3 = arith.cmpi sge, %add3A, %ge3A : i32
    %convert_element_type3A_4 = arith.extui %ge3A_3 : i1 to i32
    %cond3A_5 = arith.constant 0 : i32
    %cond3A_6 = arith.cmpi ne, %convert_element_type3A_4, %cond3A_5 : i32
    scf.if %cond3A_6 {
      %sub3A = arith.constant 17 : i32
      %sub3A_7 = arith.subi %add3A, %sub3A : i32
      %mul3A_8 = arith.constant 304 : i32
      %mul3A_9 = arith.muli %sub3A_7, %mul3A_8 : i32
      %add3A_10 = arith.constant 5440 : i32
      %add3A_11 = arith.addi %add3A_10, %mul3A_9 : i32
      "tpu.region"() ({
        %run_scoped3A = tpu.sem_alloc : memref<!tpu.dma_semaphore, #tpu.memory_space<semaphore_mem>>
        tpu.enqueue_dma source(%arg5 : memref<4096xi32, #tpu.memory_space<hbm>>) target(%arg12 : memref<4096xi32, #tpu.memory_space<vmem>>) target_semaphore(%run_scoped3A : memref<!tpu.dma_semaphore, #tpu.memory_space<semaphore_mem>>)
        tpu.wait_dma2 semaphore(%run_scoped3A : memref<!tpu.dma_semaphore, #tpu.memory_space<semaphore_mem>>) src(%arg5 : memref<4096xi32, #tpu.memory_space<hbm>>) dst(%arg12 : memref<4096xi32, #tpu.memory_space<vmem>>)
        tpu.yield
      }) : () -> ()
      "tpu.region"() ({
        %run_scoped3A = tpu.sem_alloc : memref<!tpu.dma_semaphore, #tpu.memory_space<semaphore_mem>>
        tpu.enqueue_dma source(%arg6 : memref<4096xi32, #tpu.memory_space<hbm>>) target(%arg13 : memref<4096xi32, #tpu.memory_space<vmem>>) target_semaphore(%run_scoped3A : memref<!tpu.dma_semaphore, #tpu.memory_space<semaphore_mem>>)
        tpu.wait_dma2 semaphore(%run_scoped3A : memref<!tpu.dma_semaphore, #tpu.memory_space<semaphore_mem>>) src(%arg6 : memref<4096xi32, #tpu.memory_space<hbm>>) dst(%arg13 : memref<4096xi32, #tpu.memory_space<vmem>>)
        tpu.yield
      }) : () -> ()
      "tpu.region"() ({
        %run_scoped3A = tpu.sem_alloc : memref<!tpu.dma_semaphore, #tpu.memory_space<semaphore_mem>>
        tpu.enqueue_dma source(%arg7 : memref<4096xi32, #tpu.memory_space<hbm>>) target(%arg22 : memref<4096xi32, #tpu.memory_space<vmem>>) target_semaphore(%run_scoped3A : memref<!tpu.dma_semaphore, #tpu.memory_space<semaphore_mem>>)
        tpu.wait_dma2 semaphore(%run_scoped3A : memref<!tpu.dma_semaphore, #tpu.memory_space<semaphore_mem>>) src(%arg7 : memref<4096xi32, #tpu.memory_space<hbm>>) dst(%arg22 : memref<4096xi32, #tpu.memory_space<vmem>>)
        tpu.yield
      }) : () -> ()
      "tpu.region"() ({
        %run_scoped3A = tpu.sem_alloc : memref<!tpu.dma_semaphore, #tpu.memory_space<semaphore_mem>>
        %dma_start3A = arith.constant 0 : i32
        %dma_start3A_695 = tpu.memref_slice %arg23[%dma_start3A] : memref<320xi32, #tpu.memory_space<vmem>> -> memref<304xi32, #tpu.memory_space<vmem>>
        %dma_start3A_696 = tpu.memref_slice %arg3[%add3A_11] : memref<10000xi32, #tpu.memory_space<hbm>> -> memref<304xi32, #tpu.memory_space<hbm>>
        %dma_start3A_697 = arith.constant 0 : i32
        %dma_start3A_698 = tpu.memref_slice %arg23[%dma_start3A_697] : memref<320xi32, #tpu.memory_space<vmem>> -> memref<304xi32, #tpu.memory_space<vmem>>
        %dma_start3A_699 = tpu.memref_slice %arg3[%add3A_11] : memref<10000xi32, #tpu.memory_space<hbm>> -> memref<304xi32, #tpu.memory_space<hbm>>
        tpu.enqueue_dma source(%dma_start3A_699 : memref<304xi32, #tpu.memory_space<hbm>>) target(%dma_start3A_698 : memref<304xi32, #tpu.memory_space<vmem>>) target_semaphore(%run_scoped3A : memref<!tpu.dma_semaphore, #tpu.memory_space<semaphore_mem>>)
        %dma_wait3A = arith.constant 0 : i32
        %dma_wait3A_700 = tpu.memref_slice %arg23[%dma_wait3A] : memref<320xi32, #tpu.memory_space<vmem>> -> memref<304xi32, #tpu.memory_space<vmem>>
        %dma_wait3A_701 = tpu.memref_slice %arg3[%add3A_11] : memref<10000xi32, #tpu.memory_space<hbm>> -> memref<304xi32, #tpu.memory_space<hbm>>
        %dma_wait3A_702 = arith.constant 0 : i32
        %dma_wait3A_703 = tpu.memref_slice %arg23[%dma_wait3A_702] : memref<320xi32, #tpu.memory_space<vmem>> -> memref<304xi32, #tpu.memory_space<vmem>>
        %dma_wait3A_704 = tpu.memref_slice %arg3[%add3A_11] : memref<10000xi32, #tpu.memory_space<hbm>> -> memref<304xi32, #tpu.memory_space<hbm>>
        tpu.wait_dma2 semaphore(%run_scoped3A : memref<!tpu.dma_semaphore, #tpu.memory_space<semaphore_mem>>) src(%dma_wait3A_704 : memref<304xi32, #tpu.memory_space<hbm>>) dst(%dma_wait3A_703 : memref<304xi32, #tpu.memory_space<vmem>>)
        tpu.yield
      }) : () -> ()
      %broadcast_in_dim3A = arith.constant 0 : i32
      %broadcast_in_dim3A_12 = vector.broadcast %broadcast_in_dim3A : i32 to vector<16xi32>
      %sub3A_13 = arith.constant 1 : i32
      %sub3A_14 = vector.broadcast %sub3A_13 : i32 to vector<16xi32>
      %sub3A_15 = arith.subi %broadcast_in_dim3A_12, %sub3A_14 : vector<16xi32>
      %broadcast_in_dim3A_16 = arith.constant 0 : i32
      %broadcast_in_dim3A_17 = vector.broadcast %broadcast_in_dim3A_16 : i32 to vector<16xi32>
      %add3A_18 = arith.constant 4096 : i32
      %add3A_19 = vector.broadcast %add3A_18 : i32 to vector<16xi32>
      %add3A_20 = arith.addi %broadcast_in_dim3A_17, %add3A_19 : vector<16xi32>
      %swap3A = arith.constant 0 : index
      %swap3A_21 = tpu.vector_load %arg11[%swap3A] {strides = array<i32>} : memref<320xi32, #tpu.memory_space<vmem>>, vector<16xi32>,
      tpu.vector_store %arg11[%swap3A], %sub3A_15 {strides = array<i32>} : memref<320xi32, #tpu.memory_space<vmem>>, vector<16xi32>,
      %swap3A_22 = arith.constant 0 : index
      %swap3A_23 = tpu.vector_load %arg10[%swap3A_22] {strides = array<i32>} : memref<320xi32, #tpu.memory_space<vmem>>, vector<16xi32>,
      tpu.vector_store %arg10[%swap3A_22], %add3A_20 {strides = array<i32>} : memref<320xi32, #tpu.memory_space<vmem>>, vector<16xi32>,
      %swap3A_24 = arith.constant 16 : index
      %swap3A_25 = tpu.vector_load %arg11[%swap3A_24] {strides = array<i32>} : memref<320xi32, #tpu.memory_space<vmem>>, vector<16xi32>,
      tpu.vector_store %arg11[%swap3A_24], %sub3A_15 {strides = array<i32>} : memref<320xi32, #tpu.memory_space<vmem>>, vector<16xi32>,
      %swap3A_26 = arith.constant 16 : index
      %swap3A_27 = tpu.vector_load %arg10[%swap3A_26] {strides = array<i32>} : memref<320xi32, #tpu.memory_space<vmem>>, vector<16xi32>,
      tpu.vector_store %arg10[%swap3A_26], %add3A_20 {strides = array<i32>} : memref<320xi32, #tpu.memory_space<vmem>>, vector<16xi32>,
      %swap3A_28 = arith.constant 32 : index
      %swap3A_29 = tpu.vector_load %arg11[%swap3A_28] {strides = array<i32>} : memref<320xi32, #tpu.memory_space<vmem>>, vector<16xi32>,
      tpu.vector_store %arg11[%swap3A_28], %sub3A_15 {strides = array<i32>} : memref<320xi32, #tpu.memory_space<vmem>>, vector<16xi32>,
      %swap3A_30 = arith.constant 32 : index
      %swap3A_31 = tpu.vector_load %arg10[%swap3A_30] {strides = array<i32>} : memref<320xi32, #tpu.memory_space<vmem>>, vector<16xi32>,
      tpu.vector_store %arg10[%swap3A_30], %add3A_20 {strides = array<i32>} : memref<320xi32, #tpu.memory_space<vmem>>, vector<16xi32>,
      %swap3A_32 = arith.constant 48 : index
      %swap3A_33 = tpu.vector_load %arg11[%swap3A_32] {strides = array<i32>} : memref<320xi32, #tpu.memory_space<vmem>>, vector<16xi32>,
      tpu.vector_store %arg11[%swap3A_32], %sub3A_15 {strides = array<i32>} : memref<320xi32, #tpu.memory_space<vmem>>, vector<16xi32>,
      %swap3A_34 = arith.constant 48 : index
      %swap3A_35 = tpu.vector_load %arg10[%swap3A_34] {strides = array<i32>} : memref<320xi32, #tpu.memory_space<vmem>>, vector<16xi32>,
      tpu.vector_store %arg10[%swap3A_34], %add3A_20 {strides = array<i32>} : memref<320xi32, #tpu.memory_space<vmem>>, vector<16xi32>,
      %swap3A_36 = arith.constant 64 : index
      %swap3A_37 = tpu.vector_load %arg11[%swap3A_36] {strides = array<i32>} : memref<320xi32, #tpu.memory_space<vmem>>, vector<16xi32>,
      tpu.vector_store %arg11[%swap3A_36], %sub3A_15 {strides = array<i32>} : memref<320xi32, #tpu.memory_space<vmem>>, vector<16xi32>,
      %swap3A_38 = arith.constant 64 : index
      %swap3A_39 = tpu.vector_load %arg10[%swap3A_38] {strides = array<i32>} : memref<320xi32, #tpu.memory_space<vmem>>, vector<16xi32>,
      tpu.vector_store %arg10[%swap3A_38], %add3A_20 {strides = array<i32>} : memref<320xi32, #tpu.memory_space<vmem>>, vector<16xi32>,
      %swap3A_40 = arith.constant 80 : index
      %swap3A_41 = tpu.vector_load %arg11[%swap3A_40] {strides = array<i32>} : memref<320xi32, #tpu.memory_space<vmem>>, vector<16xi32>,
      tpu.vector_store %arg11[%swap3A_40], %sub3A_15 {strides = array<i32>} : memref<320xi32, #tpu.memory_space<vmem>>, vector<16xi32>,
      %swap3A_42 = arith.constant 80 : index
      %swap3A_43 = tpu.vector_load %arg10[%swap3A_42] {strides = array<i32>} : memref<320xi32, #tpu.memory_space<vmem>>, vector<16xi32>,
      tpu.vector_store %arg10[%swap3A_42], %add3A_20 {strides = array<i32>} : memref<320xi32, #tpu.memory_space<vmem>>, vector<16xi32>,
      %swap3A_44 = arith.constant 96 : index
      %swap3A_45 = tpu.vector_load %arg11[%swap3A_44] {strides = array<i32>} : memref<320xi32, #tpu.memory_space<vmem>>, vector<16xi32>,
      tpu.vector_store %arg11[%swap3A_44], %sub3A_15 {strides = array<i32>} : memref<320xi32, #tpu.memory_space<vmem>>, vector<16xi32>,
      %swap3A_46 = arith.constant 96 : index
      %swap3A_47 = tpu.vector_load %arg10[%swap3A_46] {strides = array<i32>} : memref<320xi32, #tpu.memory_space<vmem>>, vector<16xi32>,
      tpu.vector_store %arg10[%swap3A_46], %add3A_20 {strides = array<i32>} : memref<320xi32, #tpu.memory_space<vmem>>, vector<16xi32>,
      %swap3A_48 = arith.constant 112 : index
      %swap3A_49 = tpu.vector_load %arg11[%swap3A_48] {strides = array<i32>} : memref<320xi32, #tpu.memory_space<vmem>>, vector<16xi32>,
      tpu.vector_store %arg11[%swap3A_48], %sub3A_15 {strides = array<i32>} : memref<320xi32, #tpu.memory_space<vmem>>, vector<16xi32>,
      %swap3A_50 = arith.constant 112 : index
      %swap3A_51 = tpu.vector_load %arg10[%swap3A_50] {strides = array<i32>} : memref<320xi32, #tpu.memory_space<vmem>>, vector<16xi32>,
      tpu.vector_store %arg10[%swap3A_50], %add3A_20 {strides = array<i32>} : memref<320xi32, #tpu.memory_space<vmem>>, vector<16xi32>,
      %swap3A_52 = arith.constant 128 : index
      %swap3A_53 = tpu.vector_load %arg11[%swap3A_52] {strides = array<i32>} : memref<320xi32, #tpu.memory_space<vmem>>, vector<16xi32>,
      tpu.vector_store %arg11[%swap3A_52], %sub3A_15 {strides = array<i32>} : memref<320xi32, #tpu.memory_space<vmem>>, vector<16xi32>,
      %swap3A_54 = arith.constant 128 : index
      %swap3A_55 = tpu.vector_load %arg10[%swap3A_54] {strides = array<i32>} : memref<320xi32, #tpu.memory_space<vmem>>, vector<16xi32>,
      tpu.vector_store %arg10[%swap3A_54], %add3A_20 {strides = array<i32>} : memref<320xi32, #tpu.memory_space<vmem>>, vector<16xi32>,
      %swap3A_56 = arith.constant 144 : index
      %swap3A_57 = tpu.vector_load %arg11[%swap3A_56] {strides = array<i32>} : memref<320xi32, #tpu.memory_space<vmem>>, vector<16xi32>,
      tpu.vector_store %arg11[%swap3A_56], %sub3A_15 {strides = array<i32>} : memref<320xi32, #tpu.memory_space<vmem>>, vector<16xi32>,
      %swap3A_58 = arith.constant 144 : index
      %swap3A_59 = tpu.vector_load %arg10[%swap3A_58] {strides = array<i32>} : memref<320xi32, #tpu.memory_space<vmem>>, vector<16xi32>,
      tpu.vector_store %arg10[%swap3A_58], %add3A_20 {strides = array<i32>} : memref<320xi32, #tpu.memory_space<vmem>>, vector<16xi32>,
      %swap3A_60 = arith.constant 160 : index
      %swap3A_61 = tpu.vector_load %arg11[%swap3A_60] {strides = array<i32>} : memref<320xi32, #tpu.memory_space<vmem>>, vector<16xi32>,
      tpu.vector_store %arg11[%swap3A_60], %sub3A_15 {strides = array<i32>} : memref<320xi32, #tpu.memory_space<vmem>>, vector<16xi32>,
      %swap3A_62 = arith.constant 160 : index
      %swap3A_63 = tpu.vector_load %arg10[%swap3A_62] {strides = array<i32>} : memref<320xi32, #tpu.memory_space<vmem>>, vector<16xi32>,
      tpu.vector_store %arg10[%swap3A_62], %add3A_20 {strides = array<i32>} : memref<320xi32, #tpu.memory_space<vmem>>, vector<16xi32>,
      %swap3A_64 = arith.constant 176 : index
      %swap3A_65 = tpu.vector_load %arg11[%swap3A_64] {strides = array<i32>} : memref<320xi32, #tpu.memory_space<vmem>>, vector<16xi32>,
      tpu.vector_store %arg11[%swap3A_64], %sub3A_15 {strides = array<i32>} : memref<320xi32, #tpu.memory_space<vmem>>, vector<16xi32>,
      %swap3A_66 = arith.constant 176 : index
      %swap3A_67 = tpu.vector_load %arg10[%swap3A_66] {strides = array<i32>} : memref<320xi32, #tpu.memory_space<vmem>>, vector<16xi32>,
      tpu.vector_store %arg10[%swap3A_66], %add3A_20 {strides = array<i32>} : memref<320xi32, #tpu.memory_space<vmem>>, vector<16xi32>,
      %swap3A_68 = arith.constant 192 : index
      %swap3A_69 = tpu.vector_load %arg11[%swap3A_68] {strides = array<i32>} : memref<320xi32, #tpu.memory_space<vmem>>, vector<16xi32>,
      tpu.vector_store %arg11[%swap3A_68], %sub3A_15 {strides = array<i32>} : memref<320xi32, #tpu.memory_space<vmem>>, vector<16xi32>,
      %swap3A_70 = arith.constant 192 : index
      %swap3A_71 = tpu.vector_load %arg10[%swap3A_70] {strides = array<i32>} : memref<320xi32, #tpu.memory_space<vmem>>, vector<16xi32>,
      tpu.vector_store %arg10[%swap3A_70], %add3A_20 {strides = array<i32>} : memref<320xi32, #tpu.memory_space<vmem>>, vector<16xi32>,
      %swap3A_72 = arith.constant 208 : index
      %swap3A_73 = tpu.vector_load %arg11[%swap3A_72] {strides = array<i32>} : memref<320xi32, #tpu.memory_space<vmem>>, vector<16xi32>,
      tpu.vector_store %arg11[%swap3A_72], %sub3A_15 {strides = array<i32>} : memref<320xi32, #tpu.memory_space<vmem>>, vector<16xi32>,
      %swap3A_74 = arith.constant 208 : index
      %swap3A_75 = tpu.vector_load %arg10[%swap3A_74] {strides = array<i32>} : memref<320xi32, #tpu.memory_space<vmem>>, vector<16xi32>,
      tpu.vector_store %arg10[%swap3A_74], %add3A_20 {strides = array<i32>} : memref<320xi32, #tpu.memory_space<vmem>>, vector<16xi32>,
      %swap3A_76 = arith.constant 224 : index
      %swap3A_77 = tpu.vector_load %arg11[%swap3A_76] {strides = array<i32>} : memref<320xi32, #tpu.memory_space<vmem>>, vector<16xi32>,
      tpu.vector_store %arg11[%swap3A_76], %sub3A_15 {strides = array<i32>} : memref<320xi32, #tpu.memory_space<vmem>>, vector<16xi32>,
      %swap3A_78 = arith.constant 224 : index
      %swap3A_79 = tpu.vector_load %arg10[%swap3A_78] {strides = array<i32>} : memref<320xi32, #tpu.memory_space<vmem>>, vector<16xi32>,
      tpu.vector_store %arg10[%swap3A_78], %add3A_20 {strides = array<i32>} : memref<320xi32, #tpu.memory_space<vmem>>, vector<16xi32>,
      %swap3A_80 = arith.constant 240 : index
      %swap3A_81 = tpu.vector_load %arg11[%swap3A_80] {strides = array<i32>} : memref<320xi32, #tpu.memory_space<vmem>>, vector<16xi32>,
      tpu.vector_store %arg11[%swap3A_80], %sub3A_15 {strides = array<i32>} : memref<320xi32, #tpu.memory_space<vmem>>, vector<16xi32>,
      %swap3A_82 = arith.constant 240 : index
      %swap3A_83 = tpu.vector_load %arg10[%swap3A_82] {strides = array<i32>} : memref<320xi32, #tpu.memory_space<vmem>>, vector<16xi32>,
      tpu.vector_store %arg10[%swap3A_82], %add3A_20 {strides = array<i32>} : memref<320xi32, #tpu.memory_space<vmem>>, vector<16xi32>,
      %swap3A_84 = arith.constant 256 : index
      %swap3A_85 = tpu.vector_load %arg11[%swap3A_84] {strides = array<i32>} : memref<320xi32, #tpu.memory_space<vmem>>, vector<16xi32>,
      tpu.vector_store %arg11[%swap3A_84], %sub3A_15 {strides = array<i32>} : memref<320xi32, #tpu.memory_space<vmem>>, vector<16xi32>,
      %swap3A_86 = arith.constant 256 : index
      %swap3A_87 = tpu.vector_load %arg10[%swap3A_86] {strides = array<i32>} : memref<320xi32, #tpu.memory_space<vmem>>, vector<16xi32>,
      tpu.vector_store %arg10[%swap3A_86], %add3A_20 {strides = array<i32>} : memref<320xi32, #tpu.memory_space<vmem>>, vector<16xi32>,
      %swap3A_88 = arith.constant 272 : index
      %swap3A_89 = tpu.vector_load %arg11[%swap3A_88] {strides = array<i32>} : memref<320xi32, #tpu.memory_space<vmem>>, vector<16xi32>,
      tpu.vector_store %arg11[%swap3A_88], %sub3A_15 {strides = array<i32>} : memref<320xi32, #tpu.memory_space<vmem>>, vector<16xi32>,
      %swap3A_90 = arith.constant 272 : index
      %swap3A_91 = tpu.vector_load %arg10[%swap3A_90] {strides = array<i32>} : memref<320xi32, #tpu.memory_space<vmem>>, vector<16xi32>,
      tpu.vector_store %arg10[%swap3A_90], %add3A_20 {strides = array<i32>} : memref<320xi32, #tpu.memory_space<vmem>>, vector<16xi32>,
      %swap3A_92 = arith.constant 288 : index
      %swap3A_93 = tpu.vector_load %arg11[%swap3A_92] {strides = array<i32>} : memref<320xi32, #tpu.memory_space<vmem>>, vector<16xi32>,
      tpu.vector_store %arg11[%swap3A_92], %sub3A_15 {strides = array<i32>} : memref<320xi32, #tpu.memory_space<vmem>>, vector<16xi32>,
      %swap3A_94 = arith.constant 288 : index
      %swap3A_95 = tpu.vector_load %arg10[%swap3A_94] {strides = array<i32>} : memref<320xi32, #tpu.memory_space<vmem>>, vector<16xi32>,
      tpu.vector_store %arg10[%swap3A_94], %add3A_20 {strides = array<i32>} : memref<320xi32, #tpu.memory_space<vmem>>, vector<16xi32>,
      %scan3A = arith.constant 0 : i32
      %scan3A_96 = arith.constant 0 : i32
      %scan3A_97 = arith.constant 256 : i32
      %scan3A_98 = arith.addi %scan3A_96, %scan3A_97 : i32
      %scan3A_99 = arith.constant 1 : i32
      scf.for %scan3A_695 = %scan3A_96 to %scan3A_98 step %scan3A_99  : i32 {
        %mul3A_696 = arith.constant 16 : i32
        %mul3A_697 = arith.muli %scan3A_695, %mul3A_696 : i32
        %get3A_698 = arith.index_cast %mul3A_697 : i32 to index
        %get3A_699 = tpu.vector_load %arg12[%get3A_698] {strides = array<i32>} : memref<4096xi32, #tpu.memory_space<vmem>>, vector<16xi32>,
        %mul3A_700 = arith.constant 16 : i32
        %mul3A_701 = arith.muli %scan3A_695, %mul3A_700 : i32
        %get3A_702 = arith.index_cast %mul3A_701 : i32 to index
        %get3A_703 = tpu.vector_load %arg13[%get3A_702] {strides = array<i32>} : memref<4096xi32, #tpu.memory_space<vmem>>, vector<16xi32>,
        %mul3A_704 = arith.constant 16 : i32
        %mul3A_705 = arith.muli %scan3A_695, %mul3A_704 : i32
        %add3A_706 = vector.broadcast %mul3A_705 : i32 to vector<16xi32>
        %add3A_707 = arith.addi %iota3A, %add3A_706 : vector<16xi32>
        %sub3A_708 = vector.broadcast %add3A_11 : i32 to vector<16xi32>
        %sub3A_709 = arith.subi %get3A_699, %sub3A_708 : vector<16xi32>
        %ge3A_710 = arith.constant 0 : i32
        %ge3A_711 = vector.broadcast %ge3A_710 : i32 to vector<16xi32>
        %ge3A_712 = arith.cmpi sge, %sub3A_709, %ge3A_711 : vector<16xi32>
        %lt3A_713 = arith.constant 304 : i32
        %lt3A_714 = vector.broadcast %lt3A_713 : i32 to vector<16xi32>
        %lt3A_715 = arith.cmpi slt, %sub3A_709, %lt3A_714 : vector<16xi32>
        %and3A_716 = arith.andi %ge3A_712, %lt3A_715 : vector<16xi1>
        %max3A = arith.constant 0 : i32
        %max3A_717 = vector.broadcast %max3A : i32 to vector<16xi32>
        %max3A_718 = arith.maxsi %sub3A_709, %max3A_717 : vector<16xi32>
        %min3A_719 = arith.constant 303 : i32
        %min3A_720 = vector.broadcast %min3A_719 : i32 to vector<16xi32>
        %min3A_721 = arith.minsi %max3A_718, %min3A_720 : vector<16xi32>
        %gather3A_722 = tpu.vector_load_idx %arg11[%min3A_721] : memref<320xi32, #tpu.memory_space<vmem>>[vector<16xi32>], vector<16xi32>,
        %gt3A_723 = arith.cmpi sgt, %add3A_707, %gather3A_722 : vector<16xi32>
        %and3A_724 = arith.andi %and3A_716, %gt3A_723 : vector<16xi1>
        tpu.vector_store_idx %arg11[%min3A_721], %add3A_707 masked %and3A_724 : memref<320xi32, #tpu.memory_space<vmem>>[vector<16xi32>], vector<16xi32>, vector<16xi1>
        tpu.vector_store_idx %arg10[%min3A_721], %get3A_703 masked %and3A_724 : memref<320xi32, #tpu.memory_space<vmem>>[vector<16xi32>], vector<16xi32>, vector<16xi1>
      }
      %scan3A_100 = arith.constant 256 : i32
      %get3A = arith.constant 0 : index
      %get3A_101 = tpu.vector_load %arg10[%get3A] {strides = array<i32>} : memref<320xi32, #tpu.memory_space<vmem>>, vector<16xi32>,
      %lt3A_102 = arith.constant 4096 : i32
      %lt3A_103 = vector.broadcast %lt3A_102 : i32 to vector<16xi32>
      %lt3A_104 = arith.cmpi slt, %get3A_101, %lt3A_103 : vector<16xi32>
      %add3A_105 = arith.constant 0 : i32
      %add3A_106 = arith.addi %add3A_11, %add3A_105 : i32
      %add3A_107 = vector.broadcast %add3A_106 : i32 to vector<16xi32>
      %add3A_108 = arith.addi %iota3A, %add3A_107 : vector<16xi32>
      %convert_element_type3A_109 = arith.extui %lt3A_104 : vector<16xi1> to vector<16xi32>
      %broadcast_in_dim3A_110 = arith.constant true
      %broadcast_in_dim3A_111 = vector.broadcast %broadcast_in_dim3A_110 : i1 to vector<16xi1>
      %masked_cumsum3A = tpu.scan <sum>, %convert_element_type3A_109 masked %broadcast_in_dim3A_111 : vector<16xi32>, vector<16xi1> -> vector<16xi32>
      %add3A_112 = arith.constant 0 : i32
      %add3A_113 = vector.broadcast %add3A_112 : i32 to vector<16xi32>
      %add3A_114 = arith.addi %add3A_113, %masked_cumsum3A : vector<16xi32>
      %sub3A_115 = arith.constant 1 : i32
      %sub3A_116 = vector.broadcast %sub3A_115 : i32 to vector<16xi32>
      %sub3A_117 = arith.subi %add3A_114, %sub3A_116 : vector<16xi32>
      tpu.vector_store_idx %arg14[%sub3A_117], %add3A_108 masked %lt3A_104 : memref<336xi32, #tpu.memory_space<vmem>>[vector<16xi32>], vector<16xi32>, vector<16xi1>
      tpu.vector_store_idx %arg15[%sub3A_117], %get3A_101 masked %lt3A_104 : memref<336xi32, #tpu.memory_space<vmem>>[vector<16xi32>], vector<16xi32>, vector<16xi1>
      %slice3A = vector.extract_strided_slice %masked_cumsum3A {offsets = [15], sizes = [1], strides = [1]} : vector<16xi32> to vector<1xi32>
      %squeeze3A = vector.extract %slice3A[0] : i32 from vector<1xi32>
      %add3A_118 = arith.constant 0 : i32
      %add3A_119 = arith.addi %add3A_118, %squeeze3A : i32
      %min3A = arith.constant 4095 : i32
      %min3A_120 = vector.broadcast %min3A : i32 to vector<16xi32>
      %min3A_121 = arith.minsi %get3A_101, %min3A_120 : vector<16xi32>
      %gather3A = tpu.vector_load_idx %arg22[%min3A_121] : memref<4096xi32, #tpu.memory_space<vmem>>[vector<16xi32>], vector<16xi32>,
      %get3A_122 = arith.constant 0 : index
      %get3A_123 = tpu.vector_load %arg23[%get3A_122] {strides = array<i32>} : memref<320xi32, #tpu.memory_space<vmem>>, vector<16xi32>,
      %select_n3A = arith.select %lt3A_104, %gather3A, %get3A_123 : vector<16xi1>, vector<16xi32>
      %swap3A_124 = arith.constant 0 : index
      %swap3A_125 = tpu.vector_load %arg24[%swap3A_124] {strides = array<i32>} : memref<320xi32, #tpu.memory_space<vmem>>, vector<16xi32>,
      tpu.vector_store %arg24[%swap3A_124], %select_n3A {strides = array<i32>} : memref<320xi32, #tpu.memory_space<vmem>>, vector<16xi32>,
      %get3A_126 = arith.constant 16 : index
      %get3A_127 = tpu.vector_load %arg10[%get3A_126] {strides = array<i32>} : memref<320xi32, #tpu.memory_space<vmem>>, vector<16xi32>,
      %lt3A_128 = arith.constant 4096 : i32
      %lt3A_129 = vector.broadcast %lt3A_128 : i32 to vector<16xi32>
      %lt3A_130 = arith.cmpi slt, %get3A_127, %lt3A_129 : vector<16xi32>
      %add3A_131 = arith.constant 16 : i32
      %add3A_132 = arith.addi %add3A_11, %add3A_131 : i32
      %add3A_133 = vector.broadcast %add3A_132 : i32 to vector<16xi32>
      %add3A_134 = arith.addi %iota3A, %add3A_133 : vector<16xi32>
      %convert_element_type3A_135 = arith.extui %lt3A_130 : vector<16xi1> to vector<16xi32>
      %broadcast_in_dim3A_136 = arith.constant true
      %broadcast_in_dim3A_137 = vector.broadcast %broadcast_in_dim3A_136 : i1 to vector<16xi1>
      %masked_cumsum3A_138 = tpu.scan <sum>, %convert_element_type3A_135 masked %broadcast_in_dim3A_137 : vector<16xi32>, vector<16xi1> -> vector<16xi32>
      %add3A_139 = vector.broadcast %add3A_119 : i32 to vector<16xi32>
      %add3A_140 = arith.addi %add3A_139, %masked_cumsum3A_138 : vector<16xi32>
      %sub3A_141 = arith.constant 1 : i32
      %sub3A_142 = vector.broadcast %sub3A_141 : i32 to vector<16xi32>
      %sub3A_143 = arith.subi %add3A_140, %sub3A_142 : vector<16xi32>
      tpu.vector_store_idx %arg14[%sub3A_143], %add3A_134 masked %lt3A_130 : memref<336xi32, #tpu.memory_space<vmem>>[vector<16xi32>], vector<16xi32>, vector<16xi1>
      tpu.vector_store_idx %arg15[%sub3A_143], %get3A_127 masked %lt3A_130 : memref<336xi32, #tpu.memory_space<vmem>>[vector<16xi32>], vector<16xi32>, vector<16xi1>
      %slice3A_144 = vector.extract_strided_slice %masked_cumsum3A_138 {offsets = [15], sizes = [1], strides = [1]} : vector<16xi32> to vector<1xi32>
      %squeeze3A_145 = vector.extract %slice3A_144[0] : i32 from vector<1xi32>
      %add3A_146 = arith.addi %add3A_119, %squeeze3A_145 : i32
      %min3A_147 = arith.constant 4095 : i32
      %min3A_148 = vector.broadcast %min3A_147 : i32 to vector<16xi32>
      %min3A_149 = arith.minsi %get3A_127, %min3A_148 : vector<16xi32>
      %gather3A_150 = tpu.vector_load_idx %arg22[%min3A_149] : memref<4096xi32, #tpu.memory_space<vmem>>[vector<16xi32>], vector<16xi32>,
      %get3A_151 = arith.constant 16 : index
      %get3A_152 = tpu.vector_load %arg23[%get3A_151] {strides = array<i32>} : memref<320xi32, #tpu.memory_space<vmem>>, vector<16xi32>,
      %select_n3A_153 = arith.select %lt3A_130, %gather3A_150, %get3A_152 : vector<16xi1>, vector<16xi32>
      %swap3A_154 = arith.constant 16 : index
      %swap3A_155 = tpu.vector_load %arg24[%swap3A_154] {strides = array<i32>} : memref<320xi32, #tpu.memory_space<vmem>>, vector<16xi32>,
      tpu.vector_store %arg24[%swap3A_154], %select_n3A_153 {strides = array<i32>} : memref<320xi32, #tpu.memory_space<vmem>>, vector<16xi32>,
      %get3A_156 = arith.constant 32 : index
      %get3A_157 = tpu.vector_load %arg10[%get3A_156] {strides = array<i32>} : memref<320xi32, #tpu.memory_space<vmem>>, vector<16xi32>,
      %lt3A_158 = arith.constant 4096 : i32
      %lt3A_159 = vector.broadcast %lt3A_158 : i32 to vector<16xi32>
      %lt3A_160 = arith.cmpi slt, %get3A_157, %lt3A_159 : vector<16xi32>
      %add3A_161 = arith.constant 32 : i32
      %add3A_162 = arith.addi %add3A_11, %add3A_161 : i32
      %add3A_163 = vector.broadcast %add3A_162 : i32 to vector<16xi32>
      %add3A_164 = arith.addi %iota3A, %add3A_163 : vector<16xi32>
      %convert_element_type3A_165 = arith.extui %lt3A_160 : vector<16xi1> to vector<16xi32>
      %broadcast_in_dim3A_166 = arith.constant true
      %broadcast_in_dim3A_167 = vector.broadcast %broadcast_in_dim3A_166 : i1 to vector<16xi1>
      %masked_cumsum3A_168 = tpu.scan <sum>, %convert_element_type3A_165 masked %broadcast_in_dim3A_167 : vector<16xi32>, vector<16xi1> -> vector<16xi32>
      %add3A_169 = vector.broadcast %add3A_146 : i32 to vector<16xi32>
      %add3A_170 = arith.addi %add3A_169, %masked_cumsum3A_168 : vector<16xi32>
      %sub3A_171 = arith.constant 1 : i32
      %sub3A_172 = vector.broadcast %sub3A_171 : i32 to vector<16xi32>
      %sub3A_173 = arith.subi %add3A_170, %sub3A_172 : vector<16xi32>
      tpu.vector_store_idx %arg14[%sub3A_173], %add3A_164 masked %lt3A_160 : memref<336xi32, #tpu.memory_space<vmem>>[vector<16xi32>], vector<16xi32>, vector<16xi1>
      tpu.vector_store_idx %arg15[%sub3A_173], %get3A_157 masked %lt3A_160 : memref<336xi32, #tpu.memory_space<vmem>>[vector<16xi32>], vector<16xi32>, vector<16xi1>
      %slice3A_174 = vector.extract_strided_slice %masked_cumsum3A_168 {offsets = [15], sizes = [1], strides = [1]} : vector<16xi32> to vector<1xi32>
      %squeeze3A_175 = vector.extract %slice3A_174[0] : i32 from vector<1xi32>
      %add3A_176 = arith.addi %add3A_146, %squeeze3A_175 : i32
      %min3A_177 = arith.constant 4095 : i32
      %min3A_178 = vector.broadcast %min3A_177 : i32 to vector<16xi32>
      %min3A_179 = arith.minsi %get3A_157, %min3A_178 : vector<16xi32>
      %gather3A_180 = tpu.vector_load_idx %arg22[%min3A_179] : memref<4096xi32, #tpu.memory_space<vmem>>[vector<16xi32>], vector<16xi32>,
      %get3A_181 = arith.constant 32 : index
      %get3A_182 = tpu.vector_load %arg23[%get3A_181] {strides = array<i32>} : memref<320xi32, #tpu.memory_space<vmem>>, vector<16xi32>,
      %select_n3A_183 = arith.select %lt3A_160, %gather3A_180, %get3A_182 : vector<16xi1>, vector<16xi32>
      %swap3A_184 = arith.constant 32 : index
      %swap3A_185 = tpu.vector_load %arg24[%swap3A_184] {strides = array<i32>} : memref<320xi32, #tpu.memory_space<vmem>>, vector<16xi32>,
      tpu.vector_store %arg24[%swap3A_184], %select_n3A_183 {strides = array<i32>} : memref<320xi32, #tpu.memory_space<vmem>>, vector<16xi32>,
      %get3A_186 = arith.constant 48 : index
      %get3A_187 = tpu.vector_load %arg10[%get3A_186] {strides = array<i32>} : memref<320xi32, #tpu.memory_space<vmem>>, vector<16xi32>,
      %lt3A_188 = arith.constant 4096 : i32
      %lt3A_189 = vector.broadcast %lt3A_188 : i32 to vector<16xi32>
      %lt3A_190 = arith.cmpi slt, %get3A_187, %lt3A_189 : vector<16xi32>
      %add3A_191 = arith.constant 48 : i32
      %add3A_192 = arith.addi %add3A_11, %add3A_191 : i32
      %add3A_193 = vector.broadcast %add3A_192 : i32 to vector<16xi32>
      %add3A_194 = arith.addi %iota3A, %add3A_193 : vector<16xi32>
      %convert_element_type3A_195 = arith.extui %lt3A_190 : vector<16xi1> to vector<16xi32>
      %broadcast_in_dim3A_196 = arith.constant true
      %broadcast_in_dim3A_197 = vector.broadcast %broadcast_in_dim3A_196 : i1 to vector<16xi1>
      %masked_cumsum3A_198 = tpu.scan <sum>, %convert_element_type3A_195 masked %broadcast_in_dim3A_197 : vector<16xi32>, vector<16xi1> -> vector<16xi32>
      %add3A_199 = vector.broadcast %add3A_176 : i32 to vector<16xi32>
      %add3A_200 = arith.addi %add3A_199, %masked_cumsum3A_198 : vector<16xi32>
      %sub3A_201 = arith.constant 1 : i32
      %sub3A_202 = vector.broadcast %sub3A_201 : i32 to vector<16xi32>
      %sub3A_203 = arith.subi %add3A_200, %sub3A_202 : vector<16xi32>
      tpu.vector_store_idx %arg14[%sub3A_203], %add3A_194 masked %lt3A_190 : memref<336xi32, #tpu.memory_space<vmem>>[vector<16xi32>], vector<16xi32>, vector<16xi1>
      tpu.vector_store_idx %arg15[%sub3A_203], %get3A_187 masked %lt3A_190 : memref<336xi32, #tpu.memory_space<vmem>>[vector<16xi32>], vector<16xi32>, vector<16xi1>
      %slice3A_204 = vector.extract_strided_slice %masked_cumsum3A_198 {offsets = [15], sizes = [1], strides = [1]} : vector<16xi32> to vector<1xi32>
      %squeeze3A_205 = vector.extract %slice3A_204[0] : i32 from vector<1xi32>
      %add3A_206 = arith.addi %add3A_176, %squeeze3A_205 : i32
      %min3A_207 = arith.constant 4095 : i32
      %min3A_208 = vector.broadcast %min3A_207 : i32 to vector<16xi32>
      %min3A_209 = arith.minsi %get3A_187, %min3A_208 : vector<16xi32>
      %gather3A_210 = tpu.vector_load_idx %arg22[%min3A_209] : memref<4096xi32, #tpu.memory_space<vmem>>[vector<16xi32>], vector<16xi32>,
      %get3A_211 = arith.constant 48 : index
      %get3A_212 = tpu.vector_load %arg23[%get3A_211] {strides = array<i32>} : memref<320xi32, #tpu.memory_space<vmem>>, vector<16xi32>,
      %select_n3A_213 = arith.select %lt3A_190, %gather3A_210, %get3A_212 : vector<16xi1>, vector<16xi32>
      %swap3A_214 = arith.constant 48 : index
      %swap3A_215 = tpu.vector_load %arg24[%swap3A_214] {strides = array<i32>} : memref<320xi32, #tpu.memory_space<vmem>>, vector<16xi32>,
      tpu.vector_store %arg24[%swap3A_214], %select_n3A_213 {strides = array<i32>} : memref<320xi32, #tpu.memory_space<vmem>>, vector<16xi32>,
      %get3A_216 = arith.constant 64 : index
      %get3A_217 = tpu.vector_load %arg10[%get3A_216] {strides = array<i32>} : memref<320xi32, #tpu.memory_space<vmem>>, vector<16xi32>,
      %lt3A_218 = arith.constant 4096 : i32
      %lt3A_219 = vector.broadcast %lt3A_218 : i32 to vector<16xi32>
      %lt3A_220 = arith.cmpi slt, %get3A_217, %lt3A_219 : vector<16xi32>
      %add3A_221 = arith.constant 64 : i32
      %add3A_222 = arith.addi %add3A_11, %add3A_221 : i32
      %add3A_223 = vector.broadcast %add3A_222 : i32 to vector<16xi32>
      %add3A_224 = arith.addi %iota3A, %add3A_223 : vector<16xi32>
      %convert_element_type3A_225 = arith.extui %lt3A_220 : vector<16xi1> to vector<16xi32>
      %broadcast_in_dim3A_226 = arith.constant true
      %broadcast_in_dim3A_227 = vector.broadcast %broadcast_in_dim3A_226 : i1 to vector<16xi1>
      %masked_cumsum3A_228 = tpu.scan <sum>, %convert_element_type3A_225 masked %broadcast_in_dim3A_227 : vector<16xi32>, vector<16xi1> -> vector<16xi32>
      %add3A_229 = vector.broadcast %add3A_206 : i32 to vector<16xi32>
      %add3A_230 = arith.addi %add3A_229, %masked_cumsum3A_228 : vector<16xi32>
      %sub3A_231 = arith.constant 1 : i32
      %sub3A_232 = vector.broadcast %sub3A_231 : i32 to vector<16xi32>
      %sub3A_233 = arith.subi %add3A_230, %sub3A_232 : vector<16xi32>
      tpu.vector_store_idx %arg14[%sub3A_233], %add3A_224 masked %lt3A_220 : memref<336xi32, #tpu.memory_space<vmem>>[vector<16xi32>], vector<16xi32>, vector<16xi1>
      tpu.vector_store_idx %arg15[%sub3A_233], %get3A_217 masked %lt3A_220 : memref<336xi32, #tpu.memory_space<vmem>>[vector<16xi32>], vector<16xi32>, vector<16xi1>
      %slice3A_234 = vector.extract_strided_slice %masked_cumsum3A_228 {offsets = [15], sizes = [1], strides = [1]} : vector<16xi32> to vector<1xi32>
      %squeeze3A_235 = vector.extract %slice3A_234[0] : i32 from vector<1xi32>
      %add3A_236 = arith.addi %add3A_206, %squeeze3A_235 : i32
      %min3A_237 = arith.constant 4095 : i32
      %min3A_238 = vector.broadcast %min3A_237 : i32 to vector<16xi32>
      %min3A_239 = arith.minsi %get3A_217, %min3A_238 : vector<16xi32>
      %gather3A_240 = tpu.vector_load_idx %arg22[%min3A_239] : memref<4096xi32, #tpu.memory_space<vmem>>[vector<16xi32>], vector<16xi32>,
      %get3A_241 = arith.constant 64 : index
      %get3A_242 = tpu.vector_load %arg23[%get3A_241] {strides = array<i32>} : memref<320xi32, #tpu.memory_space<vmem>>, vector<16xi32>,
      %select_n3A_243 = arith.select %lt3A_220, %gather3A_240, %get3A_242 : vector<16xi1>, vector<16xi32>
      %swap3A_244 = arith.constant 64 : index
      %swap3A_245 = tpu.vector_load %arg24[%swap3A_244] {strides = array<i32>} : memref<320xi32, #tpu.memory_space<vmem>>, vector<16xi32>,
      tpu.vector_store %arg24[%swap3A_244], %select_n3A_243 {strides = array<i32>} : memref<320xi32, #tpu.memory_space<vmem>>, vector<16xi32>,
      %get3A_246 = arith.constant 80 : index
      %get3A_247 = tpu.vector_load %arg10[%get3A_246] {strides = array<i32>} : memref<320xi32, #tpu.memory_space<vmem>>, vector<16xi32>,
      %lt3A_248 = arith.constant 4096 : i32
      %lt3A_249 = vector.broadcast %lt3A_248 : i32 to vector<16xi32>
      %lt3A_250 = arith.cmpi slt, %get3A_247, %lt3A_249 : vector<16xi32>
      %add3A_251 = arith.constant 80 : i32
      %add3A_252 = arith.addi %add3A_11, %add3A_251 : i32
      %add3A_253 = vector.broadcast %add3A_252 : i32 to vector<16xi32>
      %add3A_254 = arith.addi %iota3A, %add3A_253 : vector<16xi32>
      %convert_element_type3A_255 = arith.extui %lt3A_250 : vector<16xi1> to vector<16xi32>
      %broadcast_in_dim3A_256 = arith.constant true
      %broadcast_in_dim3A_257 = vector.broadcast %broadcast_in_dim3A_256 : i1 to vector<16xi1>
      %masked_cumsum3A_258 = tpu.scan <sum>, %convert_element_type3A_255 masked %broadcast_in_dim3A_257 : vector<16xi32>, vector<16xi1> -> vector<16xi32>
      %add3A_259 = vector.broadcast %add3A_236 : i32 to vector<16xi32>
      %add3A_260 = arith.addi %add3A_259, %masked_cumsum3A_258 : vector<16xi32>
      %sub3A_261 = arith.constant 1 : i32
      %sub3A_262 = vector.broadcast %sub3A_261 : i32 to vector<16xi32>
      %sub3A_263 = arith.subi %add3A_260, %sub3A_262 : vector<16xi32>
      tpu.vector_store_idx %arg14[%sub3A_263], %add3A_254 masked %lt3A_250 : memref<336xi32, #tpu.memory_space<vmem>>[vector<16xi32>], vector<16xi32>, vector<16xi1>
      tpu.vector_store_idx %arg15[%sub3A_263], %get3A_247 masked %lt3A_250 : memref<336xi32, #tpu.memory_space<vmem>>[vector<16xi32>], vector<16xi32>, vector<16xi1>
      %slice3A_264 = vector.extract_strided_slice %masked_cumsum3A_258 {offsets = [15], sizes = [1], strides = [1]} : vector<16xi32> to vector<1xi32>
      %squeeze3A_265 = vector.extract %slice3A_264[0] : i32 from vector<1xi32>
      %add3A_266 = arith.addi %add3A_236, %squeeze3A_265 : i32
      %min3A_267 = arith.constant 4095 : i32
      %min3A_268 = vector.broadcast %min3A_267 : i32 to vector<16xi32>
      %min3A_269 = arith.minsi %get3A_247, %min3A_268 : vector<16xi32>
      %gather3A_270 = tpu.vector_load_idx %arg22[%min3A_269] : memref<4096xi32, #tpu.memory_space<vmem>>[vector<16xi32>], vector<16xi32>,
      %get3A_271 = arith.constant 80 : index
      %get3A_272 = tpu.vector_load %arg23[%get3A_271] {strides = array<i32>} : memref<320xi32, #tpu.memory_space<vmem>>, vector<16xi32>,
      %select_n3A_273 = arith.select %lt3A_250, %gather3A_270, %get3A_272 : vector<16xi1>, vector<16xi32>
      %swap3A_274 = arith.constant 80 : index
      %swap3A_275 = tpu.vector_load %arg24[%swap3A_274] {strides = array<i32>} : memref<320xi32, #tpu.memory_space<vmem>>, vector<16xi32>,
      tpu.vector_store %arg24[%swap3A_274], %select_n3A_273 {strides = array<i32>} : memref<320xi32, #tpu.memory_space<vmem>>, vector<16xi32>,
      %get3A_276 = arith.constant 96 : index
      %get3A_277 = tpu.vector_load %arg10[%get3A_276] {strides = array<i32>} : memref<320xi32, #tpu.memory_space<vmem>>, vector<16xi32>,
      %lt3A_278 = arith.constant 4096 : i32
      %lt3A_279 = vector.broadcast %lt3A_278 : i32 to vector<16xi32>
      %lt3A_280 = arith.cmpi slt, %get3A_277, %lt3A_279 : vector<16xi32>
      %add3A_281 = arith.constant 96 : i32
      %add3A_282 = arith.addi %add3A_11, %add3A_281 : i32
      %add3A_283 = vector.broadcast %add3A_282 : i32 to vector<16xi32>
      %add3A_284 = arith.addi %iota3A, %add3A_283 : vector<16xi32>
      %convert_element_type3A_285 = arith.extui %lt3A_280 : vector<16xi1> to vector<16xi32>
      %broadcast_in_dim3A_286 = arith.constant true
      %broadcast_in_dim3A_287 = vector.broadcast %broadcast_in_dim3A_286 : i1 to vector<16xi1>
      %masked_cumsum3A_288 = tpu.scan <sum>, %convert_element_type3A_285 masked %broadcast_in_dim3A_287 : vector<16xi32>, vector<16xi1> -> vector<16xi32>
      %add3A_289 = vector.broadcast %add3A_266 : i32 to vector<16xi32>
      %add3A_290 = arith.addi %add3A_289, %masked_cumsum3A_288 : vector<16xi32>
      %sub3A_291 = arith.constant 1 : i32
      %sub3A_292 = vector.broadcast %sub3A_291 : i32 to vector<16xi32>
      %sub3A_293 = arith.subi %add3A_290, %sub3A_292 : vector<16xi32>
      tpu.vector_store_idx %arg14[%sub3A_293], %add3A_284 masked %lt3A_280 : memref<336xi32, #tpu.memory_space<vmem>>[vector<16xi32>], vector<16xi32>, vector<16xi1>
      tpu.vector_store_idx %arg15[%sub3A_293], %get3A_277 masked %lt3A_280 : memref<336xi32, #tpu.memory_space<vmem>>[vector<16xi32>], vector<16xi32>, vector<16xi1>
      %slice3A_294 = vector.extract_strided_slice %masked_cumsum3A_288 {offsets = [15], sizes = [1], strides = [1]} : vector<16xi32> to vector<1xi32>
      %squeeze3A_295 = vector.extract %slice3A_294[0] : i32 from vector<1xi32>
      %add3A_296 = arith.addi %add3A_266, %squeeze3A_295 : i32
      %min3A_297 = arith.constant 4095 : i32
      %min3A_298 = vector.broadcast %min3A_297 : i32 to vector<16xi32>
      %min3A_299 = arith.minsi %get3A_277, %min3A_298 : vector<16xi32>
      %gather3A_300 = tpu.vector_load_idx %arg22[%min3A_299] : memref<4096xi32, #tpu.memory_space<vmem>>[vector<16xi32>], vector<16xi32>,
      %get3A_301 = arith.constant 96 : index
      %get3A_302 = tpu.vector_load %arg23[%get3A_301] {strides = array<i32>} : memref<320xi32, #tpu.memory_space<vmem>>, vector<16xi32>,
      %select_n3A_303 = arith.select %lt3A_280, %gather3A_300, %get3A_302 : vector<16xi1>, vector<16xi32>
      %swap3A_304 = arith.constant 96 : index
      %swap3A_305 = tpu.vector_load %arg24[%swap3A_304] {strides = array<i32>} : memref<320xi32, #tpu.memory_space<vmem>>, vector<16xi32>,
      tpu.vector_store %arg24[%swap3A_304], %select_n3A_303 {strides = array<i32>} : memref<320xi32, #tpu.memory_space<vmem>>, vector<16xi32>,
      %get3A_306 = arith.constant 112 : index
      %get3A_307 = tpu.vector_load %arg10[%get3A_306] {strides = array<i32>} : memref<320xi32, #tpu.memory_space<vmem>>, vector<16xi32>,
      %lt3A_308 = arith.constant 4096 : i32
      %lt3A_309 = vector.broadcast %lt3A_308 : i32 to vector<16xi32>
      %lt3A_310 = arith.cmpi slt, %get3A_307, %lt3A_309 : vector<16xi32>
      %add3A_311 = arith.constant 112 : i32
      %add3A_312 = arith.addi %add3A_11, %add3A_311 : i32
      %add3A_313 = vector.broadcast %add3A_312 : i32 to vector<16xi32>
      %add3A_314 = arith.addi %iota3A, %add3A_313 : vector<16xi32>
      %convert_element_type3A_315 = arith.extui %lt3A_310 : vector<16xi1> to vector<16xi32>
      %broadcast_in_dim3A_316 = arith.constant true
      %broadcast_in_dim3A_317 = vector.broadcast %broadcast_in_dim3A_316 : i1 to vector<16xi1>
      %masked_cumsum3A_318 = tpu.scan <sum>, %convert_element_type3A_315 masked %broadcast_in_dim3A_317 : vector<16xi32>, vector<16xi1> -> vector<16xi32>
      %add3A_319 = vector.broadcast %add3A_296 : i32 to vector<16xi32>
      %add3A_320 = arith.addi %add3A_319, %masked_cumsum3A_318 : vector<16xi32>
      %sub3A_321 = arith.constant 1 : i32
      %sub3A_322 = vector.broadcast %sub3A_321 : i32 to vector<16xi32>
      %sub3A_323 = arith.subi %add3A_320, %sub3A_322 : vector<16xi32>
      tpu.vector_store_idx %arg14[%sub3A_323], %add3A_314 masked %lt3A_310 : memref<336xi32, #tpu.memory_space<vmem>>[vector<16xi32>], vector<16xi32>, vector<16xi1>
      tpu.vector_store_idx %arg15[%sub3A_323], %get3A_307 masked %lt3A_310 : memref<336xi32, #tpu.memory_space<vmem>>[vector<16xi32>], vector<16xi32>, vector<16xi1>
      %slice3A_324 = vector.extract_strided_slice %masked_cumsum3A_318 {offsets = [15], sizes = [1], strides = [1]} : vector<16xi32> to vector<1xi32>
      %squeeze3A_325 = vector.extract %slice3A_324[0] : i32 from vector<1xi32>
      %add3A_326 = arith.addi %add3A_296, %squeeze3A_325 : i32
      %min3A_327 = arith.constant 4095 : i32
      %min3A_328 = vector.broadcast %min3A_327 : i32 to vector<16xi32>
      %min3A_329 = arith.minsi %get3A_307, %min3A_328 : vector<16xi32>
      %gather3A_330 = tpu.vector_load_idx %arg22[%min3A_329] : memref<4096xi32, #tpu.memory_space<vmem>>[vector<16xi32>], vector<16xi32>,
      %get3A_331 = arith.constant 112 : index
      %get3A_332 = tpu.vector_load %arg23[%get3A_331] {strides = array<i32>} : memref<320xi32, #tpu.memory_space<vmem>>, vector<16xi32>,
      %select_n3A_333 = arith.select %lt3A_310, %gather3A_330, %get3A_332 : vector<16xi1>, vector<16xi32>
      %swap3A_334 = arith.constant 112 : index
      %swap3A_335 = tpu.vector_load %arg24[%swap3A_334] {strides = array<i32>} : memref<320xi32, #tpu.memory_space<vmem>>, vector<16xi32>,
      tpu.vector_store %arg24[%swap3A_334], %select_n3A_333 {strides = array<i32>} : memref<320xi32, #tpu.memory_space<vmem>>, vector<16xi32>,
      %get3A_336 = arith.constant 128 : index
      %get3A_337 = tpu.vector_load %arg10[%get3A_336] {strides = array<i32>} : memref<320xi32, #tpu.memory_space<vmem>>, vector<16xi32>,
      %lt3A_338 = arith.constant 4096 : i32
      %lt3A_339 = vector.broadcast %lt3A_338 : i32 to vector<16xi32>
      %lt3A_340 = arith.cmpi slt, %get3A_337, %lt3A_339 : vector<16xi32>
      %add3A_341 = arith.constant 128 : i32
      %add3A_342 = arith.addi %add3A_11, %add3A_341 : i32
      %add3A_343 = vector.broadcast %add3A_342 : i32 to vector<16xi32>
      %add3A_344 = arith.addi %iota3A, %add3A_343 : vector<16xi32>
      %convert_element_type3A_345 = arith.extui %lt3A_340 : vector<16xi1> to vector<16xi32>
      %broadcast_in_dim3A_346 = arith.constant true
      %broadcast_in_dim3A_347 = vector.broadcast %broadcast_in_dim3A_346 : i1 to vector<16xi1>
      %masked_cumsum3A_348 = tpu.scan <sum>, %convert_element_type3A_345 masked %broadcast_in_dim3A_347 : vector<16xi32>, vector<16xi1> -> vector<16xi32>
      %add3A_349 = vector.broadcast %add3A_326 : i32 to vector<16xi32>
      %add3A_350 = arith.addi %add3A_349, %masked_cumsum3A_348 : vector<16xi32>
      %sub3A_351 = arith.constant 1 : i32
      %sub3A_352 = vector.broadcast %sub3A_351 : i32 to vector<16xi32>
      %sub3A_353 = arith.subi %add3A_350, %sub3A_352 : vector<16xi32>
      tpu.vector_store_idx %arg14[%sub3A_353], %add3A_344 masked %lt3A_340 : memref<336xi32, #tpu.memory_space<vmem>>[vector<16xi32>], vector<16xi32>, vector<16xi1>
      tpu.vector_store_idx %arg15[%sub3A_353], %get3A_337 masked %lt3A_340 : memref<336xi32, #tpu.memory_space<vmem>>[vector<16xi32>], vector<16xi32>, vector<16xi1>
      %slice3A_354 = vector.extract_strided_slice %masked_cumsum3A_348 {offsets = [15], sizes = [1], strides = [1]} : vector<16xi32> to vector<1xi32>
      %squeeze3A_355 = vector.extract %slice3A_354[0] : i32 from vector<1xi32>
      %add3A_356 = arith.addi %add3A_326, %squeeze3A_355 : i32
      %min3A_357 = arith.constant 4095 : i32
      %min3A_358 = vector.broadcast %min3A_357 : i32 to vector<16xi32>
      %min3A_359 = arith.minsi %get3A_337, %min3A_358 : vector<16xi32>
      %gather3A_360 = tpu.vector_load_idx %arg22[%min3A_359] : memref<4096xi32, #tpu.memory_space<vmem>>[vector<16xi32>], vector<16xi32>,
      %get3A_361 = arith.constant 128 : index
      %get3A_362 = tpu.vector_load %arg23[%get3A_361] {strides = array<i32>} : memref<320xi32, #tpu.memory_space<vmem>>, vector<16xi32>,
      %select_n3A_363 = arith.select %lt3A_340, %gather3A_360, %get3A_362 : vector<16xi1>, vector<16xi32>
      %swap3A_364 = arith.constant 128 : index
      %swap3A_365 = tpu.vector_load %arg24[%swap3A_364] {strides = array<i32>} : memref<320xi32, #tpu.memory_space<vmem>>, vector<16xi32>,
      tpu.vector_store %arg24[%swap3A_364], %select_n3A_363 {strides = array<i32>} : memref<320xi32, #tpu.memory_space<vmem>>, vector<16xi32>,
      %get3A_366 = arith.constant 144 : index
      %get3A_367 = tpu.vector_load %arg10[%get3A_366] {strides = array<i32>} : memref<320xi32, #tpu.memory_space<vmem>>, vector<16xi32>,
      %lt3A_368 = arith.constant 4096 : i32
      %lt3A_369 = vector.broadcast %lt3A_368 : i32 to vector<16xi32>
      %lt3A_370 = arith.cmpi slt, %get3A_367, %lt3A_369 : vector<16xi32>
      %add3A_371 = arith.constant 144 : i32
      %add3A_372 = arith.addi %add3A_11, %add3A_371 : i32
      %add3A_373 = vector.broadcast %add3A_372 : i32 to vector<16xi32>
      %add3A_374 = arith.addi %iota3A, %add3A_373 : vector<16xi32>
      %convert_element_type3A_375 = arith.extui %lt3A_370 : vector<16xi1> to vector<16xi32>
      %broadcast_in_dim3A_376 = arith.constant true
      %broadcast_in_dim3A_377 = vector.broadcast %broadcast_in_dim3A_376 : i1 to vector<16xi1>
      %masked_cumsum3A_378 = tpu.scan <sum>, %convert_element_type3A_375 masked %broadcast_in_dim3A_377 : vector<16xi32>, vector<16xi1> -> vector<16xi32>
      %add3A_379 = vector.broadcast %add3A_356 : i32 to vector<16xi32>
      %add3A_380 = arith.addi %add3A_379, %masked_cumsum3A_378 : vector<16xi32>
      %sub3A_381 = arith.constant 1 : i32
      %sub3A_382 = vector.broadcast %sub3A_381 : i32 to vector<16xi32>
      %sub3A_383 = arith.subi %add3A_380, %sub3A_382 : vector<16xi32>
      tpu.vector_store_idx %arg14[%sub3A_383], %add3A_374 masked %lt3A_370 : memref<336xi32, #tpu.memory_space<vmem>>[vector<16xi32>], vector<16xi32>, vector<16xi1>
      tpu.vector_store_idx %arg15[%sub3A_383], %get3A_367 masked %lt3A_370 : memref<336xi32, #tpu.memory_space<vmem>>[vector<16xi32>], vector<16xi32>, vector<16xi1>
      %slice3A_384 = vector.extract_strided_slice %masked_cumsum3A_378 {offsets = [15], sizes = [1], strides = [1]} : vector<16xi32> to vector<1xi32>
      %squeeze3A_385 = vector.extract %slice3A_384[0] : i32 from vector<1xi32>
      %add3A_386 = arith.addi %add3A_356, %squeeze3A_385 : i32
      %min3A_387 = arith.constant 4095 : i32
      %min3A_388 = vector.broadcast %min3A_387 : i32 to vector<16xi32>
      %min3A_389 = arith.minsi %get3A_367, %min3A_388 : vector<16xi32>
      %gather3A_390 = tpu.vector_load_idx %arg22[%min3A_389] : memref<4096xi32, #tpu.memory_space<vmem>>[vector<16xi32>], vector<16xi32>,
      %get3A_391 = arith.constant 144 : index
      %get3A_392 = tpu.vector_load %arg23[%get3A_391] {strides = array<i32>} : memref<320xi32, #tpu.memory_space<vmem>>, vector<16xi32>,
      %select_n3A_393 = arith.select %lt3A_370, %gather3A_390, %get3A_392 : vector<16xi1>, vector<16xi32>
      %swap3A_394 = arith.constant 144 : index
      %swap3A_395 = tpu.vector_load %arg24[%swap3A_394] {strides = array<i32>} : memref<320xi32, #tpu.memory_space<vmem>>, vector<16xi32>,
      tpu.vector_store %arg24[%swap3A_394], %select_n3A_393 {strides = array<i32>} : memref<320xi32, #tpu.memory_space<vmem>>, vector<16xi32>,
      %get3A_396 = arith.constant 160 : index
      %get3A_397 = tpu.vector_load %arg10[%get3A_396] {strides = array<i32>} : memref<320xi32, #tpu.memory_space<vmem>>, vector<16xi32>,
      %lt3A_398 = arith.constant 4096 : i32
      %lt3A_399 = vector.broadcast %lt3A_398 : i32 to vector<16xi32>
      %lt3A_400 = arith.cmpi slt, %get3A_397, %lt3A_399 : vector<16xi32>
      %add3A_401 = arith.constant 160 : i32
      %add3A_402 = arith.addi %add3A_11, %add3A_401 : i32
      %add3A_403 = vector.broadcast %add3A_402 : i32 to vector<16xi32>
      %add3A_404 = arith.addi %iota3A, %add3A_403 : vector<16xi32>
      %convert_element_type3A_405 = arith.extui %lt3A_400 : vector<16xi1> to vector<16xi32>
      %broadcast_in_dim3A_406 = arith.constant true
      %broadcast_in_dim3A_407 = vector.broadcast %broadcast_in_dim3A_406 : i1 to vector<16xi1>
      %masked_cumsum3A_408 = tpu.scan <sum>, %convert_element_type3A_405 masked %broadcast_in_dim3A_407 : vector<16xi32>, vector<16xi1> -> vector<16xi32>
      %add3A_409 = vector.broadcast %add3A_386 : i32 to vector<16xi32>
      %add3A_410 = arith.addi %add3A_409, %masked_cumsum3A_408 : vector<16xi32>
      %sub3A_411 = arith.constant 1 : i32
      %sub3A_412 = vector.broadcast %sub3A_411 : i32 to vector<16xi32>
      %sub3A_413 = arith.subi %add3A_410, %sub3A_412 : vector<16xi32>
      tpu.vector_store_idx %arg14[%sub3A_413], %add3A_404 masked %lt3A_400 : memref<336xi32, #tpu.memory_space<vmem>>[vector<16xi32>], vector<16xi32>, vector<16xi1>
      tpu.vector_store_idx %arg15[%sub3A_413], %get3A_397 masked %lt3A_400 : memref<336xi32, #tpu.memory_space<vmem>>[vector<16xi32>], vector<16xi32>, vector<16xi1>
      %slice3A_414 = vector.extract_strided_slice %masked_cumsum3A_408 {offsets = [15], sizes = [1], strides = [1]} : vector<16xi32> to vector<1xi32>
      %squeeze3A_415 = vector.extract %slice3A_414[0] : i32 from vector<1xi32>
      %add3A_416 = arith.addi %add3A_386, %squeeze3A_415 : i32
      %min3A_417 = arith.constant 4095 : i32
      %min3A_418 = vector.broadcast %min3A_417 : i32 to vector<16xi32>
      %min3A_419 = arith.minsi %get3A_397, %min3A_418 : vector<16xi32>
      %gather3A_420 = tpu.vector_load_idx %arg22[%min3A_419] : memref<4096xi32, #tpu.memory_space<vmem>>[vector<16xi32>], vector<16xi32>,
      %get3A_421 = arith.constant 160 : index
      %get3A_422 = tpu.vector_load %arg23[%get3A_421] {strides = array<i32>} : memref<320xi32, #tpu.memory_space<vmem>>, vector<16xi32>,
      %select_n3A_423 = arith.select %lt3A_400, %gather3A_420, %get3A_422 : vector<16xi1>, vector<16xi32>
      %swap3A_424 = arith.constant 160 : index
      %swap3A_425 = tpu.vector_load %arg24[%swap3A_424] {strides = array<i32>} : memref<320xi32, #tpu.memory_space<vmem>>, vector<16xi32>,
      tpu.vector_store %arg24[%swap3A_424], %select_n3A_423 {strides = array<i32>} : memref<320xi32, #tpu.memory_space<vmem>>, vector<16xi32>,
      %get3A_426 = arith.constant 176 : index
      %get3A_427 = tpu.vector_load %arg10[%get3A_426] {strides = array<i32>} : memref<320xi32, #tpu.memory_space<vmem>>, vector<16xi32>,
      %lt3A_428 = arith.constant 4096 : i32
      %lt3A_429 = vector.broadcast %lt3A_428 : i32 to vector<16xi32>
      %lt3A_430 = arith.cmpi slt, %get3A_427, %lt3A_429 : vector<16xi32>
      %add3A_431 = arith.constant 176 : i32
      %add3A_432 = arith.addi %add3A_11, %add3A_431 : i32
      %add3A_433 = vector.broadcast %add3A_432 : i32 to vector<16xi32>
      %add3A_434 = arith.addi %iota3A, %add3A_433 : vector<16xi32>
      %convert_element_type3A_435 = arith.extui %lt3A_430 : vector<16xi1> to vector<16xi32>
      %broadcast_in_dim3A_436 = arith.constant true
      %broadcast_in_dim3A_437 = vector.broadcast %broadcast_in_dim3A_436 : i1 to vector<16xi1>
      %masked_cumsum3A_438 = tpu.scan <sum>, %convert_element_type3A_435 masked %broadcast_in_dim3A_437 : vector<16xi32>, vector<16xi1> -> vector<16xi32>
      %add3A_439 = vector.broadcast %add3A_416 : i32 to vector<16xi32>
      %add3A_440 = arith.addi %add3A_439, %masked_cumsum3A_438 : vector<16xi32>
      %sub3A_441 = arith.constant 1 : i32
      %sub3A_442 = vector.broadcast %sub3A_441 : i32 to vector<16xi32>
      %sub3A_443 = arith.subi %add3A_440, %sub3A_442 : vector<16xi32>
      tpu.vector_store_idx %arg14[%sub3A_443], %add3A_434 masked %lt3A_430 : memref<336xi32, #tpu.memory_space<vmem>>[vector<16xi32>], vector<16xi32>, vector<16xi1>
      tpu.vector_store_idx %arg15[%sub3A_443], %get3A_427 masked %lt3A_430 : memref<336xi32, #tpu.memory_space<vmem>>[vector<16xi32>], vector<16xi32>, vector<16xi1>
      %slice3A_444 = vector.extract_strided_slice %masked_cumsum3A_438 {offsets = [15], sizes = [1], strides = [1]} : vector<16xi32> to vector<1xi32>
      %squeeze3A_445 = vector.extract %slice3A_444[0] : i32 from vector<1xi32>
      %add3A_446 = arith.addi %add3A_416, %squeeze3A_445 : i32
      %min3A_447 = arith.constant 4095 : i32
      %min3A_448 = vector.broadcast %min3A_447 : i32 to vector<16xi32>
      %min3A_449 = arith.minsi %get3A_427, %min3A_448 : vector<16xi32>
      %gather3A_450 = tpu.vector_load_idx %arg22[%min3A_449] : memref<4096xi32, #tpu.memory_space<vmem>>[vector<16xi32>], vector<16xi32>,
      %get3A_451 = arith.constant 176 : index
      %get3A_452 = tpu.vector_load %arg23[%get3A_451] {strides = array<i32>} : memref<320xi32, #tpu.memory_space<vmem>>, vector<16xi32>,
      %select_n3A_453 = arith.select %lt3A_430, %gather3A_450, %get3A_452 : vector<16xi1>, vector<16xi32>
      %swap3A_454 = arith.constant 176 : index
      %swap3A_455 = tpu.vector_load %arg24[%swap3A_454] {strides = array<i32>} : memref<320xi32, #tpu.memory_space<vmem>>, vector<16xi32>,
      tpu.vector_store %arg24[%swap3A_454], %select_n3A_453 {strides = array<i32>} : memref<320xi32, #tpu.memory_space<vmem>>, vector<16xi32>,
      %get3A_456 = arith.constant 192 : index
      %get3A_457 = tpu.vector_load %arg10[%get3A_456] {strides = array<i32>} : memref<320xi32, #tpu.memory_space<vmem>>, vector<16xi32>,
      %lt3A_458 = arith.constant 4096 : i32
      %lt3A_459 = vector.broadcast %lt3A_458 : i32 to vector<16xi32>
      %lt3A_460 = arith.cmpi slt, %get3A_457, %lt3A_459 : vector<16xi32>
      %add3A_461 = arith.constant 192 : i32
      %add3A_462 = arith.addi %add3A_11, %add3A_461 : i32
      %add3A_463 = vector.broadcast %add3A_462 : i32 to vector<16xi32>
      %add3A_464 = arith.addi %iota3A, %add3A_463 : vector<16xi32>
      %convert_element_type3A_465 = arith.extui %lt3A_460 : vector<16xi1> to vector<16xi32>
      %broadcast_in_dim3A_466 = arith.constant true
      %broadcast_in_dim3A_467 = vector.broadcast %broadcast_in_dim3A_466 : i1 to vector<16xi1>
      %masked_cumsum3A_468 = tpu.scan <sum>, %convert_element_type3A_465 masked %broadcast_in_dim3A_467 : vector<16xi32>, vector<16xi1> -> vector<16xi32>
      %add3A_469 = vector.broadcast %add3A_446 : i32 to vector<16xi32>
      %add3A_470 = arith.addi %add3A_469, %masked_cumsum3A_468 : vector<16xi32>
      %sub3A_471 = arith.constant 1 : i32
      %sub3A_472 = vector.broadcast %sub3A_471 : i32 to vector<16xi32>
      %sub3A_473 = arith.subi %add3A_470, %sub3A_472 : vector<16xi32>
      tpu.vector_store_idx %arg14[%sub3A_473], %add3A_464 masked %lt3A_460 : memref<336xi32, #tpu.memory_space<vmem>>[vector<16xi32>], vector<16xi32>, vector<16xi1>
      tpu.vector_store_idx %arg15[%sub3A_473], %get3A_457 masked %lt3A_460 : memref<336xi32, #tpu.memory_space<vmem>>[vector<16xi32>], vector<16xi32>, vector<16xi1>
      %slice3A_474 = vector.extract_strided_slice %masked_cumsum3A_468 {offsets = [15], sizes = [1], strides = [1]} : vector<16xi32> to vector<1xi32>
      %squeeze3A_475 = vector.extract %slice3A_474[0] : i32 from vector<1xi32>
      %add3A_476 = arith.addi %add3A_446, %squeeze3A_475 : i32
      %min3A_477 = arith.constant 4095 : i32
      %min3A_478 = vector.broadcast %min3A_477 : i32 to vector<16xi32>
      %min3A_479 = arith.minsi %get3A_457, %min3A_478 : vector<16xi32>
      %gather3A_480 = tpu.vector_load_idx %arg22[%min3A_479] : memref<4096xi32, #tpu.memory_space<vmem>>[vector<16xi32>], vector<16xi32>,
      %get3A_481 = arith.constant 192 : index
      %get3A_482 = tpu.vector_load %arg23[%get3A_481] {strides = array<i32>} : memref<320xi32, #tpu.memory_space<vmem>>, vector<16xi32>,
      %select_n3A_483 = arith.select %lt3A_460, %gather3A_480, %get3A_482 : vector<16xi1>, vector<16xi32>
      %swap3A_484 = arith.constant 192 : index
      %swap3A_485 = tpu.vector_load %arg24[%swap3A_484] {strides = array<i32>} : memref<320xi32, #tpu.memory_space<vmem>>, vector<16xi32>,
      tpu.vector_store %arg24[%swap3A_484], %select_n3A_483 {strides = array<i32>} : memref<320xi32, #tpu.memory_space<vmem>>, vector<16xi32>,
      %get3A_486 = arith.constant 208 : index
      %get3A_487 = tpu.vector_load %arg10[%get3A_486] {strides = array<i32>} : memref<320xi32, #tpu.memory_space<vmem>>, vector<16xi32>,
      %lt3A_488 = arith.constant 4096 : i32
      %lt3A_489 = vector.broadcast %lt3A_488 : i32 to vector<16xi32>
      %lt3A_490 = arith.cmpi slt, %get3A_487, %lt3A_489 : vector<16xi32>
      %add3A_491 = arith.constant 208 : i32
      %add3A_492 = arith.addi %add3A_11, %add3A_491 : i32
      %add3A_493 = vector.broadcast %add3A_492 : i32 to vector<16xi32>
      %add3A_494 = arith.addi %iota3A, %add3A_493 : vector<16xi32>
      %convert_element_type3A_495 = arith.extui %lt3A_490 : vector<16xi1> to vector<16xi32>
      %broadcast_in_dim3A_496 = arith.constant true
      %broadcast_in_dim3A_497 = vector.broadcast %broadcast_in_dim3A_496 : i1 to vector<16xi1>
      %masked_cumsum3A_498 = tpu.scan <sum>, %convert_element_type3A_495 masked %broadcast_in_dim3A_497 : vector<16xi32>, vector<16xi1> -> vector<16xi32>
      %add3A_499 = vector.broadcast %add3A_476 : i32 to vector<16xi32>
      %add3A_500 = arith.addi %add3A_499, %masked_cumsum3A_498 : vector<16xi32>
      %sub3A_501 = arith.constant 1 : i32
      %sub3A_502 = vector.broadcast %sub3A_501 : i32 to vector<16xi32>
      %sub3A_503 = arith.subi %add3A_500, %sub3A_502 : vector<16xi32>
      tpu.vector_store_idx %arg14[%sub3A_503], %add3A_494 masked %lt3A_490 : memref<336xi32, #tpu.memory_space<vmem>>[vector<16xi32>], vector<16xi32>, vector<16xi1>
      tpu.vector_store_idx %arg15[%sub3A_503], %get3A_487 masked %lt3A_490 : memref<336xi32, #tpu.memory_space<vmem>>[vector<16xi32>], vector<16xi32>, vector<16xi1>
      %slice3A_504 = vector.extract_strided_slice %masked_cumsum3A_498 {offsets = [15], sizes = [1], strides = [1]} : vector<16xi32> to vector<1xi32>
      %squeeze3A_505 = vector.extract %slice3A_504[0] : i32 from vector<1xi32>
      %add3A_506 = arith.addi %add3A_476, %squeeze3A_505 : i32
      %min3A_507 = arith.constant 4095 : i32
      %min3A_508 = vector.broadcast %min3A_507 : i32 to vector<16xi32>
      %min3A_509 = arith.minsi %get3A_487, %min3A_508 : vector<16xi32>
      %gather3A_510 = tpu.vector_load_idx %arg22[%min3A_509] : memref<4096xi32, #tpu.memory_space<vmem>>[vector<16xi32>], vector<16xi32>,
      %get3A_511 = arith.constant 208 : index
      %get3A_512 = tpu.vector_load %arg23[%get3A_511] {strides = array<i32>} : memref<320xi32, #tpu.memory_space<vmem>>, vector<16xi32>,
      %select_n3A_513 = arith.select %lt3A_490, %gather3A_510, %get3A_512 : vector<16xi1>, vector<16xi32>
      %swap3A_514 = arith.constant 208 : index
      %swap3A_515 = tpu.vector_load %arg24[%swap3A_514] {strides = array<i32>} : memref<320xi32, #tpu.memory_space<vmem>>, vector<16xi32>,
      tpu.vector_store %arg24[%swap3A_514], %select_n3A_513 {strides = array<i32>} : memref<320xi32, #tpu.memory_space<vmem>>, vector<16xi32>,
      %get3A_516 = arith.constant 224 : index
      %get3A_517 = tpu.vector_load %arg10[%get3A_516] {strides = array<i32>} : memref<320xi32, #tpu.memory_space<vmem>>, vector<16xi32>,
      %lt3A_518 = arith.constant 4096 : i32
      %lt3A_519 = vector.broadcast %lt3A_518 : i32 to vector<16xi32>
      %lt3A_520 = arith.cmpi slt, %get3A_517, %lt3A_519 : vector<16xi32>
      %add3A_521 = arith.constant 224 : i32
      %add3A_522 = arith.addi %add3A_11, %add3A_521 : i32
      %add3A_523 = vector.broadcast %add3A_522 : i32 to vector<16xi32>
      %add3A_524 = arith.addi %iota3A, %add3A_523 : vector<16xi32>
      %convert_element_type3A_525 = arith.extui %lt3A_520 : vector<16xi1> to vector<16xi32>
      %broadcast_in_dim3A_526 = arith.constant true
      %broadcast_in_dim3A_527 = vector.broadcast %broadcast_in_dim3A_526 : i1 to vector<16xi1>
      %masked_cumsum3A_528 = tpu.scan <sum>, %convert_element_type3A_525 masked %broadcast_in_dim3A_527 : vector<16xi32>, vector<16xi1> -> vector<16xi32>
      %add3A_529 = vector.broadcast %add3A_506 : i32 to vector<16xi32>
      %add3A_530 = arith.addi %add3A_529, %masked_cumsum3A_528 : vector<16xi32>
      %sub3A_531 = arith.constant 1 : i32
      %sub3A_532 = vector.broadcast %sub3A_531 : i32 to vector<16xi32>
      %sub3A_533 = arith.subi %add3A_530, %sub3A_532 : vector<16xi32>
      tpu.vector_store_idx %arg14[%sub3A_533], %add3A_524 masked %lt3A_520 : memref<336xi32, #tpu.memory_space<vmem>>[vector<16xi32>], vector<16xi32>, vector<16xi1>
      tpu.vector_store_idx %arg15[%sub3A_533], %get3A_517 masked %lt3A_520 : memref<336xi32, #tpu.memory_space<vmem>>[vector<16xi32>], vector<16xi32>, vector<16xi1>
      %slice3A_534 = vector.extract_strided_slice %masked_cumsum3A_528 {offsets = [15], sizes = [1], strides = [1]} : vector<16xi32> to vector<1xi32>
      %squeeze3A_535 = vector.extract %slice3A_534[0] : i32 from vector<1xi32>
      %add3A_536 = arith.addi %add3A_506, %squeeze3A_535 : i32
      %min3A_537 = arith.constant 4095 : i32
      %min3A_538 = vector.broadcast %min3A_537 : i32 to vector<16xi32>
      %min3A_539 = arith.minsi %get3A_517, %min3A_538 : vector<16xi32>
      %gather3A_540 = tpu.vector_load_idx %arg22[%min3A_539] : memref<4096xi32, #tpu.memory_space<vmem>>[vector<16xi32>], vector<16xi32>,
      %get3A_541 = arith.constant 224 : index
      %get3A_542 = tpu.vector_load %arg23[%get3A_541] {strides = array<i32>} : memref<320xi32, #tpu.memory_space<vmem>>, vector<16xi32>,
      %select_n3A_543 = arith.select %lt3A_520, %gather3A_540, %get3A_542 : vector<16xi1>, vector<16xi32>
      %swap3A_544 = arith.constant 224 : index
      %swap3A_545 = tpu.vector_load %arg24[%swap3A_544] {strides = array<i32>} : memref<320xi32, #tpu.memory_space<vmem>>, vector<16xi32>,
      tpu.vector_store %arg24[%swap3A_544], %select_n3A_543 {strides = array<i32>} : memref<320xi32, #tpu.memory_space<vmem>>, vector<16xi32>,
      %get3A_546 = arith.constant 240 : index
      %get3A_547 = tpu.vector_load %arg10[%get3A_546] {strides = array<i32>} : memref<320xi32, #tpu.memory_space<vmem>>, vector<16xi32>,
      %lt3A_548 = arith.constant 4096 : i32
      %lt3A_549 = vector.broadcast %lt3A_548 : i32 to vector<16xi32>
      %lt3A_550 = arith.cmpi slt, %get3A_547, %lt3A_549 : vector<16xi32>
      %add3A_551 = arith.constant 240 : i32
      %add3A_552 = arith.addi %add3A_11, %add3A_551 : i32
      %add3A_553 = vector.broadcast %add3A_552 : i32 to vector<16xi32>
      %add3A_554 = arith.addi %iota3A, %add3A_553 : vector<16xi32>
      %convert_element_type3A_555 = arith.extui %lt3A_550 : vector<16xi1> to vector<16xi32>
      %broadcast_in_dim3A_556 = arith.constant true
      %broadcast_in_dim3A_557 = vector.broadcast %broadcast_in_dim3A_556 : i1 to vector<16xi1>
      %masked_cumsum3A_558 = tpu.scan <sum>, %convert_element_type3A_555 masked %broadcast_in_dim3A_557 : vector<16xi32>, vector<16xi1> -> vector<16xi32>
      %add3A_559 = vector.broadcast %add3A_536 : i32 to vector<16xi32>
      %add3A_560 = arith.addi %add3A_559, %masked_cumsum3A_558 : vector<16xi32>
      %sub3A_561 = arith.constant 1 : i32
      %sub3A_562 = vector.broadcast %sub3A_561 : i32 to vector<16xi32>
      %sub3A_563 = arith.subi %add3A_560, %sub3A_562 : vector<16xi32>
      tpu.vector_store_idx %arg14[%sub3A_563], %add3A_554 masked %lt3A_550 : memref<336xi32, #tpu.memory_space<vmem>>[vector<16xi32>], vector<16xi32>, vector<16xi1>
      tpu.vector_store_idx %arg15[%sub3A_563], %get3A_547 masked %lt3A_550 : memref<336xi32, #tpu.memory_space<vmem>>[vector<16xi32>], vector<16xi32>, vector<16xi1>
      %slice3A_564 = vector.extract_strided_slice %masked_cumsum3A_558 {offsets = [15], sizes = [1], strides = [1]} : vector<16xi32> to vector<1xi32>
      %squeeze3A_565 = vector.extract %slice3A_564[0] : i32 from vector<1xi32>
      %add3A_566 = arith.addi %add3A_536, %squeeze3A_565 : i32
      %min3A_567 = arith.constant 4095 : i32
      %min3A_568 = vector.broadcast %min3A_567 : i32 to vector<16xi32>
      %min3A_569 = arith.minsi %get3A_547, %min3A_568 : vector<16xi32>
      %gather3A_570 = tpu.vector_load_idx %arg22[%min3A_569] : memref<4096xi32, #tpu.memory_space<vmem>>[vector<16xi32>], vector<16xi32>,
      %get3A_571 = arith.constant 240 : index
      %get3A_572 = tpu.vector_load %arg23[%get3A_571] {strides = array<i32>} : memref<320xi32, #tpu.memory_space<vmem>>, vector<16xi32>,
      %select_n3A_573 = arith.select %lt3A_550, %gather3A_570, %get3A_572 : vector<16xi1>, vector<16xi32>
      %swap3A_574 = arith.constant 240 : index
      %swap3A_575 = tpu.vector_load %arg24[%swap3A_574] {strides = array<i32>} : memref<320xi32, #tpu.memory_space<vmem>>, vector<16xi32>,
      tpu.vector_store %arg24[%swap3A_574], %select_n3A_573 {strides = array<i32>} : memref<320xi32, #tpu.memory_space<vmem>>, vector<16xi32>,
      %get3A_576 = arith.constant 256 : index
      %get3A_577 = tpu.vector_load %arg10[%get3A_576] {strides = array<i32>} : memref<320xi32, #tpu.memory_space<vmem>>, vector<16xi32>,
      %lt3A_578 = arith.constant 4096 : i32
      %lt3A_579 = vector.broadcast %lt3A_578 : i32 to vector<16xi32>
      %lt3A_580 = arith.cmpi slt, %get3A_577, %lt3A_579 : vector<16xi32>
      %add3A_581 = arith.constant 256 : i32
      %add3A_582 = arith.addi %add3A_11, %add3A_581 : i32
      %add3A_583 = vector.broadcast %add3A_582 : i32 to vector<16xi32>
      %add3A_584 = arith.addi %iota3A, %add3A_583 : vector<16xi32>
      %convert_element_type3A_585 = arith.extui %lt3A_580 : vector<16xi1> to vector<16xi32>
      %broadcast_in_dim3A_586 = arith.constant true
      %broadcast_in_dim3A_587 = vector.broadcast %broadcast_in_dim3A_586 : i1 to vector<16xi1>
      %masked_cumsum3A_588 = tpu.scan <sum>, %convert_element_type3A_585 masked %broadcast_in_dim3A_587 : vector<16xi32>, vector<16xi1> -> vector<16xi32>
      %add3A_589 = vector.broadcast %add3A_566 : i32 to vector<16xi32>
      %add3A_590 = arith.addi %add3A_589, %masked_cumsum3A_588 : vector<16xi32>
      %sub3A_591 = arith.constant 1 : i32
      %sub3A_592 = vector.broadcast %sub3A_591 : i32 to vector<16xi32>
      %sub3A_593 = arith.subi %add3A_590, %sub3A_592 : vector<16xi32>
      tpu.vector_store_idx %arg14[%sub3A_593], %add3A_584 masked %lt3A_580 : memref<336xi32, #tpu.memory_space<vmem>>[vector<16xi32>], vector<16xi32>, vector<16xi1>
      tpu.vector_store_idx %arg15[%sub3A_593], %get3A_577 masked %lt3A_580 : memref<336xi32, #tpu.memory_space<vmem>>[vector<16xi32>], vector<16xi32>, vector<16xi1>
      %slice3A_594 = vector.extract_strided_slice %masked_cumsum3A_588 {offsets = [15], sizes = [1], strides = [1]} : vector<16xi32> to vector<1xi32>
      %squeeze3A_595 = vector.extract %slice3A_594[0] : i32 from vector<1xi32>
      %add3A_596 = arith.addi %add3A_566, %squeeze3A_595 : i32
      %min3A_597 = arith.constant 4095 : i32
      %min3A_598 = vector.broadcast %min3A_597 : i32 to vector<16xi32>
      %min3A_599 = arith.minsi %get3A_577, %min3A_598 : vector<16xi32>
      %gather3A_600 = tpu.vector_load_idx %arg22[%min3A_599] : memref<4096xi32, #tpu.memory_space<vmem>>[vector<16xi32>], vector<16xi32>,
      %get3A_601 = arith.constant 256 : index
      %get3A_602 = tpu.vector_load %arg23[%get3A_601] {strides = array<i32>} : memref<320xi32, #tpu.memory_space<vmem>>, vector<16xi32>,
      %select_n3A_603 = arith.select %lt3A_580, %gather3A_600, %get3A_602 : vector<16xi1>, vector<16xi32>
      %swap3A_604 = arith.constant 256 : index
      %swap3A_605 = tpu.vector_load %arg24[%swap3A_604] {strides = array<i32>} : memref<320xi32, #tpu.memory_space<vmem>>, vector<16xi32>,
      tpu.vector_store %arg24[%swap3A_604], %select_n3A_603 {strides = array<i32>} : memref<320xi32, #tpu.memory_space<vmem>>, vector<16xi32>,
      %get3A_606 = arith.constant 272 : index
      %get3A_607 = tpu.vector_load %arg10[%get3A_606] {strides = array<i32>} : memref<320xi32, #tpu.memory_space<vmem>>, vector<16xi32>,
      %lt3A_608 = arith.constant 4096 : i32
      %lt3A_609 = vector.broadcast %lt3A_608 : i32 to vector<16xi32>
      %lt3A_610 = arith.cmpi slt, %get3A_607, %lt3A_609 : vector<16xi32>
      %add3A_611 = arith.constant 272 : i32
      %add3A_612 = arith.addi %add3A_11, %add3A_611 : i32
      %add3A_613 = vector.broadcast %add3A_612 : i32 to vector<16xi32>
      %add3A_614 = arith.addi %iota3A, %add3A_613 : vector<16xi32>
      %convert_element_type3A_615 = arith.extui %lt3A_610 : vector<16xi1> to vector<16xi32>
      %broadcast_in_dim3A_616 = arith.constant true
      %broadcast_in_dim3A_617 = vector.broadcast %broadcast_in_dim3A_616 : i1 to vector<16xi1>
      %masked_cumsum3A_618 = tpu.scan <sum>, %convert_element_type3A_615 masked %broadcast_in_dim3A_617 : vector<16xi32>, vector<16xi1> -> vector<16xi32>
      %add3A_619 = vector.broadcast %add3A_596 : i32 to vector<16xi32>
      %add3A_620 = arith.addi %add3A_619, %masked_cumsum3A_618 : vector<16xi32>
      %sub3A_621 = arith.constant 1 : i32
      %sub3A_622 = vector.broadcast %sub3A_621 : i32 to vector<16xi32>
      %sub3A_623 = arith.subi %add3A_620, %sub3A_622 : vector<16xi32>
      tpu.vector_store_idx %arg14[%sub3A_623], %add3A_614 masked %lt3A_610 : memref<336xi32, #tpu.memory_space<vmem>>[vector<16xi32>], vector<16xi32>, vector<16xi1>
      tpu.vector_store_idx %arg15[%sub3A_623], %get3A_607 masked %lt3A_610 : memref<336xi32, #tpu.memory_space<vmem>>[vector<16xi32>], vector<16xi32>, vector<16xi1>
      %slice3A_624 = vector.extract_strided_slice %masked_cumsum3A_618 {offsets = [15], sizes = [1], strides = [1]} : vector<16xi32> to vector<1xi32>
      %squeeze3A_625 = vector.extract %slice3A_624[0] : i32 from vector<1xi32>
      %add3A_626 = arith.addi %add3A_596, %squeeze3A_625 : i32
      %min3A_627 = arith.constant 4095 : i32
      %min3A_628 = vector.broadcast %min3A_627 : i32 to vector<16xi32>
      %min3A_629 = arith.minsi %get3A_607, %min3A_628 : vector<16xi32>
      %gather3A_630 = tpu.vector_load_idx %arg22[%min3A_629] : memref<4096xi32, #tpu.memory_space<vmem>>[vector<16xi32>], vector<16xi32>,
      %get3A_631 = arith.constant 272 : index
      %get3A_632 = tpu.vector_load %arg23[%get3A_631] {strides = array<i32>} : memref<320xi32, #tpu.memory_space<vmem>>, vector<16xi32>,
      %select_n3A_633 = arith.select %lt3A_610, %gather3A_630, %get3A_632 : vector<16xi1>, vector<16xi32>
      %swap3A_634 = arith.constant 272 : index
      %swap3A_635 = tpu.vector_load %arg24[%swap3A_634] {strides = array<i32>} : memref<320xi32, #tpu.memory_space<vmem>>, vector<16xi32>,
      tpu.vector_store %arg24[%swap3A_634], %select_n3A_633 {strides = array<i32>} : memref<320xi32, #tpu.memory_space<vmem>>, vector<16xi32>,
      %get3A_636 = arith.constant 288 : index
      %get3A_637 = tpu.vector_load %arg10[%get3A_636] {strides = array<i32>} : memref<320xi32, #tpu.memory_space<vmem>>, vector<16xi32>,
      %lt3A_638 = arith.constant 4096 : i32
      %lt3A_639 = vector.broadcast %lt3A_638 : i32 to vector<16xi32>
      %lt3A_640 = arith.cmpi slt, %get3A_637, %lt3A_639 : vector<16xi32>
      %add3A_641 = arith.constant 288 : i32
      %add3A_642 = arith.addi %add3A_11, %add3A_641 : i32
      %add3A_643 = vector.broadcast %add3A_642 : i32 to vector<16xi32>
      %add3A_644 = arith.addi %iota3A, %add3A_643 : vector<16xi32>
      %convert_element_type3A_645 = arith.extui %lt3A_640 : vector<16xi1> to vector<16xi32>
      %broadcast_in_dim3A_646 = arith.constant true
      %broadcast_in_dim3A_647 = vector.broadcast %broadcast_in_dim3A_646 : i1 to vector<16xi1>
      %masked_cumsum3A_648 = tpu.scan <sum>, %convert_element_type3A_645 masked %broadcast_in_dim3A_647 : vector<16xi32>, vector<16xi1> -> vector<16xi32>
      %add3A_649 = vector.broadcast %add3A_626 : i32 to vector<16xi32>
      %add3A_650 = arith.addi %add3A_649, %masked_cumsum3A_648 : vector<16xi32>
      %sub3A_651 = arith.constant 1 : i32
      %sub3A_652 = vector.broadcast %sub3A_651 : i32 to vector<16xi32>
      %sub3A_653 = arith.subi %add3A_650, %sub3A_652 : vector<16xi32>
      tpu.vector_store_idx %arg14[%sub3A_653], %add3A_644 masked %lt3A_640 : memref<336xi32, #tpu.memory_space<vmem>>[vector<16xi32>], vector<16xi32>, vector<16xi1>
      tpu.vector_store_idx %arg15[%sub3A_653], %get3A_637 masked %lt3A_640 : memref<336xi32, #tpu.memory_space<vmem>>[vector<16xi32>], vector<16xi32>, vector<16xi1>
      %slice3A_654 = vector.extract_strided_slice %masked_cumsum3A_648 {offsets = [15], sizes = [1], strides = [1]} : vector<16xi32> to vector<1xi32>
      %squeeze3A_655 = vector.extract %slice3A_654[0] : i32 from vector<1xi32>
      %add3A_656 = arith.addi %add3A_626, %squeeze3A_655 : i32
      %min3A_657 = arith.constant 4095 : i32
      %min3A_658 = vector.broadcast %min3A_657 : i32 to vector<16xi32>
      %min3A_659 = arith.minsi %get3A_637, %min3A_658 : vector<16xi32>
      %gather3A_660 = tpu.vector_load_idx %arg22[%min3A_659] : memref<4096xi32, #tpu.memory_space<vmem>>[vector<16xi32>], vector<16xi32>,
      %get3A_661 = arith.constant 288 : index
      %get3A_662 = tpu.vector_load %arg23[%get3A_661] {strides = array<i32>} : memref<320xi32, #tpu.memory_space<vmem>>, vector<16xi32>,
      %select_n3A_663 = arith.select %lt3A_640, %gather3A_660, %get3A_662 : vector<16xi1>, vector<16xi32>
      %swap3A_664 = arith.constant 288 : index
      %swap3A_665 = tpu.vector_load %arg24[%swap3A_664] {strides = array<i32>} : memref<320xi32, #tpu.memory_space<vmem>>, vector<16xi32>,
      tpu.vector_store %arg24[%swap3A_664], %select_n3A_663 {strides = array<i32>} : memref<320xi32, #tpu.memory_space<vmem>>, vector<16xi32>,
      "tpu.region"() ({
        %run_scoped3A = tpu.sem_alloc : memref<!tpu.dma_semaphore, #tpu.memory_space<semaphore_mem>>
        %dma_start3A = arith.constant 0 : i32
        %dma_start3A_695 = tpu.memref_slice %arg24[%dma_start3A] : memref<320xi32, #tpu.memory_space<vmem>> -> memref<304xi32, #tpu.memory_space<vmem>>
        %dma_start3A_696 = tpu.memref_slice %arg3[%add3A_11] : memref<10000xi32, #tpu.memory_space<hbm>> -> memref<304xi32, #tpu.memory_space<hbm>>
        %dma_start3A_697 = tpu.memref_slice %arg3[%add3A_11] : memref<10000xi32, #tpu.memory_space<hbm>> -> memref<304xi32, #tpu.memory_space<hbm>>
        %dma_start3A_698 = arith.constant 0 : i32
        %dma_start3A_699 = tpu.memref_slice %arg24[%dma_start3A_698] : memref<320xi32, #tpu.memory_space<vmem>> -> memref<304xi32, #tpu.memory_space<vmem>>
        tpu.enqueue_dma source(%dma_start3A_699 : memref<304xi32, #tpu.memory_space<vmem>>) target(%dma_start3A_697 : memref<304xi32, #tpu.memory_space<hbm>>) target_semaphore(%run_scoped3A : memref<!tpu.dma_semaphore, #tpu.memory_space<semaphore_mem>>)
        %dma_wait3A = arith.constant 0 : i32
        %dma_wait3A_700 = tpu.memref_slice %arg24[%dma_wait3A] : memref<320xi32, #tpu.memory_space<vmem>> -> memref<304xi32, #tpu.memory_space<vmem>>
        %dma_wait3A_701 = tpu.memref_slice %arg3[%add3A_11] : memref<10000xi32, #tpu.memory_space<hbm>> -> memref<304xi32, #tpu.memory_space<hbm>>
        %dma_wait3A_702 = tpu.memref_slice %arg3[%add3A_11] : memref<10000xi32, #tpu.memory_space<hbm>> -> memref<304xi32, #tpu.memory_space<hbm>>
        %dma_wait3A_703 = arith.constant 0 : i32
        %dma_wait3A_704 = tpu.memref_slice %arg24[%dma_wait3A_703] : memref<320xi32, #tpu.memory_space<vmem>> -> memref<304xi32, #tpu.memory_space<vmem>>
        tpu.wait_dma2 semaphore(%run_scoped3A : memref<!tpu.dma_semaphore, #tpu.memory_space<semaphore_mem>>) src(%dma_wait3A_704 : memref<304xi32, #tpu.memory_space<vmem>>) dst(%dma_wait3A_702 : memref<304xi32, #tpu.memory_space<hbm>>)
        tpu.yield
      }) : () -> ()
      %gt3A = arith.constant 0 : i32
      %gt3A_666 = arith.cmpi sgt, %add3A_656, %gt3A : i32
      %convert_element_type3A_667 = arith.extui %gt3A_666 : i1 to i32
      %cond3A_668 = arith.constant 0 : i32
      %cond3A_669 = arith.cmpi ne, %convert_element_type3A_667, %cond3A_668 : i32
      scf.if %cond3A_669 {
        %broadcast_in_dim3A_695 = arith.constant 0 : i32
        %broadcast_in_dim3A_696 = vector.broadcast %broadcast_in_dim3A_695 : i32 to vector<16xi32>
        %gather3A_697 = tpu.vector_load_idx %arg14[%broadcast_in_dim3A_696] : memref<336xi32, #tpu.memory_space<vmem>>[vector<16xi32>], vector<16xi32>,
        %gather3A_698 = tpu.vector_load_idx %arg15[%broadcast_in_dim3A_696] : memref<336xi32, #tpu.memory_space<vmem>>[vector<16xi32>], vector<16xi32>,
        %swap3A_699 = arith.index_cast %add3A_656 : i32 to index
        %swap3A_700 = tpu.vector_load %arg14[%swap3A_699] {strides = array<i32>} : memref<336xi32, #tpu.memory_space<vmem>>, vector<16xi32>,
        tpu.vector_store %arg14[%swap3A_699], %gather3A_697 {strides = array<i32>} : memref<336xi32, #tpu.memory_space<vmem>>, vector<16xi32>,
        %swap3A_701 = arith.index_cast %add3A_656 : i32 to index
        %swap3A_702 = tpu.vector_load %arg15[%swap3A_701] {strides = array<i32>} : memref<336xi32, #tpu.memory_space<vmem>>, vector<16xi32>,
        tpu.vector_store %arg15[%swap3A_701], %gather3A_698 {strides = array<i32>} : memref<336xi32, #tpu.memory_space<vmem>>, vector<16xi32>,
      } else {
      }
      %add3A_670 = arith.constant 15 : i32
      %add3A_671 = arith.addi %add3A_656, %add3A_670 : i32
      %jit3A = arith.constant 16 : i32
      %div3A = arith.divsi %add3A_671, %jit3A : i32
      %sign3A = arith.constant 0 : i32
      %sign3A_672 = arith.cmpi sgt, %add3A_671, %sign3A : i32
      %sign3A_673 = arith.extui %sign3A_672 : i1 to i32
      %sign3A_674 = arith.constant 0 : i32
      %sign3A_675 = arith.cmpi slt, %add3A_671, %sign3A_674 : i32
      %sign3A_676 = arith.extui %sign3A_675 : i1 to i32
      %sign3A_677 = arith.subi %sign3A_673, %sign3A_676 : i32
      %sign3A_678 = arith.constant 0 : i32
      %sign3A_679 = arith.cmpi sgt, %jit3A, %sign3A_678 : i32
      %sign3A_680 = arith.extui %sign3A_679 : i1 to i32
      %sign3A_681 = arith.constant 0 : i32
      %sign3A_682 = arith.cmpi slt, %jit3A, %sign3A_681 : i32
      %sign3A_683 = arith.extui %sign3A_682 : i1 to i32
      %sign3A_684 = arith.subi %sign3A_680, %sign3A_683 : i32
      %ne3A = arith.cmpi ne, %sign3A_677, %sign3A_684 : i32
      %rem3A = arith.remsi %add3A_671, %jit3A : i32
      %ne3A_685 = arith.constant 0 : i32
      %ne3A_686 = arith.cmpi ne, %rem3A, %ne3A_685 : i32
      %and3A = arith.andi %ne3A, %ne3A_686 : i1
      %sub3A_687 = arith.constant 1 : i32
      %sub3A_688 = arith.subi %div3A, %sub3A_687 : i32
      %select_n3A_689 = arith.select %and3A, %sub3A_688, %div3A : i32
      %gt3A_690 = arith.constant 0 : i32
      %gt3A_691 = arith.cmpi sgt, %select_n3A_689, %gt3A_690 : i32
      %convert_element_type3A_692 = arith.extui %gt3A_691 : i1 to i32
      %cond3A_693 = arith.constant 0 : i32
      %cond3A_694 = arith.cmpi ne, %convert_element_type3A_692, %cond3A_693 : i32
      scf.if %cond3A_694 {
        %mul3A_695 = arith.constant 0 : i32
        %mul3A_696 = arith.constant 16 : i32
        %mul3A_697 = arith.muli %mul3A_695, %mul3A_696 : i32
        %get3A_698 = arith.index_cast %mul3A_697 : i32 to index
        %get3A_699 = tpu.vector_load %arg14[%get3A_698] {strides = array<i32>} : memref<336xi32, #tpu.memory_space<vmem>>, vector<16xi32>,
        %swap3A_700 = arith.constant 0 : index
        %swap3A_701 = tpu.vector_load %arg16[%swap3A_700] {strides = array<i32>} : memref<16xi32, #tpu.memory_space<vmem>>, vector<16xi32>,
        tpu.vector_store %arg16[%swap3A_700], %get3A_699 {strides = array<i32>} : memref<16xi32, #tpu.memory_space<vmem>>, vector<16xi32>,
        %mul3A_702 = arith.constant 0 : i32
        %mul3A_703 = arith.constant 16 : i32
        %mul3A_704 = arith.muli %mul3A_702, %mul3A_703 : i32
        %get3A_705 = arith.index_cast %mul3A_704 : i32 to index
        %get3A_706 = tpu.vector_load %arg15[%get3A_705] {strides = array<i32>} : memref<336xi32, #tpu.memory_space<vmem>>, vector<16xi32>,
        %swap3A_707 = arith.constant 0 : index
        %swap3A_708 = tpu.vector_load %arg17[%swap3A_707] {strides = array<i32>} : memref<16xi32, #tpu.memory_space<vmem>>, vector<16xi32>,
        tpu.vector_store %arg17[%swap3A_707], %get3A_706 {strides = array<i32>} : memref<16xi32, #tpu.memory_space<vmem>>, vector<16xi32>,
        %dma_start3A = arith.constant 0 : i32
        %dma_start3A_709 = arith.constant 0 : i32
        %dma_start3A_710 = tpu.memref_slice %arg4[%dma_start3A, %dma_start3A_709] : memref<4096x3072xf32, #tpu.memory_space<hbm>> -> memref<4096x3072xf32, #tpu.memory_space<hbm>>
        tpu.enqueue_indirect_dma source(%dma_start3A_710 : memref<4096x3072xf32, #tpu.memory_space<hbm>>) target(%arg20 : memref<16x3072xf32, #tpu.memory_space<vmem>>) offsets(%arg17 : memref<16xi32, #tpu.memory_space<vmem>>) semaphore(%arg25 : memref<!tpu.dma_semaphore, #tpu.memory_space<semaphore_mem>>)
        %dma_wait3A = arith.constant 0 : i32
        %dma_wait3A_711 = arith.constant 0 : i32
        %dma_wait3A_712 = tpu.memref_slice %arg4[%dma_wait3A, %dma_wait3A_711] : memref<4096x3072xf32, #tpu.memory_space<hbm>> -> memref<4096x3072xf32, #tpu.memory_space<hbm>>
        tpu.wait_indirect_dma semaphore(%arg25 : memref<!tpu.dma_semaphore, #tpu.memory_space<semaphore_mem>>) src(%dma_wait3A_712 : memref<4096x3072xf32, #tpu.memory_space<hbm>>) dst(%arg20 : memref<16x3072xf32, #tpu.memory_space<vmem>>)
        %while3A = arith.constant 0 : i32
        %while3A_713 = arith.constant 0 : i32
        %while3A_714 = arith.subi %select_n3A_689, %while3A_713 : i32
        %while3A_715 = arith.addi %while3A_713, %while3A_714 : i32
        %while3A_716 = arith.constant 1 : i32
        %while3A_717 = arith.divsi %while3A_714, %while3A_716 : i32
        %while3A_718 = arith.muli %while3A_717, %while3A_716 : i32
        %while3A_719 = arith.addi %while3A_713, %while3A_718 : i32
        %while3A_720 = arith.constant 1 : i32
        scf.for %while3A_722 = %while3A_713 to %while3A_719 step %while3A_720  : i32 {
          %jit3A_723 = arith.constant 2 : i32
          %eq3A = arith.constant 0 : i32
          %eq3A_724 = arith.cmpi eq, %jit3A_723, %eq3A : i32
          %jit3A_725 = arith.constant 1 : i32
          %select_n3A_726 = arith.select %eq3A_724, %jit3A_725, %jit3A_723 : i32
          %rem3A_727 = arith.remsi %while3A_722, %select_n3A_726 : i32
          %ne3A_728 = arith.constant 0 : i32
          %ne3A_729 = arith.cmpi ne, %rem3A_727, %ne3A_728 : i32
          %lt3A_730 = arith.constant 0 : i32
          %lt3A_731 = arith.cmpi slt, %rem3A_727, %lt3A_730 : i32
          %lt3A_732 = arith.constant 0 : i32
          %lt3A_733 = arith.cmpi slt, %select_n3A_726, %lt3A_732 : i32
          %ne3A_734 = arith.xori %lt3A_731, %lt3A_733 : i1
          %and3A_735 = arith.andi %ne3A_734, %ne3A_729 : i1
          %add3A_736 = arith.addi %rem3A_727, %select_n3A_726 : i32
          %select_n3A_737 = arith.select %and3A_735, %add3A_736, %rem3A_727 : i32
          %eq3A_738 = arith.constant 0 : i32
          %eq3A_739 = arith.cmpi eq, %select_n3A_737, %eq3A_738 : i32
          %add3A_740 = arith.constant 1 : i32
          %add3A_741 = arith.addi %while3A_722, %add3A_740 : i32
          %lt3A_742 = arith.cmpi slt, %add3A_741, %select_n3A_689 : i32
          %convert_element_type3A_743 = arith.extui %lt3A_742 : i1 to i32
          %cond3A_744 = arith.constant 0 : i32
          %cond3A_745 = arith.cmpi ne, %convert_element_type3A_743, %cond3A_744 : i32
          scf.if %cond3A_745 {
            %convert_element_type3A_759 = arith.extui %eq3A_739 : i1 to i32
            %cond3A_760 = arith.constant 0 : i32
            %cond3A_761 = arith.cmpi ne, %convert_element_type3A_759, %cond3A_760 : i32
            scf.if %cond3A_761 {
              %add3A_767 = arith.constant 1 : i32
              %add3A_768 = arith.addi %while3A_722, %add3A_767 : i32
              %mul3A_769 = arith.constant 16 : i32
              %mul3A_770 = arith.muli %add3A_768, %mul3A_769 : i32
              %get3A_771 = arith.index_cast %mul3A_770 : i32 to index
              %get3A_772 = tpu.vector_load %arg14[%get3A_771] {strides = array<i32>} : memref<336xi32, #tpu.memory_space<vmem>>, vector<16xi32>,
              %swap3A_773 = arith.constant 0 : index
              %swap3A_774 = tpu.vector_load %arg18[%swap3A_773] {strides = array<i32>} : memref<16xi32, #tpu.memory_space<vmem>>, vector<16xi32>,
              tpu.vector_store %arg18[%swap3A_773], %get3A_772 {strides = array<i32>} : memref<16xi32, #tpu.memory_space<vmem>>, vector<16xi32>,
              %mul3A_775 = arith.constant 16 : i32
              %mul3A_776 = arith.muli %add3A_768, %mul3A_775 : i32
              %get3A_777 = arith.index_cast %mul3A_776 : i32 to index
              %get3A_778 = tpu.vector_load %arg15[%get3A_777] {strides = array<i32>} : memref<336xi32, #tpu.memory_space<vmem>>, vector<16xi32>,
              %swap3A_779 = arith.constant 0 : index
              %swap3A_780 = tpu.vector_load %arg19[%swap3A_779] {strides = array<i32>} : memref<16xi32, #tpu.memory_space<vmem>>, vector<16xi32>,
              tpu.vector_store %arg19[%swap3A_779], %get3A_778 {strides = array<i32>} : memref<16xi32, #tpu.memory_space<vmem>>, vector<16xi32>,
              %dma_start3A_781 = arith.constant 0 : i32
              %dma_start3A_782 = arith.constant 0 : i32
              %dma_start3A_783 = tpu.memref_slice %arg4[%dma_start3A_781, %dma_start3A_782] : memref<4096x3072xf32, #tpu.memory_space<hbm>> -> memref<4096x3072xf32, #tpu.memory_space<hbm>>
              tpu.enqueue_indirect_dma source(%dma_start3A_783 : memref<4096x3072xf32, #tpu.memory_space<hbm>>) target(%arg21 : memref<16x3072xf32, #tpu.memory_space<vmem>>) offsets(%arg19 : memref<16xi32, #tpu.memory_space<vmem>>) semaphore(%arg27 : memref<!tpu.dma_semaphore, #tpu.memory_space<semaphore_mem>>)
            } else {
            }
            %not3A_762 = arith.constant true
            %not3A_763 = arith.xori %eq3A_739, %not3A_762 : i1
            %convert_element_type3A_764 = arith.extui %not3A_763 : i1 to i32
            %cond3A_765 = arith.constant 0 : i32
            %cond3A_766 = arith.cmpi ne, %convert_element_type3A_764, %cond3A_765 : i32
            scf.if %cond3A_766 {
              %add3A_767 = arith.constant 1 : i32
              %add3A_768 = arith.addi %while3A_722, %add3A_767 : i32
              %mul3A_769 = arith.constant 16 : i32
              %mul3A_770 = arith.muli %add3A_768, %mul3A_769 : i32
              %get3A_771 = arith.index_cast %mul3A_770 : i32 to index
              %get3A_772 = tpu.vector_load %arg14[%get3A_771] {strides = array<i32>} : memref<336xi32, #tpu.memory_space<vmem>>, vector<16xi32>,
              %swap3A_773 = arith.constant 0 : index
              %swap3A_774 = tpu.vector_load %arg16[%swap3A_773] {strides = array<i32>} : memref<16xi32, #tpu.memory_space<vmem>>, vector<16xi32>,
              tpu.vector_store %arg16[%swap3A_773], %get3A_772 {strides = array<i32>} : memref<16xi32, #tpu.memory_space<vmem>>, vector<16xi32>,
              %mul3A_775 = arith.constant 16 : i32
              %mul3A_776 = arith.muli %add3A_768, %mul3A_775 : i32
              %get3A_777 = arith.index_cast %mul3A_776 : i32 to index
              %get3A_778 = tpu.vector_load %arg15[%get3A_777] {strides = array<i32>} : memref<336xi32, #tpu.memory_space<vmem>>, vector<16xi32>,
              %swap3A_779 = arith.constant 0 : index
              %swap3A_780 = tpu.vector_load %arg17[%swap3A_779] {strides = array<i32>} : memref<16xi32, #tpu.memory_space<vmem>>, vector<16xi32>,
              tpu.vector_store %arg17[%swap3A_779], %get3A_778 {strides = array<i32>} : memref<16xi32, #tpu.memory_space<vmem>>, vector<16xi32>,
              %dma_start3A_781 = arith.constant 0 : i32
              %dma_start3A_782 = arith.constant 0 : i32
              %dma_start3A_783 = tpu.memref_slice %arg4[%dma_start3A_781, %dma_start3A_782] : memref<4096x3072xf32, #tpu.memory_space<hbm>> -> memref<4096x3072xf32, #tpu.memory_space<hbm>>
              tpu.enqueue_indirect_dma source(%dma_start3A_783 : memref<4096x3072xf32, #tpu.memory_space<hbm>>) target(%arg20 : memref<16x3072xf32, #tpu.memory_space<vmem>>) offsets(%arg17 : memref<16xi32, #tpu.memory_space<vmem>>) semaphore(%arg25 : memref<!tpu.dma_semaphore, #tpu.memory_space<semaphore_mem>>)
            } else {
            }
          } else {
          }
          %convert_element_type3A_746 = arith.extui %eq3A_739 : i1 to i32
          %cond3A_747 = arith.constant 0 : i32
          %cond3A_748 = arith.cmpi ne, %convert_element_type3A_746, %cond3A_747 : i32
          scf.if %cond3A_748 {
            %dma_start3A_759 = arith.constant 0 : i32
            %dma_start3A_760 = arith.constant 0 : i32
            %dma_start3A_761 = tpu.memref_slice %arg2[%dma_start3A_759, %dma_start3A_760] : memref<10000x3072xf32, #tpu.memory_space<hbm>> -> memref<10000x3072xf32, #tpu.memory_space<hbm>>
            tpu.enqueue_indirect_dma source(%arg20 : memref<16x3072xf32, #tpu.memory_space<vmem>>) target(%dma_start3A_761 : memref<10000x3072xf32, #tpu.memory_space<hbm>>) offsets(%arg16 : memref<16xi32, #tpu.memory_space<vmem>>) semaphore(%arg26 : memref<!tpu.dma_semaphore, #tpu.memory_space<semaphore_mem>>)
            %dma_wait3A_762 = arith.constant 0 : i32
            %dma_wait3A_763 = arith.constant 0 : i32
            %dma_wait3A_764 = tpu.memref_slice %arg2[%dma_wait3A_762, %dma_wait3A_763] : memref<10000x3072xf32, #tpu.memory_space<hbm>> -> memref<10000x3072xf32, #tpu.memory_space<hbm>>
            tpu.wait_indirect_dma semaphore(%arg26 : memref<!tpu.dma_semaphore, #tpu.memory_space<semaphore_mem>>) src(%arg20 : memref<16x3072xf32, #tpu.memory_space<vmem>>) dst(%dma_wait3A_764 : memref<10000x3072xf32, #tpu.memory_space<hbm>>)
          } else {
          }
          %not3A = arith.constant true
          %not3A_749 = arith.xori %eq3A_739, %not3A : i1
          %convert_element_type3A_750 = arith.extui %not3A_749 : i1 to i32
          %cond3A_751 = arith.constant 0 : i32
          %cond3A_752 = arith.cmpi ne, %convert_element_type3A_750, %cond3A_751 : i32
          scf.if %cond3A_752 {
            %dma_start3A_759 = arith.constant 0 : i32
            %dma_start3A_760 = arith.constant 0 : i32
            %dma_start3A_761 = tpu.memref_slice %arg2[%dma_start3A_759, %dma_start3A_760] : memref<10000x3072xf32, #tpu.memory_space<hbm>> -> memref<10000x3072xf32, #tpu.memory_space<hbm>>
            tpu.enqueue_indirect_dma source(%arg21 : memref<16x3072xf32, #tpu.memory_space<vmem>>) target(%dma_start3A_761 : memref<10000x3072xf32, #tpu.memory_space<hbm>>) offsets(%arg18 : memref<16xi32, #tpu.memory_space<vmem>>) semaphore(%arg28 : memref<!tpu.dma_semaphore, #tpu.memory_space<semaphore_mem>>)
            %dma_wait3A_762 = arith.constant 0 : i32
            %dma_wait3A_763 = arith.constant 0 : i32
            %dma_wait3A_764 = tpu.memref_slice %arg2[%dma_wait3A_762, %dma_wait3A_763] : memref<10000x3072xf32, #tpu.memory_space<hbm>> -> memref<10000x3072xf32, #tpu.memory_space<hbm>>
            tpu.wait_indirect_dma semaphore(%arg28 : memref<!tpu.dma_semaphore, #tpu.memory_space<semaphore_mem>>) src(%arg21 : memref<16x3072xf32, #tpu.memory_space<vmem>>) dst(%dma_wait3A_764 : memref<10000x3072xf32, #tpu.memory_space<hbm>>)
          } else {
          }
          %add3A_753 = arith.constant 1 : i32
          %add3A_754 = arith.addi %while3A_722, %add3A_753 : i32
          %lt3A_755 = arith.cmpi slt, %add3A_754, %select_n3A_689 : i32
          %convert_element_type3A_756 = arith.extui %lt3A_755 : i1 to i32
          %cond3A_757 = arith.constant 0 : i32
          %cond3A_758 = arith.cmpi ne, %convert_element_type3A_756, %cond3A_757 : i32
          scf.if %cond3A_758 {
            %convert_element_type3A_759 = arith.extui %eq3A_739 : i1 to i32
            %cond3A_760 = arith.constant 0 : i32
            %cond3A_761 = arith.cmpi ne, %convert_element_type3A_759, %cond3A_760 : i32
            scf.if %cond3A_761 {
              %dma_wait3A_767 = arith.constant 0 : i32
              %dma_wait3A_768 = arith.constant 0 : i32
              %dma_wait3A_769 = tpu.memref_slice %arg4[%dma_wait3A_767, %dma_wait3A_768] : memref<4096x3072xf32, #tpu.memory_space<hbm>> -> memref<4096x3072xf32, #tpu.memory_space<hbm>>
              tpu.wait_indirect_dma semaphore(%arg27 : memref<!tpu.dma_semaphore, #tpu.memory_space<semaphore_mem>>) src(%dma_wait3A_769 : memref<4096x3072xf32, #tpu.memory_space<hbm>>) dst(%arg21 : memref<16x3072xf32, #tpu.memory_space<vmem>>)
            } else {
            }
            %not3A_762 = arith.constant true
            %not3A_763 = arith.xori %eq3A_739, %not3A_762 : i1
            %convert_element_type3A_764 = arith.extui %not3A_763 : i1 to i32
            %cond3A_765 = arith.constant 0 : i32
            %cond3A_766 = arith.cmpi ne, %convert_element_type3A_764, %cond3A_765 : i32
            scf.if %cond3A_766 {
              %dma_wait3A_767 = arith.constant 0 : i32
              %dma_wait3A_768 = arith.constant 0 : i32
              %dma_wait3A_769 = tpu.memref_slice %arg4[%dma_wait3A_767, %dma_wait3A_768] : memref<4096x3072xf32, #tpu.memory_space<hbm>> -> memref<4096x3072xf32, #tpu.memory_space<hbm>>
              tpu.wait_indirect_dma semaphore(%arg25 : memref<!tpu.dma_semaphore, #tpu.memory_space<semaphore_mem>>) src(%dma_wait3A_769 : memref<4096x3072xf32, #tpu.memory_space<hbm>>) dst(%arg20 : memref<16x3072xf32, #tpu.memory_space<vmem>>)
            } else {
            }
          } else {
          }
        }
        %while3A_721 = arith.constant 1 : i32
        scf.for %while3A_722 = %while3A_719 to %while3A_715 step %while3A_721  : i32 {
          %jit3A_723 = arith.constant 2 : i32
          %eq3A = arith.constant 0 : i32
          %eq3A_724 = arith.cmpi eq, %jit3A_723, %eq3A : i32
          %jit3A_725 = arith.constant 1 : i32
          %select_n3A_726 = arith.select %eq3A_724, %jit3A_725, %jit3A_723 : i32
          %rem3A_727 = arith.remsi %while3A_722, %select_n3A_726 : i32
          %ne3A_728 = arith.constant 0 : i32
          %ne3A_729 = arith.cmpi ne, %rem3A_727, %ne3A_728 : i32
          %lt3A_730 = arith.constant 0 : i32
          %lt3A_731 = arith.cmpi slt, %rem3A_727, %lt3A_730 : i32
          %lt3A_732 = arith.constant 0 : i32
          %lt3A_733 = arith.cmpi slt, %select_n3A_726, %lt3A_732 : i32
          %ne3A_734 = arith.xori %lt3A_731, %lt3A_733 : i1
          %and3A_735 = arith.andi %ne3A_734, %ne3A_729 : i1
          %add3A_736 = arith.addi %rem3A_727, %select_n3A_726 : i32
          %select_n3A_737 = arith.select %and3A_735, %add3A_736, %rem3A_727 : i32
          %eq3A_738 = arith.constant 0 : i32
          %eq3A_739 = arith.cmpi eq, %select_n3A_737, %eq3A_738 : i32
          %add3A_740 = arith.constant 1 : i32
          %add3A_741 = arith.addi %while3A_722, %add3A_740 : i32
          %lt3A_742 = arith.cmpi slt, %add3A_741, %select_n3A_689 : i32
          %convert_element_type3A_743 = arith.extui %lt3A_742 : i1 to i32
          %cond3A_744 = arith.constant 0 : i32
          %cond3A_745 = arith.cmpi ne, %convert_element_type3A_743, %cond3A_744 : i32
          scf.if %cond3A_745 {
            %convert_element_type3A_759 = arith.extui %eq3A_739 : i1 to i32
            %cond3A_760 = arith.constant 0 : i32
            %cond3A_761 = arith.cmpi ne, %convert_element_type3A_759, %cond3A_760 : i32
            scf.if %cond3A_761 {
              %add3A_767 = arith.constant 1 : i32
              %add3A_768 = arith.addi %while3A_722, %add3A_767 : i32
              %mul3A_769 = arith.constant 16 : i32
              %mul3A_770 = arith.muli %add3A_768, %mul3A_769 : i32
              %get3A_771 = arith.index_cast %mul3A_770 : i32 to index
              %get3A_772 = tpu.vector_load %arg14[%get3A_771] {strides = array<i32>} : memref<336xi32, #tpu.memory_space<vmem>>, vector<16xi32>,
              %swap3A_773 = arith.constant 0 : index
              %swap3A_774 = tpu.vector_load %arg18[%swap3A_773] {strides = array<i32>} : memref<16xi32, #tpu.memory_space<vmem>>, vector<16xi32>,
              tpu.vector_store %arg18[%swap3A_773], %get3A_772 {strides = array<i32>} : memref<16xi32, #tpu.memory_space<vmem>>, vector<16xi32>,
              %mul3A_775 = arith.constant 16 : i32
              %mul3A_776 = arith.muli %add3A_768, %mul3A_775 : i32
              %get3A_777 = arith.index_cast %mul3A_776 : i32 to index
              %get3A_778 = tpu.vector_load %arg15[%get3A_777] {strides = array<i32>} : memref<336xi32, #tpu.memory_space<vmem>>, vector<16xi32>,
              %swap3A_779 = arith.constant 0 : index
              %swap3A_780 = tpu.vector_load %arg19[%swap3A_779] {strides = array<i32>} : memref<16xi32, #tpu.memory_space<vmem>>, vector<16xi32>,
              tpu.vector_store %arg19[%swap3A_779], %get3A_778 {strides = array<i32>} : memref<16xi32, #tpu.memory_space<vmem>>, vector<16xi32>,
              %dma_start3A_781 = arith.constant 0 : i32
              %dma_start3A_782 = arith.constant 0 : i32
              %dma_start3A_783 = tpu.memref_slice %arg4[%dma_start3A_781, %dma_start3A_782] : memref<4096x3072xf32, #tpu.memory_space<hbm>> -> memref<4096x3072xf32, #tpu.memory_space<hbm>>
              tpu.enqueue_indirect_dma source(%dma_start3A_783 : memref<4096x3072xf32, #tpu.memory_space<hbm>>) target(%arg21 : memref<16x3072xf32, #tpu.memory_space<vmem>>) offsets(%arg19 : memref<16xi32, #tpu.memory_space<vmem>>) semaphore(%arg27 : memref<!tpu.dma_semaphore, #tpu.memory_space<semaphore_mem>>)
            } else {
            }
            %not3A_762 = arith.constant true
            %not3A_763 = arith.xori %eq3A_739, %not3A_762 : i1
            %convert_element_type3A_764 = arith.extui %not3A_763 : i1 to i32
            %cond3A_765 = arith.constant 0 : i32
            %cond3A_766 = arith.cmpi ne, %convert_element_type3A_764, %cond3A_765 : i32
            scf.if %cond3A_766 {
              %add3A_767 = arith.constant 1 : i32
              %add3A_768 = arith.addi %while3A_722, %add3A_767 : i32
              %mul3A_769 = arith.constant 16 : i32
              %mul3A_770 = arith.muli %add3A_768, %mul3A_769 : i32
              %get3A_771 = arith.index_cast %mul3A_770 : i32 to index
              %get3A_772 = tpu.vector_load %arg14[%get3A_771] {strides = array<i32>} : memref<336xi32, #tpu.memory_space<vmem>>, vector<16xi32>,
              %swap3A_773 = arith.constant 0 : index
              %swap3A_774 = tpu.vector_load %arg16[%swap3A_773] {strides = array<i32>} : memref<16xi32, #tpu.memory_space<vmem>>, vector<16xi32>,
              tpu.vector_store %arg16[%swap3A_773], %get3A_772 {strides = array<i32>} : memref<16xi32, #tpu.memory_space<vmem>>, vector<16xi32>,
              %mul3A_775 = arith.constant 16 : i32
              %mul3A_776 = arith.muli %add3A_768, %mul3A_775 : i32
              %get3A_777 = arith.index_cast %mul3A_776 : i32 to index
              %get3A_778 = tpu.vector_load %arg15[%get3A_777] {strides = array<i32>} : memref<336xi32, #tpu.memory_space<vmem>>, vector<16xi32>,
              %swap3A_779 = arith.constant 0 : index
              %swap3A_780 = tpu.vector_load %arg17[%swap3A_779] {strides = array<i32>} : memref<16xi32, #tpu.memory_space<vmem>>, vector<16xi32>,
              tpu.vector_store %arg17[%swap3A_779], %get3A_778 {strides = array<i32>} : memref<16xi32, #tpu.memory_space<vmem>>, vector<16xi32>,
              %dma_start3A_781 = arith.constant 0 : i32
              %dma_start3A_782 = arith.constant 0 : i32
              %dma_start3A_783 = tpu.memref_slice %arg4[%dma_start3A_781, %dma_start3A_782] : memref<4096x3072xf32, #tpu.memory_space<hbm>> -> memref<4096x3072xf32, #tpu.memory_space<hbm>>
              tpu.enqueue_indirect_dma source(%dma_start3A_783 : memref<4096x3072xf32, #tpu.memory_space<hbm>>) target(%arg20 : memref<16x3072xf32, #tpu.memory_space<vmem>>) offsets(%arg17 : memref<16xi32, #tpu.memory_space<vmem>>) semaphore(%arg25 : memref<!tpu.dma_semaphore, #tpu.memory_space<semaphore_mem>>)
            } else {
            }
          } else {
          }
          %convert_element_type3A_746 = arith.extui %eq3A_739 : i1 to i32
          %cond3A_747 = arith.constant 0 : i32
          %cond3A_748 = arith.cmpi ne, %convert_element_type3A_746, %cond3A_747 : i32
          scf.if %cond3A_748 {
            %dma_start3A_759 = arith.constant 0 : i32
            %dma_start3A_760 = arith.constant 0 : i32
            %dma_start3A_761 = tpu.memref_slice %arg2[%dma_start3A_759, %dma_start3A_760] : memref<10000x3072xf32, #tpu.memory_space<hbm>> -> memref<10000x3072xf32, #tpu.memory_space<hbm>>
            tpu.enqueue_indirect_dma source(%arg20 : memref<16x3072xf32, #tpu.memory_space<vmem>>) target(%dma_start3A_761 : memref<10000x3072xf32, #tpu.memory_space<hbm>>) offsets(%arg16 : memref<16xi32, #tpu.memory_space<vmem>>) semaphore(%arg26 : memref<!tpu.dma_semaphore, #tpu.memory_space<semaphore_mem>>)
            %dma_wait3A_762 = arith.constant 0 : i32
            %dma_wait3A_763 = arith.constant 0 : i32
            %dma_wait3A_764 = tpu.memref_slice %arg2[%dma_wait3A_762, %dma_wait3A_763] : memref<10000x3072xf32, #tpu.memory_space<hbm>> -> memref<10000x3072xf32, #tpu.memory_space<hbm>>
            tpu.wait_indirect_dma semaphore(%arg26 : memref<!tpu.dma_semaphore, #tpu.memory_space<semaphore_mem>>) src(%arg20 : memref<16x3072xf32, #tpu.memory_space<vmem>>) dst(%dma_wait3A_764 : memref<10000x3072xf32, #tpu.memory_space<hbm>>)
          } else {
          }
          %not3A = arith.constant true
          %not3A_749 = arith.xori %eq3A_739, %not3A : i1
          %convert_element_type3A_750 = arith.extui %not3A_749 : i1 to i32
          %cond3A_751 = arith.constant 0 : i32
          %cond3A_752 = arith.cmpi ne, %convert_element_type3A_750, %cond3A_751 : i32
          scf.if %cond3A_752 {
            %dma_start3A_759 = arith.constant 0 : i32
            %dma_start3A_760 = arith.constant 0 : i32
            %dma_start3A_761 = tpu.memref_slice %arg2[%dma_start3A_759, %dma_start3A_760] : memref<10000x3072xf32, #tpu.memory_space<hbm>> -> memref<10000x3072xf32, #tpu.memory_space<hbm>>
            tpu.enqueue_indirect_dma source(%arg21 : memref<16x3072xf32, #tpu.memory_space<vmem>>) target(%dma_start3A_761 : memref<10000x3072xf32, #tpu.memory_space<hbm>>) offsets(%arg18 : memref<16xi32, #tpu.memory_space<vmem>>) semaphore(%arg28 : memref<!tpu.dma_semaphore, #tpu.memory_space<semaphore_mem>>)
            %dma_wait3A_762 = arith.constant 0 : i32
            %dma_wait3A_763 = arith.constant 0 : i32
            %dma_wait3A_764 = tpu.memref_slice %arg2[%dma_wait3A_762, %dma_wait3A_763] : memref<10000x3072xf32, #tpu.memory_space<hbm>> -> memref<10000x3072xf32, #tpu.memory_space<hbm>>
            tpu.wait_indirect_dma semaphore(%arg28 : memref<!tpu.dma_semaphore, #tpu.memory_space<semaphore_mem>>) src(%arg21 : memref<16x3072xf32, #tpu.memory_space<vmem>>) dst(%dma_wait3A_764 : memref<10000x3072xf32, #tpu.memory_space<hbm>>)
          } else {
          }
          %add3A_753 = arith.constant 1 : i32
          %add3A_754 = arith.addi %while3A_722, %add3A_753 : i32
          %lt3A_755 = arith.cmpi slt, %add3A_754, %select_n3A_689 : i32
          %convert_element_type3A_756 = arith.extui %lt3A_755 : i1 to i32
          %cond3A_757 = arith.constant 0 : i32
          %cond3A_758 = arith.cmpi ne, %convert_element_type3A_756, %cond3A_757 : i32
          scf.if %cond3A_758 {
            %convert_element_type3A_759 = arith.extui %eq3A_739 : i1 to i32
            %cond3A_760 = arith.constant 0 : i32
            %cond3A_761 = arith.cmpi ne, %convert_element_type3A_759, %cond3A_760 : i32
            scf.if %cond3A_761 {
              %dma_wait3A_767 = arith.constant 0 : i32
              %dma_wait3A_768 = arith.constant 0 : i32
              %dma_wait3A_769 = tpu.memref_slice %arg4[%dma_wait3A_767, %dma_wait3A_768] : memref<4096x3072xf32, #tpu.memory_space<hbm>> -> memref<4096x3072xf32, #tpu.memory_space<hbm>>
              tpu.wait_indirect_dma semaphore(%arg27 : memref<!tpu.dma_semaphore, #tpu.memory_space<semaphore_mem>>) src(%dma_wait3A_769 : memref<4096x3072xf32, #tpu.memory_space<hbm>>) dst(%arg21 : memref<16x3072xf32, #tpu.memory_space<vmem>>)
            } else {
            }
            %not3A_762 = arith.constant true
            %not3A_763 = arith.xori %eq3A_739, %not3A_762 : i1
            %convert_element_type3A_764 = arith.extui %not3A_763 : i1 to i32
            %cond3A_765 = arith.constant 0 : i32
            %cond3A_766 = arith.cmpi ne, %convert_element_type3A_764, %cond3A_765 : i32
            scf.if %cond3A_766 {
              %dma_wait3A_767 = arith.constant 0 : i32
              %dma_wait3A_768 = arith.constant 0 : i32
              %dma_wait3A_769 = tpu.memref_slice %arg4[%dma_wait3A_767, %dma_wait3A_768] : memref<4096x3072xf32, #tpu.memory_space<hbm>> -> memref<4096x3072xf32, #tpu.memory_space<hbm>>
              tpu.wait_indirect_dma semaphore(%arg25 : memref<!tpu.dma_semaphore, #tpu.memory_space<semaphore_mem>>) src(%dma_wait3A_769 : memref<4096x3072xf32, #tpu.memory_space<hbm>>) dst(%arg20 : memref<16x3072xf32, #tpu.memory_space<vmem>>)
            } else {
            }
          } else {
          }
        }
      } else {
      }
    } else {
    }
    return
  }
}

</mosaic_0001>

<sc_bundles>
// kernel: kernel.3.cloned.1.call-start
scs
__scs_entry_jumppad:
0x0: {  	(pc) =	sbr.rel $0x88, $3  }
0x1: {  	(tag) =	ssettag $0x0;
	lr =	simm.s32 $0x1  }
0x2: {  	[smem:$0x3F9B] =	sst lr;
	_ =	strace $0xD0000000  }
0x3: {  	_ = 	snop  }
0x4: {  	_ = 	snop  }
0x5: {  	_ = 	snop  }
0x6: {  	_ = 	snop  }
0x7: {  	_ = 	snop  }
__scs_overlays_trampoline_lowered:
0x8: {  	[smem:$0x3FAA] =	sst s0  }
0x9: {  	[smem:$0x3FAB] =	sst s1  }
0xa: {  	[smem:$0x3FAC] =	sst s2  }
0xb: {  	[smem:$0x3FAD] =	sst s3  }
0xc: {  	[smem:$0x3FAE] =	sst s4  }
0xd: {  	[smem:$0x3FAF] =	sst s5  }
0xe: {  	[smem:$0x3FB0] =	sst s6  }
0xf: {  	[smem:$0x3FB1] =	sst s7  }
0x10: {  	[smem:$0x3FB2] =	sst s8  }
0x11: {  	[smem:$0x3FB3] =	sst s9;
	s0 =	simm.s32 @!p0 $0x0  }
0x12: {  	s1 =	sld [smem:$0x3F99];
	s0 =	simm.s32 @p0 $0x1  }
0x13: {  	[smem:$0x3FB4] =	sst s0;
	s0 =	simm.s32 @!p1 $0x0  }
0x14: {  	s2 =	sld [smem:$0x3F98];
	s0 =	simm.s32 @p1 $0x1  }
0x15: {  	[smem:$0x3FB5] =	sst s0;
	s0 =	simm.s32 @!p2 $0x0  }
0x16: {  	s3 =	sld [smem:$0x3FDB];
	s0 =	simm.s32 @p2 $0x1  }
0x17: {  	s4 =	simm.s32 $0x1BF5;
	[smem:$0x3FB7] =	sst s0  }
0x18: {  	s0 =	sld [smem:$0x3F9A];
	_ =	swait.ge [sflag:s4], $0x0  }
0x19: {  	s7 =	sld [smem:$0x3F9B]  }
0x1a: {  	s8 =	sadd.s32 $0xFFFFE003, lr  }
0x1b: {  	s9 =	sadd.s32 $0xFFFFFEF7, lr;
	s5 =	simm.s32 $0xFFFFFFFF;
	p2 =	slt.u32 s8, $0xFFFFF086  }
0x1c: {  	p1 =	slt.u32 s9, $0xF7A;
	s5 =	simm.s32 @!p2 $0x0  }
0x1d: {  	s5 =	simm.s32 @p1 $0x1;
	p0 =	seq.s32 s7, s2  }
0x1e: {  	s7 =	smul.u32 @!p0 $0xF7A, s2;
	p2 =	seq.s32 @!p0 s5, $0x0  }
0x1f: {  	s9 =	smul.u32 $0xF7A, s1;
	s8 =	simm.s32 @!p0 $0x1BF5;
	p2 =	por !p2, p0  }
0x20: {  	[sflag:s8] =	ssyncset.s32 @!p0 $0xFFFFF086;
	s6 =	sadd.s32 @!p0 s3, s7;
	s7 =	simm.s32 @!p0 $0x108  }
0x21: {  	s3 =	sadd.s32 s3, s9;
	s6 =	sadd.s32 @!p0 $0x88, s6;
	s7 =	simm.s32 @p2 $0x1082  }
0x22: {  	[simem:s7], [sflag:s8] =	dma.local @!p0 [hbm:s6], $0xF7A  }
0x23: {  	s9 =	sor.u32 $0xD0000000, s2;
	s6 =	simm.s32 $0x108;
	_ =	swait.ge @!p0 [sflag:s8], $0x0  }
0x24: {  	s3 =	sadd.s32 $0x88, s3;
	s6 =	simm.s32 @!p1 $0x1082;
	[sflag:s4] =	ssyncset.s32 $0xFFFFF086  }
0x25: {  	[simem:s6], [sflag:s4] =	dma.local [hbm:s3], $0xF7A  }
0x26: {  	[smem:$0x3F9B] =	sst s1;
	(tag) =	ssettag s2;
	_ =	strace s9  }
0x27: {  	s1 =	sld [smem:$0x3FAB]  }
0x28: {  	s2 =	sld [smem:$0x3FAC]  }
0x29: {  	s4 =	sld [smem:$0x3FAE]  }
0x2a: {  	p0 =	seq.s32 s5, $0x0;
	s5 =	sld [smem:$0x3FAF]  }
0x2b: {  	s6 =	sld [smem:$0x3FB0]  }
0x2c: {  	s7 =	sld [smem:$0x3FB1]  }
0x2d: {  	s3 =	simm.s32 $0x108;
	s8 =	sld [smem:$0x3FB2]  }
0x2e: {  	s3 =	simm.s32 @!p0 $0x1082;
	s9 =	sld [smem:$0x3FB3]  }
0x2f: {  	lr =	sadd.s32 s0, s3;
	s0 =	sld [smem:$0x3FAA]  }
0x30: {  	s3 =	sld [smem:$0x3FAD]  }
0x31: {  	[smem:$0x3FB6] =	sst s10  }
0x32: {  	s10 =	sld [smem:$0x3FB4];
	_ =	sdelay $0x3  }
0x33: {  	p0 =	seq.s32 s10, $0x1;
	s10 =	sld [smem:$0x3FB6];
	_ =	sdelay $0x3  }
0x34: {  	[smem:$0x3FB6] =	sst s10  }
0x35: {  	s10 =	sld [smem:$0x3FB5];
	_ =	sdelay $0x3  }
0x36: {  	p1 =	seq.s32 s10, $0x1;
	s10 =	sld [smem:$0x3FB6];
	_ =	sdelay $0x3  }
0x37: {  	[smem:$0x3FB6] =	sst s10  }
0x38: {  	s10 =	sld [smem:$0x3FB7]  }
0x39: {  	_ = 	snop;
	(pc) =	sbr.ind lr, $3  }
0x3a: {  	_ = 	snop  }
0x3b: {  	_ = 	snop  }
0x3c: {  	p2 =	seq.s32 s10, $0x1;
	s10 =	sld [smem:$0x3FB6]  }
0x3d: {  	_ =	shalt  }
0x3e: {  	_ =	shalt  }
0x3f: {  	_ =	shalt  }
0x40: {  	_ =	shalt  }
0x41: {  	_ =	shalt  }
0x42: {  	_ =	shalt  }
0x43: {  	_ =	shalt  }
0x44: {  	_ =	shalt  }
0x45: {  	_ =	shalt  }
0x46: {  	_ =	shalt  }
0x47: {  	_ =	shalt  }
0x48: {  	_ =	shalt  }
0x49: {  	_ =	shalt  }
0x4a: {  	_ =	shalt  }
0x4b: {  	_ =	shalt  }
0x4c: {  	_ =	shalt  }
0x4d: {  	_ =	shalt  }
0x4e: {  	_ =	shalt  }
0x4f: {  	_ =	shalt  }
0x50: {  	_ =	shalt  }
0x51: {  	_ =	shalt  }
0x52: {  	_ =	shalt  }
0x53: {  	_ =	shalt  }
0x54: {  	_ =	shalt  }
0x55: {  	_ =	shalt  }
0x56: {  	_ =	shalt  }
0x57: {  	_ =	shalt  }
0x58: {  	_ =	shalt  }
0x59: {  	_ =	shalt  }
0x5a: {  	_ =	shalt  }
0x5b: {  	_ =	shalt  }
0x5c: {  	_ =	shalt  }
0x5d: {  	_ =	shalt  }
0x5e: {  	_ =	shalt  }
0x5f: {  	_ =	shalt  }
0x60: {  	_ =	shalt  }
0x61: {  	_ =	shalt  }
0x62: {  	_ =	shalt  }
0x63: {  	_ =	shalt  }
0x64: {  	_ =	shalt  }
0x65: {  	_ =	shalt  }
0x66: {  	_ =	shalt  }
0x67: {  	_ =	shalt  }
0x68: {  	_ =	shalt  }
0x69: {  	_ =	shalt  }
0x6a: {  	_ =	shalt  }
0x6b: {  	_ =	shalt  }
0x6c: {  	_ =	shalt  }
0x6d: {  	_ =	shalt  }
0x6e: {  	_ =	shalt  }
0x6f: {  	_ =	shalt  }
0x70: {  	_ =	shalt  }
0x71: {  	_ =	shalt  }
0x72: {  	_ =	shalt  }
0x73: {  	_ =	shalt  }
0x74: {  	_ =	shalt  }
0x75: {  	_ =	shalt  }
0x76: {  	_ =	shalt  }
0x77: {  	_ =	shalt  }
0x78: {  	_ =	shalt  }
0x79: {  	_ =	shalt  }
0x7a: {  	_ =	shalt  }
0x7b: {  	_ =	shalt  }
0x7c: {  	_ =	shalt  }
0x7d: {  	_ =	shalt  }
0x7e: {  	_ =	shalt  }
0x7f: {  	_ =	shalt  }
0x80: {  	_ =	shalt  }
0x81: {  	_ =	shalt  }
0x82: {  	_ =	shalt  }
0x83: {  	_ =	shalt  }
0x84: {  	_ =	shalt  }
0x85: {  	_ =	shalt  }
0x86: {  	_ =	shalt  }
0x87: {  	_ =	shalt  }
.Lfunc_end0:
.L_simem_size_0:
called_computation_lowered:
.L_overlay_start_0:
0x88: {  	s2 =	sld [smem:$0x3FD9]  }
0x89: {  	s3 =	sld [smem:$0x3FFE];
	_ =	sdelay $0x1  }
0x8a: {  	s1 =	srdreg.scid  }
0x8b: {  	s0 =	sand.u32 $0x1, s1  }
0x8c: {  	s14 =	sshll.u32 s0, $0xA;
	s2 =	sadd.s32 s3, s2  }
0x8d: {  	s2 =	sadd.s32 s2, s14  }
0x8e: {  	[smem:$0x3FC2] =	sst s2  }
0x8f: {  	_ = 	snop  }
0x90: {  	s2 =	sld [smem:$0x3FD0]  }
0x91: {  	s15 =	sld [smem:$0x3FC7]  }
0x92: {  	s4 =	sld [smem:$0x3FC6]  }
0x93: {  	s6 =	simm.s32 $0xA;
	s7 =	simm.s32 $0x10;
	s5 =	sld [smem:$0x3FC4]  }
0x94: {  	[smem:s7], [sflag:s6] =	dma.local [hbm:s2], $0x1  }
0x95: {  	_ =	swait.eq [sflag:s6], $0x1  }
0x96: {  	[sflag:s6] =	ssyncset.done $0x0  }
0x97: {  	s16 =	sld [smem:$0x10];
	[sflag:s6] =	ssyncadd.s32 $0xFFFFFFFF  }
0x98: {  	s17 =	sld [smem:$0x11];
	(tm) =	ssettm $0x1  }
0x99: {  	s18 =	sld [smem:$0x3FFB];
	_ =	sdelay $0x3  }
0x9a: {  	_ =	strace s18  }
0x9b: {  	s7 =	sld [smem:$0x3FFC];
	_ =	sdelay $0x3  }
0x9c: {  	_ =	strace s7  }
0x9d: {  	s7 =	sld [smem:$0x3FFD];
	_ =	sdelay $0x3  }
0x9e: {  	_ =	strace s7  }
0x9f: {  	_ =	strace $0x8FFFFFFF  }
0xa0: {  	s19 =	sld [smem:$0x3FDB];
	_ =	sdelay $0x1  }
0xa1: {  	s8 =	simm.s32 $_scs_section_size  }
0xa2: {  	s9 =	simm.s32 $_size__tile_overlayer_lowered;
	s10 =	simm.s32 $_tile_overlayer_lowered  }
0xa3: {  	s22 =	simm.s32 $0x1BFF;
	s21 =	sshll.u32 s10, $0x1;
	s7 =	sadd.s32 s8, s19  }
0xa4: {  	s11 =	simm.s32 $0x0;
	s20 =	sshll.u32 s9, $0x1;
	s9 =	sadd.s32 s21, s7  }
0xa5: {  	[timem:s11], [sflag:s22] =	dma.local [hbm:s9], s20  }
0xa6: {  	_ =	swait.ge [sflag:s22], s20  }
0xa7: {  	s8 =	ssub.s32 $0x0, s20;
	[sflag:s22] =	ssyncset.done $0x0  }
0xa8: {  	[sflag:s22] =	ssyncadd.s32 s8;
	_ =	sdelay $0x1  }
0xa9: {  	s23 =	simm.s32 $0x1B8B  }
0xaa: {  	_ =	swait.ge [sflag:s23], $0x1  }
0xab: {  	[sflag:s23] =	ssyncset.done $0x0  }
0xac: {  	s25 =	simm.s32 $0x1B8E;
	s24 =	sld [smem:$0x3FFE];
	[sflag:s23] =	ssyncadd.s32 $0xFFFFFFFF  }
0xad: {  	s26 =	simm.s32 $execute0_lowered;
	[smem:$0x3FD2] =	sst s25  }
0xae: {  	s9 =	sshll.u32 s26, $0x1;
	_ =	strace $0x80000046;
	[dreg:$0x1] =	wrdreg $0xFFFFFFFF  }
0xaf: {  	s28 =	simm.s32 $_size_execute0_lowered;
	s7 =	sadd.s32 s7, s9;
	[dreg:$0x0] =	wrdreg $0x0  }
0xb0: {  	s9 =	sshll.u32 s28, $0x1;
	[dreg:$0x2] =	wrdreg s7  }
0xb1: {  	[dreg:$0x3] =	wrdreg s9  }
0xb2: {  	[dreg:$0x4] =	wrdreg $0xC0  }
0xb3: {  	_ =	task [dreg:s11], $0x5FFFF  }
0xb4: {  	[dreg:$0x1] =	wrdreg $0xFFFFFFFF  }
0xb5: {  	[dreg:$0x0] =	wrdreg $0x60  }
0xb6: {  	[dreg:$0x2] =	wrdreg s24  }
0xb7: {  	[dreg:$0x3] =	wrdreg s17  }
0xb8: {  	[dreg:$0x4] =	wrdreg s16  }
0xb9: {  	[dreg:$0x5] =	wrdreg s15  }
0xba: {  	[dreg:$0x6] =	wrdreg s4  }
0xbb: {  	[dreg:$0x7] =	wrdreg s5  }
0xbc: {  	[dreg:$0x8] =	wrdreg $0x9  }
0xbd: {  	_ =	task.clear_ibuf [dreg:s11], $0x9FFFF;
	_ =	strace $0x90000046  }
0xbe: {  	s29 =	simm.s32 $0x9;
	_ =	strace $0x80000048  }
0xbf: {  	_ =	swait.ge [sflag:s29], $0x1  }
0xc0: {  	[sflag:s29] =	ssyncadd.s32 $0xFFFFFFFF  }
0xc1: {  	_ =	strace $0x90000048  }
0xc2: {  	_ =	sfence  }
0xc3: {  	s30 =	sld [smem:$0x0];
	_ =	sdelay $0x2  }
0xc4: {  	s31 =	sshll.u32 s1, $0xD;
	s1 =	sshrl.u32 s1, $0x2  }
0xc5: {  	s3 =	sand.u32 $0x4000, s31;
	s1 =	sadd.s32 s1, s30  }
0xc6: {  	s0 =	sor.u32 s3, s0;
	s1 =	sshll.u32 s1, $0x11  }
0xc7: {  	s0 =	sor.u32 s1, s0  }
0xc8: {  	s0 =	sadd.s32 $0x8F2B, s0  }
0xc9: {  	[sflag:s0] =	ssyncadd.remote.s32 $0x1  }
0xca: {  	_ =	sfence.sel $0xFFFF  }
0xcb: {  	[dreg:$0x0] =	wrdreg $0xFFFFFFFF;
	(pc) =	sbr.abs _section_cstart, $3  }
0xcc: {  	[dreg:$0x1] =	wrdreg $0xFFFFFFFF  }
0xcd: {  	_ =	task.clear_ibuf [dreg:s11], $0x2FFFF;
	_ =	strace $0x9FFFFFFF  }
0xce: {  	(tm) =	ssettm $0x7FFFFFFF  }
0xcf: {  	_ =	shalt  }
tec
execute0_lowered:
.L_overlay_start_1:
0x0: {  	(tag) =	ssettag $0x1  }
0x1: {  	s0 =	rddreg [dreg:$0x0]  }
0x2: {  	s3 =	rddreg [dreg:$0x1]  }
0x3: {  	s21 =	rddreg [dreg:$0x2]  }
0x4: {  	s1 =	srdreg.scid;
	s2 =	stileid.u32  }
0x5: {  	s6 =	simm.s32 $0x0;
	s1 =	sand.u32 $0x1, s1;
	s2 =	sshll.u32 s2, $0x1  }
0x6: {  	[smem:$0x7FF] =	sst s6;
	s28 =	sadd.s32 $0x600, s21;
	s29 =	sadd.s32 $0x700, s21  }
0x7: {  	s4 =	sor.u32 s1, s2;
	_ =	strace $0x80000047;
	[dreg:$0xf] =	wrdreg s28  }
0x8: {  	s30 =	sadd.s32 $0x800, s21;
	[dreg:$0x10] =	wrdreg s29;
	s5 =	smul.u32 $0x130, s4  }
0x9: {  	s31 =	sadd.s32 $0x900, s21;
	[dreg:$0x11] =	wrdreg s30  }
0xa: {  	[dreg:$0x12] =	wrdreg s31;
	s26 =	sadd.s32 $0x120, s5  }
0xb: {  	s9 =	sadd.s32 $0x140, s5;
	[smem:$0x7E7] =	sst s26  }
0xc: {  	s10 =	sadd.s32 $0x150, s5;
	[smem:$0x7E9] =	sst s9  }
0xd: {  	s11 =	sadd.s32 $0x160, s5;
	[smem:$0x7EA] =	sst s10  }
0xe: {  	s12 =	sadd.s32 $0x170, s5;
	[smem:$0x7EB] =	sst s11  }
0xf: {  	s13 =	sadd.s32 $0x180, s5;
	[smem:$0x7EC] =	sst s12  }
0x10: {  	s14 =	sadd.s32 $0x190, s5;
	[smem:$0x7ED] =	sst s13  }
0x11: {  	s15 =	sadd.s32 $0x1A0, s5;
	[smem:$0x7EE] =	sst s14  }
0x12: {  	s16 =	sadd.s32 $0x1B0, s5;
	[smem:$0x7EF] =	sst s15  }
0x13: {  	s1 =	ssub.s32 $0x2, s1;
	s18 =	sadd.s32 $0x1C0, s5;
	[dreg:$0x1c] =	wrdreg s16  }
0x14: {  	s7 =	sshrl.u32 s1, $0x1;
	s19 =	sadd.s32 $0x1D0, s5;
	[smem:$0x7F0] =	sst s18  }
0x15: {  	s7 =	ssub.s32 s1, s7;
	s20 =	sadd.s32 $0x1E0, s5;
	[smem:$0x7F1] =	sst s19  }
0x16: {  	s1 =	smul.u32 $0x140, s4;
	s22 =	sadd.s32 $0x1F0, s5;
	[dreg:$0x1d] =	wrdreg s20  }
0x17: {  	s2 =	sadd.s32 $0x110, s5;
	s23 =	sadd.s32 $0x200, s5;
	[dreg:$0x1e] =	wrdreg s22  }
0x18: {  	s24 =	sadd.s32 $0x210, s5;
	s8 =	sshrl.u32 s2, $0x3;
	[dreg:$0x1f] =	wrdreg s23  }
0x19: {  	s17 =	sshrl.u32 s1, $0x3;
	[dreg:$0x16] =	wrdreg s24;
	s26 =	sadd.s32 $0x230, s5  }
0x1a: {  	s9 =	sadd.s32 $0x800, s0;
	s10 =	sadd.s32 $0x900, s0;
	s11 =	sadd.s32 $0xA00, s0  }
0x1b: {  	v0 =	vlaneseq.u32;
	s12 =	sadd.s32 $0xB00, s0;
	s13 =	sadd.s32 $0xC00, s0;
	[dreg:$0x18] =	wrdreg s26  }
0x1c: {  	s14 =	sadd.s32 $0xD00, s0;
	s23 =	sadd.s32 $0x200, s21;
	v1 =	vmov s2;
	v2 =	vor.u32 s2, v0;
	s2 =	sld [smem:$0x7E7]  }
0x1d: {  	s15 =	sadd.s32 $0xE00, s0;
	s24 =	sadd.s32 $0x300, s21;
	[dreg:$0xb] =	wrdreg s23  }
0x1e: {  	s16 =	sadd.s32 $0xF00, s0;
	s25 =	sadd.s32 s3, s8;
	[dreg:$0xc] =	wrdreg s24  }
0x1f: {  	s18 =	sadd.s32 $0x1100, s0;
	s8 =	sadd.s32 $0x130, s5;
	[dreg:$0x7] =	wrdreg s25  }
0x20: {  	s19 =	sadd.s32 $0x1200, s0;
	s3 =	sadd.s32 s3, s17;
	[smem:$0x7E8] =	sst s8  }
0x21: {  	s20 =	sadd.s32 $0x1300, s0;
	s26 =	sadd.s32 $0x500, s21;
	[dreg:$0x8] =	wrdreg s3  }
0x22: {  	s17 =	sadd.s32 $0x1000, s0;
	s0 =	sadd.s32 $0xB00, s21;
	[dreg:$0xe] =	wrdreg s26  }
0x23: {  	s25 =	sadd.s32 $0x220, s5;
	[dreg:$0x14] =	wrdreg s0  }
0x24: {  	s3 =	smax.u32 s7, $0x1;
	[dreg:$0x17] =	wrdreg s25  }
0x25: {  	s5 =	sadd.s32 $0x50, s1;
	[dreg:$0x9] =	wrdreg s3  }
0x26: {  	s7 =	sadd.s32 $0x100, s21;
	[smem:$0x7F2] =	sst s5  }
0x27: {  	s5 =	sadd.s32 $0x60, s1;
	[dreg:$0xa] =	wrdreg s7  }
0x28: {  	[smem:$0x7F3] =	sst s5  }
0x29: {  	p0 =	sgt.u32 s4, $0x10;
	s4 =	sor.u32 $0x10, s1;
	v3 =	vor.u32 s2, v0;
	s2 =	sld [smem:$0x7E8]  }
0x2a: {  	v23 =	vor.u32 s4, v0;
	s25 =	sadd.s32 $0x400, s21;
	s4 =	sld [smem:$0x7F2]  }
0x2b: {  	[dreg:$0xd] =	wrdreg s25  }
0x2c: {  	s5 =	sadd.s32 $0x70, s1;
	v4 =	vor.u32 s2, v0;
	s2 =	sld [smem:$0x7E9]  }
0x2d: {  	s3 =	sadd.s32 $0xA00, s21;
	s21 =	sor.u32 $0x20, s1;
	[smem:$0x7F4] =	sst s5  }
0x2e: {  	v24 =	vor.u32 s21, v0;
	s21 =	sld [smem:$0x7F3]  }
0x2f: {  	s5 =	sadd.s32 $0x80, s1;
	v5 =	vor.u32 s2, v0;
	s2 =	sld [smem:$0x7EA]  }
0x30: {  	s22 =	sor.u32 $0x30, s1;
	[smem:$0x7F5] =	sst s5  }
0x31: {  	v25 =	vor.u32 s22, v0;
	s22 =	sld [smem:$0x7F4]  }
0x32: {  	s5 =	sadd.s32 $0x90, s1;
	v6 =	vor.u32 s2, v0;
	s2 =	sld [smem:$0x7EB]  }
0x33: {  	[smem:$0x7F6] =	sst s5;
	s5 =	sadd.s32 $0xA0, s1  }
0x34: {  	[smem:$0x7F7] =	sst s5  }
0x35: {  	v7 =	vor.u32 s2, v0;
	s2 =	sld [smem:$0x7EC]  }
0x36: {  	v27 =	vor.u32 s4, v0;
	s5 =	sadd.s32 $0xB0, s1;
	s4 =	sld [smem:$0x7F6]  }
0x37: {  	[smem:$0x7F8] =	sst s5  }
0x38: {  	v8 =	vor.u32 s2, v0;
	s2 =	sld [smem:$0x7ED]  }
0x39: {  	v28 =	vor.u32 s21, v0;
	s5 =	sadd.s32 $0xC0, s1;
	s21 =	sld [smem:$0x7F7]  }
0x3a: {  	[smem:$0x7F9] =	sst s5  }
0x3b: {  	v9 =	vor.u32 s2, v0;
	s2 =	sld [smem:$0x7EE]  }
0x3c: {  	v29 =	vor.u32 s22, v0;
	s5 =	sadd.s32 $0xD0, s1;
	s22 =	sld [smem:$0x7F8]  }
0x3d: {  	[smem:$0x7FA] =	sst s5  }
0x3e: {  	s5 =	sadd.s32 $0xE0, s1;
	v10 =	vor.u32 s2, v0;
	s2 =	sld [smem:$0x7EF]  }
0x3f: {  	[smem:$0x7FB] =	sst s5  }
0x40: {  	v31 =	vor.u32 s4, v0;
	s4 =	sld [smem:$0x7FA]  }
0x41: {  	v11 =	vor.u32 s2, v0;
	s2 =	rddreg [dreg:$0x1c]  }
0x42: {  	s5 =	sadd.s32 $0xF0, s1;
	v12 =	vor.u32 s2, v0;
	s2 =	sld [smem:$0x7F0]  }
0x43: {  	[smem:$0x7FC] =	sst s5  }
0x44: {  	v32 =	vor.u32 s21, v0;
	s21 =	sld [smem:$0x7FB]  }
0x45: {  	s5 =	sadd.s32 $0x100, s1;
	v13 =	vor.u32 s2, v0;
	s2 =	sld [smem:$0x7F1]  }
0x46: {  	[smem:$0x7FD] =	sst s5  }
0x47: {  	v33 =	vor.u32 s22, v0;
	s22 =	sld [smem:$0x7FC]  }
0x48: {  	v14 =	vor.u32 s2, v0;
	s2 =	rddreg [dreg:$0x1d]  }
0x49: {  	v15 =	vor.u32 s2, v0;
	s2 =	rddreg [dreg:$0x1e]  }
0x4a: {  	v16 =	vor.u32 s2, v0;
	s2 =	rddreg [dreg:$0x1f]  }
0x4b: {  	v17 =	vor.u32 s2, v0;
	s2 =	rddreg [dreg:$0x16]  }
0x4c: {  	v18 =	vor.u32 s2, v0;
	s2 =	rddreg [dreg:$0x17]  }
0x4d: {  	v19 =	vor.u32 s2, v0;
	s2 =	rddreg [dreg:$0x18]  }
0x4e: {  	s5 =	sadd.s32 $0x110, s1;
	v20 =	vor.u32 s2, v0;
	s2 =	sld [smem:$0x7F5]  }
0x4f: {  	[dreg:$0x19] =	wrdreg s5;
	s5 =	sadd.s32 $0x120, s1  }
0x50: {  	[dreg:$0x1a] =	wrdreg s5  }
0x51: {  	v30 =	vor.u32 s2, v0;
	s2 =	sld [smem:$0x7F9]  }
0x52: {  	v35 =	vor.u32 s4, v0;
	s5 =	sadd.s32 $0x130, s1;
	s4 =	rddreg [dreg:$0x19]  }
.Ltmp0:
0x53: {  	v42 =	vimm.s32 $0xFFFFFFFF;
	[dreg:$0x1b] =	wrdreg s5;
	(pc) =	sbr.rel .LBB2_1-.Ltmp0, $4  }
0x54: {  	v43 =	vimm.s32 $0x1000;
	v44 =	vimm.s32 $0x0;
	v34 =	vor.u32 s2, v0;
	s2 =	sld [smem:$0x7FD]  }
0x55: {  	v21 =	vmov s1;
	v22 =	vor.u32 s1, v0;
	s8 =	sadd.s32 $0x40, s1;
	v36 =	vor.u32 s21, v0;
	s21 =	rddreg [dreg:$0x1a]  }
0x56: {  	v26 =	vor.u32 s8, v0;
	s8 =	simm.s32 $0x5;
	v37 =	vor.u32 s22, v0;
	v39 =	vor.u32 s4, v0;
	s22 =	rddreg [dreg:$0x1b]  }
0x57: {  	[dreg:$0x13] =	wrdreg s3;
	s5 =	simm.s32 $0x180;
	v40 =	vor.u32 s21, v0;
	v41 =	vor.u32 s22, v0;
	v38 =	vor.u32 s2, v0;
	s2 =	simm.s32 $0x0  }
.LBB2_28:
0x58: {  	s2 =	rddreg [dreg:$0x15]  }
0x59: {  	s1 =	rddreg [dreg:$0x9];
	s2 =	sadd.s32 $0x1, s2  }
0x5a: {  	p1 =	sne.s32 s2, s1  }
.Ltmp1:
0x5b: {  	_ = 	snop;
	(pc) =	sbr.rel @!p1 .LBB2_29-.Ltmp1, $2  }
0x5c: {  	_ =	sdelay $0x2  }
0x5d: {  	s8 =	simm.s32 $0x5  }
.LBB2_1:
0x5e: {  	[dreg:$0x15] =	wrdreg s2  }
0x5f: {  	s1 =	rddreg [dreg:$0x3];
	s22 =	simm.s32 $0x300  }
0x60: {  	[tilespmem:s22], [sflag:$0x5] =	stream.linear.gather [hbm4b:s1+s6], $0x1000, $0x38;
	[tilespmem:$0x1BB00] =	vst v63  }
0x61: {  	_ =	swait.ge [sflag:s8], $0x1000  }
0x62: {  	[sflag:s8] =	ssyncset.done $0x0  }
0x63: {  	[sflag:s8] =	ssyncadd.s32 $0xFFFFF000  }
0x64: {  	s7 =	simm.s32 $0x1300;
	s4 =	rddreg [dreg:$0x4]  }
0x65: {  	[tilespmem:s7], [sflag:$0x5] =	stream.linear.gather [hbm4b:s4+s6], $0x1000, $0x38;
	[tilespmem:$0x1BB00] =	vst v63  }
0x66: {  	_ =	swait.ge [sflag:s8], $0x1000  }
0x67: {  	[sflag:s8] =	ssyncset.done $0x0  }
0x68: {  	[sflag:s8] =	ssyncadd.s32 $0xFFFFF000  }
.Ltmp2:
0x69: {  	s22 =	simm.s32 $0x1A800;
	s21 =	rddreg [dreg:$0x5];
	(pc) =	sbr.rel @p0 .LBB2_15-.Ltmp2, $4  }
0x6a: {  	[tilespmem:s22], [sflag:$0x5] =	stream.linear.gather [hbm4b:s21+s6], $0x1000, $0x38;
	[tilespmem:$0x1BB00] =	vst v63  }
0x6b: {  	_ =	swait.ge [sflag:s8], $0x1000  }
0x6c: {  	[sflag:s8] =	ssyncset.done $0x0  }
0x6d: {  	s1 =	simm.s32 $0x0;
	[sflag:s8] =	ssyncadd.s32 $0xFFFFF000  }
0x6e: {  	s2 =	rddreg [dreg:$0x8];
	s7 =	simm.s32 $0x1B800  }
0x6f: {  	[tilespmem:s7], [sflag:$0x5] =	stream.linear.gather [hbm4b:s2+s1], $0x140, $0x38;
	[tilespmem:$0x1BB00] =	vst v63  }
0x70: {  	_ =	swait.ge [sflag:s8], $0x140  }
0x71: {  	[sflag:s8] =	ssyncset.done $0x0  }
0x72: {  	[sflag:s8] =	ssyncadd.s32 $0xFFFFFEC0  }
0x73: {  	[tilespmem:$0x180] =	vst v42  }
0x74: {  	[tilespmem:$0x0] =	vst v43  }
0x75: {  	[tilespmem:$0x190] =	vst v42  }
0x76: {  	[tilespmem:$0x10] =	vst v43  }
0x77: {  	[tilespmem:$0x1A0] =	vst v42  }
0x78: {  	[tilespmem:$0x20] =	vst v43  }
0x79: {  	[tilespmem:$0x1B0] =	vst v42  }
0x7a: {  	[tilespmem:$0x30] =	vst v43  }
0x7b: {  	[tilespmem:$0x1C0] =	vst v42  }
0x7c: {  	[tilespmem:$0x40] =	vst v43  }
0x7d: {  	[tilespmem:$0x1D0] =	vst v42  }
0x7e: {  	[tilespmem:$0x50] =	vst v43  }
0x7f: {  	[tilespmem:$0x1E0] =	vst v42  }
0x80: {  	[tilespmem:$0x60] =	vst v43  }
0x81: {  	[tilespmem:$0x1F0] =	vst v42  }
0x82: {  	[tilespmem:$0x70] =	vst v43  }
0x83: {  	[tilespmem:$0x200] =	vst v42  }
0x84: {  	[tilespmem:$0x80] =	vst v43  }
0x85: {  	[tilespmem:$0x210] =	vst v42  }
0x86: {  	[tilespmem:$0x90] =	vst v43  }
0x87: {  	[tilespmem:$0x220] =	vst v42  }
0x88: {  	[tilespmem:$0xA0] =	vst v43  }
0x89: {  	[tilespmem:$0x230] =	vst v42  }
0x8a: {  	[tilespmem:$0xB0] =	vst v43  }
0x8b: {  	[tilespmem:$0x240] =	vst v42  }
0x8c: {  	[tilespmem:$0xC0] =	vst v43  }
0x8d: {  	[tilespmem:$0x250] =	vst v42  }
0x8e: {  	[tilespmem:$0xD0] =	vst v43  }
0x8f: {  	[tilespmem:$0x260] =	vst v42  }
0x90: {  	[tilespmem:$0xE0] =	vst v43  }
0x91: {  	[tilespmem:$0x270] =	vst v42  }
0x92: {  	[tilespmem:$0xF0] =	vst v43  }
0x93: {  	[tilespmem:$0x280] =	vst v42  }
0x94: {  	[tilespmem:$0x100] =	vst v43  }
0x95: {  	[tilespmem:$0x290] =	vst v42  }
0x96: {  	[tilespmem:$0x110] =	vst v43  }
0x97: {  	[tilespmem:$0x2A0] =	vst v42  }
0x98: {  	[tilespmem:$0x120] =	vst v43  }
0x99: {  	[tilespmem:$0x2B0] =	vst v42  }
0x9a: {  	s2 =	simm.s32 $0x300;
	s7 =	simm.s32 $0x1300;
	[tilespmem:$0x130] =	vst v43  }
.LBB2_3:
0x9b: {  	v45 =	vld [tilespmem:s2+$0x0];
	_ =	sdelay $0x4  }
0x9c: {  	v45 =	vsub.s32 v45, v21  }
0x9d: {  	vm0 =	vgt.s32 v45, $0x0  }
0x9e: {  	v46 =	vnsel vm0, $0x0, v45  }
0x9f: {  	v46 =	vmin.u32 v46, $0x13F;
	_ =	sdelay $0x4  }
0xa0: {  	v47 =	vld.idx.msk [tilespmem:v46+s5+$0x0], $0xffff;
	_ =	sdelay $0x3  }
0xa1: {  	v48 =	vor.u32 s1, v0  }
0xa2: {  	vm15 =	vlt.u32 v45, $0x140;
	vm1 =	vgt.s32 v48, v47  }
0xa3: {  	vm0 =	vmand vm15, vm1;
	_ =	sdelay $0x1  }
0xa4: {  	v63 =	vld [tilespmem:s7+$0x0];
	p1 =	sne.s32 s1, $0xFF0  }
.Ltmp3:
0xa5: {  	_ = 	snop;
	(pc) =	sbr.rel @p1 .LBB2_3-.Ltmp3, $3  }
0xa6: {  	_ =	sdelay $0x1  }
0xa7: {  	[tilespmem:v46+s5+$0x0] =	vst.idx.msk vm0, v48  }
0xa8: {  	s2 =	sadd.s32 $0x10, s2;
	s7 =	sadd.s32 $0x10, s7;
	s1 =	sadd.s32 $0x10, s1;
	[tilespmem:v46+s6+$0x0] =	vst.idx.msk vm0, v63  }
0xa9: {  	v45 =	vld [tilespmem:$0x0];
	_ =	sdelay $0x4  }
0xaa: {  	vm0 =	vlt.s32 v45, $0x1000  }
0xab: {  	v46 =	vsel vm0, $0x1, v44  }
0xac: {  	(xrf0) =	vadd.scan.msk.s32 $0xffff, v46;
	_ =	sdelay $0x5  }
0xad: {  	v46, _, _ =	vpop (xrf0)  }
0xae: {  	v47 =	vadd.s32 $0xFFFFFFFF, v46;
	_ =	sdelay $0x3  }
0xaf: {  	s21 =	simm.s32 $0x2300  }
0xb0: {  	s4 =	simm.s32 $0x2480;
	[tilespmem:v47+s21+$0x0] =	vst.idx.msk vm0, v22  }
0xb1: {  	[tilespmem:v47+s4+$0x0] =	vst.idx.msk vm0, v45  }
0xb2: {  	v48 =	vld [tilespmem:$0x10];
	_ =	sdelay $0x4  }
0xb3: {  	vm2 =	vlt.s32 v48, $0x1000  }
0xb4: {  	vm1 =	vlt.s32 v45, $0xFFF;
	v49 =	vsel vm2, $0x1, v44  }
0xb5: {  	v45 =	vnsel vm1, $0xFFF, v45;
	(xrf0) =	vadd.scan.msk.s32 $0xffff, v49;
	_ =	sdelay $0x3  }
0xb6: {  	s7 =	simm.s32 $0x1A800;
	v57 =	vld [tilespmem:$0x1B800]  }
0xb7: {  	v47 =	vbroadcast v47, $0xF;
	v45 =	vld.idx.msk [tilespmem:v45+s7+$0x0], $0xffff  }
0xb8: {  	(v2sf) =	vpush v46, $0xF;
	v58, _, _ =	vpop (xrf0)  }
0xb9: {  	v47 =	vadd.s32 v58, v47;
	(v2sf) =	vpush v58, $0xF;
	_ =	sdelay $0x2  }
0xba: {  	v45 =	vsel vm0, v45, v57  }
0xbb: {  	[tilespmem:$0x1B980] =	vst v45  }
0xbc: {  	[tilespmem:v47+s21+$0x0] =	vst.idx.msk vm2, v23  }
0xbd: {  	[tilespmem:v47+s4+$0x0] =	vst.idx.msk vm2, v48  }
0xbe: {  	v59 =	vld [tilespmem:$0x20];
	_ =	sdelay $0x4  }
0xbf: {  	vm15 =	vlt.s32 v48, $0xFFF;
	vm4 =	vlt.s32 v59, $0x1000  }
0xc0: {  	v60 =	vnsel vm15, $0xFFF, v48;
	v61 =	vsel vm4, $0x1, v44  }
0xc1: {  	s1 =	spop (v2sf);
	(xrf0) =	vadd.scan.msk.s32 $0xffff, v61  }
0xc2: {  	s2 =	spop (v2sf)  }
0xc3: {  	s1 =	sadd.s32 s1, s2  }
0xc4: {  	v62 =	vmov s1  }
0xc5: {  	v46 =	vld.idx.msk [tilespmem:v60+s7+$0x0], $0xffff;
	v47 =	vadd.s32 $0xFFFFFFFF, v62  }
0xc6: {  	v63 =	vld [tilespmem:$0x1B810];
	v47 =	vbroadcast v47, $0x0  }
0xc7: {  	v52, _, _ =	vpop (xrf0)  }
0xc8: {  	v47 =	vadd.s32 v52, v47;
	(v2sf) =	vpush v52, $0xF;
	_ =	sdelay $0x2  }
0xc9: {  	v46 =	vsel vm2, v46, v63  }
0xca: {  	[tilespmem:$0x1B990] =	vst v46  }
0xcb: {  	[tilespmem:v47+s21+$0x0] =	vst.idx.msk vm4, v24  }
0xcc: {  	[tilespmem:v47+s4+$0x0] =	vst.idx.msk vm4, v59  }
0xcd: {  	v53 =	vld [tilespmem:$0x30];
	_ =	sdelay $0x4  }
0xce: {  	vm5 =	vlt.s32 v59, $0xFFF;
	vm6 =	vlt.s32 v53, $0x1000  }
0xcf: {  	v45 =	vnsel vm5, $0xFFF, v59;
	v54 =	vsel vm6, $0x1, v44  }
0xd0: {  	(xrf0) =	vadd.scan.msk.s32 $0xffff, v54  }
0xd1: {  	s22 =	spop (v2sf)  }
0xd2: {  	s1 =	sadd.s32 s1, s22  }
0xd3: {  	v55 =	vmov s1  }
0xd4: {  	v45 =	vld.idx.msk [tilespmem:v45+s7+$0x0], $0xffff;
	v47 =	vadd.s32 $0xFFFFFFFF, v55  }
0xd5: {  	v56 =	vld [tilespmem:$0x1B820];
	v47 =	vbroadcast v47, $0x0  }
0xd6: {  	v57, _, _ =	vpop (xrf0)  }
0xd7: {  	v47 =	vadd.s32 v57, v47;
	(v2sf) =	vpush v57, $0xF;
	_ =	sdelay $0x2  }
0xd8: {  	v45 =	vsel vm4, v45, v56  }
0xd9: {  	[tilespmem:$0x1B9A0] =	vst v45  }
0xda: {  	[tilespmem:v47+s21+$0x0] =	vst.idx.msk vm6, v25  }
0xdb: {  	[tilespmem:v47+s4+$0x0] =	vst.idx.msk vm6, v53  }
0xdc: {  	v58 =	vld [tilespmem:$0x40];
	_ =	sdelay $0x4  }
0xdd: {  	vm7 =	vlt.s32 v53, $0xFFF;
	vm8 =	vlt.s32 v58, $0x1000  }
0xde: {  	v46 =	vnsel vm7, $0xFFF, v53;
	v59 =	vsel vm8, $0x1, v44  }
0xdf: {  	(xrf0) =	vadd.scan.msk.s32 $0xffff, v59  }
0xe0: {  	s22 =	spop (v2sf)  }
0xe1: {  	s1 =	sadd.s32 s1, s22  }
0xe2: {  	v60 =	vmov s1  }
0xe3: {  	v46 =	vld.idx.msk [tilespmem:v46+s7+$0x0], $0xffff;
	v47 =	vadd.s32 $0xFFFFFFFF, v60  }
0xe4: {  	v61 =	vld [tilespmem:$0x1B830];
	v47 =	vbroadcast v47, $0x0  }
0xe5: {  	v62, _, _ =	vpop (xrf0)  }
0xe6: {  	v47 =	vadd.s32 v62, v47;
	(v2sf) =	vpush v62, $0xF;
	_ =	sdelay $0x2  }
0xe7: {  	v46 =	vsel vm6, v46, v61  }
0xe8: {  	[tilespmem:$0x1B9B0] =	vst v46  }
0xe9: {  	[tilespmem:v47+s21+$0x0] =	vst.idx.msk vm8, v26  }
0xea: {  	[tilespmem:v47+s4+$0x0] =	vst.idx.msk vm8, v58  }
0xeb: {  	v63 =	vld [tilespmem:$0x50];
	_ =	sdelay $0x4  }
0xec: {  	vm9 =	vlt.s32 v58, $0xFFF;
	vm10 =	vlt.s32 v63, $0x1000  }
0xed: {  	v45 =	vnsel vm9, $0xFFF, v58;
	v51 =	vsel vm10, $0x1, v44  }
0xee: {  	(xrf0) =	vadd.scan.msk.s32 $0xffff, v51  }
0xef: {  	s22 =	spop (v2sf)  }
0xf0: {  	s1 =	sadd.s32 s1, s22  }
0xf1: {  	v52 =	vmov s1  }
0xf2: {  	v45 =	vld.idx.msk [tilespmem:v45+s7+$0x0], $0xffff;
	v47 =	vadd.s32 $0xFFFFFFFF, v52  }
0xf3: {  	v53 =	vld [tilespmem:$0x1B840];
	v47 =	vbroadcast v47, $0x0  }
0xf4: {  	v54, _, _ =	vpop (xrf0)  }
0xf5: {  	v47 =	vadd.s32 v54, v47;
	(v2sf) =	vpush v54, $0xF;
	_ =	sdelay $0x2  }
0xf6: {  	v45 =	vsel vm8, v45, v53  }
0xf7: {  	[tilespmem:$0x1B9C0] =	vst v45  }
0xf8: {  	[tilespmem:v47+s21+$0x0] =	vst.idx.msk vm10, v27  }
0xf9: {  	[tilespmem:v47+s4+$0x0] =	vst.idx.msk vm10, v63  }
0xfa: {  	v55 =	vld [tilespmem:$0x60];
	_ =	sdelay $0x4  }
0xfb: {  	vm11 =	vlt.s32 v63, $0xFFF;
	vm12 =	vlt.s32 v55, $0x1000  }
0xfc: {  	v46 =	vnsel vm11, $0xFFF, v63;
	v56 =	vsel vm12, $0x1, v44  }
0xfd: {  	(xrf0) =	vadd.scan.msk.s32 $0xffff, v56  }
0xfe: {  	s22 =	spop (v2sf)  }
0xff: {  	s1 =	sadd.s32 s1, s22  }
0x100: {  	v57 =	vmov s1  }
0x101: {  	v46 =	vld.idx.msk [tilespmem:v46+s7+$0x0], $0xffff;
	v47 =	vadd.s32 $0xFFFFFFFF, v57  }
0x102: {  	v58 =	vld [tilespmem:$0x1B850];
	v47 =	vbroadcast v47, $0x0  }
0x103: {  	v59, _, _ =	vpop (xrf0)  }
0x104: {  	v47 =	vadd.s32 v59, v47;
	(v2sf) =	vpush v59, $0xF;
	_ =	sdelay $0x2  }
0x105: {  	v46 =	vsel vm10, v46, v58  }
0x106: {  	[tilespmem:$0x1B9D0] =	vst v46  }
0x107: {  	[tilespmem:v47+s21+$0x0] =	vst.idx.msk vm12, v28  }
0x108: {  	[tilespmem:v47+s4+$0x0] =	vst.idx.msk vm12, v55  }
0x109: {  	v60 =	vld [tilespmem:$0x70];
	_ =	sdelay $0x4  }
0x10a: {  	vm13 =	vlt.s32 v55, $0xFFF;
	vm14 =	vlt.s32 v60, $0x1000  }
0x10b: {  	v45 =	vnsel vm13, $0xFFF, v55;
	v61 =	vsel vm14, $0x1, v44  }
0x10c: {  	(xrf0) =	vadd.scan.msk.s32 $0xffff, v61  }
0x10d: {  	s22 =	spop (v2sf)  }
0x10e: {  	s1 =	sadd.s32 s1, s22  }
0x10f: {  	v62 =	vmov s1  }
0x110: {  	v45 =	vld.idx.msk [tilespmem:v45+s7+$0x0], $0xffff;
	v47 =	vadd.s32 $0xFFFFFFFF, v62  }
0x111: {  	v63 =	vld [tilespmem:$0x1B860];
	v47 =	vbroadcast v47, $0x0  }
0x112: {  	v52, _, _ =	vpop (xrf0)  }
0x113: {  	v47 =	vadd.s32 v52, v47;
	(v2sf) =	vpush v52, $0xF;
	_ =	sdelay $0x2  }
0x114: {  	v45 =	vsel vm12, v45, v63  }
0x115: {  	[tilespmem:$0x1B9E0] =	vst v45  }
0x116: {  	[tilespmem:v47+s21+$0x0] =	vst.idx.msk vm14, v29  }
0x117: {  	[tilespmem:v47+s4+$0x0] =	vst.idx.msk vm14, v60  }
0x118: {  	v53 =	vld [tilespmem:$0x80];
	_ =	sdelay $0x4  }
0x119: {  	vm15 =	vlt.s32 v60, $0xFFF;
	vm4 =	vlt.s32 v53, $0x1000  }
0x11a: {  	v46 =	vnsel vm15, $0xFFF, v60;
	v54 =	vsel vm4, $0x1, v44  }
0x11b: {  	(xrf0) =	vadd.scan.msk.s32 $0xffff, v54  }
0x11c: {  	s22 =	spop (v2sf)  }
0x11d: {  	s1 =	sadd.s32 s1, s22  }
0x11e: {  	v55 =	vmov s1  }
0x11f: {  	v46 =	vld.idx.msk [tilespmem:v46+s7+$0x0], $0xffff;
	v47 =	vadd.s32 $0xFFFFFFFF, v55  }
0x120: {  	v56 =	vld [tilespmem:$0x1B870];
	v47 =	vbroadcast v47, $0x0  }
0x121: {  	v57, _, _ =	vpop (xrf0)  }
0x122: {  	v47 =	vadd.s32 v57, v47;
	(v2sf) =	vpush v57, $0xF;
	_ =	sdelay $0x2  }
0x123: {  	v46 =	vsel vm14, v46, v56  }
0x124: {  	[tilespmem:$0x1B9F0] =	vst v46  }
0x125: {  	[tilespmem:v47+s21+$0x0] =	vst.idx.msk vm4, v30  }
0x126: {  	[tilespmem:v47+s4+$0x0] =	vst.idx.msk vm4, v53  }
0x127: {  	v58 =	vld [tilespmem:$0x90];
	_ =	sdelay $0x4  }
0x128: {  	vm5 =	vlt.s32 v53, $0xFFF;
	vm6 =	vlt.s32 v58, $0x1000  }
0x129: {  	v45 =	vnsel vm5, $0xFFF, v53;
	v59 =	vsel vm6, $0x1, v44  }
0x12a: {  	(xrf0) =	vadd.scan.msk.s32 $0xffff, v59  }
0x12b: {  	s22 =	spop (v2sf)  }
0x12c: {  	s1 =	sadd.s32 s1, s22  }
0x12d: {  	v60 =	vmov s1  }
0x12e: {  	v45 =	vld.idx.msk [tilespmem:v45+s7+$0x0], $0xffff;
	v47 =	vadd.s32 $0xFFFFFFFF, v60  }
0x12f: {  	v61 =	vld [tilespmem:$0x1B880];
	v47 =	vbroadcast v47, $0x0  }
0x130: {  	v62, _, _ =	vpop (xrf0)  }
0x131: {  	v47 =	vadd.s32 v62, v47;
	(v2sf) =	vpush v62, $0xF;
	_ =	sdelay $0x2  }
0x132: {  	v45 =	vsel vm4, v45, v61  }
0x133: {  	[tilespmem:$0x1BA00] =	vst v45  }
0x134: {  	[tilespmem:v47+s21+$0x0] =	vst.idx.msk vm6, v31  }
0x135: {  	[tilespmem:v47+s4+$0x0] =	vst.idx.msk vm6, v58  }
0x136: {  	v63 =	vld [tilespmem:$0xA0];
	_ =	sdelay $0x4  }
0x137: {  	vm7 =	vlt.s32 v58, $0xFFF;
	vm8 =	vlt.s32 v63, $0x1000  }
0x138: {  	v46 =	vnsel vm7, $0xFFF, v58;
	v51 =	vsel vm8, $0x1, v44  }
0x139: {  	(xrf0) =	vadd.scan.msk.s32 $0xffff, v51  }
0x13a: {  	s22 =	spop (v2sf)  }
0x13b: {  	s1 =	sadd.s32 s1, s22  }
0x13c: {  	v52 =	vmov s1  }
0x13d: {  	v46 =	vld.idx.msk [tilespmem:v46+s7+$0x0], $0xffff;
	v47 =	vadd.s32 $0xFFFFFFFF, v52  }
0x13e: {  	v53 =	vld [tilespmem:$0x1B890];
	v47 =	vbroadcast v47, $0x0  }
0x13f: {  	v54, _, _ =	vpop (xrf0)  }
0x140: {  	v47 =	vadd.s32 v54, v47;
	(v2sf) =	vpush v54, $0xF;
	_ =	sdelay $0x2  }
0x141: {  	v46 =	vsel vm6, v46, v53  }
0x142: {  	[tilespmem:$0x1BA10] =	vst v46  }
0x143: {  	[tilespmem:v47+s21+$0x0] =	vst.idx.msk vm8, v32  }
0x144: {  	[tilespmem:v47+s4+$0x0] =	vst.idx.msk vm8, v63  }
0x145: {  	v55 =	vld [tilespmem:$0xB0];
	_ =	sdelay $0x4  }
0x146: {  	vm9 =	vlt.s32 v63, $0xFFF;
	vm10 =	vlt.s32 v55, $0x1000  }
0x147: {  	v45 =	vnsel vm9, $0xFFF, v63;
	v56 =	vsel vm10, $0x1, v44  }
0x148: {  	(xrf0) =	vadd.scan.msk.s32 $0xffff, v56  }
0x149: {  	s22 =	spop (v2sf)  }
0x14a: {  	s1 =	sadd.s32 s1, s22  }
0x14b: {  	v57 =	vmov s1  }
0x14c: {  	v45 =	vld.idx.msk [tilespmem:v45+s7+$0x0], $0xffff;
	v47 =	vadd.s32 $0xFFFFFFFF, v57  }
0x14d: {  	v58 =	vld [tilespmem:$0x1B8A0];
	v47 =	vbroadcast v47, $0x0  }
0x14e: {  	v59, _, _ =	vpop (xrf0)  }
0x14f: {  	v47 =	vadd.s32 v59, v47;
	(v2sf) =	vpush v59, $0xF;
	_ =	sdelay $0x2  }
0x150: {  	v45 =	vsel vm8, v45, v58  }
0x151: {  	[tilespmem:$0x1BA20] =	vst v45  }
0x152: {  	[tilespmem:v47+s21+$0x0] =	vst.idx.msk vm10, v33  }
0x153: {  	[tilespmem:v47+s4+$0x0] =	vst.idx.msk vm10, v55  }
0x154: {  	v60 =	vld [tilespmem:$0xC0];
	_ =	sdelay $0x4  }
0x155: {  	vm11 =	vlt.s32 v55, $0xFFF;
	vm12 =	vlt.s32 v60, $0x1000  }
0x156: {  	v46 =	vnsel vm11, $0xFFF, v55;
	v61 =	vsel vm12, $0x1, v44  }
0x157: {  	(xrf0) =	vadd.scan.msk.s32 $0xffff, v61  }
0x158: {  	s22 =	spop (v2sf)  }
0x159: {  	s1 =	sadd.s32 s1, s22  }
0x15a: {  	v62 =	vmov s1  }
0x15b: {  	v46 =	vld.idx.msk [tilespmem:v46+s7+$0x0], $0xffff;
	v47 =	vadd.s32 $0xFFFFFFFF, v62  }
0x15c: {  	v63 =	vld [tilespmem:$0x1B8B0];
	v47 =	vbroadcast v47, $0x0  }
0x15d: {  	v52, _, _ =	vpop (xrf0)  }
0x15e: {  	v47 =	vadd.s32 v52, v47;
	(v2sf) =	vpush v52, $0xF;
	_ =	sdelay $0x2  }
0x15f: {  	v46 =	vsel vm10, v46, v63  }
0x160: {  	[tilespmem:$0x1BA30] =	vst v46  }
0x161: {  	[tilespmem:v47+s21+$0x0] =	vst.idx.msk vm12, v34  }
0x162: {  	[tilespmem:v47+s4+$0x0] =	vst.idx.msk vm12, v60  }
0x163: {  	v53 =	vld [tilespmem:$0xD0];
	_ =	sdelay $0x4  }
0x164: {  	vm13 =	vlt.s32 v60, $0xFFF;
	vm14 =	vlt.s32 v53, $0x1000  }
0x165: {  	v45 =	vnsel vm13, $0xFFF, v60;
	v54 =	vsel vm14, $0x1, v44  }
0x166: {  	(xrf0) =	vadd.scan.msk.s32 $0xffff, v54  }
0x167: {  	s22 =	spop (v2sf)  }
0x168: {  	s1 =	sadd.s32 s1, s22  }
0x169: {  	v55 =	vmov s1  }
0x16a: {  	v45 =	vld.idx.msk [tilespmem:v45+s7+$0x0], $0xffff;
	v47 =	vadd.s32 $0xFFFFFFFF, v55  }
0x16b: {  	v56 =	vld [tilespmem:$0x1B8C0];
	v47 =	vbroadcast v47, $0x0  }
0x16c: {  	v57, _, _ =	vpop (xrf0)  }
0x16d: {  	v47 =	vadd.s32 v57, v47;
	(v2sf) =	vpush v57, $0xF;
	_ =	sdelay $0x2  }
0x16e: {  	v45 =	vsel vm12, v45, v56  }
0x16f: {  	[tilespmem:$0x1BA40] =	vst v45  }
0x170: {  	[tilespmem:v47+s21+$0x0] =	vst.idx.msk vm14, v35  }
0x171: {  	[tilespmem:v47+s4+$0x0] =	vst.idx.msk vm14, v53  }
0x172: {  	v58 =	vld [tilespmem:$0xE0];
	_ =	sdelay $0x4  }
0x173: {  	vm15 =	vlt.s32 v53, $0xFFF;
	vm4 =	vlt.s32 v58, $0x1000  }
0x174: {  	v46 =	vnsel vm15, $0xFFF, v53;
	v59 =	vsel vm4, $0x1, v44  }
0x175: {  	(xrf0) =	vadd.scan.msk.s32 $0xffff, v59  }
0x176: {  	s22 =	spop (v2sf)  }
0x177: {  	s1 =	sadd.s32 s1, s22  }
0x178: {  	v60 =	vmov s1  }
0x179: {  	v46 =	vld.idx.msk [tilespmem:v46+s7+$0x0], $0xffff;
	v47 =	vadd.s32 $0xFFFFFFFF, v60  }
0x17a: {  	v61 =	vld [tilespmem:$0x1B8D0];
	v47 =	vbroadcast v47, $0x0  }
0x17b: {  	v62, _, _ =	vpop (xrf0)  }
0x17c: {  	v47 =	vadd.s32 v62, v47;
	(v2sf) =	vpush v62, $0xF;
	_ =	sdelay $0x2  }
0x17d: {  	v46 =	vsel vm14, v46, v61  }
0x17e: {  	[tilespmem:$0x1BA50] =	vst v46  }
0x17f: {  	[tilespmem:v47+s21+$0x0] =	vst.idx.msk vm4, v36  }
0x180: {  	[tilespmem:v47+s4+$0x0] =	vst.idx.msk vm4, v58  }
0x181: {  	v63 =	vld [tilespmem:$0xF0];
	_ =	sdelay $0x4  }
0x182: {  	vm5 =	vlt.s32 v58, $0xFFF;
	vm6 =	vlt.s32 v63, $0x1000  }
0x183: {  	v45 =	vnsel vm5, $0xFFF, v58;
	v51 =	vsel vm6, $0x1, v44  }
0x184: {  	(xrf0) =	vadd.scan.msk.s32 $0xffff, v51  }
0x185: {  	s22 =	spop (v2sf)  }
0x186: {  	s1 =	sadd.s32 s1, s22  }
0x187: {  	v52 =	vmov s1  }
0x188: {  	v45 =	vld.idx.msk [tilespmem:v45+s7+$0x0], $0xffff;
	v47 =	vadd.s32 $0xFFFFFFFF, v52  }
0x189: {  	v53 =	vld [tilespmem:$0x1B8E0];
	v47 =	vbroadcast v47, $0x0  }
0x18a: {  	v54, _, _ =	vpop (xrf0)  }
0x18b: {  	v47 =	vadd.s32 v54, v47;
	(v2sf) =	vpush v54, $0xF;
	_ =	sdelay $0x2  }
0x18c: {  	v45 =	vsel vm4, v45, v53  }
0x18d: {  	[tilespmem:$0x1BA60] =	vst v45  }
0x18e: {  	[tilespmem:v47+s21+$0x0] =	vst.idx.msk vm6, v37  }
0x18f: {  	[tilespmem:v47+s4+$0x0] =	vst.idx.msk vm6, v63  }
0x190: {  	v55 =	vld [tilespmem:$0x100];
	_ =	sdelay $0x4  }
0x191: {  	vm7 =	vlt.s32 v63, $0xFFF;
	vm8 =	vlt.s32 v55, $0x1000  }
0x192: {  	v46 =	vnsel vm7, $0xFFF, v63;
	v56 =	vsel vm8, $0x1, v44  }
0x193: {  	(xrf0) =	vadd.scan.msk.s32 $0xffff, v56  }
0x194: {  	s22 =	spop (v2sf)  }
0x195: {  	s1 =	sadd.s32 s1, s22  }
0x196: {  	v57 =	vmov s1  }
0x197: {  	v46 =	vld.idx.msk [tilespmem:v46+s7+$0x0], $0xffff;
	v47 =	vadd.s32 $0xFFFFFFFF, v57  }
0x198: {  	v58 =	vld [tilespmem:$0x1B8F0];
	v47 =	vbroadcast v47, $0x0  }
0x199: {  	v59, _, _ =	vpop (xrf0)  }
0x19a: {  	v47 =	vadd.s32 v59, v47;
	(v2sf) =	vpush v59, $0xF;
	_ =	sdelay $0x2  }
0x19b: {  	v46 =	vsel vm6, v46, v58  }
0x19c: {  	[tilespmem:$0x1BA70] =	vst v46  }
0x19d: {  	[tilespmem:v47+s21+$0x0] =	vst.idx.msk vm8, v38  }
0x19e: {  	[tilespmem:v47+s4+$0x0] =	vst.idx.msk vm8, v55  }
0x19f: {  	v60 =	vld [tilespmem:$0x110];
	_ =	sdelay $0x4  }
0x1a0: {  	vm9 =	vlt.s32 v55, $0xFFF;
	vm10 =	vlt.s32 v60, $0x1000  }
0x1a1: {  	v45 =	vnsel vm9, $0xFFF, v55;
	v61 =	vsel vm10, $0x1, v44  }
0x1a2: {  	(xrf0) =	vadd.scan.msk.s32 $0xffff, v61  }
0x1a3: {  	s22 =	spop (v2sf)  }
0x1a4: {  	s1 =	sadd.s32 s1, s22  }
0x1a5: {  	v62 =	vmov s1  }
0x1a6: {  	v45 =	vld.idx.msk [tilespmem:v45+s7+$0x0], $0xffff;
	v47 =	vadd.s32 $0xFFFFFFFF, v62  }
0x1a7: {  	v63 =	vld [tilespmem:$0x1B900];
	v47 =	vbroadcast v47, $0x0  }
0x1a8: {  	v52, _, _ =	vpop (xrf0)  }
0x1a9: {  	v47 =	vadd.s32 v52, v47;
	(v2sf) =	vpush v52, $0xF;
	_ =	sdelay $0x2  }
0x1aa: {  	v45 =	vsel vm8, v45, v63  }
0x1ab: {  	[tilespmem:$0x1BA80] =	vst v45  }
0x1ac: {  	[tilespmem:v47+s21+$0x0] =	vst.idx.msk vm10, v39  }
0x1ad: {  	[tilespmem:v47+s4+$0x0] =	vst.idx.msk vm10, v60  }
0x1ae: {  	v53 =	vld [tilespmem:$0x120];
	_ =	sdelay $0x4  }
0x1af: {  	vm11 =	vlt.s32 v60, $0xFFF;
	vm12 =	vlt.s32 v53, $0x1000  }
0x1b0: {  	v46 =	vnsel vm11, $0xFFF, v60;
	v54 =	vsel vm12, $0x1, v44  }
0x1b1: {  	(xrf0) =	vadd.scan.msk.s32 $0xffff, v54  }
0x1b2: {  	s22 =	spop (v2sf)  }
0x1b3: {  	s1 =	sadd.s32 s1, s22  }
0x1b4: {  	v55 =	vmov s1  }
0x1b5: {  	v46 =	vld.idx.msk [tilespmem:v46+s7+$0x0], $0xffff;
	v47 =	vadd.s32 $0xFFFFFFFF, v55  }
0x1b6: {  	v56 =	vld [tilespmem:$0x1B910];
	v47 =	vbroadcast v47, $0x0  }
0x1b7: {  	v57, _, _ =	vpop (xrf0)  }
0x1b8: {  	v47 =	vadd.s32 v57, v47;
	(v2sf) =	vpush v57, $0xF;
	_ =	sdelay $0x2  }
0x1b9: {  	v46 =	vsel vm10, v46, v56  }
0x1ba: {  	[tilespmem:$0x1BA90] =	vst v46  }
0x1bb: {  	[tilespmem:v47+s21+$0x0] =	vst.idx.msk vm12, v40  }
0x1bc: {  	[tilespmem:v47+s4+$0x0] =	vst.idx.msk vm12, v53  }
0x1bd: {  	v58 =	vld [tilespmem:$0x130];
	_ =	sdelay $0x4  }
0x1be: {  	vm14 =	vlt.s32 v53, $0xFFF;
	vm13 =	vlt.s32 v58, $0x1000  }
0x1bf: {  	v45 =	vnsel vm14, $0xFFF, v53;
	v59 =	vsel vm13, $0x1, v44  }
0x1c0: {  	(xrf0) =	vadd.scan.msk.s32 $0xffff, v59  }
0x1c1: {  	s22 =	spop (v2sf)  }
0x1c2: {  	s1 =	sadd.s32 s1, s22  }
0x1c3: {  	v60 =	vmov s1  }
0x1c4: {  	v45 =	vld.idx.msk [tilespmem:v45+s7+$0x0], $0xffff;
	v47 =	vadd.s32 $0xFFFFFFFF, v60  }
0x1c5: {  	v61 =	vld [tilespmem:$0x1B920];
	v47 =	vbroadcast v47, $0x0  }
0x1c6: {  	v62, _, _ =	vpop (xrf0)  }
0x1c7: {  	v47 =	vadd.s32 v62, v47  }
0x1c8: {  	vm15 =	vlt.s32 v58, $0xFFF;
	(v2sf) =	vpush v62, $0xF  }
0x1c9: {  	v63 =	vnsel vm15, $0xFFF, v58  }
0x1ca: {  	v45 =	vsel vm12, v45, v61  }
0x1cb: {  	[tilespmem:$0x1BAA0] =	vst v45  }
0x1cc: {  	[tilespmem:v47+s21+$0x0] =	vst.idx.msk vm13, v41  }
0x1cd: {  	[tilespmem:v47+s4+$0x0] =	vst.idx.msk vm13, v58  }
0x1ce: {  	v45 =	vld.idx.msk [tilespmem:v63+s7+$0x0], $0xffff  }
0x1cf: {  	v46 =	vld [tilespmem:$0x1B930];
	_ =	sdelay $0x4  }
0x1d0: {  	v45 =	vsel vm13, v45, v46  }
0x1d1: {  	s22 =	simm.s32 $0x1B980;
	s21 =	rddreg [dreg:$0x8];
	[tilespmem:$0x1BAB0] =	vst v45  }
0x1d2: {  	[hbm4b:s21+s6] =	stream.linear.scatter [tilespmem:s22], [sflag:$0x5], $0x140, $0x38;
	[tilespmem:$0x1BB00] =	vst v63  }
0x1d3: {  	s2 =	spop (v2sf)  }
0x1d4: {  	_ =	swait.ge [sflag:s8], $0x140;
	s1 =	sadd.s32 s1, s2  }
0x1d5: {  	[sflag:s8] =	ssyncset.done $0x0;
	p1 =	slt.s32 s1, $0x1;
	s2 =	sadd.s32 $0xF, s1  }
0x1d6: {  	[sflag:s8] =	ssyncadd.s32 $0xFFFFFEC0;
	s7 =	simm.s32 @!p1 $0x2300;
	s4 =	sand.u32 $0xF, s2  }
0x1d7: {  	s22 =	sshra.s32 s2, $0x1F;
	p3 =	slt.s32 s2, $0x1;
	p2 =	sne.s32 s4, $0x0  }
0x1d8: {  	v45 =	vld.msk @!p1 [tilespmem:s7+$0x0], $0xffff;
	s7 =	sshrl.u32 s22, $0x1C;
	p2 =	por !p3, !p2  }
0x1d9: {  	s2 =	sadd.s32 s7, s2;
	s7 =	simm.s32 $0x1;
	p2 =	por !p2, !p2  }
0x1da: {  	s2 =	sshra.s32 s2, $0x4;
	s7 =	simm.s32 @!p2 $0x0  }
0x1db: {  	s8 =	simm.s32 @!p1 $0x2480;
	s7 =	ssub.s32 s2, s7  }
0x1dc: {  	v46 =	vld.msk @!p1 [tilespmem:s8+$0x0], $0xffff;
	p2 =	slt.s32 s7, $0x1  }
.Ltmp4:
0x1dd: {  	_ = 	snop;
	(pc) =	sbr.rel @p2 .LBB2_28-.Ltmp4, $3  }
0x1de: {  	_ =	sdelay $0x1  }
0x1df: {  	[tilespmem:s1+$0x2300] =	vst @!p1 v45  }
0x1e0: {  	[tilespmem:s1+$0x2480] =	vst @!p1 v46  }
0x1e1: {  	v47 =	vld [tilespmem:$0x2480];
	_ =	sdelay $0x4  }
0x1e2: {  	v45 =	vshrl.u32 v47, $0x3  }
0x1e3: {  	v45 =	vmul.u32 $0xC0, v45  }
0x1e4: {  	v46 =	vand.u32 $0x7, v47  }
0x1e5: {  	v63 =	vshrl.u32 v0, $0x3;
	v48 =	vor.u32 v46, v45;
	v45 =	vand.u32 $0x7, v0  }
0x1e6: {  	v49 =	vld [tilespmem:$0x2300];
	v46 =	vmul.u32 $0x8, v63;
	v50 =	vperm.xlane v48, v45;
	_ =	sdelay $0x1  }
0x1e7: {  	v50 =	vadd.s32 v46, v50;
	_ =	sdelay $0x2  }
0x1e8: {  	[tilespmem:$0x2600] =	vst v49  }
0x1e9: {  	vm0 =	vmmov $0xffff;
	s8 =	simm.s32 $0x0;
	s1 =	rddreg [dreg:$0x2];
	s2 =	simm.s32 $0x2800;
	[tilespmem:$0x2680] =	vst v47  }
0x1ea: {  	[tilespmem:s2], [sflag:$0x1] =	stream.indirect_vreg.gather [hbm4b:s1+s8], $0x80, v50, vm0, $0xb8;
	[tilespmem:$0x1BB00] =	vst v63  }
0x1eb: {  	s4 =	simm.s32 $0x3000;
	s21 =	rddreg [dreg:$0xa]  }
0x1ec: {  	[tilespmem:s4], [sflag:$0x1] =	stream.indirect_vreg.gather [hbm4b:s21+s8], $0x80, v50, vm0, $0xb8;
	[tilespmem:$0x1BB00] =	vst v63  }
0x1ed: {  	s22 =	simm.s32 $0x3800  }
0x1ee: {  	[tilespmem:s22], [sflag:$0x1] =	stream.indirect_vreg.gather [hbm4b:s23+s8], $0x80, v50, vm0, $0xb8;
	[tilespmem:$0x1BB00] =	vst v63  }
0x1ef: {  	s4 =	simm.s32 $0x4000  }
0x1f0: {  	[tilespmem:s4], [sflag:$0x1] =	stream.indirect_vreg.gather [hbm4b:s24+s8], $0x80, v50, vm0, $0xb8;
	[tilespmem:$0x1BB00] =	vst v63  }
0x1f1: {  	s22 =	simm.s32 $0x4800  }
0x1f2: {  	[tilespmem:s22], [sflag:$0x1] =	stream.indirect_vreg.gather [hbm4b:s25+s8], $0x80, v50, vm0, $0xb8;
	[tilespmem:$0x1BB00] =	vst v63  }
0x1f3: {  	s4 =	simm.s32 $0x5000  }
0x1f4: {  	[tilespmem:s4], [sflag:$0x1] =	stream.indirect_vreg.gather [hbm4b:s26+s8], $0x80, v50, vm0, $0xb8;
	[tilespmem:$0x1BB00] =	vst v63  }
0x1f5: {  	s22 =	simm.s32 $0x5800  }
0x1f6: {  	[tilespmem:s22], [sflag:$0x1] =	stream.indirect_vreg.gather [hbm4b:s28+s8], $0x80, v50, vm0, $0xb8;
	[tilespmem:$0x1BB00] =	vst v63  }
0x1f7: {  	s4 =	simm.s32 $0x6000  }
0x1f8: {  	[tilespmem:s4], [sflag:$0x1] =	stream.indirect_vreg.gather [hbm4b:s29+s8], $0x80, v50, vm0, $0xb8;
	[tilespmem:$0x1BB00] =	vst v63  }
0x1f9: {  	s22 =	simm.s32 $0x6800  }
0x1fa: {  	v47 =	vor.u32 $0x8, v0;
	[tilespmem:s22], [sflag:$0x1] =	stream.indirect_vreg.gather [hbm4b:s30+s8], $0x80, v50, vm0, $0xb8;
	[tilespmem:$0x1BB00] =	vst v63  }
0x1fb: {  	v48 =	vperm.xlane v48, v47;
	s4 =	simm.s32 $0x7000  }
0x1fc: {  	[tilespmem:s4], [sflag:$0x1] =	stream.indirect_vreg.gather [hbm4b:s31+s8], $0x80, v50, vm0, $0xb8;
	[tilespmem:$0x1BB00] =	vst v63  }
0x1fd: {  	v48 =	vadd.s32 v46, v48;
	s22 =	simm.s32 $0x7800  }
0x1fe: {  	[tilespmem:s22], [sflag:$0x1] =	stream.indirect_vreg.gather [hbm4b:s3+s8], $0x80, v50, vm0, $0xb8;
	[tilespmem:$0x1BB00] =	vst v63  }
0x1ff: {  	s4 =	simm.s32 $0x8000  }
0x200: {  	[tilespmem:s4], [sflag:$0x1] =	stream.indirect_vreg.gather [hbm4b:s0+s8], $0x80, v50, vm0, $0xb8;
	[tilespmem:$0x1BB00] =	vst v63  }
0x201: {  	s22 =	simm.s32 $0x8800  }
0x202: {  	[tilespmem:s22], [sflag:$0x1] =	stream.indirect_vreg.gather [hbm4b:s1+s8], $0x80, v48, vm0, $0xb8;
	[tilespmem:$0x1BB00] =	vst v63  }
0x203: {  	s2 =	simm.s32 $0x9000  }
0x204: {  	[tilespmem:s2], [sflag:$0x1] =	stream.indirect_vreg.gather [hbm4b:s21+s8], $0x80, v48, vm0, $0xb8;
	[tilespmem:$0x1BB00] =	vst v63  }
0x205: {  	s4 =	simm.s32 $0x9800  }
0x206: {  	[tilespmem:s4], [sflag:$0x1] =	stream.indirect_vreg.gather [hbm4b:s23+s8], $0x80, v48, vm0, $0xb8;
	[tilespmem:$0x1BB00] =	vst v63  }
0x207: {  	s21 =	simm.s32 $0xA000  }
0x208: {  	[tilespmem:s21], [sflag:$0x1] =	stream.indirect_vreg.gather [hbm4b:s24+s8], $0x80, v48, vm0, $0xb8;
	[tilespmem:$0x1BB00] =	vst v63  }
0x209: {  	s22 =	simm.s32 $0xA800  }
0x20a: {  	[tilespmem:s22], [sflag:$0x1] =	stream.indirect_vreg.gather [hbm4b:s25+s8], $0x80, v48, vm0, $0xb8;
	[tilespmem:$0x1BB00] =	vst v63  }
0x20b: {  	s2 =	simm.s32 $0xB000  }
0x20c: {  	[tilespmem:s2], [sflag:$0x1] =	stream.indirect_vreg.gather [hbm4b:s26+s8], $0x80, v48, vm0, $0xb8;
	[tilespmem:$0x1BB00] =	vst v63  }
0x20d: {  	s4 =	simm.s32 $0xB800  }
0x20e: {  	[tilespmem:s4], [sflag:$0x1] =	stream.indirect_vreg.gather [hbm4b:s28+s8], $0x80, v48, vm0, $0xb8;
	[tilespmem:$0x1BB00] =	vst v63  }
0x20f: {  	s21 =	simm.s32 $0xC000  }
0x210: {  	[tilespmem:s21], [sflag:$0x1] =	stream.indirect_vreg.gather [hbm4b:s29+s8], $0x80, v48, vm0, $0xb8;
	[tilespmem:$0x1BB00] =	vst v63  }
0x211: {  	s22 =	simm.s32 $0xC800  }
0x212: {  	[tilespmem:s22], [sflag:$0x1] =	stream.indirect_vreg.gather [hbm4b:s30+s8], $0x80, v48, vm0, $0xb8;
	[tilespmem:$0x1BB00] =	vst v63  }
0x213: {  	s2 =	simm.s32 $0xD000  }
0x214: {  	[tilespmem:s2], [sflag:$0x1] =	stream.indirect_vreg.gather [hbm4b:s31+s8], $0x80, v48, vm0, $0xb8;
	[tilespmem:$0x1BB00] =	vst v63  }
0x215: {  	s4 =	simm.s32 $0xD800  }
0x216: {  	[tilespmem:s4], [sflag:$0x1] =	stream.indirect_vreg.gather [hbm4b:s3+s8], $0x80, v48, vm0, $0xb8;
	[tilespmem:$0x1BB00] =	vst v63  }
.Ltmp5:
0x217: {  	s21 =	simm.s32 $0xE000;
	s22 =	simm.s32 $0x1;
	(pc) =	sbr.rel .LBB2_6-.Ltmp5, $4  }
0x218: {  	[tilespmem:s21], [sflag:$0x1] =	stream.indirect_vreg.gather [hbm4b:s0+s8], $0x80, v48, vm0, $0xb8;
	[tilespmem:$0x1BB00] =	vst v63  }
0x219: {  	_ =	swait.ge [sflag:s22], $0xC000  }
0x21a: {  	[sflag:s22] =	ssyncset.done $0x0  }
0x21b: {  	s1 =	simm.s32 $0x2310;
	s2 =	simm.s32 $0x2490;
	[sflag:s22] =	ssyncadd.s32 $0xFFFF4000  }
.LBB2_13:
0x21c: {  	_ =	swait.ge [sflag:s21], $0xC000  }
0x21d: {  	[sflag:s21] =	ssyncset.done $0x0  }
0x21e: {  	[sflag:s21] =	ssyncadd.s32 $0xFFFF4000  }
.LBB2_14:
0x21f: {  	p1 =	seq.s32 s7, s8  }
.Ltmp6:
0x220: {  	_ = 	snop;
	(pc) =	sbr.rel @p1 .LBB2_28-.Ltmp6, $2  }
0x221: {  	_ =	sdelay $0x2  }
0x222: {  	s1 =	sadd.s32 $0x10, s1;
	s2 =	sadd.s32 $0x10, s2  }
.LBB2_6:
0x223: {  	s21 =	sand.u32 $0x1, s8;
	s8 =	sadd.s32 $0x1, s8  }
0x224: {  	p1 =	sge.s32 s8, s7  }
.Ltmp7:
0x225: {  	_ = 	snop;
	(pc) =	sbr.rel @p1 .LBB2_9-.Ltmp7, $2  }
0x226: {  	_ =	sdelay $0x2  }
0x227: {  	p2 =	sne.s32 s21, $0x0  }
.Ltmp8:
0x228: {  	(pc) =	sbr.rel @p2 .LBB2_11-.Ltmp8, $2  }
0x229: {  	_ =	sdelay $0x2  }
0x22a: {  	v48 =	vld [tilespmem:s1+$0x0]  }
0x22b: {  	_ =	sdelay $0x3  }
0x22c: {  	[tilespmem:$0x2700] =	vst v48  }
0x22d: {  	v48 =	vld [tilespmem:s2+$0x0];
	_ =	sdelay $0x4  }
0x22e: {  	v49 =	vshrl.u32 v48, $0x3  }
0x22f: {  	v49 =	vmul.u32 $0xC0, v49  }
0x230: {  	v50 =	vand.u32 $0x7, v48  }
0x231: {  	v49 =	vor.u32 v50, v49  }
0x232: {  	v50 =	vperm.xlane v49, v45;
	_ =	sdelay $0x1  }
0x233: {  	v50 =	vadd.s32 v46, v50;
	_ =	sdelay $0x3  }
0x234: {  	s21 =	rddreg [dreg:$0x2];
	s4 =	simm.s32 $0xE800;
	[tilespmem:$0x2780] =	vst v48  }
0x235: {  	[tilespmem:s4], [sflag:$0x3] =	stream.indirect_vreg.gather [hbm4b:s21+s6], $0x80, v50, vm0, $0xb8;
	[tilespmem:$0x1BB00] =	vst v63  }
0x236: {  	s22 =	rddreg [dreg:$0xa];
	s4 =	simm.s32 $0xF000  }
0x237: {  	[tilespmem:s4], [sflag:$0x3] =	stream.indirect_vreg.gather [hbm4b:s22+s6], $0x80, v50, vm0, $0xb8;
	[tilespmem:$0x1BB00] =	vst v63  }
0x238: {  	s4 =	simm.s32 $0xF800  }
0x239: {  	[tilespmem:s4], [sflag:$0x3] =	stream.indirect_vreg.gather [hbm4b:s23+s6], $0x80, v50, vm0, $0xb8;
	[tilespmem:$0x1BB00] =	vst v63  }
0x23a: {  	s4 =	simm.s32 $0x10000  }
0x23b: {  	[tilespmem:s4], [sflag:$0x3] =	stream.indirect_vreg.gather [hbm4b:s24+s6], $0x80, v50, vm0, $0xb8;
	[tilespmem:$0x1BB00] =	vst v63  }
0x23c: {  	s4 =	simm.s32 $0x10800  }
0x23d: {  	[tilespmem:s4], [sflag:$0x3] =	stream.indirect_vreg.gather [hbm4b:s25+s6], $0x80, v50, vm0, $0xb8;
	[tilespmem:$0x1BB00] =	vst v63  }
0x23e: {  	s4 =	simm.s32 $0x11000  }
0x23f: {  	[tilespmem:s4], [sflag:$0x3] =	stream.indirect_vreg.gather [hbm4b:s26+s6], $0x80, v50, vm0, $0xb8;
	[tilespmem:$0x1BB00] =	vst v63  }
0x240: {  	s4 =	simm.s32 $0x11800  }
0x241: {  	[tilespmem:s4], [sflag:$0x3] =	stream.indirect_vreg.gather [hbm4b:s28+s6], $0x80, v50, vm0, $0xb8;
	[tilespmem:$0x1BB00] =	vst v63  }
0x242: {  	s4 =	simm.s32 $0x12000  }
0x243: {  	[tilespmem:s4], [sflag:$0x3] =	stream.indirect_vreg.gather [hbm4b:s29+s6], $0x80, v50, vm0, $0xb8;
	[tilespmem:$0x1BB00] =	vst v63  }
0x244: {  	s4 =	simm.s32 $0x12800  }
0x245: {  	[tilespmem:s4], [sflag:$0x3] =	stream.indirect_vreg.gather [hbm4b:s30+s6], $0x80, v50, vm0, $0xb8;
	[tilespmem:$0x1BB00] =	vst v63  }
0x246: {  	v63 =	vperm.xlane v49, v47;
	s4 =	simm.s32 $0x13000  }
0x247: {  	[tilespmem:s4], [sflag:$0x3] =	stream.indirect_vreg.gather [hbm4b:s31+s6], $0x80, v50, vm0, $0xb8;
	[tilespmem:$0x1BB00] =	vst v63  }
0x248: {  	v48 =	vadd.s32 v46, v63;
	s4 =	simm.s32 $0x13800  }
0x249: {  	[tilespmem:s4], [sflag:$0x3] =	stream.indirect_vreg.gather [hbm4b:s3+s6], $0x80, v50, vm0, $0xb8;
	[tilespmem:$0x1BB00] =	vst v63  }
0x24a: {  	s4 =	simm.s32 $0x14000  }
0x24b: {  	[tilespmem:s4], [sflag:$0x3] =	stream.indirect_vreg.gather [hbm4b:s0+s6], $0x80, v50, vm0, $0xb8;
	[tilespmem:$0x1BB00] =	vst v63  }
0x24c: {  	s4 =	simm.s32 $0x14800  }
0x24d: {  	[tilespmem:s4], [sflag:$0x3] =	stream.indirect_vreg.gather [hbm4b:s21+s6], $0x80, v48, vm0, $0xb8;
	[tilespmem:$0x1BB00] =	vst v63  }
0x24e: {  	s21 =	simm.s32 $0x15000  }
0x24f: {  	[tilespmem:s21], [sflag:$0x3] =	stream.indirect_vreg.gather [hbm4b:s22+s6], $0x80, v48, vm0, $0xb8;
	[tilespmem:$0x1BB00] =	vst v63  }
0x250: {  	s21 =	simm.s32 $0x15800  }
0x251: {  	[tilespmem:s21], [sflag:$0x3] =	stream.indirect_vreg.gather [hbm4b:s23+s6], $0x80, v48, vm0, $0xb8;
	[tilespmem:$0x1BB00] =	vst v63  }
0x252: {  	s22 =	simm.s32 $0x16000  }
0x253: {  	[tilespmem:s22], [sflag:$0x3] =	stream.indirect_vreg.gather [hbm4b:s24+s6], $0x80, v48, vm0, $0xb8;
	[tilespmem:$0x1BB00] =	vst v63  }
0x254: {  	s21 =	simm.s32 $0x16800  }
0x255: {  	[tilespmem:s21], [sflag:$0x3] =	stream.indirect_vreg.gather [hbm4b:s25+s6], $0x80, v48, vm0, $0xb8;
	[tilespmem:$0x1BB00] =	vst v63  }
0x256: {  	s22 =	simm.s32 $0x17000  }
0x257: {  	[tilespmem:s22], [sflag:$0x3] =	stream.indirect_vreg.gather [hbm4b:s26+s6], $0x80, v48, vm0, $0xb8;
	[tilespmem:$0x1BB00] =	vst v63  }
0x258: {  	s21 =	simm.s32 $0x17800  }
0x259: {  	[tilespmem:s21], [sflag:$0x3] =	stream.indirect_vreg.gather [hbm4b:s28+s6], $0x80, v48, vm0, $0xb8;
	[tilespmem:$0x1BB00] =	vst v63  }
0x25a: {  	s22 =	simm.s32 $0x18000  }
0x25b: {  	[tilespmem:s22], [sflag:$0x3] =	stream.indirect_vreg.gather [hbm4b:s29+s6], $0x80, v48, vm0, $0xb8;
	[tilespmem:$0x1BB00] =	vst v63  }
0x25c: {  	s21 =	simm.s32 $0x18800  }
0x25d: {  	[tilespmem:s21], [sflag:$0x3] =	stream.indirect_vreg.gather [hbm4b:s30+s6], $0x80, v48, vm0, $0xb8;
	[tilespmem:$0x1BB00] =	vst v63  }
0x25e: {  	s22 =	simm.s32 $0x19000  }
0x25f: {  	[tilespmem:s22], [sflag:$0x3] =	stream.indirect_vreg.gather [hbm4b:s31+s6], $0x80, v48, vm0, $0xb8;
	[tilespmem:$0x1BB00] =	vst v63  }
.Ltmp9:
0x260: {  	_ = 	snop;
	(pc) =	sbr.rel .LBB2_10-.Ltmp9, $4  }
0x261: {  	s21 =	simm.s32 $0x19800  }
0x262: {  	[tilespmem:s21], [sflag:$0x3] =	stream.indirect_vreg.gather [hbm4b:s3+s6], $0x80, v48, vm0, $0xb8;
	[tilespmem:$0x1BB00] =	vst v63  }
0x263: {  	s22 =	simm.s32 $0x1A000  }
0x264: {  	[tilespmem:s22], [sflag:$0x3] =	stream.indirect_vreg.gather [hbm4b:s0+s6], $0x80, v48, vm0, $0xb8;
	[tilespmem:$0x1BB00] =	vst v63  }
.LBB2_9:
.Ltmp10:
0x265: {  	(pc) =	sbr.rel @p2 .LBB2_12-.Ltmp10, $1  }
0x266: {  	_ =	sdelay $0x3  }
.LBB2_10:
0x267: {  	v48 =	vld [tilespmem:$0x2600];
	_ =	sdelay $0x4  }
0x268: {  	v49 =	vshrl.u32 v48, $0x3  }
0x269: {  	v49 =	vmul.u32 $0xC0, v49  }
0x26a: {  	v48 =	vand.u32 $0x7, v48  }
0x26b: {  	v48 =	vor.u32 v48, v49  }
0x26c: {  	v49 =	vperm.xlane v48, v45;
	_ =	sdelay $0x1  }
0x26d: {  	v49 =	vadd.s32 v46, v49;
	_ =	sdelay $0x3  }
0x26e: {  	s4 =	simm.s32 $0x2800  }
0x26f: {  	[hbm4b:s9+s6] =	stream.indirect_vreg.scatter [tilespmem:s4], [sflag:$0x2], $0x80, v49, vm0, $0xb8;
	[tilespmem:$0x1BB00] =	vst v63  }
0x270: {  	s21 =	simm.s32 $0x3000  }
0x271: {  	[hbm4b:s10+s6] =	stream.indirect_vreg.scatter [tilespmem:s21], [sflag:$0x2], $0x80, v49, vm0, $0xb8;
	[tilespmem:$0x1BB00] =	vst v63  }
0x272: {  	s22 =	simm.s32 $0x3800  }
0x273: {  	[hbm4b:s11+s6] =	stream.indirect_vreg.scatter [tilespmem:s22], [sflag:$0x2], $0x80, v49, vm0, $0xb8;
	[tilespmem:$0x1BB00] =	vst v63  }
0x274: {  	s4 =	simm.s32 $0x4000  }
0x275: {  	[hbm4b:s12+s6] =	stream.indirect_vreg.scatter [tilespmem:s4], [sflag:$0x2], $0x80, v49, vm0, $0xb8;
	[tilespmem:$0x1BB00] =	vst v63  }
0x276: {  	s22 =	simm.s32 $0x4800  }
0x277: {  	[hbm4b:s13+s6] =	stream.indirect_vreg.scatter [tilespmem:s22], [sflag:$0x2], $0x80, v49, vm0, $0xb8;
	[tilespmem:$0x1BB00] =	vst v63  }
0x278: {  	s4 =	simm.s32 $0x5000  }
0x279: {  	[hbm4b:s14+s6] =	stream.indirect_vreg.scatter [tilespmem:s4], [sflag:$0x2], $0x80, v49, vm0, $0xb8;
	[tilespmem:$0x1BB00] =	vst v63  }
0x27a: {  	s22 =	simm.s32 $0x5800  }
0x27b: {  	[hbm4b:s15+s6] =	stream.indirect_vreg.scatter [tilespmem:s22], [sflag:$0x2], $0x80, v49, vm0, $0xb8;
	[tilespmem:$0x1BB00] =	vst v63  }
0x27c: {  	s4 =	simm.s32 $0x6000  }
0x27d: {  	[hbm4b:s16+s6] =	stream.indirect_vreg.scatter [tilespmem:s4], [sflag:$0x2], $0x80, v49, vm0, $0xb8;
	[tilespmem:$0x1BB00] =	vst v63  }
0x27e: {  	s22 =	simm.s32 $0x6800  }
0x27f: {  	[hbm4b:s17+s6] =	stream.indirect_vreg.scatter [tilespmem:s22], [sflag:$0x2], $0x80, v49, vm0, $0xb8;
	[tilespmem:$0x1BB00] =	vst v63  }
0x280: {  	v48 =	vperm.xlane v48, v47;
	s4 =	simm.s32 $0x7000  }
0x281: {  	[hbm4b:s18+s6] =	stream.indirect_vreg.scatter [tilespmem:s4], [sflag:$0x2], $0x80, v49, vm0, $0xb8;
	[tilespmem:$0x1BB00] =	vst v63  }
0x282: {  	v48 =	vadd.s32 v46, v48;
	s22 =	simm.s32 $0x7800  }
0x283: {  	[hbm4b:s19+s6] =	stream.indirect_vreg.scatter [tilespmem:s22], [sflag:$0x2], $0x80, v49, vm0, $0xb8;
	[tilespmem:$0x1BB00] =	vst v63  }
0x284: {  	s4 =	simm.s32 $0x8000  }
0x285: {  	[hbm4b:s20+s6] =	stream.indirect_vreg.scatter [tilespmem:s4], [sflag:$0x2], $0x80, v49, vm0, $0xb8;
	[tilespmem:$0x1BB00] =	vst v63  }
0x286: {  	s22 =	simm.s32 $0x8800  }
0x287: {  	[hbm4b:s9+s6] =	stream.indirect_vreg.scatter [tilespmem:s22], [sflag:$0x2], $0x80, v48, vm0, $0xb8;
	[tilespmem:$0x1BB00] =	vst v63  }
0x288: {  	s21 =	simm.s32 $0x9000  }
0x289: {  	[hbm4b:s10+s6] =	stream.indirect_vreg.scatter [tilespmem:s21], [sflag:$0x2], $0x80, v48, vm0, $0xb8;
	[tilespmem:$0x1BB00] =	vst v63  }
0x28a: {  	s22 =	simm.s32 $0x9800  }
0x28b: {  	[hbm4b:s11+s6] =	stream.indirect_vreg.scatter [tilespmem:s22], [sflag:$0x2], $0x80, v48, vm0, $0xb8;
	[tilespmem:$0x1BB00] =	vst v63  }
0x28c: {  	s21 =	simm.s32 $0xA000  }
0x28d: {  	[hbm4b:s12+s6] =	stream.indirect_vreg.scatter [tilespmem:s21], [sflag:$0x2], $0x80, v48, vm0, $0xb8;
	[tilespmem:$0x1BB00] =	vst v63  }
0x28e: {  	s22 =	simm.s32 $0xA800  }
0x28f: {  	[hbm4b:s13+s6] =	stream.indirect_vreg.scatter [tilespmem:s22], [sflag:$0x2], $0x80, v48, vm0, $0xb8;
	[tilespmem:$0x1BB00] =	vst v63  }
0x290: {  	s21 =	simm.s32 $0xB000  }
0x291: {  	[hbm4b:s14+s6] =	stream.indirect_vreg.scatter [tilespmem:s21], [sflag:$0x2], $0x80, v48, vm0, $0xb8;
	[tilespmem:$0x1BB00] =	vst v63  }
0x292: {  	s22 =	simm.s32 $0xB800  }
0x293: {  	[hbm4b:s15+s6] =	stream.indirect_vreg.scatter [tilespmem:s22], [sflag:$0x2], $0x80, v48, vm0, $0xb8;
	[tilespmem:$0x1BB00] =	vst v63  }
0x294: {  	s21 =	simm.s32 $0xC000  }
0x295: {  	[hbm4b:s16+s6] =	stream.indirect_vreg.scatter [tilespmem:s21], [sflag:$0x2], $0x80, v48, vm0, $0xb8;
	[tilespmem:$0x1BB00] =	vst v63  }
0x296: {  	s22 =	simm.s32 $0xC800  }
0x297: {  	[hbm4b:s17+s6] =	stream.indirect_vreg.scatter [tilespmem:s22], [sflag:$0x2], $0x80, v48, vm0, $0xb8;
	[tilespmem:$0x1BB00] =	vst v63  }
0x298: {  	s21 =	simm.s32 $0xD000  }
0x299: {  	[hbm4b:s18+s6] =	stream.indirect_vreg.scatter [tilespmem:s21], [sflag:$0x2], $0x80, v48, vm0, $0xb8;
	[tilespmem:$0x1BB00] =	vst v63  }
0x29a: {  	s22 =	simm.s32 $0xD800  }
0x29b: {  	[hbm4b:s19+s6] =	stream.indirect_vreg.scatter [tilespmem:s22], [sflag:$0x2], $0x80, v48, vm0, $0xb8;
	[tilespmem:$0x1BB00] =	vst v63  }
0x29c: {  	p1 =	slt.s32 s8, s7;
	s21 =	simm.s32 $0xE000  }
0x29d: {  	[hbm4b:s20+s6] =	stream.indirect_vreg.scatter [tilespmem:s21], [sflag:$0x2], $0x80, v48, vm0, $0xb8;
	[tilespmem:$0x1BB00] =	vst v63  }
.Ltmp11:
0x29e: {  	_ = 	snop;
	(pc) =	sbr.rel @p1 .LBB2_13-.Ltmp11, $4  }
.Ltmp12:
0x29f: {  	s22 =	simm.s32 $0x2;
	(pc) =	sbr.rel @!p1 .LBB2_14-.Ltmp12, $4  }
0x2a0: {  	_ =	swait.ge [sflag:s22], $0xC000  }
0x2a1: {  	[sflag:s22] =	ssyncset.done $0x0  }
0x2a2: {  	s21 =	simm.s32 $0x3;
	[sflag:s22] =	ssyncadd.s32 $0xFFFF4000  }
0x2a3: {  	_ = 	snop  }
.LBB2_11:
0x2a4: {  	_ =	sdelay $0x3  }
0x2a5: {  	[tilespmem:$0x2600] =	vst v48  }
0x2a6: {  	v48 =	vld [tilespmem:s2+$0x0];
	_ =	sdelay $0x4  }
0x2a7: {  	v49 =	vshrl.u32 v48, $0x3  }
0x2a8: {  	v49 =	vmul.u32 $0xC0, v49  }
0x2a9: {  	v50 =	vand.u32 $0x7, v48  }
0x2aa: {  	v49 =	vor.u32 v50, v49  }
0x2ab: {  	v50 =	vperm.xlane v49, v45;
	_ =	sdelay $0x1  }
0x2ac: {  	v50 =	vadd.s32 v46, v50;
	_ =	sdelay $0x3  }
0x2ad: {  	s21 =	rddreg [dreg:$0x2];
	s0 =	simm.s32 $0x2800;
	[tilespmem:$0x2680] =	vst v48  }
0x2ae: {  	[tilespmem:s0], [sflag:$0x1] =	stream.indirect_vreg.gather [hbm4b:s21+s6], $0x80, v50, vm0, $0xb8;
	[tilespmem:$0x1BB00] =	vst v63  }
0x2af: {  	s22 =	simm.s32 $0x3000;
	s23 =	rddreg [dreg:$0xa]  }
0x2b0: {  	[tilespmem:s22], [sflag:$0x1] =	stream.indirect_vreg.gather [hbm4b:s23+s6], $0x80, v50, vm0, $0xb8;
	[tilespmem:$0x1BB00] =	vst v63  }
0x2b1: {  	s24 =	simm.s32 $0x3800;
	s23 =	rddreg [dreg:$0xb]  }
0x2b2: {  	[tilespmem:s24], [sflag:$0x1] =	stream.indirect_vreg.gather [hbm4b:s23+s6], $0x80, v50, vm0, $0xb8;
	[tilespmem:$0x1BB00] =	vst v63  }
0x2b3: {  	s25 =	simm.s32 $0x4000;
	s24 =	rddreg [dreg:$0xc]  }
0x2b4: {  	[tilespmem:s25], [sflag:$0x1] =	stream.indirect_vreg.gather [hbm4b:s24+s6], $0x80, v50, vm0, $0xb8;
	[tilespmem:$0x1BB00] =	vst v63  }
0x2b5: {  	s26 =	simm.s32 $0x4800;
	s25 =	rddreg [dreg:$0xd]  }
0x2b6: {  	[tilespmem:s26], [sflag:$0x1] =	stream.indirect_vreg.gather [hbm4b:s25+s6], $0x80, v50, vm0, $0xb8;
	[tilespmem:$0x1BB00] =	vst v63  }
0x2b7: {  	s28 =	simm.s32 $0x5000;
	s26 =	rddreg [dreg:$0xe]  }
0x2b8: {  	[tilespmem:s28], [sflag:$0x1] =	stream.indirect_vreg.gather [hbm4b:s26+s6], $0x80, v50, vm0, $0xb8;
	[tilespmem:$0x1BB00] =	vst v63  }
0x2b9: {  	s29 =	simm.s32 $0x5800;
	s28 =	rddreg [dreg:$0xf]  }
0x2ba: {  	[tilespmem:s29], [sflag:$0x1] =	stream.indirect_vreg.gather [hbm4b:s28+s6], $0x80, v50, vm0, $0xb8;
	[tilespmem:$0x1BB00] =	vst v63  }
0x2bb: {  	s30 =	simm.s32 $0x6000;
	s29 =	rddreg [dreg:$0x10]  }
0x2bc: {  	[tilespmem:s30], [sflag:$0x1] =	stream.indirect_vreg.gather [hbm4b:s29+s6], $0x80, v50, vm0, $0xb8;
	[tilespmem:$0x1BB00] =	vst v63  }
0x2bd: {  	s31 =	simm.s32 $0x6800;
	s30 =	rddreg [dreg:$0x11]  }
0x2be: {  	[tilespmem:s31], [sflag:$0x1] =	stream.indirect_vreg.gather [hbm4b:s30+s6], $0x80, v50, vm0, $0xb8;
	[tilespmem:$0x1BB00] =	vst v63  }
0x2bf: {  	s3 =	simm.s32 $0x7000;
	v63 =	vperm.xlane v49, v47;
	s31 =	rddreg [dreg:$0x12]  }
0x2c0: {  	[tilespmem:s3], [sflag:$0x1] =	stream.indirect_vreg.gather [hbm4b:s31+s6], $0x80, v50, vm0, $0xb8;
	[tilespmem:$0x1BB00] =	vst v63  }
0x2c1: {  	v48 =	vadd.s32 v46, v63;
	s22 =	simm.s32 $0x7800;
	s3 =	rddreg [dreg:$0x13]  }
0x2c2: {  	[tilespmem:s22], [sflag:$0x1] =	stream.indirect_vreg.gather [hbm4b:s3+s6], $0x80, v50, vm0, $0xb8;
	[tilespmem:$0x1BB00] =	vst v63  }
0x2c3: {  	s0 =	rddreg [dreg:$0x14];
	s22 =	simm.s32 $0x8000  }
0x2c4: {  	[tilespmem:s22], [sflag:$0x1] =	stream.indirect_vreg.gather [hbm4b:s0+s6], $0x80, v50, vm0, $0xb8;
	[tilespmem:$0x1BB00] =	vst v63  }
0x2c5: {  	s22 =	simm.s32 $0x8800  }
0x2c6: {  	[tilespmem:s22], [sflag:$0x1] =	stream.indirect_vreg.gather [hbm4b:s21+s6], $0x80, v48, vm0, $0xb8;
	[tilespmem:$0x1BB00] =	vst v63  }
0x2c7: {  	s4 =	rddreg [dreg:$0xa];
	s22 =	simm.s32 $0x9000  }
0x2c8: {  	[tilespmem:s22], [sflag:$0x1] =	stream.indirect_vreg.gather [hbm4b:s4+s6], $0x80, v48, vm0, $0xb8;
	[tilespmem:$0x1BB00] =	vst v63  }
0x2c9: {  	s21 =	simm.s32 $0x9800  }
0x2ca: {  	[tilespmem:s21], [sflag:$0x1] =	stream.indirect_vreg.gather [hbm4b:s23+s6], $0x80, v48, vm0, $0xb8;
	[tilespmem:$0x1BB00] =	vst v63  }
0x2cb: {  	s22 =	simm.s32 $0xA000  }
0x2cc: {  	[tilespmem:s22], [sflag:$0x1] =	stream.indirect_vreg.gather [hbm4b:s24+s6], $0x80, v48, vm0, $0xb8;
	[tilespmem:$0x1BB00] =	vst v63  }
0x2cd: {  	s21 =	simm.s32 $0xA800  }
0x2ce: {  	[tilespmem:s21], [sflag:$0x1] =	stream.indirect_vreg.gather [hbm4b:s25+s6], $0x80, v48, vm0, $0xb8;
	[tilespmem:$0x1BB00] =	vst v63  }
0x2cf: {  	s22 =	simm.s32 $0xB000  }
0x2d0: {  	[tilespmem:s22], [sflag:$0x1] =	stream.indirect_vreg.gather [hbm4b:s26+s6], $0x80, v48, vm0, $0xb8;
	[tilespmem:$0x1BB00] =	vst v63  }
0x2d1: {  	s21 =	simm.s32 $0xB800  }
0x2d2: {  	[tilespmem:s21], [sflag:$0x1] =	stream.indirect_vreg.gather [hbm4b:s28+s6], $0x80, v48, vm0, $0xb8;
	[tilespmem:$0x1BB00] =	vst v63  }
0x2d3: {  	s22 =	simm.s32 $0xC000  }
0x2d4: {  	[tilespmem:s22], [sflag:$0x1] =	stream.indirect_vreg.gather [hbm4b:s29+s6], $0x80, v48, vm0, $0xb8;
	[tilespmem:$0x1BB00] =	vst v63  }
0x2d5: {  	s21 =	simm.s32 $0xC800  }
0x2d6: {  	[tilespmem:s21], [sflag:$0x1] =	stream.indirect_vreg.gather [hbm4b:s30+s6], $0x80, v48, vm0, $0xb8;
	[tilespmem:$0x1BB00] =	vst v63  }
0x2d7: {  	s22 =	simm.s32 $0xD000  }
0x2d8: {  	[tilespmem:s22], [sflag:$0x1] =	stream.indirect_vreg.gather [hbm4b:s31+s6], $0x80, v48, vm0, $0xb8;
	[tilespmem:$0x1BB00] =	vst v63  }
0x2d9: {  	s21 =	simm.s32 $0xD800  }
0x2da: {  	[tilespmem:s21], [sflag:$0x1] =	stream.indirect_vreg.gather [hbm4b:s3+s6], $0x80, v48, vm0, $0xb8;
	[tilespmem:$0x1BB00] =	vst v63  }
0x2db: {  	s22 =	simm.s32 $0xE000  }
0x2dc: {  	[tilespmem:s22], [sflag:$0x1] =	stream.indirect_vreg.gather [hbm4b:s0+s6], $0x80, v48, vm0, $0xb8;
	[tilespmem:$0x1BB00] =	vst v63  }
.LBB2_12:
0x2dd: {  	v48 =	vld [tilespmem:$0x2700];
	_ =	sdelay $0x4  }
0x2de: {  	v49 =	vshrl.u32 v48, $0x3  }
0x2df: {  	v49 =	vmul.u32 $0xC0, v49  }
0x2e0: {  	v48 =	vand.u32 $0x7, v48  }
0x2e1: {  	v48 =	vor.u32 v48, v49  }
0x2e2: {  	v49 =	vperm.xlane v48, v45;
	_ =	sdelay $0x1  }
0x2e3: {  	v49 =	vadd.s32 v46, v49;
	_ =	sdelay $0x3  }
0x2e4: {  	s4 =	simm.s32 $0xE800  }
0x2e5: {  	[hbm4b:s9+s6] =	stream.indirect_vreg.scatter [tilespmem:s4], [sflag:$0x4], $0x80, v49, vm0, $0xb8;
	[tilespmem:$0x1BB00] =	vst v63  }
0x2e6: {  	s21 =	simm.s32 $0xF000  }
0x2e7: {  	[hbm4b:s10+s6] =	stream.indirect_vreg.scatter [tilespmem:s21], [sflag:$0x4], $0x80, v49, vm0, $0xb8;
	[tilespmem:$0x1BB00] =	vst v63  }
0x2e8: {  	s22 =	simm.s32 $0xF800  }
0x2e9: {  	[hbm4b:s11+s6] =	stream.indirect_vreg.scatter [tilespmem:s22], [sflag:$0x4], $0x80, v49, vm0, $0xb8;
	[tilespmem:$0x1BB00] =	vst v63  }
0x2ea: {  	s21 =	simm.s32 $0x10000  }
0x2eb: {  	[hbm4b:s12+s6] =	stream.indirect_vreg.scatter [tilespmem:s21], [sflag:$0x4], $0x80, v49, vm0, $0xb8;
	[tilespmem:$0x1BB00] =	vst v63  }
0x2ec: {  	s22 =	simm.s32 $0x10800  }
0x2ed: {  	[hbm4b:s13+s6] =	stream.indirect_vreg.scatter [tilespmem:s22], [sflag:$0x4], $0x80, v49, vm0, $0xb8;
	[tilespmem:$0x1BB00] =	vst v63  }
0x2ee: {  	s21 =	simm.s32 $0x11000  }
0x2ef: {  	[hbm4b:s14+s6] =	stream.indirect_vreg.scatter [tilespmem:s21], [sflag:$0x4], $0x80, v49, vm0, $0xb8;
	[tilespmem:$0x1BB00] =	vst v63  }
0x2f0: {  	s22 =	simm.s32 $0x11800  }
0x2f1: {  	[hbm4b:s15+s6] =	stream.indirect_vreg.scatter [tilespmem:s22], [sflag:$0x4], $0x80, v49, vm0, $0xb8;
	[tilespmem:$0x1BB00] =	vst v63  }
0x2f2: {  	s21 =	simm.s32 $0x12000  }
0x2f3: {  	[hbm4b:s16+s6] =	stream.indirect_vreg.scatter [tilespmem:s21], [sflag:$0x4], $0x80, v49, vm0, $0xb8;
	[tilespmem:$0x1BB00] =	vst v63  }
0x2f4: {  	s22 =	simm.s32 $0x12800  }
0x2f5: {  	[hbm4b:s17+s6] =	stream.indirect_vreg.scatter [tilespmem:s22], [sflag:$0x4], $0x80, v49, vm0, $0xb8;
	[tilespmem:$0x1BB00] =	vst v63  }
0x2f6: {  	v48 =	vperm.xlane v48, v47;
	s21 =	simm.s32 $0x13000  }
0x2f7: {  	[hbm4b:s18+s6] =	stream.indirect_vreg.scatter [tilespmem:s21], [sflag:$0x4], $0x80, v49, vm0, $0xb8;
	[tilespmem:$0x1BB00] =	vst v63  }
0x2f8: {  	v48 =	vadd.s32 v46, v48;
	s22 =	simm.s32 $0x13800  }
0x2f9: {  	[hbm4b:s19+s6] =	stream.indirect_vreg.scatter [tilespmem:s22], [sflag:$0x4], $0x80, v49, vm0, $0xb8;
	[tilespmem:$0x1BB00] =	vst v63  }
0x2fa: {  	s21 =	simm.s32 $0x14000  }
0x2fb: {  	[hbm4b:s20+s6] =	stream.indirect_vreg.scatter [tilespmem:s21], [sflag:$0x4], $0x80, v49, vm0, $0xb8;
	[tilespmem:$0x1BB00] =	vst v63  }
0x2fc: {  	s22 =	simm.s32 $0x14800  }
0x2fd: {  	[hbm4b:s9+s6] =	stream.indirect_vreg.scatter [tilespmem:s22], [sflag:$0x4], $0x80, v48, vm0, $0xb8;
	[tilespmem:$0x1BB00] =	vst v63  }
0x2fe: {  	s21 =	simm.s32 $0x15000  }
0x2ff: {  	[hbm4b:s10+s6] =	stream.indirect_vreg.scatter [tilespmem:s21], [sflag:$0x4], $0x80, v48, vm0, $0xb8;
	[tilespmem:$0x1BB00] =	vst v63  }
0x300: {  	s22 =	simm.s32 $0x15800  }
0x301: {  	[hbm4b:s11+s6] =	stream.indirect_vreg.scatter [tilespmem:s22], [sflag:$0x4], $0x80, v48, vm0, $0xb8;
	[tilespmem:$0x1BB00] =	vst v63  }
0x302: {  	s21 =	simm.s32 $0x16000  }
0x303: {  	[hbm4b:s12+s6] =	stream.indirect_vreg.scatter [tilespmem:s21], [sflag:$0x4], $0x80, v48, vm0, $0xb8;
	[tilespmem:$0x1BB00] =	vst v63  }
0x304: {  	s22 =	simm.s32 $0x16800  }
0x305: {  	[hbm4b:s13+s6] =	stream.indirect_vreg.scatter [tilespmem:s22], [sflag:$0x4], $0x80, v48, vm0, $0xb8;
	[tilespmem:$0x1BB00] =	vst v63  }
0x306: {  	s21 =	simm.s32 $0x17000  }
0x307: {  	[hbm4b:s14+s6] =	stream.indirect_vreg.scatter [tilespmem:s21], [sflag:$0x4], $0x80, v48, vm0, $0xb8;
	[tilespmem:$0x1BB00] =	vst v63  }
0x308: {  	s22 =	simm.s32 $0x17800  }
0x309: {  	[hbm4b:s15+s6] =	stream.indirect_vreg.scatter [tilespmem:s22], [sflag:$0x4], $0x80, v48, vm0, $0xb8;
	[tilespmem:$0x1BB00] =	vst v63  }
0x30a: {  	s21 =	simm.s32 $0x18000  }
0x30b: {  	[hbm4b:s16+s6] =	stream.indirect_vreg.scatter [tilespmem:s21], [sflag:$0x4], $0x80, v48, vm0, $0xb8;
	[tilespmem:$0x1BB00] =	vst v63  }
0x30c: {  	s22 =	simm.s32 $0x18800  }
0x30d: {  	[hbm4b:s17+s6] =	stream.indirect_vreg.scatter [tilespmem:s22], [sflag:$0x4], $0x80, v48, vm0, $0xb8;
	[tilespmem:$0x1BB00] =	vst v63  }
0x30e: {  	s21 =	simm.s32 $0x19000  }
0x30f: {  	[hbm4b:s18+s6] =	stream.indirect_vreg.scatter [tilespmem:s21], [sflag:$0x4], $0x80, v48, vm0, $0xb8;
	[tilespmem:$0x1BB00] =	vst v63  }
0x310: {  	s22 =	simm.s32 $0x19800  }
0x311: {  	[hbm4b:s19+s6] =	stream.indirect_vreg.scatter [tilespmem:s22], [sflag:$0x4], $0x80, v48, vm0, $0xb8;
	[tilespmem:$0x1BB00] =	vst v63  }
0x312: {  	s21 =	simm.s32 $0x1A000  }
0x313: {  	[hbm4b:s20+s6] =	stream.indirect_vreg.scatter [tilespmem:s21], [sflag:$0x4], $0x80, v48, vm0, $0xb8;
	[tilespmem:$0x1BB00] =	vst v63  }
.Ltmp13:
0x314: {  	_ = 	snop;
	(pc) =	sbr.rel @p1 .LBB2_14-.Ltmp13, $4  }
.Ltmp14:
0x315: {  	s22 =	simm.s32 $0x4;
	(pc) =	sbr.rel @!p1 .LBB2_13-.Ltmp14, $4  }
0x316: {  	_ =	swait.ge [sflag:s22], $0xC000  }
0x317: {  	[sflag:s22] =	ssyncset.done $0x0  }
0x318: {  	s21 =	simm.s32 $0x1;
	[sflag:s22] =	ssyncadd.s32 $0xFFFF4000  }
0x319: {  	_ = 	snop  }
.LBB2_15:
0x31a: {  	s2 =	rddreg [dreg:$0x7];
	s7 =	simm.s32 $0x1B800  }
0x31b: {  	[tilespmem:s7], [sflag:$0x5] =	stream.linear.gather [hbm4b:s2+s1], $0x130, $0x38;
	[tilespmem:$0x1BB00] =	vst v63  }
0x31c: {  	_ =	swait.ge [sflag:s8], $0x130  }
0x31d: {  	[sflag:s8] =	ssyncset.done $0x0  }
0x31e: {  	[sflag:s8] =	ssyncadd.s32 $0xFFFFFED0  }
0x31f: {  	[tilespmem:$0x180] =	vst v42  }
0x320: {  	[tilespmem:$0x0] =	vst v43  }
0x321: {  	[tilespmem:$0x190] =	vst v42  }
0x322: {  	[tilespmem:$0x10] =	vst v43  }
0x323: {  	[tilespmem:$0x1A0] =	vst v42  }
0x324: {  	[tilespmem:$0x20] =	vst v43  }
0x325: {  	[tilespmem:$0x1B0] =	vst v42  }
0x326: {  	[tilespmem:$0x30] =	vst v43  }
0x327: {  	[tilespmem:$0x1C0] =	vst v42  }
0x328: {  	[tilespmem:$0x40] =	vst v43  }
0x329: {  	[tilespmem:$0x1D0] =	vst v42  }
0x32a: {  	[tilespmem:$0x50] =	vst v43  }
0x32b: {  	[tilespmem:$0x1E0] =	vst v42  }
0x32c: {  	[tilespmem:$0x60] =	vst v43  }
0x32d: {  	[tilespmem:$0x1F0] =	vst v42  }
0x32e: {  	[tilespmem:$0x70] =	vst v43  }
0x32f: {  	[tilespmem:$0x200] =	vst v42  }
0x330: {  	[tilespmem:$0x80] =	vst v43  }
0x331: {  	[tilespmem:$0x210] =	vst v42  }
0x332: {  	[tilespmem:$0x90] =	vst v43  }
0x333: {  	[tilespmem:$0x220] =	vst v42  }
0x334: {  	[tilespmem:$0xA0] =	vst v43  }
0x335: {  	[tilespmem:$0x230] =	vst v42  }
0x336: {  	[tilespmem:$0xB0] =	vst v43  }
0x337: {  	[tilespmem:$0x240] =	vst v42  }
0x338: {  	[tilespmem:$0xC0] =	vst v43  }
0x339: {  	[tilespmem:$0x250] =	vst v42  }
0x33a: {  	[tilespmem:$0xD0] =	vst v43  }
0x33b: {  	[tilespmem:$0x260] =	vst v42  }
0x33c: {  	[tilespmem:$0xE0] =	vst v43  }
0x33d: {  	[tilespmem:$0x270] =	vst v42  }
0x33e: {  	[tilespmem:$0xF0] =	vst v43  }
0x33f: {  	[tilespmem:$0x280] =	vst v42  }
0x340: {  	[tilespmem:$0x100] =	vst v43  }
0x341: {  	[tilespmem:$0x290] =	vst v42  }
0x342: {  	[tilespmem:$0x110] =	vst v43  }
0x343: {  	[tilespmem:$0x2A0] =	vst v42  }
0x344: {  	s2 =	simm.s32 $0x300;
	s7 =	simm.s32 $0x1300;
	[tilespmem:$0x120] =	vst v43  }
.LBB2_16:
0x345: {  	v45 =	vld [tilespmem:s2+$0x0];
	_ =	sdelay $0x4  }
0x346: {  	v45 =	vsub.s32 v45, v1  }
0x347: {  	vm0 =	vgt.s32 v45, $0x0  }
0x348: {  	v46 =	vnsel vm0, $0x0, v45  }
0x349: {  	v46 =	vmin.u32 v46, $0x12F;
	_ =	sdelay $0x4  }
0x34a: {  	v47 =	vld.idx.msk [tilespmem:v46+s5+$0x0], $0xffff;
	_ =	sdelay $0x3  }
0x34b: {  	v48 =	vor.u32 s1, v0  }
0x34c: {  	vm15 =	vlt.u32 v45, $0x130;
	vm1 =	vgt.s32 v48, v47  }
0x34d: {  	vm0 =	vmand vm15, vm1;
	_ =	sdelay $0x1  }
0x34e: {  	v63 =	vld [tilespmem:s7+$0x0];
	p1 =	sne.s32 s1, $0xFF0  }
.Ltmp15:
0x34f: {  	_ = 	snop;
	(pc) =	sbr.rel @p1 .LBB2_16-.Ltmp15, $3  }
0x350: {  	_ =	sdelay $0x1  }
0x351: {  	[tilespmem:v46+s5+$0x0] =	vst.idx.msk vm0, v48  }
0x352: {  	s2 =	sadd.s32 $0x10, s2;
	s7 =	sadd.s32 $0x10, s7;
	s1 =	sadd.s32 $0x10, s1;
	[tilespmem:v46+s6+$0x0] =	vst.idx.msk vm0, v63  }
0x353: {  	v45 =	vld [tilespmem:$0x0];
	_ =	sdelay $0x4  }
0x354: {  	vm0 =	vlt.s32 v45, $0x1000  }
0x355: {  	v46 =	vsel vm0, $0x1, v44  }
0x356: {  	(xrf0) =	vadd.scan.msk.s32 $0xffff, v46;
	_ =	sdelay $0x5  }
0x357: {  	v46, _, _ =	vpop (xrf0)  }
0x358: {  	v47 =	vadd.s32 $0xFFFFFFFF, v46;
	_ =	sdelay $0x3  }
0x359: {  	s21 =	simm.s32 $0x2300  }
0x35a: {  	s4 =	simm.s32 $0x2480;
	[tilespmem:v47+s21+$0x0] =	vst.idx.msk vm0, v2  }
0x35b: {  	[tilespmem:v47+s4+$0x0] =	vst.idx.msk vm0, v45  }
0x35c: {  	v48 =	vld [tilespmem:$0x10];
	_ =	sdelay $0x4  }
0x35d: {  	vm2 =	vlt.s32 v48, $0x1000  }
0x35e: {  	vm1 =	vlt.s32 v45, $0xFFF;
	v49 =	vsel vm2, $0x1, v44  }
0x35f: {  	v45 =	vnsel vm1, $0xFFF, v45;
	(xrf0) =	vadd.scan.msk.s32 $0xffff, v49;
	_ =	sdelay $0x3  }
0x360: {  	s7 =	simm.s32 $0x1A800;
	v63 =	vld [tilespmem:$0x1B800]  }
0x361: {  	v47 =	vbroadcast v47, $0xF;
	v45 =	vld.idx.msk [tilespmem:v45+s7+$0x0], $0xffff  }
0x362: {  	(v2sf) =	vpush v46, $0xF;
	v51, _, _ =	vpop (xrf0)  }
0x363: {  	v47 =	vadd.s32 v51, v47;
	(v2sf) =	vpush v51, $0xF;
	_ =	sdelay $0x2  }
0x364: {  	v45 =	vsel vm0, v45, v63  }
0x365: {  	[tilespmem:$0x1B980] =	vst v45  }
0x366: {  	[tilespmem:v47+s21+$0x0] =	vst.idx.msk vm2, v3  }
0x367: {  	[tilespmem:v47+s4+$0x0] =	vst.idx.msk vm2, v48  }
0x368: {  	v52 =	vld [tilespmem:$0x20];
	_ =	sdelay $0x4  }
0x369: {  	vm5 =	vlt.s32 v48, $0xFFF;
	vm6 =	vlt.s32 v52, $0x1000  }
0x36a: {  	v53 =	vnsel vm5, $0xFFF, v48;
	v54 =	vsel vm6, $0x1, v44  }
0x36b: {  	s1 =	spop (v2sf);
	(xrf0) =	vadd.scan.msk.s32 $0xffff, v54  }
0x36c: {  	s2 =	spop (v2sf)  }
0x36d: {  	s1 =	sadd.s32 s1, s2  }
0x36e: {  	v55 =	vmov s1  }
0x36f: {  	v46 =	vld.idx.msk [tilespmem:v53+s7+$0x0], $0xffff;
	v47 =	vadd.s32 $0xFFFFFFFF, v55  }
0x370: {  	v56 =	vld [tilespmem:$0x1B810];
	v47 =	vbroadcast v47, $0x0  }
0x371: {  	v57, _, _ =	vpop (xrf0)  }
0x372: {  	v47 =	vadd.s32 v57, v47;
	(v2sf) =	vpush v57, $0xF;
	_ =	sdelay $0x2  }
0x373: {  	v46 =	vsel vm2, v46, v56  }
0x374: {  	[tilespmem:$0x1B990] =	vst v46  }
0x375: {  	[tilespmem:v47+s21+$0x0] =	vst.idx.msk vm6, v4  }
0x376: {  	[tilespmem:v47+s4+$0x0] =	vst.idx.msk vm6, v52  }
0x377: {  	v58 =	vld [tilespmem:$0x30];
	_ =	sdelay $0x4  }
0x378: {  	vm7 =	vlt.s32 v52, $0xFFF;
	vm8 =	vlt.s32 v58, $0x1000  }
0x379: {  	v45 =	vnsel vm7, $0xFFF, v52;
	v59 =	vsel vm8, $0x1, v44  }
0x37a: {  	(xrf0) =	vadd.scan.msk.s32 $0xffff, v59  }
0x37b: {  	s22 =	spop (v2sf)  }
0x37c: {  	s1 =	sadd.s32 s1, s22  }
0x37d: {  	v60 =	vmov s1  }
0x37e: {  	v45 =	vld.idx.msk [tilespmem:v45+s7+$0x0], $0xffff;
	v47 =	vadd.s32 $0xFFFFFFFF, v60  }
0x37f: {  	v61 =	vld [tilespmem:$0x1B820];
	v47 =	vbroadcast v47, $0x0  }
0x380: {  	v62, _, _ =	vpop (xrf0)  }
0x381: {  	v47 =	vadd.s32 v62, v47;
	(v2sf) =	vpush v62, $0xF;
	_ =	sdelay $0x2  }
0x382: {  	v45 =	vsel vm6, v45, v61  }
0x383: {  	[tilespmem:$0x1B9A0] =	vst v45  }
0x384: {  	[tilespmem:v47+s21+$0x0] =	vst.idx.msk vm8, v5  }
0x385: {  	[tilespmem:v47+s4+$0x0] =	vst.idx.msk vm8, v58  }
0x386: {  	v63 =	vld [tilespmem:$0x40];
	_ =	sdelay $0x4  }
0x387: {  	vm9 =	vlt.s32 v58, $0xFFF;
	vm10 =	vlt.s32 v63, $0x1000  }
0x388: {  	v46 =	vnsel vm9, $0xFFF, v58;
	v51 =	vsel vm10, $0x1, v44  }
0x389: {  	(xrf0) =	vadd.scan.msk.s32 $0xffff, v51  }
0x38a: {  	s22 =	spop (v2sf)  }
0x38b: {  	s1 =	sadd.s32 s1, s22  }
0x38c: {  	v52 =	vmov s1  }
0x38d: {  	v46 =	vld.idx.msk [tilespmem:v46+s7+$0x0], $0xffff;
	v47 =	vadd.s32 $0xFFFFFFFF, v52  }
0x38e: {  	v53 =	vld [tilespmem:$0x1B830];
	v47 =	vbroadcast v47, $0x0  }
0x38f: {  	v54, _, _ =	vpop (xrf0)  }
0x390: {  	v47 =	vadd.s32 v54, v47;
	(v2sf) =	vpush v54, $0xF;
	_ =	sdelay $0x2  }
0x391: {  	v46 =	vsel vm8, v46, v53  }
0x392: {  	[tilespmem:$0x1B9B0] =	vst v46  }
0x393: {  	[tilespmem:v47+s21+$0x0] =	vst.idx.msk vm10, v6  }
0x394: {  	[tilespmem:v47+s4+$0x0] =	vst.idx.msk vm10, v63  }
0x395: {  	v55 =	vld [tilespmem:$0x50];
	_ =	sdelay $0x4  }
0x396: {  	vm11 =	vlt.s32 v63, $0xFFF;
	vm12 =	vlt.s32 v55, $0x1000  }
0x397: {  	v45 =	vnsel vm11, $0xFFF, v63;
	v56 =	vsel vm12, $0x1, v44  }
0x398: {  	(xrf0) =	vadd.scan.msk.s32 $0xffff, v56  }
0x399: {  	s22 =	spop (v2sf)  }
0x39a: {  	s1 =	sadd.s32 s1, s22  }
0x39b: {  	v57 =	vmov s1  }
0x39c: {  	v45 =	vld.idx.msk [tilespmem:v45+s7+$0x0], $0xffff;
	v47 =	vadd.s32 $0xFFFFFFFF, v57  }
0x39d: {  	v58 =	vld [tilespmem:$0x1B840];
	v47 =	vbroadcast v47, $0x0  }
0x39e: {  	v59, _, _ =	vpop (xrf0)  }
0x39f: {  	v47 =	vadd.s32 v59, v47;
	(v2sf) =	vpush v59, $0xF;
	_ =	sdelay $0x2  }
0x3a0: {  	v45 =	vsel vm10, v45, v58  }
0x3a1: {  	[tilespmem:$0x1B9C0] =	vst v45  }
0x3a2: {  	[tilespmem:v47+s21+$0x0] =	vst.idx.msk vm12, v7  }
0x3a3: {  	[tilespmem:v47+s4+$0x0] =	vst.idx.msk vm12, v55  }
0x3a4: {  	v60 =	vld [tilespmem:$0x60];
	_ =	sdelay $0x4  }
0x3a5: {  	vm13 =	vlt.s32 v55, $0xFFF;
	vm14 =	vlt.s32 v60, $0x1000  }
0x3a6: {  	v46 =	vnsel vm13, $0xFFF, v55;
	v61 =	vsel vm14, $0x1, v44  }
0x3a7: {  	(xrf0) =	vadd.scan.msk.s32 $0xffff, v61  }
0x3a8: {  	s22 =	spop (v2sf)  }
0x3a9: {  	s1 =	sadd.s32 s1, s22  }
0x3aa: {  	v62 =	vmov s1  }
0x3ab: {  	v46 =	vld.idx.msk [tilespmem:v46+s7+$0x0], $0xffff;
	v47 =	vadd.s32 $0xFFFFFFFF, v62  }
0x3ac: {  	v63 =	vld [tilespmem:$0x1B850];
	v47 =	vbroadcast v47, $0x0  }
0x3ad: {  	v52, _, _ =	vpop (xrf0)  }
0x3ae: {  	v47 =	vadd.s32 v52, v47;
	(v2sf) =	vpush v52, $0xF;
	_ =	sdelay $0x2  }
0x3af: {  	v46 =	vsel vm12, v46, v63  }
0x3b0: {  	[tilespmem:$0x1B9D0] =	vst v46  }
0x3b1: {  	[tilespmem:v47+s21+$0x0] =	vst.idx.msk vm14, v8  }
0x3b2: {  	[tilespmem:v47+s4+$0x0] =	vst.idx.msk vm14, v60  }
0x3b3: {  	v53 =	vld [tilespmem:$0x70];
	_ =	sdelay $0x4  }
0x3b4: {  	vm15 =	vlt.s32 v60, $0xFFF;
	vm4 =	vlt.s32 v53, $0x1000  }
0x3b5: {  	v45 =	vnsel vm15, $0xFFF, v60;
	v54 =	vsel vm4, $0x1, v44  }
0x3b6: {  	(xrf0) =	vadd.scan.msk.s32 $0xffff, v54  }
0x3b7: {  	s22 =	spop (v2sf)  }
0x3b8: {  	s1 =	sadd.s32 s1, s22  }
0x3b9: {  	v55 =	vmov s1  }
0x3ba: {  	v45 =	vld.idx.msk [tilespmem:v45+s7+$0x0], $0xffff;
	v47 =	vadd.s32 $0xFFFFFFFF, v55  }
0x3bb: {  	v56 =	vld [tilespmem:$0x1B860];
	v47 =	vbroadcast v47, $0x0  }
0x3bc: {  	v57, _, _ =	vpop (xrf0)  }
0x3bd: {  	v47 =	vadd.s32 v57, v47;
	(v2sf) =	vpush v57, $0xF;
	_ =	sdelay $0x2  }
0x3be: {  	v45 =	vsel vm14, v45, v56  }
0x3bf: {  	[tilespmem:$0x1B9E0] =	vst v45  }
0x3c0: {  	[tilespmem:v47+s21+$0x0] =	vst.idx.msk vm4, v9  }
0x3c1: {  	[tilespmem:v47+s4+$0x0] =	vst.idx.msk vm4, v53  }
0x3c2: {  	v58 =	vld [tilespmem:$0x80];
	_ =	sdelay $0x4  }
0x3c3: {  	vm5 =	vlt.s32 v53, $0xFFF;
	vm6 =	vlt.s32 v58, $0x1000  }
0x3c4: {  	v46 =	vnsel vm5, $0xFFF, v53;
	v59 =	vsel vm6, $0x1, v44  }
0x3c5: {  	(xrf0) =	vadd.scan.msk.s32 $0xffff, v59  }
0x3c6: {  	s22 =	spop (v2sf)  }
0x3c7: {  	s1 =	sadd.s32 s1, s22  }
0x3c8: {  	v60 =	vmov s1  }
0x3c9: {  	v46 =	vld.idx.msk [tilespmem:v46+s7+$0x0], $0xffff;
	v47 =	vadd.s32 $0xFFFFFFFF, v60  }
0x3ca: {  	v61 =	vld [tilespmem:$0x1B870];
	v47 =	vbroadcast v47, $0x0  }
0x3cb: {  	v62, _, _ =	vpop (xrf0)  }
0x3cc: {  	v47 =	vadd.s32 v62, v47;
	(v2sf) =	vpush v62, $0xF;
	_ =	sdelay $0x2  }
0x3cd: {  	v46 =	vsel vm4, v46, v61  }
0x3ce: {  	[tilespmem:$0x1B9F0] =	vst v46  }
0x3cf: {  	[tilespmem:v47+s21+$0x0] =	vst.idx.msk vm6, v10  }
0x3d0: {  	[tilespmem:v47+s4+$0x0] =	vst.idx.msk vm6, v58  }
0x3d1: {  	v63 =	vld [tilespmem:$0x90];
	_ =	sdelay $0x4  }
0x3d2: {  	vm7 =	vlt.s32 v58, $0xFFF;
	vm8 =	vlt.s32 v63, $0x1000  }
0x3d3: {  	v45 =	vnsel vm7, $0xFFF, v58;
	v51 =	vsel vm8, $0x1, v44  }
0x3d4: {  	(xrf0) =	vadd.scan.msk.s32 $0xffff, v51  }
0x3d5: {  	s22 =	spop (v2sf)  }
0x3d6: {  	s1 =	sadd.s32 s1, s22  }
0x3d7: {  	v52 =	vmov s1  }
0x3d8: {  	v45 =	vld.idx.msk [tilespmem:v45+s7+$0x0], $0xffff;
	v47 =	vadd.s32 $0xFFFFFFFF, v52  }
0x3d9: {  	v53 =	vld [tilespmem:$0x1B880];
	v47 =	vbroadcast v47, $0x0  }
0x3da: {  	v54, _, _ =	vpop (xrf0)  }
0x3db: {  	v47 =	vadd.s32 v54, v47;
	(v2sf) =	vpush v54, $0xF;
	_ =	sdelay $0x2  }
0x3dc: {  	v45 =	vsel vm6, v45, v53  }
0x3dd: {  	[tilespmem:$0x1BA00] =	vst v45  }
0x3de: {  	[tilespmem:v47+s21+$0x0] =	vst.idx.msk vm8, v11  }
0x3df: {  	[tilespmem:v47+s4+$0x0] =	vst.idx.msk vm8, v63  }
0x3e0: {  	v55 =	vld [tilespmem:$0xA0];
	_ =	sdelay $0x4  }
0x3e1: {  	vm9 =	vlt.s32 v63, $0xFFF;
	vm10 =	vlt.s32 v55, $0x1000  }
0x3e2: {  	v46 =	vnsel vm9, $0xFFF, v63;
	v56 =	vsel vm10, $0x1, v44  }
0x3e3: {  	(xrf0) =	vadd.scan.msk.s32 $0xffff, v56  }
0x3e4: {  	s22 =	spop (v2sf)  }
0x3e5: {  	s1 =	sadd.s32 s1, s22  }
0x3e6: {  	v57 =	vmov s1  }
0x3e7: {  	v46 =	vld.idx.msk [tilespmem:v46+s7+$0x0], $0xffff;
	v47 =	vadd.s32 $0xFFFFFFFF, v57  }
0x3e8: {  	v58 =	vld [tilespmem:$0x1B890];
	v47 =	vbroadcast v47, $0x0  }
0x3e9: {  	v59, _, _ =	vpop (xrf0)  }
0x3ea: {  	v47 =	vadd.s32 v59, v47;
	(v2sf) =	vpush v59, $0xF;
	_ =	sdelay $0x2  }
0x3eb: {  	v46 =	vsel vm8, v46, v58  }
0x3ec: {  	[tilespmem:$0x1BA10] =	vst v46  }
0x3ed: {  	[tilespmem:v47+s21+$0x0] =	vst.idx.msk vm10, v12  }
0x3ee: {  	[tilespmem:v47+s4+$0x0] =	vst.idx.msk vm10, v55  }
0x3ef: {  	v60 =	vld [tilespmem:$0xB0];
	_ =	sdelay $0x4  }
0x3f0: {  	vm11 =	vlt.s32 v55, $0xFFF;
	vm12 =	vlt.s32 v60, $0x1000  }
0x3f1: {  	v45 =	vnsel vm11, $0xFFF, v55;
	v61 =	vsel vm12, $0x1, v44  }
0x3f2: {  	(xrf0) =	vadd.scan.msk.s32 $0xffff, v61  }
0x3f3: {  	s22 =	spop (v2sf)  }
0x3f4: {  	s1 =	sadd.s32 s1, s22  }
0x3f5: {  	v62 =	vmov s1  }
0x3f6: {  	v45 =	vld.idx.msk [tilespmem:v45+s7+$0x0], $0xffff;
	v47 =	vadd.s32 $0xFFFFFFFF, v62  }
0x3f7: {  	v63 =	vld [tilespmem:$0x1B8A0];
	v47 =	vbroadcast v47, $0x0  }
0x3f8: {  	v52, _, _ =	vpop (xrf0)  }
0x3f9: {  	v47 =	vadd.s32 v52, v47;
	(v2sf) =	vpush v52, $0xF;
	_ =	sdelay $0x2  }
0x3fa: {  	v45 =	vsel vm10, v45, v63  }
0x3fb: {  	[tilespmem:$0x1BA20] =	vst v45  }
0x3fc: {  	[tilespmem:v47+s21+$0x0] =	vst.idx.msk vm12, v13  }
0x3fd: {  	[tilespmem:v47+s4+$0x0] =	vst.idx.msk vm12, v60  }
0x3fe: {  	v53 =	vld [tilespmem:$0xC0];
	_ =	sdelay $0x4  }
0x3ff: {  	vm13 =	vlt.s32 v60, $0xFFF;
	vm14 =	vlt.s32 v53, $0x1000  }
0x400: {  	v46 =	vnsel vm13, $0xFFF, v60;
	v54 =	vsel vm14, $0x1, v44  }
0x401: {  	(xrf0) =	vadd.scan.msk.s32 $0xffff, v54  }
0x402: {  	s22 =	spop (v2sf)  }
0x403: {  	s1 =	sadd.s32 s1, s22  }
0x404: {  	v55 =	vmov s1  }
0x405: {  	v46 =	vld.idx.msk [tilespmem:v46+s7+$0x0], $0xffff;
	v47 =	vadd.s32 $0xFFFFFFFF, v55  }
0x406: {  	v56 =	vld [tilespmem:$0x1B8B0];
	v47 =	vbroadcast v47, $0x0  }
0x407: {  	v57, _, _ =	vpop (xrf0)  }
0x408: {  	v47 =	vadd.s32 v57, v47;
	(v2sf) =	vpush v57, $0xF;
	_ =	sdelay $0x2  }
0x409: {  	v46 =	vsel vm12, v46, v56  }
0x40a: {  	[tilespmem:$0x1BA30] =	vst v46  }
0x40b: {  	[tilespmem:v47+s21+$0x0] =	vst.idx.msk vm14, v14  }
0x40c: {  	[tilespmem:v47+s4+$0x0] =	vst.idx.msk vm14, v53  }
0x40d: {  	v58 =	vld [tilespmem:$0xD0];
	_ =	sdelay $0x4  }
0x40e: {  	vm15 =	vlt.s32 v53, $0xFFF;
	vm4 =	vlt.s32 v58, $0x1000  }
0x40f: {  	v45 =	vnsel vm15, $0xFFF, v53;
	v59 =	vsel vm4, $0x1, v44  }
0x410: {  	(xrf0) =	vadd.scan.msk.s32 $0xffff, v59  }
0x411: {  	s22 =	spop (v2sf)  }
0x412: {  	s1 =	sadd.s32 s1, s22  }
0x413: {  	v60 =	vmov s1  }
0x414: {  	v45 =	vld.idx.msk [tilespmem:v45+s7+$0x0], $0xffff;
	v47 =	vadd.s32 $0xFFFFFFFF, v60  }
0x415: {  	v61 =	vld [tilespmem:$0x1B8C0];
	v47 =	vbroadcast v47, $0x0  }
0x416: {  	v62, _, _ =	vpop (xrf0)  }
0x417: {  	v47 =	vadd.s32 v62, v47;
	(v2sf) =	vpush v62, $0xF;
	_ =	sdelay $0x2  }
0x418: {  	v45 =	vsel vm14, v45, v61  }
0x419: {  	[tilespmem:$0x1BA40] =	vst v45  }
0x41a: {  	[tilespmem:v47+s21+$0x0] =	vst.idx.msk vm4, v15  }
0x41b: {  	[tilespmem:v47+s4+$0x0] =	vst.idx.msk vm4, v58  }
0x41c: {  	v63 =	vld [tilespmem:$0xE0];
	_ =	sdelay $0x4  }
0x41d: {  	vm5 =	vlt.s32 v58, $0xFFF;
	vm6 =	vlt.s32 v63, $0x1000  }
0x41e: {  	v46 =	vnsel vm5, $0xFFF, v58;
	v50 =	vsel vm6, $0x1, v44  }
0x41f: {  	(xrf0) =	vadd.scan.msk.s32 $0xffff, v50  }
0x420: {  	s22 =	spop (v2sf)  }
0x421: {  	s1 =	sadd.s32 s1, s22  }
0x422: {  	v51 =	vmov s1  }
0x423: {  	v46 =	vld.idx.msk [tilespmem:v46+s7+$0x0], $0xffff;
	v47 =	vadd.s32 $0xFFFFFFFF, v51  }
0x424: {  	v52 =	vld [tilespmem:$0x1B8D0];
	v47 =	vbroadcast v47, $0x0  }
0x425: {  	v53, _, _ =	vpop (xrf0)  }
0x426: {  	v47 =	vadd.s32 v53, v47;
	(v2sf) =	vpush v53, $0xF;
	_ =	sdelay $0x2  }
0x427: {  	v46 =	vsel vm4, v46, v52  }
0x428: {  	[tilespmem:$0x1BA50] =	vst v46  }
0x429: {  	[tilespmem:v47+s21+$0x0] =	vst.idx.msk vm6, v16  }
0x42a: {  	[tilespmem:v47+s4+$0x0] =	vst.idx.msk vm6, v63  }
0x42b: {  	v54 =	vld [tilespmem:$0xF0];
	_ =	sdelay $0x4  }
0x42c: {  	vm7 =	vlt.s32 v63, $0xFFF;
	vm8 =	vlt.s32 v54, $0x1000  }
0x42d: {  	v45 =	vnsel vm7, $0xFFF, v63;
	v55 =	vsel vm8, $0x1, v44  }
0x42e: {  	(xrf0) =	vadd.scan.msk.s32 $0xffff, v55  }
0x42f: {  	s22 =	spop (v2sf)  }
0x430: {  	s1 =	sadd.s32 s1, s22  }
0x431: {  	v56 =	vmov s1  }
0x432: {  	v45 =	vld.idx.msk [tilespmem:v45+s7+$0x0], $0xffff;
	v47 =	vadd.s32 $0xFFFFFFFF, v56  }
0x433: {  	v57 =	vld [tilespmem:$0x1B8E0];
	v47 =	vbroadcast v47, $0x0  }
0x434: {  	v58, _, _ =	vpop (xrf0)  }
0x435: {  	v47 =	vadd.s32 v58, v47;
	(v2sf) =	vpush v58, $0xF;
	_ =	sdelay $0x2  }
0x436: {  	v45 =	vsel vm6, v45, v57  }
0x437: {  	[tilespmem:$0x1BA60] =	vst v45  }
0x438: {  	[tilespmem:v47+s21+$0x0] =	vst.idx.msk vm8, v17  }
0x439: {  	[tilespmem:v47+s4+$0x0] =	vst.idx.msk vm8, v54  }
0x43a: {  	v59 =	vld [tilespmem:$0x100];
	_ =	sdelay $0x4  }
0x43b: {  	vm9 =	vlt.s32 v54, $0xFFF;
	vm10 =	vlt.s32 v59, $0x1000  }
0x43c: {  	v46 =	vnsel vm9, $0xFFF, v54;
	v60 =	vsel vm10, $0x1, v44  }
0x43d: {  	(xrf0) =	vadd.scan.msk.s32 $0xffff, v60  }
0x43e: {  	s22 =	spop (v2sf)  }
0x43f: {  	s1 =	sadd.s32 s1, s22  }
0x440: {  	v61 =	vmov s1  }
0x441: {  	v46 =	vld.idx.msk [tilespmem:v46+s7+$0x0], $0xffff;
	v47 =	vadd.s32 $0xFFFFFFFF, v61  }
0x442: {  	v62 =	vld [tilespmem:$0x1B8F0];
	v47 =	vbroadcast v47, $0x0  }
0x443: {  	v63, _, _ =	vpop (xrf0)  }
0x444: {  	v47 =	vadd.s32 v63, v47;
	(v2sf) =	vpush v63, $0xF;
	_ =	sdelay $0x2  }
0x445: {  	v46 =	vsel vm8, v46, v62  }
0x446: {  	[tilespmem:$0x1BA70] =	vst v46  }
0x447: {  	[tilespmem:v47+s21+$0x0] =	vst.idx.msk vm10, v18  }
0x448: {  	[tilespmem:v47+s4+$0x0] =	vst.idx.msk vm10, v59  }
0x449: {  	v52 =	vld [tilespmem:$0x110];
	_ =	sdelay $0x4  }
0x44a: {  	vm11 =	vlt.s32 v59, $0xFFF;
	vm12 =	vlt.s32 v52, $0x1000  }
0x44b: {  	v45 =	vnsel vm11, $0xFFF, v59;
	v53 =	vsel vm12, $0x1, v44  }
0x44c: {  	(xrf0) =	vadd.scan.msk.s32 $0xffff, v53  }
0x44d: {  	s22 =	spop (v2sf)  }
0x44e: {  	s1 =	sadd.s32 s1, s22  }
0x44f: {  	v54 =	vmov s1  }
0x450: {  	v45 =	vld.idx.msk [tilespmem:v45+s7+$0x0], $0xffff;
	v47 =	vadd.s32 $0xFFFFFFFF, v54  }
0x451: {  	v55 =	vld [tilespmem:$0x1B900];
	v47 =	vbroadcast v47, $0x0  }
0x452: {  	v56, _, _ =	vpop (xrf0)  }
0x453: {  	v47 =	vadd.s32 v56, v47;
	(v2sf) =	vpush v56, $0xF;
	_ =	sdelay $0x2  }
0x454: {  	v45 =	vsel vm10, v45, v55  }
0x455: {  	[tilespmem:$0x1BA80] =	vst v45  }
0x456: {  	[tilespmem:v47+s21+$0x0] =	vst.idx.msk vm12, v19  }
0x457: {  	[tilespmem:v47+s4+$0x0] =	vst.idx.msk vm12, v52  }
0x458: {  	v57 =	vld [tilespmem:$0x120];
	_ =	sdelay $0x4  }
0x459: {  	vm14 =	vlt.s32 v52, $0xFFF;
	vm13 =	vlt.s32 v57, $0x1000  }
0x45a: {  	v46 =	vnsel vm14, $0xFFF, v52;
	v58 =	vsel vm13, $0x1, v44  }
0x45b: {  	(xrf0) =	vadd.scan.msk.s32 $0xffff, v58  }
0x45c: {  	s22 =	spop (v2sf)  }
0x45d: {  	s1 =	sadd.s32 s1, s22  }
0x45e: {  	v59 =	vmov s1  }
0x45f: {  	v46 =	vld.idx.msk [tilespmem:v46+s7+$0x0], $0xffff;
	v47 =	vadd.s32 $0xFFFFFFFF, v59  }
0x460: {  	v60 =	vld [tilespmem:$0x1B910];
	v47 =	vbroadcast v47, $0x0  }
0x461: {  	v61, _, _ =	vpop (xrf0)  }
0x462: {  	v47 =	vadd.s32 v61, v47  }
0x463: {  	vm15 =	vlt.s32 v57, $0xFFF;
	(v2sf) =	vpush v61, $0xF  }
0x464: {  	v62 =	vnsel vm15, $0xFFF, v57  }
0x465: {  	v46 =	vsel vm12, v46, v60  }
0x466: {  	[tilespmem:$0x1BA90] =	vst v46  }
0x467: {  	[tilespmem:v47+s21+$0x0] =	vst.idx.msk vm13, v20  }
0x468: {  	[tilespmem:v47+s4+$0x0] =	vst.idx.msk vm13, v57  }
0x469: {  	v45 =	vld.idx.msk [tilespmem:v62+s7+$0x0], $0xffff  }
0x46a: {  	v63 =	vld [tilespmem:$0x1B920];
	_ =	sdelay $0x4  }
0x46b: {  	v45 =	vsel vm13, v45, v63  }
0x46c: {  	s22 =	simm.s32 $0x1B980;
	s21 =	rddreg [dreg:$0x7];
	[tilespmem:$0x1BAA0] =	vst v45  }
0x46d: {  	[hbm4b:s21+s6] =	stream.linear.scatter [tilespmem:s22], [sflag:$0x5], $0x130, $0x38;
	[tilespmem:$0x1BB00] =	vst v63  }
0x46e: {  	s2 =	spop (v2sf)  }
0x46f: {  	_ =	swait.ge [sflag:s8], $0x130;
	s1 =	sadd.s32 s1, s2  }
0x470: {  	[sflag:s8] =	ssyncset.done $0x0;
	p1 =	slt.s32 s1, $0x1;
	s2 =	sadd.s32 $0xF, s1  }
0x471: {  	[sflag:s8] =	ssyncadd.s32 $0xFFFFFED0;
	s7 =	simm.s32 @!p1 $0x2300;
	s4 =	sand.u32 $0xF, s2  }
0x472: {  	s22 =	sshra.s32 s2, $0x1F;
	p3 =	slt.s32 s2, $0x1;
	p2 =	sne.s32 s4, $0x0  }
0x473: {  	v45 =	vld.msk @!p1 [tilespmem:s7+$0x0], $0xffff;
	s7 =	sshrl.u32 s22, $0x1C;
	p2 =	por !p3, !p2  }
0x474: {  	s2 =	sadd.s32 s7, s2;
	s7 =	simm.s32 $0x1;
	p2 =	por !p2, !p2  }
0x475: {  	s2 =	sshra.s32 s2, $0x4;
	s7 =	simm.s32 @!p2 $0x0  }
0x476: {  	s8 =	simm.s32 @!p1 $0x2480;
	s7 =	ssub.s32 s2, s7  }
0x477: {  	v46 =	vld.msk @!p1 [tilespmem:s8+$0x0], $0xffff;
	p2 =	slt.s32 s7, $0x1  }
.Ltmp16:
0x478: {  	_ = 	snop;
	(pc) =	sbr.rel @p2 .LBB2_28-.Ltmp16, $3  }
0x479: {  	_ =	sdelay $0x1  }
0x47a: {  	[tilespmem:s1+$0x2300] =	vst @!p1 v45  }
0x47b: {  	[tilespmem:s1+$0x2480] =	vst @!p1 v46  }
0x47c: {  	v47 =	vld [tilespmem:$0x2480];
	_ =	sdelay $0x4  }
0x47d: {  	v45 =	vshrl.u32 v47, $0x3  }
0x47e: {  	v45 =	vmul.u32 $0xC0, v45  }
0x47f: {  	v46 =	vand.u32 $0x7, v47  }
0x480: {  	v63 =	vshrl.u32 v0, $0x3;
	v48 =	vor.u32 v46, v45;
	v45 =	vand.u32 $0x7, v0  }
0x481: {  	v49 =	vld [tilespmem:$0x2300];
	v46 =	vmul.u32 $0x8, v63;
	v50 =	vperm.xlane v48, v45;
	_ =	sdelay $0x1  }
0x482: {  	v50 =	vadd.s32 v46, v50;
	_ =	sdelay $0x2  }
0x483: {  	[tilespmem:$0x2600] =	vst v49  }
0x484: {  	vm0 =	vmmov $0xffff;
	s8 =	simm.s32 $0x0;
	s1 =	rddreg [dreg:$0x2];
	s2 =	simm.s32 $0x2800;
	[tilespmem:$0x2680] =	vst v47  }
0x485: {  	[tilespmem:s2], [sflag:$0x1] =	stream.indirect_vreg.gather [hbm4b:s1+s8], $0x80, v50, vm0, $0xb8;
	[tilespmem:$0x1BB00] =	vst v63  }
0x486: {  	s4 =	simm.s32 $0x3000;
	s21 =	rddreg [dreg:$0xa]  }
0x487: {  	[tilespmem:s4], [sflag:$0x1] =	stream.indirect_vreg.gather [hbm4b:s21+s8], $0x80, v50, vm0, $0xb8;
	[tilespmem:$0x1BB00] =	vst v63  }
0x488: {  	s22 =	simm.s32 $0x3800  }
0x489: {  	[tilespmem:s22], [sflag:$0x1] =	stream.indirect_vreg.gather [hbm4b:s23+s8], $0x80, v50, vm0, $0xb8;
	[tilespmem:$0x1BB00] =	vst v63  }
0x48a: {  	s4 =	simm.s32 $0x4000  }
0x48b: {  	[tilespmem:s4], [sflag:$0x1] =	stream.indirect_vreg.gather [hbm4b:s24+s8], $0x80, v50, vm0, $0xb8;
	[tilespmem:$0x1BB00] =	vst v63  }
0x48c: {  	s22 =	simm.s32 $0x4800  }
0x48d: {  	[tilespmem:s22], [sflag:$0x1] =	stream.indirect_vreg.gather [hbm4b:s25+s8], $0x80, v50, vm0, $0xb8;
	[tilespmem:$0x1BB00] =	vst v63  }
0x48e: {  	s4 =	simm.s32 $0x5000  }
0x48f: {  	[tilespmem:s4], [sflag:$0x1] =	stream.indirect_vreg.gather [hbm4b:s26+s8], $0x80, v50, vm0, $0xb8;
	[tilespmem:$0x1BB00] =	vst v63  }
0x490: {  	s22 =	simm.s32 $0x5800  }
0x491: {  	[tilespmem:s22], [sflag:$0x1] =	stream.indirect_vreg.gather [hbm4b:s28+s8], $0x80, v50, vm0, $0xb8;
	[tilespmem:$0x1BB00] =	vst v63  }
0x492: {  	s4 =	simm.s32 $0x6000  }
0x493: {  	[tilespmem:s4], [sflag:$0x1] =	stream.indirect_vreg.gather [hbm4b:s29+s8], $0x80, v50, vm0, $0xb8;
	[tilespmem:$0x1BB00] =	vst v63  }
0x494: {  	s22 =	simm.s32 $0x6800  }
0x495: {  	v47 =	vor.u32 $0x8, v0;
	[tilespmem:s22], [sflag:$0x1] =	stream.indirect_vreg.gather [hbm4b:s30+s8], $0x80, v50, vm0, $0xb8;
	[tilespmem:$0x1BB00] =	vst v63  }
0x496: {  	v48 =	vperm.xlane v48, v47;
	s4 =	simm.s32 $0x7000  }
0x497: {  	[tilespmem:s4], [sflag:$0x1] =	stream.indirect_vreg.gather [hbm4b:s31+s8], $0x80, v50, vm0, $0xb8;
	[tilespmem:$0x1BB00] =	vst v63  }
0x498: {  	v48 =	vadd.s32 v46, v48;
	s22 =	simm.s32 $0x7800  }
0x499: {  	[tilespmem:s22], [sflag:$0x1] =	stream.indirect_vreg.gather [hbm4b:s3+s8], $0x80, v50, vm0, $0xb8;
	[tilespmem:$0x1BB00] =	vst v63  }
0x49a: {  	s4 =	simm.s32 $0x8000  }
0x49b: {  	[tilespmem:s4], [sflag:$0x1] =	stream.indirect_vreg.gather [hbm4b:s0+s8], $0x80, v50, vm0, $0xb8;
	[tilespmem:$0x1BB00] =	vst v63  }
0x49c: {  	s22 =	simm.s32 $0x8800  }
0x49d: {  	[tilespmem:s22], [sflag:$0x1] =	stream.indirect_vreg.gather [hbm4b:s1+s8], $0x80, v48, vm0, $0xb8;
	[tilespmem:$0x1BB00] =	vst v63  }
0x49e: {  	s2 =	simm.s32 $0x9000  }
0x49f: {  	[tilespmem:s2], [sflag:$0x1] =	stream.indirect_vreg.gather [hbm4b:s21+s8], $0x80, v48, vm0, $0xb8;
	[tilespmem:$0x1BB00] =	vst v63  }
0x4a0: {  	s4 =	simm.s32 $0x9800  }
0x4a1: {  	[tilespmem:s4], [sflag:$0x1] =	stream.indirect_vreg.gather [hbm4b:s23+s8], $0x80, v48, vm0, $0xb8;
	[tilespmem:$0x1BB00] =	vst v63  }
0x4a2: {  	s21 =	simm.s32 $0xA000  }
0x4a3: {  	[tilespmem:s21], [sflag:$0x1] =	stream.indirect_vreg.gather [hbm4b:s24+s8], $0x80, v48, vm0, $0xb8;
	[tilespmem:$0x1BB00] =	vst v63  }
0x4a4: {  	s22 =	simm.s32 $0xA800  }
0x4a5: {  	[tilespmem:s22], [sflag:$0x1] =	stream.indirect_vreg.gather [hbm4b:s25+s8], $0x80, v48, vm0, $0xb8;
	[tilespmem:$0x1BB00] =	vst v63  }
0x4a6: {  	s2 =	simm.s32 $0xB000  }
0x4a7: {  	[tilespmem:s2], [sflag:$0x1] =	stream.indirect_vreg.gather [hbm4b:s26+s8], $0x80, v48, vm0, $0xb8;
	[tilespmem:$0x1BB00] =	vst v63  }
0x4a8: {  	s4 =	simm.s32 $0xB800  }
0x4a9: {  	[tilespmem:s4], [sflag:$0x1] =	stream.indirect_vreg.gather [hbm4b:s28+s8], $0x80, v48, vm0, $0xb8;
	[tilespmem:$0x1BB00] =	vst v63  }
0x4aa: {  	s21 =	simm.s32 $0xC000  }
0x4ab: {  	[tilespmem:s21], [sflag:$0x1] =	stream.indirect_vreg.gather [hbm4b:s29+s8], $0x80, v48, vm0, $0xb8;
	[tilespmem:$0x1BB00] =	vst v63  }
0x4ac: {  	s22 =	simm.s32 $0xC800  }
0x4ad: {  	[tilespmem:s22], [sflag:$0x1] =	stream.indirect_vreg.gather [hbm4b:s30+s8], $0x80, v48, vm0, $0xb8;
	[tilespmem:$0x1BB00] =	vst v63  }
0x4ae: {  	s2 =	simm.s32 $0xD000  }
0x4af: {  	[tilespmem:s2], [sflag:$0x1] =	stream.indirect_vreg.gather [hbm4b:s31+s8], $0x80, v48, vm0, $0xb8;
	[tilespmem:$0x1BB00] =	vst v63  }
0x4b0: {  	s4 =	simm.s32 $0xD800  }
0x4b1: {  	[tilespmem:s4], [sflag:$0x1] =	stream.indirect_vreg.gather [hbm4b:s3+s8], $0x80, v48, vm0, $0xb8;
	[tilespmem:$0x1BB00] =	vst v63  }
.Ltmp17:
0x4b2: {  	s21 =	simm.s32 $0xE000;
	s22 =	simm.s32 $0x1;
	(pc) =	sbr.rel .LBB2_19-.Ltmp17, $4  }
0x4b3: {  	[tilespmem:s21], [sflag:$0x1] =	stream.indirect_vreg.gather [hbm4b:s0+s8], $0x80, v48, vm0, $0xb8;
	[tilespmem:$0x1BB00] =	vst v63  }
0x4b4: {  	_ =	swait.ge [sflag:s22], $0xC000  }
0x4b5: {  	[sflag:s22] =	ssyncset.done $0x0  }
0x4b6: {  	s1 =	simm.s32 $0x2310;
	s2 =	simm.s32 $0x2490;
	[sflag:s22] =	ssyncadd.s32 $0xFFFF4000  }
.LBB2_26:
0x4b7: {  	_ =	swait.ge [sflag:s21], $0xC000  }
0x4b8: {  	[sflag:s21] =	ssyncset.done $0x0  }
0x4b9: {  	[sflag:s21] =	ssyncadd.s32 $0xFFFF4000  }
.LBB2_27:
0x4ba: {  	p1 =	sne.s32 s7, s8  }
.Ltmp18:
0x4bb: {  	_ = 	snop;
	(pc) =	sbr.rel @!p1 .LBB2_28-.Ltmp18, $2  }
0x4bc: {  	_ =	sdelay $0x2  }
0x4bd: {  	s1 =	sadd.s32 $0x10, s1;
	s2 =	sadd.s32 $0x10, s2  }
.LBB2_19:
0x4be: {  	s21 =	sand.u32 $0x1, s8;
	s8 =	sadd.s32 $0x1, s8  }
0x4bf: {  	p1 =	sge.s32 s8, s7  }
.Ltmp19:
0x4c0: {  	_ = 	snop;
	(pc) =	sbr.rel @p1 .LBB2_22-.Ltmp19, $2  }
0x4c1: {  	_ =	sdelay $0x2  }
0x4c2: {  	p2 =	sne.s32 s21, $0x0  }
.Ltmp20:
0x4c3: {  	(pc) =	sbr.rel @p2 .LBB2_24-.Ltmp20, $2  }
0x4c4: {  	_ =	sdelay $0x2  }
0x4c5: {  	v48 =	vld [tilespmem:s1+$0x0]  }
0x4c6: {  	_ =	sdelay $0x3  }
0x4c7: {  	[tilespmem:$0x2700] =	vst v48  }
0x4c8: {  	v48 =	vld [tilespmem:s2+$0x0];
	_ =	sdelay $0x4  }
0x4c9: {  	v49 =	vshrl.u32 v48, $0x3  }
0x4ca: {  	v49 =	vmul.u32 $0xC0, v49  }
0x4cb: {  	v50 =	vand.u32 $0x7, v48  }
0x4cc: {  	v49 =	vor.u32 v50, v49  }
0x4cd: {  	v50 =	vperm.xlane v49, v45;
	_ =	sdelay $0x1  }
0x4ce: {  	v50 =	vadd.s32 v46, v50;
	_ =	sdelay $0x3  }
0x4cf: {  	s21 =	rddreg [dreg:$0x2];
	s4 =	simm.s32 $0xE800;
	[tilespmem:$0x2780] =	vst v48  }
0x4d0: {  	[tilespmem:s4], [sflag:$0x3] =	stream.indirect_vreg.gather [hbm4b:s21+s6], $0x80, v50, vm0, $0xb8;
	[tilespmem:$0x1BB00] =	vst v63  }
0x4d1: {  	s22 =	rddreg [dreg:$0xa];
	s4 =	simm.s32 $0xF000  }
0x4d2: {  	[tilespmem:s4], [sflag:$0x3] =	stream.indirect_vreg.gather [hbm4b:s22+s6], $0x80, v50, vm0, $0xb8;
	[tilespmem:$0x1BB00] =	vst v63  }
0x4d3: {  	s4 =	simm.s32 $0xF800  }
0x4d4: {  	[tilespmem:s4], [sflag:$0x3] =	stream.indirect_vreg.gather [hbm4b:s23+s6], $0x80, v50, vm0, $0xb8;
	[tilespmem:$0x1BB00] =	vst v63  }
0x4d5: {  	s4 =	simm.s32 $0x10000  }
0x4d6: {  	[tilespmem:s4], [sflag:$0x3] =	stream.indirect_vreg.gather [hbm4b:s24+s6], $0x80, v50, vm0, $0xb8;
	[tilespmem:$0x1BB00] =	vst v63  }
0x4d7: {  	s4 =	simm.s32 $0x10800  }
0x4d8: {  	[tilespmem:s4], [sflag:$0x3] =	stream.indirect_vreg.gather [hbm4b:s25+s6], $0x80, v50, vm0, $0xb8;
	[tilespmem:$0x1BB00] =	vst v63  }
0x4d9: {  	s4 =	simm.s32 $0x11000  }
0x4da: {  	[tilespmem:s4], [sflag:$0x3] =	stream.indirect_vreg.gather [hbm4b:s26+s6], $0x80, v50, vm0, $0xb8;
	[tilespmem:$0x1BB00] =	vst v63  }
0x4db: {  	s4 =	simm.s32 $0x11800  }
0x4dc: {  	[tilespmem:s4], [sflag:$0x3] =	stream.indirect_vreg.gather [hbm4b:s28+s6], $0x80, v50, vm0, $0xb8;
	[tilespmem:$0x1BB00] =	vst v63  }
0x4dd: {  	s4 =	simm.s32 $0x12000  }
0x4de: {  	[tilespmem:s4], [sflag:$0x3] =	stream.indirect_vreg.gather [hbm4b:s29+s6], $0x80, v50, vm0, $0xb8;
	[tilespmem:$0x1BB00] =	vst v63  }
0x4df: {  	s4 =	simm.s32 $0x12800  }
0x4e0: {  	[tilespmem:s4], [sflag:$0x3] =	stream.indirect_vreg.gather [hbm4b:s30+s6], $0x80, v50, vm0, $0xb8;
	[tilespmem:$0x1BB00] =	vst v63  }
0x4e1: {  	v63 =	vperm.xlane v49, v47;
	s4 =	simm.s32 $0x13000  }
0x4e2: {  	[tilespmem:s4], [sflag:$0x3] =	stream.indirect_vreg.gather [hbm4b:s31+s6], $0x80, v50, vm0, $0xb8;
	[tilespmem:$0x1BB00] =	vst v63  }
0x4e3: {  	v48 =	vadd.s32 v46, v63;
	s4 =	simm.s32 $0x13800  }
0x4e4: {  	[tilespmem:s4], [sflag:$0x3] =	stream.indirect_vreg.gather [hbm4b:s3+s6], $0x80, v50, vm0, $0xb8;
	[tilespmem:$0x1BB00] =	vst v63  }
0x4e5: {  	s4 =	simm.s32 $0x14000  }
0x4e6: {  	[tilespmem:s4], [sflag:$0x3] =	stream.indirect_vreg.gather [hbm4b:s0+s6], $0x80, v50, vm0, $0xb8;
	[tilespmem:$0x1BB00] =	vst v63  }
0x4e7: {  	s4 =	simm.s32 $0x14800  }
0x4e8: {  	[tilespmem:s4], [sflag:$0x3] =	stream.indirect_vreg.gather [hbm4b:s21+s6], $0x80, v48, vm0, $0xb8;
	[tilespmem:$0x1BB00] =	vst v63  }
0x4e9: {  	s21 =	simm.s32 $0x15000  }
0x4ea: {  	[tilespmem:s21], [sflag:$0x3] =	stream.indirect_vreg.gather [hbm4b:s22+s6], $0x80, v48, vm0, $0xb8;
	[tilespmem:$0x1BB00] =	vst v63  }
0x4eb: {  	s21 =	simm.s32 $0x15800  }
0x4ec: {  	[tilespmem:s21], [sflag:$0x3] =	stream.indirect_vreg.gather [hbm4b:s23+s6], $0x80, v48, vm0, $0xb8;
	[tilespmem:$0x1BB00] =	vst v63  }
0x4ed: {  	s22 =	simm.s32 $0x16000  }
0x4ee: {  	[tilespmem:s22], [sflag:$0x3] =	stream.indirect_vreg.gather [hbm4b:s24+s6], $0x80, v48, vm0, $0xb8;
	[tilespmem:$0x1BB00] =	vst v63  }
0x4ef: {  	s21 =	simm.s32 $0x16800  }
0x4f0: {  	[tilespmem:s21], [sflag:$0x3] =	stream.indirect_vreg.gather [hbm4b:s25+s6], $0x80, v48, vm0, $0xb8;
	[tilespmem:$0x1BB00] =	vst v63  }
0x4f1: {  	s22 =	simm.s32 $0x17000  }
0x4f2: {  	[tilespmem:s22], [sflag:$0x3] =	stream.indirect_vreg.gather [hbm4b:s26+s6], $0x80, v48, vm0, $0xb8;
	[tilespmem:$0x1BB00] =	vst v63  }
0x4f3: {  	s21 =	simm.s32 $0x17800  }
0x4f4: {  	[tilespmem:s21], [sflag:$0x3] =	stream.indirect_vreg.gather [hbm4b:s28+s6], $0x80, v48, vm0, $0xb8;
	[tilespmem:$0x1BB00] =	vst v63  }
0x4f5: {  	s22 =	simm.s32 $0x18000  }
0x4f6: {  	[tilespmem:s22], [sflag:$0x3] =	stream.indirect_vreg.gather [hbm4b:s29+s6], $0x80, v48, vm0, $0xb8;
	[tilespmem:$0x1BB00] =	vst v63  }
0x4f7: {  	s21 =	simm.s32 $0x18800  }
0x4f8: {  	[tilespmem:s21], [sflag:$0x3] =	stream.indirect_vreg.gather [hbm4b:s30+s6], $0x80, v48, vm0, $0xb8;
	[tilespmem:$0x1BB00] =	vst v63  }
0x4f9: {  	s22 =	simm.s32 $0x19000  }
0x4fa: {  	[tilespmem:s22], [sflag:$0x3] =	stream.indirect_vreg.gather [hbm4b:s31+s6], $0x80, v48, vm0, $0xb8;
	[tilespmem:$0x1BB00] =	vst v63  }
.Ltmp21:
0x4fb: {  	_ = 	snop;
	(pc) =	sbr.rel .LBB2_23-.Ltmp21, $4  }
0x4fc: {  	s21 =	simm.s32 $0x19800  }
0x4fd: {  	[tilespmem:s21], [sflag:$0x3] =	stream.indirect_vreg.gather [hbm4b:s3+s6], $0x80, v48, vm0, $0xb8;
	[tilespmem:$0x1BB00] =	vst v63  }
0x4fe: {  	s22 =	simm.s32 $0x1A000  }
0x4ff: {  	[tilespmem:s22], [sflag:$0x3] =	stream.indirect_vreg.gather [hbm4b:s0+s6], $0x80, v48, vm0, $0xb8;
	[tilespmem:$0x1BB00] =	vst v63  }
.LBB2_22:
.Ltmp22:
0x500: {  	(pc) =	sbr.rel @p2 .LBB2_25-.Ltmp22, $1  }
0x501: {  	_ =	sdelay $0x3  }
.LBB2_23:
0x502: {  	v48 =	vld [tilespmem:$0x2600];
	_ =	sdelay $0x4  }
0x503: {  	v49 =	vshrl.u32 v48, $0x3  }
0x504: {  	v49 =	vmul.u32 $0xC0, v49  }
0x505: {  	v48 =	vand.u32 $0x7, v48  }
0x506: {  	v48 =	vor.u32 v48, v49  }
0x507: {  	v49 =	vperm.xlane v48, v45;
	_ =	sdelay $0x1  }
0x508: {  	v49 =	vadd.s32 v46, v49;
	_ =	sdelay $0x3  }
0x509: {  	s4 =	simm.s32 $0x2800  }
0x50a: {  	[hbm4b:s9+s6] =	stream.indirect_vreg.scatter [tilespmem:s4], [sflag:$0x2], $0x80, v49, vm0, $0xb8;
	[tilespmem:$0x1BB00] =	vst v63  }
0x50b: {  	s21 =	simm.s32 $0x3000  }
0x50c: {  	[hbm4b:s10+s6] =	stream.indirect_vreg.scatter [tilespmem:s21], [sflag:$0x2], $0x80, v49, vm0, $0xb8;
	[tilespmem:$0x1BB00] =	vst v63  }
0x50d: {  	s22 =	simm.s32 $0x3800  }
0x50e: {  	[hbm4b:s11+s6] =	stream.indirect_vreg.scatter [tilespmem:s22], [sflag:$0x2], $0x80, v49, vm0, $0xb8;
	[tilespmem:$0x1BB00] =	vst v63  }
0x50f: {  	s4 =	simm.s32 $0x4000  }
0x510: {  	[hbm4b:s12+s6] =	stream.indirect_vreg.scatter [tilespmem:s4], [sflag:$0x2], $0x80, v49, vm0, $0xb8;
	[tilespmem:$0x1BB00] =	vst v63  }
0x511: {  	s22 =	simm.s32 $0x4800  }
0x512: {  	[hbm4b:s13+s6] =	stream.indirect_vreg.scatter [tilespmem:s22], [sflag:$0x2], $0x80, v49, vm0, $0xb8;
	[tilespmem:$0x1BB00] =	vst v63  }
0x513: {  	s4 =	simm.s32 $0x5000  }
0x514: {  	[hbm4b:s14+s6] =	stream.indirect_vreg.scatter [tilespmem:s4], [sflag:$0x2], $0x80, v49, vm0, $0xb8;
	[tilespmem:$0x1BB00] =	vst v63  }
0x515: {  	s22 =	simm.s32 $0x5800  }
0x516: {  	[hbm4b:s15+s6] =	stream.indirect_vreg.scatter [tilespmem:s22], [sflag:$0x2], $0x80, v49, vm0, $0xb8;
	[tilespmem:$0x1BB00] =	vst v63  }
0x517: {  	s4 =	simm.s32 $0x6000  }
0x518: {  	[hbm4b:s16+s6] =	stream.indirect_vreg.scatter [tilespmem:s4], [sflag:$0x2], $0x80, v49, vm0, $0xb8;
	[tilespmem:$0x1BB00] =	vst v63  }
0x519: {  	s22 =	simm.s32 $0x6800  }
0x51a: {  	[hbm4b:s17+s6] =	stream.indirect_vreg.scatter [tilespmem:s22], [sflag:$0x2], $0x80, v49, vm0, $0xb8;
	[tilespmem:$0x1BB00] =	vst v63  }
0x51b: {  	v48 =	vperm.xlane v48, v47;
	s4 =	simm.s32 $0x7000  }
0x51c: {  	[hbm4b:s18+s6] =	stream.indirect_vreg.scatter [tilespmem:s4], [sflag:$0x2], $0x80, v49, vm0, $0xb8;
	[tilespmem:$0x1BB00] =	vst v63  }
0x51d: {  	v48 =	vadd.s32 v46, v48;
	s22 =	simm.s32 $0x7800  }
0x51e: {  	[hbm4b:s19+s6] =	stream.indirect_vreg.scatter [tilespmem:s22], [sflag:$0x2], $0x80, v49, vm0, $0xb8;
	[tilespmem:$0x1BB00] =	vst v63  }
0x51f: {  	s4 =	simm.s32 $0x8000  }
0x520: {  	[hbm4b:s20+s6] =	stream.indirect_vreg.scatter [tilespmem:s4], [sflag:$0x2], $0x80, v49, vm0, $0xb8;
	[tilespmem:$0x1BB00] =	vst v63  }
0x521: {  	s22 =	simm.s32 $0x8800  }
0x522: {  	[hbm4b:s9+s6] =	stream.indirect_vreg.scatter [tilespmem:s22], [sflag:$0x2], $0x80, v48, vm0, $0xb8;
	[tilespmem:$0x1BB00] =	vst v63  }
0x523: {  	s21 =	simm.s32 $0x9000  }
0x524: {  	[hbm4b:s10+s6] =	stream.indirect_vreg.scatter [tilespmem:s21], [sflag:$0x2], $0x80, v48, vm0, $0xb8;
	[tilespmem:$0x1BB00] =	vst v63  }
0x525: {  	s22 =	simm.s32 $0x9800  }
0x526: {  	[hbm4b:s11+s6] =	stream.indirect_vreg.scatter [tilespmem:s22], [sflag:$0x2], $0x80, v48, vm0, $0xb8;
	[tilespmem:$0x1BB00] =	vst v63  }
0x527: {  	s21 =	simm.s32 $0xA000  }
0x528: {  	[hbm4b:s12+s6] =	stream.indirect_vreg.scatter [tilespmem:s21], [sflag:$0x2], $0x80, v48, vm0, $0xb8;
	[tilespmem:$0x1BB00] =	vst v63  }
0x529: {  	s22 =	simm.s32 $0xA800  }
0x52a: {  	[hbm4b:s13+s6] =	stream.indirect_vreg.scatter [tilespmem:s22], [sflag:$0x2], $0x80, v48, vm0, $0xb8;
	[tilespmem:$0x1BB00] =	vst v63  }
0x52b: {  	s21 =	simm.s32 $0xB000  }
0x52c: {  	[hbm4b:s14+s6] =	stream.indirect_vreg.scatter [tilespmem:s21], [sflag:$0x2], $0x80, v48, vm0, $0xb8;
	[tilespmem:$0x1BB00] =	vst v63  }
0x52d: {  	s22 =	simm.s32 $0xB800  }
0x52e: {  	[hbm4b:s15+s6] =	stream.indirect_vreg.scatter [tilespmem:s22], [sflag:$0x2], $0x80, v48, vm0, $0xb8;
	[tilespmem:$0x1BB00] =	vst v63  }
0x52f: {  	s21 =	simm.s32 $0xC000  }
0x530: {  	[hbm4b:s16+s6] =	stream.indirect_vreg.scatter [tilespmem:s21], [sflag:$0x2], $0x80, v48, vm0, $0xb8;
	[tilespmem:$0x1BB00] =	vst v63  }
0x531: {  	s22 =	simm.s32 $0xC800  }
0x532: {  	[hbm4b:s17+s6] =	stream.indirect_vreg.scatter [tilespmem:s22], [sflag:$0x2], $0x80, v48, vm0, $0xb8;
	[tilespmem:$0x1BB00] =	vst v63  }
0x533: {  	s21 =	simm.s32 $0xD000  }
0x534: {  	[hbm4b:s18+s6] =	stream.indirect_vreg.scatter [tilespmem:s21], [sflag:$0x2], $0x80, v48, vm0, $0xb8;
	[tilespmem:$0x1BB00] =	vst v63  }
0x535: {  	s22 =	simm.s32 $0xD800  }
0x536: {  	[hbm4b:s19+s6] =	stream.indirect_vreg.scatter [tilespmem:s22], [sflag:$0x2], $0x80, v48, vm0, $0xb8;
	[tilespmem:$0x1BB00] =	vst v63  }
0x537: {  	p1 =	slt.s32 s8, s7;
	s21 =	simm.s32 $0xE000  }
0x538: {  	[hbm4b:s20+s6] =	stream.indirect_vreg.scatter [tilespmem:s21], [sflag:$0x2], $0x80, v48, vm0, $0xb8;
	[tilespmem:$0x1BB00] =	vst v63  }
.Ltmp23:
0x539: {  	_ = 	snop;
	(pc) =	sbr.rel @p1 .LBB2_26-.Ltmp23, $4  }
.Ltmp24:
0x53a: {  	s22 =	simm.s32 $0x2;
	(pc) =	sbr.rel @!p1 .LBB2_27-.Ltmp24, $4  }
0x53b: {  	_ =	swait.ge [sflag:s22], $0xC000  }
0x53c: {  	[sflag:s22] =	ssyncset.done $0x0  }
0x53d: {  	s21 =	simm.s32 $0x3;
	[sflag:s22] =	ssyncadd.s32 $0xFFFF4000  }
0x53e: {  	_ = 	snop  }
.LBB2_24:
0x53f: {  	_ =	sdelay $0x3  }
0x540: {  	[tilespmem:$0x2600] =	vst v48  }
0x541: {  	v48 =	vld [tilespmem:s2+$0x0];
	_ =	sdelay $0x4  }
0x542: {  	v49 =	vshrl.u32 v48, $0x3  }
0x543: {  	v49 =	vmul.u32 $0xC0, v49  }
0x544: {  	v50 =	vand.u32 $0x7, v48  }
0x545: {  	v49 =	vor.u32 v50, v49  }
0x546: {  	v50 =	vperm.xlane v49, v45;
	_ =	sdelay $0x1  }
0x547: {  	v50 =	vadd.s32 v46, v50;
	_ =	sdelay $0x3  }
0x548: {  	s21 =	rddreg [dreg:$0x2];
	s0 =	simm.s32 $0x2800;
	[tilespmem:$0x2680] =	vst v48  }
0x549: {  	[tilespmem:s0], [sflag:$0x1] =	stream.indirect_vreg.gather [hbm4b:s21+s6], $0x80, v50, vm0, $0xb8;
	[tilespmem:$0x1BB00] =	vst v63  }
0x54a: {  	s22 =	simm.s32 $0x3000;
	s23 =	rddreg [dreg:$0xa]  }
0x54b: {  	[tilespmem:s22], [sflag:$0x1] =	stream.indirect_vreg.gather [hbm4b:s23+s6], $0x80, v50, vm0, $0xb8;
	[tilespmem:$0x1BB00] =	vst v63  }
0x54c: {  	s24 =	simm.s32 $0x3800;
	s23 =	rddreg [dreg:$0xb]  }
0x54d: {  	[tilespmem:s24], [sflag:$0x1] =	stream.indirect_vreg.gather [hbm4b:s23+s6], $0x80, v50, vm0, $0xb8;
	[tilespmem:$0x1BB00] =	vst v63  }
0x54e: {  	s25 =	simm.s32 $0x4000;
	s24 =	rddreg [dreg:$0xc]  }
0x54f: {  	[tilespmem:s25], [sflag:$0x1] =	stream.indirect_vreg.gather [hbm4b:s24+s6], $0x80, v50, vm0, $0xb8;
	[tilespmem:$0x1BB00] =	vst v63  }
0x550: {  	s26 =	simm.s32 $0x4800;
	s25 =	rddreg [dreg:$0xd]  }
0x551: {  	[tilespmem:s26], [sflag:$0x1] =	stream.indirect_vreg.gather [hbm4b:s25+s6], $0x80, v50, vm0, $0xb8;
	[tilespmem:$0x1BB00] =	vst v63  }
0x552: {  	s28 =	simm.s32 $0x5000;
	s26 =	rddreg [dreg:$0xe]  }
0x553: {  	[tilespmem:s28], [sflag:$0x1] =	stream.indirect_vreg.gather [hbm4b:s26+s6], $0x80, v50, vm0, $0xb8;
	[tilespmem:$0x1BB00] =	vst v63  }
0x554: {  	s29 =	simm.s32 $0x5800;
	s28 =	rddreg [dreg:$0xf]  }
0x555: {  	[tilespmem:s29], [sflag:$0x1] =	stream.indirect_vreg.gather [hbm4b:s28+s6], $0x80, v50, vm0, $0xb8;
	[tilespmem:$0x1BB00] =	vst v63  }
0x556: {  	s30 =	simm.s32 $0x6000;
	s29 =	rddreg [dreg:$0x10]  }
0x557: {  	[tilespmem:s30], [sflag:$0x1] =	stream.indirect_vreg.gather [hbm4b:s29+s6], $0x80, v50, vm0, $0xb8;
	[tilespmem:$0x1BB00] =	vst v63  }
0x558: {  	s31 =	simm.s32 $0x6800;
	s30 =	rddreg [dreg:$0x11]  }
0x559: {  	[tilespmem:s31], [sflag:$0x1] =	stream.indirect_vreg.gather [hbm4b:s30+s6], $0x80, v50, vm0, $0xb8;
	[tilespmem:$0x1BB00] =	vst v63  }
0x55a: {  	s3 =	simm.s32 $0x7000;
	v63 =	vperm.xlane v49, v47;
	s31 =	rddreg [dreg:$0x12]  }
0x55b: {  	[tilespmem:s3], [sflag:$0x1] =	stream.indirect_vreg.gather [hbm4b:s31+s6], $0x80, v50, vm0, $0xb8;
	[tilespmem:$0x1BB00] =	vst v63  }
0x55c: {  	v48 =	vadd.s32 v46, v63;
	s22 =	simm.s32 $0x7800;
	s3 =	rddreg [dreg:$0x13]  }
0x55d: {  	[tilespmem:s22], [sflag:$0x1] =	stream.indirect_vreg.gather [hbm4b:s3+s6], $0x80, v50, vm0, $0xb8;
	[tilespmem:$0x1BB00] =	vst v63  }
0x55e: {  	s0 =	rddreg [dreg:$0x14];
	s22 =	simm.s32 $0x8000  }
0x55f: {  	[tilespmem:s22], [sflag:$0x1] =	stream.indirect_vreg.gather [hbm4b:s0+s6], $0x80, v50, vm0, $0xb8;
	[tilespmem:$0x1BB00] =	vst v63  }
0x560: {  	s22 =	simm.s32 $0x8800  }
0x561: {  	[tilespmem:s22], [sflag:$0x1] =	stream.indirect_vreg.gather [hbm4b:s21+s6], $0x80, v48, vm0, $0xb8;
	[tilespmem:$0x1BB00] =	vst v63  }
0x562: {  	s4 =	rddreg [dreg:$0xa];
	s22 =	simm.s32 $0x9000  }
0x563: {  	[tilespmem:s22], [sflag:$0x1] =	stream.indirect_vreg.gather [hbm4b:s4+s6], $0x80, v48, vm0, $0xb8;
	[tilespmem:$0x1BB00] =	vst v63  }
0x564: {  	s21 =	simm.s32 $0x9800  }
0x565: {  	[tilespmem:s21], [sflag:$0x1] =	stream.indirect_vreg.gather [hbm4b:s23+s6], $0x80, v48, vm0, $0xb8;
	[tilespmem:$0x1BB00] =	vst v63  }
0x566: {  	s22 =	simm.s32 $0xA000  }
0x567: {  	[tilespmem:s22], [sflag:$0x1] =	stream.indirect_vreg.gather [hbm4b:s24+s6], $0x80, v48, vm0, $0xb8;
	[tilespmem:$0x1BB00] =	vst v63  }
0x568: {  	s21 =	simm.s32 $0xA800  }
0x569: {  	[tilespmem:s21], [sflag:$0x1] =	stream.indirect_vreg.gather [hbm4b:s25+s6], $0x80, v48, vm0, $0xb8;
	[tilespmem:$0x1BB00] =	vst v63  }
0x56a: {  	s22 =	simm.s32 $0xB000  }
0x56b: {  	[tilespmem:s22], [sflag:$0x1] =	stream.indirect_vreg.gather [hbm4b:s26+s6], $0x80, v48, vm0, $0xb8;
	[tilespmem:$0x1BB00] =	vst v63  }
0x56c: {  	s21 =	simm.s32 $0xB800  }
0x56d: {  	[tilespmem:s21], [sflag:$0x1] =	stream.indirect_vreg.gather [hbm4b:s28+s6], $0x80, v48, vm0, $0xb8;
	[tilespmem:$0x1BB00] =	vst v63  }
0x56e: {  	s22 =	simm.s32 $0xC000  }
0x56f: {  	[tilespmem:s22], [sflag:$0x1] =	stream.indirect_vreg.gather [hbm4b:s29+s6], $0x80, v48, vm0, $0xb8;
	[tilespmem:$0x1BB00] =	vst v63  }
0x570: {  	s21 =	simm.s32 $0xC800  }
0x571: {  	[tilespmem:s21], [sflag:$0x1] =	stream.indirect_vreg.gather [hbm4b:s30+s6], $0x80, v48, vm0, $0xb8;
	[tilespmem:$0x1BB00] =	vst v63  }
0x572: {  	s22 =	simm.s32 $0xD000  }
0x573: {  	[tilespmem:s22], [sflag:$0x1] =	stream.indirect_vreg.gather [hbm4b:s31+s6], $0x80, v48, vm0, $0xb8;
	[tilespmem:$0x1BB00] =	vst v63  }
0x574: {  	s21 =	simm.s32 $0xD800  }
0x575: {  	[tilespmem:s21], [sflag:$0x1] =	stream.indirect_vreg.gather [hbm4b:s3+s6], $0x80, v48, vm0, $0xb8;
	[tilespmem:$0x1BB00] =	vst v63  }
0x576: {  	s22 =	simm.s32 $0xE000  }
0x577: {  	[tilespmem:s22], [sflag:$0x1] =	stream.indirect_vreg.gather [hbm4b:s0+s6], $0x80, v48, vm0, $0xb8;
	[tilespmem:$0x1BB00] =	vst v63  }
.LBB2_25:
0x578: {  	v48 =	vld [tilespmem:$0x2700];
	_ =	sdelay $0x4  }
0x579: {  	v49 =	vshrl.u32 v48, $0x3  }
0x57a: {  	v49 =	vmul.u32 $0xC0, v49  }
0x57b: {  	v48 =	vand.u32 $0x7, v48  }
0x57c: {  	v48 =	vor.u32 v48, v49  }
0x57d: {  	v49 =	vperm.xlane v48, v45;
	_ =	sdelay $0x1  }
0x57e: {  	v49 =	vadd.s32 v46, v49;
	_ =	sdelay $0x3  }
0x57f: {  	s4 =	simm.s32 $0xE800  }
0x580: {  	[hbm4b:s9+s6] =	stream.indirect_vreg.scatter [tilespmem:s4], [sflag:$0x4], $0x80, v49, vm0, $0xb8;
	[tilespmem:$0x1BB00] =	vst v63  }
0x581: {  	s21 =	simm.s32 $0xF000  }
0x582: {  	[hbm4b:s10+s6] =	stream.indirect_vreg.scatter [tilespmem:s21], [sflag:$0x4], $0x80, v49, vm0, $0xb8;
	[tilespmem:$0x1BB00] =	vst v63  }
0x583: {  	s22 =	simm.s32 $0xF800  }
0x584: {  	[hbm4b:s11+s6] =	stream.indirect_vreg.scatter [tilespmem:s22], [sflag:$0x4], $0x80, v49, vm0, $0xb8;
	[tilespmem:$0x1BB00] =	vst v63  }
0x585: {  	s21 =	simm.s32 $0x10000  }
0x586: {  	[hbm4b:s12+s6] =	stream.indirect_vreg.scatter [tilespmem:s21], [sflag:$0x4], $0x80, v49, vm0, $0xb8;
	[tilespmem:$0x1BB00] =	vst v63  }
0x587: {  	s22 =	simm.s32 $0x10800  }
0x588: {  	[hbm4b:s13+s6] =	stream.indirect_vreg.scatter [tilespmem:s22], [sflag:$0x4], $0x80, v49, vm0, $0xb8;
	[tilespmem:$0x1BB00] =	vst v63  }
0x589: {  	s21 =	simm.s32 $0x11000  }
0x58a: {  	[hbm4b:s14+s6] =	stream.indirect_vreg.scatter [tilespmem:s21], [sflag:$0x4], $0x80, v49, vm0, $0xb8;
	[tilespmem:$0x1BB00] =	vst v63  }
0x58b: {  	s22 =	simm.s32 $0x11800  }
0x58c: {  	[hbm4b:s15+s6] =	stream.indirect_vreg.scatter [tilespmem:s22], [sflag:$0x4], $0x80, v49, vm0, $0xb8;
	[tilespmem:$0x1BB00] =	vst v63  }
0x58d: {  	s21 =	simm.s32 $0x12000  }
0x58e: {  	[hbm4b:s16+s6] =	stream.indirect_vreg.scatter [tilespmem:s21], [sflag:$0x4], $0x80, v49, vm0, $0xb8;
	[tilespmem:$0x1BB00] =	vst v63  }
0x58f: {  	s22 =	simm.s32 $0x12800  }
0x590: {  	[hbm4b:s17+s6] =	stream.indirect_vreg.scatter [tilespmem:s22], [sflag:$0x4], $0x80, v49, vm0, $0xb8;
	[tilespmem:$0x1BB00] =	vst v63  }
0x591: {  	v48 =	vperm.xlane v48, v47;
	s21 =	simm.s32 $0x13000  }
0x592: {  	[hbm4b:s18+s6] =	stream.indirect_vreg.scatter [tilespmem:s21], [sflag:$0x4], $0x80, v49, vm0, $0xb8;
	[tilespmem:$0x1BB00] =	vst v63  }
0x593: {  	v48 =	vadd.s32 v46, v48;
	s22 =	simm.s32 $0x13800  }
0x594: {  	[hbm4b:s19+s6] =	stream.indirect_vreg.scatter [tilespmem:s22], [sflag:$0x4], $0x80, v49, vm0, $0xb8;
	[tilespmem:$0x1BB00] =	vst v63  }
0x595: {  	s21 =	simm.s32 $0x14000  }
0x596: {  	[hbm4b:s20+s6] =	stream.indirect_vreg.scatter [tilespmem:s21], [sflag:$0x4], $0x80, v49, vm0, $0xb8;
	[tilespmem:$0x1BB00] =	vst v63  }
0x597: {  	s22 =	simm.s32 $0x14800  }
0x598: {  	[hbm4b:s9+s6] =	stream.indirect_vreg.scatter [tilespmem:s22], [sflag:$0x4], $0x80, v48, vm0, $0xb8;
	[tilespmem:$0x1BB00] =	vst v63  }
0x599: {  	s21 =	simm.s32 $0x15000  }
0x59a: {  	[hbm4b:s10+s6] =	stream.indirect_vreg.scatter [tilespmem:s21], [sflag:$0x4], $0x80, v48, vm0, $0xb8;
	[tilespmem:$0x1BB00] =	vst v63  }
0x59b: {  	s22 =	simm.s32 $0x15800  }
0x59c: {  	[hbm4b:s11+s6] =	stream.indirect_vreg.scatter [tilespmem:s22], [sflag:$0x4], $0x80, v48, vm0, $0xb8;
	[tilespmem:$0x1BB00] =	vst v63  }
0x59d: {  	s21 =	simm.s32 $0x16000  }
0x59e: {  	[hbm4b:s12+s6] =	stream.indirect_vreg.scatter [tilespmem:s21], [sflag:$0x4], $0x80, v48, vm0, $0xb8;
	[tilespmem:$0x1BB00] =	vst v63  }
0x59f: {  	s22 =	simm.s32 $0x16800  }
0x5a0: {  	[hbm4b:s13+s6] =	stream.indirect_vreg.scatter [tilespmem:s22], [sflag:$0x4], $0x80, v48, vm0, $0xb8;
	[tilespmem:$0x1BB00] =	vst v63  }
0x5a1: {  	s21 =	simm.s32 $0x17000  }
0x5a2: {  	[hbm4b:s14+s6] =	stream.indirect_vreg.scatter [tilespmem:s21], [sflag:$0x4], $0x80, v48, vm0, $0xb8;
	[tilespmem:$0x1BB00] =	vst v63  }
0x5a3: {  	s22 =	simm.s32 $0x17800  }
0x5a4: {  	[hbm4b:s15+s6] =	stream.indirect_vreg.scatter [tilespmem:s22], [sflag:$0x4], $0x80, v48, vm0, $0xb8;
	[tilespmem:$0x1BB00] =	vst v63  }
0x5a5: {  	s21 =	simm.s32 $0x18000  }
0x5a6: {  	[hbm4b:s16+s6] =	stream.indirect_vreg.scatter [tilespmem:s21], [sflag:$0x4], $0x80, v48, vm0, $0xb8;
	[tilespmem:$0x1BB00] =	vst v63  }
0x5a7: {  	s22 =	simm.s32 $0x18800  }
0x5a8: {  	[hbm4b:s17+s6] =	stream.indirect_vreg.scatter [tilespmem:s22], [sflag:$0x4], $0x80, v48, vm0, $0xb8;
	[tilespmem:$0x1BB00] =	vst v63  }
0x5a9: {  	s21 =	simm.s32 $0x19000  }
0x5aa: {  	[hbm4b:s18+s6] =	stream.indirect_vreg.scatter [tilespmem:s21], [sflag:$0x4], $0x80, v48, vm0, $0xb8;
	[tilespmem:$0x1BB00] =	vst v63  }
0x5ab: {  	s22 =	simm.s32 $0x19800  }
0x5ac: {  	[hbm4b:s19+s6] =	stream.indirect_vreg.scatter [tilespmem:s22], [sflag:$0x4], $0x80, v48, vm0, $0xb8;
	[tilespmem:$0x1BB00] =	vst v63  }
0x5ad: {  	s21 =	simm.s32 $0x1A000  }
0x5ae: {  	[hbm4b:s20+s6] =	stream.indirect_vreg.scatter [tilespmem:s21], [sflag:$0x4], $0x80, v48, vm0, $0xb8;
	[tilespmem:$0x1BB00] =	vst v63  }
.Ltmp25:
0x5af: {  	_ = 	snop;
	(pc) =	sbr.rel @p1 .LBB2_27-.Ltmp25, $4  }
.Ltmp26:
0x5b0: {  	s22 =	simm.s32 $0x4;
	(pc) =	sbr.rel @!p1 .LBB2_26-.Ltmp26, $4  }
0x5b1: {  	_ =	swait.ge [sflag:s22], $0xC000  }
0x5b2: {  	[sflag:s22] =	ssyncset.done $0x0  }
0x5b3: {  	s21 =	simm.s32 $0x1;
	[sflag:s22] =	ssyncadd.s32 $0xFFFF4000  }
0x5b4: {  	_ = 	snop  }
.LBB2_29:
0x5b5: {  	_ =	sfence.sel $0x180000  }
0x5b6: {  	[bflag:$0x0] =	sbarrier.arrive $0xFFFF  }
0x5b7: {  	_ =	strace $0x90000047  }
0x5b8: {  	s0 =	stileid.u32;
	[bflag:$0x2] =	sbarrier.arrive $0xFFFF  }
0x5b9: {  	p0 =	sne.s32 s0, $0x0;
	s0 =	rddreg [dreg:$0x6]  }
0x5ba: {  	s0 =	sadd.s32 @!p0 $0x100000, s0  }
0x5bb: {  	[sflag:s0] =	ssyncadd.tile.s32 @!p0 $0x1;
	_ =	shalt  }
.Lfunc_end2:
_tile_overlayer_lowered:
.L_overlay_start_2:
0x5bc: {  	(tag) =	ssettag $0x2  }
0x5bd: {  	s0 =	rddreg [dreg:$0x0];
	s2 =	stileid.u32  }
0x5be: {  	s1 =	rddreg [dreg:$0x1];
	p0 =	sne.s32 s2, $0x0  }
0x5bf: {  	s3 =	rddreg [dreg:$0x2];
	[bflag:$0x3] =	sbarrier.arrive $0xFFFF;
	s2 =	simm.s32 @!p0 $0x1C05  }
0x5c0: {  	[timem:s3], [sflag:s2] =	dma.local @!p0 [hbm:s0], s1  }
0x5c1: {  	s0 =	simm.s32 @!p0 $0x5  }
0x5c2: {  	_ =	swait.ge @!p0 [sflag:s0], s1  }
0x5c3: {  	s1 =	ssub.s32 @!p0 $0x0, s1;
	[sflag:s0] =	ssyncset.done @!p0 $0x0  }
0x5c4: {  	[sflag:s0] =	ssyncadd.s32 @!p0 s1  }
0x5c5: {  	[bflag:$0x3] =	sbarrier.arrive $0xFFFF  }
0x5c6: {  	_ =	shalt  }

</sc_bundles>
